<compile_context>
chip_gen: v7x
topology: tpu7x:2x2x1
jax: 0.10.2.dev20260603
libtpu: 0.0.44.dev20260713+nightly
codegen_flags: <defaults>
</compile_context>

<pallas_src>
import math

import jax
import jax.numpy as jnp
from jax import lax
from jax.experimental import pallas as pl
from jax.experimental.pallas import tpu as pltpu
from jax.experimental.pallas import tpu_sc as plsc

N = 10000
NPAD = 10240
D = 128
HD = 64
NC = 2
NS = 16
NW = NC * NS
LANES = 16
CB = 128
SLICE = NPAD // NS
ZERO16 = (LANES,)
K0 = 122
K1 = 36


def _make_sc_kernel():
    kt = K0 + K1

    def body(x_hbm, e_hbm, t1p_out, dis_out,
             ebufA, ebufB, colA, colB, sbufA, sbufB,
             rowbufA, rowbufB, dis_vmem, slicebuf,
             t1_sh, deg_sh, dis_sh,
             esemA, esemB, gsemA, gsemB, ssemA, ssemB):
        c = lax.axis_index("c")
        s = lax.axis_index("s")
        wid_my = s * NC + c
        wid_ot = s * NC + (1 - c)
        cnt_my = jnp.where(c == 0, K0, K1)
        base = s * SLICE

        def echunk(t):
            wid = jnp.where(t < cnt_my, wid_my, wid_ot)
            j = jnp.where(t < cnt_my, t, t - cnt_my)
            return e_hbm.at[wid, j]

        def mchunk(j):
            return e_hbm.at[wid_my, j]

        @plsc.parallel_loop(0, CB, 1, unroll=4)
        def _zrow(e):
            for k in range(D // LANES):
                rowbufA[e, pl.ds(k * LANES, LANES)] = jnp.zeros(
                    ZERO16, jnp.float32)

        for i in range(SLICE // LANES):
            slicebuf[pl.ds(i * LANES, LANES)] = jnp.zeros(ZERO16, jnp.float32)
        pltpu.sync_copy(slicebuf, deg_sh.at[pl.ds(base, SLICE)])
        for r in range(SLICE // CB):
            pltpu.sync_copy(rowbufA, t1_sh.at[pl.ds(base + r * CB, CB)])
        plsc.subcore_barrier()

        pltpu.async_copy(echunk(0), ebufA, esemA)
        pltpu.async_copy(echunk(1), ebufB, esemB)

        def deg_section(t, ebuf, col, sbuf, esem, ssem, first):
            pltpu.make_async_copy(echunk(t), ebuf, esem).wait()
            if not first:
                pltpu.make_async_copy(sbuf, deg_sh.at[col], ssem).wait()
            for k in range(CB // LANES):
                col[pl.ds(k * LANES, LANES)] = ebuf[0, pl.ds(k * LANES, LANES)]
                sbuf[pl.ds(k * LANES, LANES)] = lax.bitcast_convert_type(
                    ebuf[2, pl.ds(k * LANES, LANES)], jnp.float32)
            pltpu.async_copy(sbuf, deg_sh.at[col], ssem, add=True)

            @pl.when(t + 2 < kt)
            def _():
                pltpu.async_copy(echunk(t + 2), ebuf, esem)

        def deg_body(t2, carry):
            deg_section(2 * t2, ebufA, colA, sbufA, esemA, ssemA, False)
            deg_section(2 * t2 + 1, ebufB, colB, sbufB, esemB, ssemB, False)
            return carry

        deg_section(0, ebufA, colA, sbufA, esemA, ssemA, True)
        deg_section(1, ebufB, colB, sbufB, esemB, ssemB, True)
        lax.fori_loop(1, kt // 2, deg_body, 0)
        pltpu.make_async_copy(sbufA, deg_sh.at[colA], ssemA).wait()
        pltpu.make_async_copy(sbufB, deg_sh.at[colB], ssemB).wait()
        plsc.subcore_barrier()

        pltpu.sync_copy(deg_sh.at[pl.ds(base, SLICE)], slicebuf)
        for i in range(SLICE // LANES):
            dv = slicebuf[pl.ds(i * LANES, LANES)]
            bits = lax.bitcast_convert_type(dv, jnp.int32)
            y = lax.bitcast_convert_type(
                jnp.int32(0x5F3759DF) - jnp.right_shift(bits, 1), jnp.float32)
            for _ in range(3):
                y = y * (jnp.float32(1.5) - jnp.float32(0.5) * dv * y * y)
            y = jnp.where(dv > 0.0, y, jnp.float32(0.0))
            slicebuf[pl.ds(i * LANES, LANES)] = y
        pltpu.sync_copy(slicebuf, dis_sh.at[pl.ds(base, SLICE)])

        @pl.when(c == 0)
        def _():
            pltpu.sync_copy(slicebuf, dis_out.at[pl.ds(base, SLICE)])

        plsc.subcore_barrier()
        pltpu.sync_copy(dis_sh, dis_vmem)

        def m_sect(j, nch, ebuf, col, sbuf, rowbuf, esem, gsem, ssem):
            pltpu.make_async_copy(x_hbm.at[ebuf.at[0]], rowbuf, gsem).wait()
            for k in range(CB // LANES):
                rv = ebuf[0, pl.ds(k * LANES, LANES)]
                dv = plsc.load_gather(dis_vmem, [rv])
                wv = lax.bitcast_convert_type(
                    ebuf[2, pl.ds(k * LANES, LANES)], jnp.float32)
                sbuf[pl.ds(k * LANES, LANES)] = dv * wv
                col[pl.ds(k * LANES, LANES)] = ebuf[1, pl.ds(k * LANES, LANES)]

            @plsc.parallel_loop(0, CB, 1, unroll=2)
            def _scale(e):
                sv = plsc.load_gather(sbuf, [jnp.zeros(ZERO16, jnp.int32) + e])
                for k in range(D // LANES):
                    rowbuf[e, pl.ds(k * LANES, LANES)] = (
                        rowbuf[e, pl.ds(k * LANES, LANES)] * sv)

            pltpu.async_copy(rowbuf, t1_sh.at[col], ssem, add=True)

            @pl.when(j + 2 < nch)
            def _():
                pltpu.async_copy(mchunk(j + 2), ebuf, esem)

        def m_tail(j, nch, ebuf, col, rowbuf, esem, gsem, ssem):
            pltpu.make_async_copy(rowbuf, t1_sh.at[col], ssem).wait()

            @pl.when(j + 2 < nch)
            def _():
                pltpu.make_async_copy(mchunk(j + 2), ebuf, esem).wait()
                pltpu.async_copy(x_hbm.at[ebuf.at[0]], rowbuf, gsem)

        def run_main(nch):
            def main_body(j2, carry):
                cA, cB = 2 * j2, 2 * j2 + 1
                m_sect(cA, nch, ebufA, colA, sbufA, rowbufA,
                       esemA, gsemA, ssemA)
                m_sect(cB, nch, ebufB, colB, sbufB, rowbufB,
                       esemB, gsemB, ssemB)
                m_tail(cA, nch, ebufA, colA, rowbufA, esemA, gsemA, ssemA)
                m_tail(cB, nch, ebufB, colB, rowbufB, esemB, gsemB, ssemB)
                return carry

            pltpu.async_copy(mchunk(0), ebufA, esemA)
            pltpu.async_copy(mchunk(1), ebufB, esemB)
            pltpu.make_async_copy(mchunk(0), ebufA, esemA).wait()
            pltpu.async_copy(x_hbm.at[ebufA.at[0]], rowbufA, gsemA)
            pltpu.make_async_copy(mchunk(1), ebufB, esemB).wait()
            pltpu.async_copy(x_hbm.at[ebufB.at[0]], rowbufB, gsemB)
            lax.fori_loop(0, nch // 2, main_body, 0)

        @pl.when(c == 0)
        def _():
            run_main(K0)

        @pl.when(c == 1)
        def _():
            run_main(K1)

        plsc.subcore_barrier()
        pltpu.sync_copy(t1_sh.at[pl.ds(base, SLICE)],
                        t1p_out.at[c, pl.ds(base, SLICE)])

    return body


def _tc_gru_kernel(x_ref, t1p_ref, dis_ref, w0_ref, w1_ref, bz_ref, bh_ref,
                   wl_ref, bl_ref, o_ref):
    dis = dis_ref[:N, :]
    t1 = (t1p_ref[0, :N, :] + t1p_ref[1, :N, :]) * (-dis)
    g0 = jnp.dot(x_ref[...], w0_ref[...], preferred_element_type=jnp.float32)
    g1 = jnp.dot(t1, w1_ref[...], preferred_element_type=jnp.float32)
    z = jax.nn.sigmoid(g0[:, :HD] + g1[:, :HD] + bz_ref[...])
    ht = jnp.tanh(g0[:, HD:] + g1[:, HD:] + bh_ref[...])
    hn = (1.0 - z) * ht
    o_ref[...] = jnp.sum(hn * wl_ref[...], axis=1) + bl_ref[0]


def kernel(x, edge_index, edge_weight, W_xz, b_xz, W_hz, b_hz, W_xr, b_xr,
           W_hr, b_hr, W_xh, b_xh, W_hh, b_hh, W_lin, b_lin):
    e = edge_index.shape[1]
    ncap = NS * (K0 + K1) * CB
    pad = ncap - e

    def chunks(a):
        return jnp.pad(a, (0, pad)).reshape(NS * (K0 + K1), CB)

    rowp = chunks(edge_index[0])
    colp = chunks(edge_index[1])
    wbits = chunks(lax.bitcast_convert_type(edge_weight, jnp.int32))
    flat = jnp.stack([rowp, colp, wbits], axis=1)
    e0 = flat[:NS * K0].reshape(NS, 1, K0, 3, CB)
    e1 = jnp.pad(flat[NS * K0:].reshape(NS, 1, K1, 3, CB),
                 ((0, 0), (0, 0), (0, K0 - K1), (0, 0), (0, 0)))
    epack = jnp.concatenate([e0, e1], axis=1).reshape(NW, K0, 3, CB)

    mesh = plsc.VectorSubcoreMesh(core_axis_name="c", subcore_axis_name="s")
    sck = pl.kernel(
        _make_sc_kernel(),
        out_type=(jax.ShapeDtypeStruct((NC, NPAD, D), jnp.float32),
                  jax.ShapeDtypeStruct((NPAD,), jnp.float32)),
        mesh=mesh,
        scratch_types=[
            pltpu.VMEM((3, CB), jnp.int32),
            pltpu.VMEM((3, CB), jnp.int32),
            pltpu.VMEM((CB,), jnp.int32),
            pltpu.VMEM((CB,), jnp.int32),
            pltpu.VMEM((CB,), jnp.float32),
            pltpu.VMEM((CB,), jnp.float32),
            pltpu.VMEM((CB, D), jnp.float32),
            pltpu.VMEM((CB, D), jnp.float32),
            pltpu.VMEM((NPAD,), jnp.float32),
            pltpu.VMEM((SLICE,), jnp.float32),
            pltpu.VMEM_SHARED((NPAD, D), jnp.float32),
            pltpu.VMEM_SHARED((NPAD,), jnp.float32),
            pltpu.VMEM_SHARED((NPAD,), jnp.float32),
            pltpu.SemaphoreType.DMA,
            pltpu.SemaphoreType.DMA,
            pltpu.SemaphoreType.DMA,
            pltpu.SemaphoreType.DMA,
            pltpu.SemaphoreType.DMA,
            pltpu.SemaphoreType.DMA,
        ],
        compiler_params=pltpu.CompilerParams(needs_layout_passes=False),
    )
    t1p, dis = sck(x, epack)

    w0 = jnp.concatenate([W_xz[0], W_xh[0]], axis=1)
    w1 = jnp.concatenate([W_xz[1], W_xh[1]], axis=1)
    bz = (b_xz + b_hz).reshape(1, HD)
    bh = (b_xh + b_hh).reshape(1, HD)
    wl = W_lin.reshape(1, HD)
    dis2 = dis.reshape(NPAD, 1)

    vspec = pl.BlockSpec(memory_space=pltpu.VMEM)
    out = pl.pallas_call(
        _tc_gru_kernel,
        out_shape=jax.ShapeDtypeStruct((N,), jnp.float32),
        in_specs=[vspec] * 8 + [pl.BlockSpec(memory_space=pltpu.SMEM)],
        out_specs=vspec,
    )(x, t1p, dis2, w0, w1, bz, bh, wl, b_lin)
    return out

# --- scband reference (transcript-rebuilt; emitter-appended) ---
"""Pipeline reference for scband-gconv-gruwrapper-21680994910528 (READ-ONLY COPY).

The authoritative reference and input builder live on the scoring server;
editing this copy changes nothing except your own understanding.
"""

import jax, jax.numpy as jnp
import numpy as np

N = 10000
E = 320000
D = 128
HD = 64
OUT = 1


def setup_inputs(seed: int = 0) -> dict:
    key = jax.random.key(seed)
    ks = jax.random.split(key, 18)
    def w(k, shape):
        return jax.random.normal(k, shape, dtype=jnp.float32) * 0.05
    inp = {
        "x": jax.random.normal(ks[0], (N, D), dtype=jnp.float32),
        "edge_index": jax.random.randint(ks[1], (2, E), 0, N, dtype=jnp.int32),
        "edge_weight": jax.random.uniform(ks[2], (E,), dtype=jnp.float32),
        "W_xz": w(ks[3], (2, D, HD)), "b_xz": w(ks[4], (HD,)),
        "W_hz": w(ks[5], (2, HD, HD)), "b_hz": w(ks[6], (HD,)),
        "W_xr": w(ks[7], (2, D, HD)), "b_xr": w(ks[8], (HD,)),
        "W_hr": w(ks[9], (2, HD, HD)), "b_hr": w(ks[10], (HD,)),
        "W_xh": w(ks[11], (2, D, HD)), "b_xh": w(ks[12], (HD,)),
        "W_hh": w(ks[13], (2, HD, HD)), "b_hh": w(ks[14], (HD,)),
        "W_lin": w(ks[15], (HD, OUT)), "b_lin": w(ks[16], (OUT,)),
    }
    return inp


def reference(x, edge_index, edge_weight, W_xz, b_xz, W_hz, b_hz, W_xr, b_xr,
              W_hr, b_hr, W_xh, b_xh, W_hh, b_hh, W_lin, b_lin):
    n = x.shape[0]
    row = edge_index[0]
    col = edge_index[1]
    # ChebConv K=2 normalization (sym, lambda_max=2): scaled Laplacian
    # L_hat = L - I = -D^{-1/2} A D^{-1/2} (diagonal 1 - 1 = 0 cancels)
    deg = jnp.zeros((n,), jnp.float32).at[row].add(edge_weight)
    dis = jnp.where(deg > 0.0, 1.0 / jnp.sqrt(jnp.where(deg > 0.0, deg, 1.0)), 0.0)
    lw = -dis[row] * edge_weight * dis[col]

    def cheb(z, W, b):
        # Tx_0 = z ; Tx_1 = L_hat z (gather from src, scatter-add to dst)
        t1 = jnp.zeros_like(z).at[col].add(lw[:, None] * z[row])
        return z @ W[0] + t1 @ W[1] + b

    Hs = jnp.zeros((n, HD), x.dtype)  # GConvGRU initial hidden state
    Z = jax.nn.sigmoid(cheb(x, W_xz, b_xz) + cheb(Hs, W_hz, b_hz))
    R = jax.nn.sigmoid(cheb(x, W_xr, b_xr) + cheb(Hs, W_hr, b_hr))
    Ht = jnp.tanh(cheb(x, W_xh, b_xh) + cheb(Hs * R, W_hh, b_hh))
    Hn = Z * Hs + (1.0 - Z) * Ht
    out = Hn @ W_lin + b_lin
    return jnp.squeeze(out, -1)

if __name__ == "__main__":
    import jax
    _d = setup_inputs()
    print(jax.jit(kernel)(*tuple(_d.values())))

</pallas_src>

<mosaic_0001>
#map = affine_map<(d0, d1) -> (0, 0)>
#map1 = affine_map<(d0, d1) -> (0, 0, 0, 0)>
#map2 = affine_map<(d0, d1) -> (0, 0, 0)>
#map3 = affine_map<(d0, d1) -> (0)>
module attributes {stable_mosaic.version = 14 : i64} {
  func.func @body(%arg0: i32, %arg1: i32, %arg2: memref<10000x128xf32, #tpu.memory_space<hbm>>, %arg3: memref<32x122x3x128xi32, #tpu.memory_space<hbm>>, %arg4: memref<2x10240x128xf32, #tpu.memory_space<hbm>>, %arg5: memref<10240xf32, #tpu.memory_space<hbm>>, %arg6: memref<3x128xi32, #tpu.memory_space<vmem>>, %arg7: memref<3x128xi32, #tpu.memory_space<vmem>>, %arg8: memref<128xi32, #tpu.memory_space<vmem>>, %arg9: memref<128xi32, #tpu.memory_space<vmem>>, %arg10: memref<128xf32, #tpu.memory_space<vmem>>, %arg11: memref<128xf32, #tpu.memory_space<vmem>>, %arg12: memref<128x128xf32, #tpu.memory_space<vmem>>, %arg13: memref<128x128xf32, #tpu.memory_space<vmem>>, %arg14: memref<10240xf32, #tpu.memory_space<vmem>>, %arg15: memref<640xf32, #tpu.memory_space<vmem>>, %arg16: memref<10240x128xf32, #tpu.memory_space<vmem_shared>>, %arg17: memref<10240xf32, #tpu.memory_space<vmem_shared>>, %arg18: memref<10240xf32, #tpu.memory_space<vmem_shared>>, %arg19: memref<!tpu.dma_semaphore, #tpu.memory_space<semaphore_mem>>, %arg20: memref<!tpu.dma_semaphore, #tpu.memory_space<semaphore_mem>>, %arg21: memref<!tpu.dma_semaphore, #tpu.memory_space<semaphore_mem>>, %arg22: memref<!tpu.dma_semaphore, #tpu.memory_space<semaphore_mem>>, %arg23: memref<!tpu.dma_semaphore, #tpu.memory_space<semaphore_mem>>, %arg24: memref<!tpu.dma_semaphore, #tpu.memory_space<semaphore_mem>>) attributes {dimension_semantics = [#tpu.dimension_semantics<core_parallel>, #tpu.dimension_semantics<subcore_parallel>], iteration_bounds = array<i64: 2, 16>, scalar_prefetch = 0 : i64, scratch_operands = 19 : i64, tpu.core_type = #tpu.core_type<sc_vector_subcore>, window_params = [{transform_indices = #map}, {transform_indices = #map1}, {transform_indices = #map2}, {transform_indices = #map3}]} {
    %mul3A = arith.constant 2 : i32
    %mul3A_0 = arith.muli %arg1, %mul3A : i32
    %add3A = arith.addi %mul3A_0, %arg0 : i32
    %mul3A_1 = arith.constant 2 : i32
    %mul3A_2 = arith.muli %arg1, %mul3A_1 : i32
    %sub3A = arith.constant 1 : i32
    %sub3A_3 = arith.subi %sub3A, %arg0 : i32
    %add3A_4 = arith.addi %mul3A_2, %sub3A_3 : i32
    %eq3A = arith.constant 0 : i32
    %eq3A_5 = arith.cmpi eq, %arg0, %eq3A : i32
    %jit3A = arith.constant 122 : i32
    %jit3A_6 = arith.constant 36 : i32
    %select_n3A = arith.select %eq3A_5, %jit3A, %jit3A_6 : i32
    %mul3A_7 = arith.constant 640 : i32
    %mul3A_8 = arith.muli %arg1, %mul3A_7 : i32
    %parallel_loop3A = arith.constant 0 : i32
    %parallel_loop3A_9 = arith.constant 128 : i32
    %parallel_loop3A_10 = arith.constant 1 : i32
    scf.for %parallel_loop3A_2312 = %parallel_loop3A to %parallel_loop3A_9 step %parallel_loop3A_10  : i32 {
      %parallel_loop3A_2313 = arith.constant 0.000000e+00 : f32
      %parallel_loop3A_2314 = vector.broadcast %parallel_loop3A_2313 : f32 to vector<16xf32>
      %parallel_loop3A_2315 = arith.index_cast %parallel_loop3A_2312 : i32 to index
      %parallel_loop3A_2316 = arith.constant 0 : index
      %parallel_loop3A_2317 = tpu.vector_load %arg12[%parallel_loop3A_2315, %parallel_loop3A_2316] {strides = array<i32>} : memref<128x128xf32, #tpu.memory_space<vmem>>, vector<16xf32>,
      tpu.vector_store %arg12[%parallel_loop3A_2315, %parallel_loop3A_2316], %parallel_loop3A_2314 {strides = array<i32>} : memref<128x128xf32, #tpu.memory_space<vmem>>, vector<16xf32>,
      %parallel_loop3A_2318 = arith.constant 0.000000e+00 : f32
      %parallel_loop3A_2319 = vector.broadcast %parallel_loop3A_2318 : f32 to vector<16xf32>
      %parallel_loop3A_2320 = arith.index_cast %parallel_loop3A_2312 : i32 to index
      %parallel_loop3A_2321 = arith.constant 16 : index
      %parallel_loop3A_2322 = tpu.vector_load %arg12[%parallel_loop3A_2320, %parallel_loop3A_2321] {strides = array<i32>} : memref<128x128xf32, #tpu.memory_space<vmem>>, vector<16xf32>,
      tpu.vector_store %arg12[%parallel_loop3A_2320, %parallel_loop3A_2321], %parallel_loop3A_2319 {strides = array<i32>} : memref<128x128xf32, #tpu.memory_space<vmem>>, vector<16xf32>,
      %parallel_loop3A_2323 = arith.constant 0.000000e+00 : f32
      %parallel_loop3A_2324 = vector.broadcast %parallel_loop3A_2323 : f32 to vector<16xf32>
      %parallel_loop3A_2325 = arith.index_cast %parallel_loop3A_2312 : i32 to index
      %parallel_loop3A_2326 = arith.constant 32 : index
      %parallel_loop3A_2327 = tpu.vector_load %arg12[%parallel_loop3A_2325, %parallel_loop3A_2326] {strides = array<i32>} : memref<128x128xf32, #tpu.memory_space<vmem>>, vector<16xf32>,
      tpu.vector_store %arg12[%parallel_loop3A_2325, %parallel_loop3A_2326], %parallel_loop3A_2324 {strides = array<i32>} : memref<128x128xf32, #tpu.memory_space<vmem>>, vector<16xf32>,
      %parallel_loop3A_2328 = arith.constant 0.000000e+00 : f32
      %parallel_loop3A_2329 = vector.broadcast %parallel_loop3A_2328 : f32 to vector<16xf32>
      %parallel_loop3A_2330 = arith.index_cast %parallel_loop3A_2312 : i32 to index
      %parallel_loop3A_2331 = arith.constant 48 : index
      %parallel_loop3A_2332 = tpu.vector_load %arg12[%parallel_loop3A_2330, %parallel_loop3A_2331] {strides = array<i32>} : memref<128x128xf32, #tpu.memory_space<vmem>>, vector<16xf32>,
      tpu.vector_store %arg12[%parallel_loop3A_2330, %parallel_loop3A_2331], %parallel_loop3A_2329 {strides = array<i32>} : memref<128x128xf32, #tpu.memory_space<vmem>>, vector<16xf32>,
      %parallel_loop3A_2333 = arith.constant 0.000000e+00 : f32
      %parallel_loop3A_2334 = vector.broadcast %parallel_loop3A_2333 : f32 to vector<16xf32>
      %parallel_loop3A_2335 = arith.index_cast %parallel_loop3A_2312 : i32 to index
      %parallel_loop3A_2336 = arith.constant 64 : index
      %parallel_loop3A_2337 = tpu.vector_load %arg12[%parallel_loop3A_2335, %parallel_loop3A_2336] {strides = array<i32>} : memref<128x128xf32, #tpu.memory_space<vmem>>, vector<16xf32>,
      tpu.vector_store %arg12[%parallel_loop3A_2335, %parallel_loop3A_2336], %parallel_loop3A_2334 {strides = array<i32>} : memref<128x128xf32, #tpu.memory_space<vmem>>, vector<16xf32>,
      %parallel_loop3A_2338 = arith.constant 0.000000e+00 : f32
      %parallel_loop3A_2339 = vector.broadcast %parallel_loop3A_2338 : f32 to vector<16xf32>
      %parallel_loop3A_2340 = arith.index_cast %parallel_loop3A_2312 : i32 to index
      %parallel_loop3A_2341 = arith.constant 80 : index
      %parallel_loop3A_2342 = tpu.vector_load %arg12[%parallel_loop3A_2340, %parallel_loop3A_2341] {strides = array<i32>} : memref<128x128xf32, #tpu.memory_space<vmem>>, vector<16xf32>,
      tpu.vector_store %arg12[%parallel_loop3A_2340, %parallel_loop3A_2341], %parallel_loop3A_2339 {strides = array<i32>} : memref<128x128xf32, #tpu.memory_space<vmem>>, vector<16xf32>,
      %parallel_loop3A_2343 = arith.constant 0.000000e+00 : f32
      %parallel_loop3A_2344 = vector.broadcast %parallel_loop3A_2343 : f32 to vector<16xf32>
      %parallel_loop3A_2345 = arith.index_cast %parallel_loop3A_2312 : i32 to index
      %parallel_loop3A_2346 = arith.constant 96 : index
      %parallel_loop3A_2347 = tpu.vector_load %arg12[%parallel_loop3A_2345, %parallel_loop3A_2346] {strides = array<i32>} : memref<128x128xf32, #tpu.memory_space<vmem>>, vector<16xf32>,
      tpu.vector_store %arg12[%parallel_loop3A_2345, %parallel_loop3A_2346], %parallel_loop3A_2344 {strides = array<i32>} : memref<128x128xf32, #tpu.memory_space<vmem>>, vector<16xf32>,
      %parallel_loop3A_2348 = arith.constant 0.000000e+00 : f32
      %parallel_loop3A_2349 = vector.broadcast %parallel_loop3A_2348 : f32 to vector<16xf32>
      %parallel_loop3A_2350 = arith.index_cast %parallel_loop3A_2312 : i32 to index
      %parallel_loop3A_2351 = arith.constant 112 : index
      %parallel_loop3A_2352 = tpu.vector_load %arg12[%parallel_loop3A_2350, %parallel_loop3A_2351] {strides = array<i32>} : memref<128x128xf32, #tpu.memory_space<vmem>>, vector<16xf32>,
      tpu.vector_store %arg12[%parallel_loop3A_2350, %parallel_loop3A_2351], %parallel_loop3A_2349 {strides = array<i32>} : memref<128x128xf32, #tpu.memory_space<vmem>>, vector<16xf32>,
    } {sc.loop_unroll_factor = 4 : i64, sc.parallel_access}
    %broadcast_in_dim3A = arith.constant 0.000000e+00 : f32
    %broadcast_in_dim3A_11 = vector.broadcast %broadcast_in_dim3A : f32 to vector<16xf32>
    %swap3A = arith.constant 0 : index
    %swap3A_12 = tpu.vector_load %arg15[%swap3A] {strides = array<i32>} : memref<640xf32, #tpu.memory_space<vmem>>, vector<16xf32>,
    tpu.vector_store %arg15[%swap3A], %broadcast_in_dim3A_11 {strides = array<i32>} : memref<640xf32, #tpu.memory_space<vmem>>, vector<16xf32>,
    %broadcast_in_dim3A_13 = arith.constant 0.000000e+00 : f32
    %broadcast_in_dim3A_14 = vector.broadcast %broadcast_in_dim3A_13 : f32 to vector<16xf32>
    %swap3A_15 = arith.constant 16 : index
    %swap3A_16 = tpu.vector_load %arg15[%swap3A_15] {strides = array<i32>} : memref<640xf32, #tpu.memory_space<vmem>>, vector<16xf32>,
    tpu.vector_store %arg15[%swap3A_15], %broadcast_in_dim3A_14 {strides = array<i32>} : memref<640xf32, #tpu.memory_space<vmem>>, vector<16xf32>,
    %broadcast_in_dim3A_17 = arith.constant 0.000000e+00 : f32
    %broadcast_in_dim3A_18 = vector.broadcast %broadcast_in_dim3A_17 : f32 to vector<16xf32>
    %swap3A_19 = arith.constant 32 : index
    %swap3A_20 = tpu.vector_load %arg15[%swap3A_19] {strides = array<i32>} : memref<640xf32, #tpu.memory_space<vmem>>, vector<16xf32>,
    tpu.vector_store %arg15[%swap3A_19], %broadcast_in_dim3A_18 {strides = array<i32>} : memref<640xf32, #tpu.memory_space<vmem>>, vector<16xf32>,
    %broadcast_in_dim3A_21 = arith.constant 0.000000e+00 : f32
    %broadcast_in_dim3A_22 = vector.broadcast %broadcast_in_dim3A_21 : f32 to vector<16xf32>
    %swap3A_23 = arith.constant 48 : index
    %swap3A_24 = tpu.vector_load %arg15[%swap3A_23] {strides = array<i32>} : memref<640xf32, #tpu.memory_space<vmem>>, vector<16xf32>,
    tpu.vector_store %arg15[%swap3A_23], %broadcast_in_dim3A_22 {strides = array<i32>} : memref<640xf32, #tpu.memory_space<vmem>>, vector<16xf32>,
    %broadcast_in_dim3A_25 = arith.constant 0.000000e+00 : f32
    %broadcast_in_dim3A_26 = vector.broadcast %broadcast_in_dim3A_25 : f32 to vector<16xf32>
    %swap3A_27 = arith.constant 64 : index
    %swap3A_28 = tpu.vector_load %arg15[%swap3A_27] {strides = array<i32>} : memref<640xf32, #tpu.memory_space<vmem>>, vector<16xf32>,
    tpu.vector_store %arg15[%swap3A_27], %broadcast_in_dim3A_26 {strides = array<i32>} : memref<640xf32, #tpu.memory_space<vmem>>, vector<16xf32>,
    %broadcast_in_dim3A_29 = arith.constant 0.000000e+00 : f32
    %broadcast_in_dim3A_30 = vector.broadcast %broadcast_in_dim3A_29 : f32 to vector<16xf32>
    %swap3A_31 = arith.constant 80 : index
    %swap3A_32 = tpu.vector_load %arg15[%swap3A_31] {strides = array<i32>} : memref<640xf32, #tpu.memory_space<vmem>>, vector<16xf32>,
    tpu.vector_store %arg15[%swap3A_31], %broadcast_in_dim3A_30 {strides = array<i32>} : memref<640xf32, #tpu.memory_space<vmem>>, vector<16xf32>,
    %broadcast_in_dim3A_33 = arith.constant 0.000000e+00 : f32
    %broadcast_in_dim3A_34 = vector.broadcast %broadcast_in_dim3A_33 : f32 to vector<16xf32>
    %swap3A_35 = arith.constant 96 : index
    %swap3A_36 = tpu.vector_load %arg15[%swap3A_35] {strides = array<i32>} : memref<640xf32, #tpu.memory_space<vmem>>, vector<16xf32>,
    tpu.vector_store %arg15[%swap3A_35], %broadcast_in_dim3A_34 {strides = array<i32>} : memref<640xf32, #tpu.memory_space<vmem>>, vector<16xf32>,
    %broadcast_in_dim3A_37 = arith.constant 0.000000e+00 : f32
    %broadcast_in_dim3A_38 = vector.broadcast %broadcast_in_dim3A_37 : f32 to vector<16xf32>
    %swap3A_39 = arith.constant 112 : index
    %swap3A_40 = tpu.vector_load %arg15[%swap3A_39] {strides = array<i32>} : memref<640xf32, #tpu.memory_space<vmem>>, vector<16xf32>,
    tpu.vector_store %arg15[%swap3A_39], %broadcast_in_dim3A_38 {strides = array<i32>} : memref<640xf32, #tpu.memory_space<vmem>>, vector<16xf32>,
    %broadcast_in_dim3A_41 = arith.constant 0.000000e+00 : f32
    %broadcast_in_dim3A_42 = vector.broadcast %broadcast_in_dim3A_41 : f32 to vector<16xf32>
    %swap3A_43 = arith.constant 128 : index
    %swap3A_44 = tpu.vector_load %arg15[%swap3A_43] {strides = array<i32>} : memref<640xf32, #tpu.memory_space<vmem>>, vector<16xf32>,
    tpu.vector_store %arg15[%swap3A_43], %broadcast_in_dim3A_42 {strides = array<i32>} : memref<640xf32, #tpu.memory_space<vmem>>, vector<16xf32>,
    %broadcast_in_dim3A_45 = arith.constant 0.000000e+00 : f32
    %broadcast_in_dim3A_46 = vector.broadcast %broadcast_in_dim3A_45 : f32 to vector<16xf32>
    %swap3A_47 = arith.constant 144 : index
    %swap3A_48 = tpu.vector_load %arg15[%swap3A_47] {strides = array<i32>} : memref<640xf32, #tpu.memory_space<vmem>>, vector<16xf32>,
    tpu.vector_store %arg15[%swap3A_47], %broadcast_in_dim3A_46 {strides = array<i32>} : memref<640xf32, #tpu.memory_space<vmem>>, vector<16xf32>,
    %broadcast_in_dim3A_49 = arith.constant 0.000000e+00 : f32
    %broadcast_in_dim3A_50 = vector.broadcast %broadcast_in_dim3A_49 : f32 to vector<16xf32>
    %swap3A_51 = arith.constant 160 : index
    %swap3A_52 = tpu.vector_load %arg15[%swap3A_51] {strides = array<i32>} : memref<640xf32, #tpu.memory_space<vmem>>, vector<16xf32>,
    tpu.vector_store %arg15[%swap3A_51], %broadcast_in_dim3A_50 {strides = array<i32>} : memref<640xf32, #tpu.memory_space<vmem>>, vector<16xf32>,
    %broadcast_in_dim3A_53 = arith.constant 0.000000e+00 : f32
    %broadcast_in_dim3A_54 = vector.broadcast %broadcast_in_dim3A_53 : f32 to vector<16xf32>
    %swap3A_55 = arith.constant 176 : index
    %swap3A_56 = tpu.vector_load %arg15[%swap3A_55] {strides = array<i32>} : memref<640xf32, #tpu.memory_space<vmem>>, vector<16xf32>,
    tpu.vector_store %arg15[%swap3A_55], %broadcast_in_dim3A_54 {strides = array<i32>} : memref<640xf32, #tpu.memory_space<vmem>>, vector<16xf32>,
    %broadcast_in_dim3A_57 = arith.constant 0.000000e+00 : f32
    %broadcast_in_dim3A_58 = vector.broadcast %broadcast_in_dim3A_57 : f32 to vector<16xf32>
    %swap3A_59 = arith.constant 192 : index
    %swap3A_60 = tpu.vector_load %arg15[%swap3A_59] {strides = array<i32>} : memref<640xf32, #tpu.memory_space<vmem>>, vector<16xf32>,
    tpu.vector_store %arg15[%swap3A_59], %broadcast_in_dim3A_58 {strides = array<i32>} : memref<640xf32, #tpu.memory_space<vmem>>, vector<16xf32>,
    %broadcast_in_dim3A_61 = arith.constant 0.000000e+00 : f32
    %broadcast_in_dim3A_62 = vector.broadcast %broadcast_in_dim3A_61 : f32 to vector<16xf32>
    %swap3A_63 = arith.constant 208 : index
    %swap3A_64 = tpu.vector_load %arg15[%swap3A_63] {strides = array<i32>} : memref<640xf32, #tpu.memory_space<vmem>>, vector<16xf32>,
    tpu.vector_store %arg15[%swap3A_63], %broadcast_in_dim3A_62 {strides = array<i32>} : memref<640xf32, #tpu.memory_space<vmem>>, vector<16xf32>,
    %broadcast_in_dim3A_65 = arith.constant 0.000000e+00 : f32
    %broadcast_in_dim3A_66 = vector.broadcast %broadcast_in_dim3A_65 : f32 to vector<16xf32>
    %swap3A_67 = arith.constant 224 : index
    %swap3A_68 = tpu.vector_load %arg15[%swap3A_67] {strides = array<i32>} : memref<640xf32, #tpu.memory_space<vmem>>, vector<16xf32>,
    tpu.vector_store %arg15[%swap3A_67], %broadcast_in_dim3A_66 {strides = array<i32>} : memref<640xf32, #tpu.memory_space<vmem>>, vector<16xf32>,
    %broadcast_in_dim3A_69 = arith.constant 0.000000e+00 : f32
    %broadcast_in_dim3A_70 = vector.broadcast %broadcast_in_dim3A_69 : f32 to vector<16xf32>
    %swap3A_71 = arith.constant 240 : index
    %swap3A_72 = tpu.vector_load %arg15[%swap3A_71] {strides = array<i32>} : memref<640xf32, #tpu.memory_space<vmem>>, vector<16xf32>,
    tpu.vector_store %arg15[%swap3A_71], %broadcast_in_dim3A_70 {strides = array<i32>} : memref<640xf32, #tpu.memory_space<vmem>>, vector<16xf32>,
    %broadcast_in_dim3A_73 = arith.constant 0.000000e+00 : f32
    %broadcast_in_dim3A_74 = vector.broadcast %broadcast_in_dim3A_73 : f32 to vector<16xf32>
    %swap3A_75 = arith.constant 256 : index
    %swap3A_76 = tpu.vector_load %arg15[%swap3A_75] {strides = array<i32>} : memref<640xf32, #tpu.memory_space<vmem>>, vector<16xf32>,
    tpu.vector_store %arg15[%swap3A_75], %broadcast_in_dim3A_74 {strides = array<i32>} : memref<640xf32, #tpu.memory_space<vmem>>, vector<16xf32>,
    %broadcast_in_dim3A_77 = arith.constant 0.000000e+00 : f32
    %broadcast_in_dim3A_78 = vector.broadcast %broadcast_in_dim3A_77 : f32 to vector<16xf32>
    %swap3A_79 = arith.constant 272 : index
    %swap3A_80 = tpu.vector_load %arg15[%swap3A_79] {strides = array<i32>} : memref<640xf32, #tpu.memory_space<vmem>>, vector<16xf32>,
    tpu.vector_store %arg15[%swap3A_79], %broadcast_in_dim3A_78 {strides = array<i32>} : memref<640xf32, #tpu.memory_space<vmem>>, vector<16xf32>,
    %broadcast_in_dim3A_81 = arith.constant 0.000000e+00 : f32
    %broadcast_in_dim3A_82 = vector.broadcast %broadcast_in_dim3A_81 : f32 to vector<16xf32>
    %swap3A_83 = arith.constant 288 : index
    %swap3A_84 = tpu.vector_load %arg15[%swap3A_83] {strides = array<i32>} : memref<640xf32, #tpu.memory_space<vmem>>, vector<16xf32>,
    tpu.vector_store %arg15[%swap3A_83], %broadcast_in_dim3A_82 {strides = array<i32>} : memref<640xf32, #tpu.memory_space<vmem>>, vector<16xf32>,
    %broadcast_in_dim3A_85 = arith.constant 0.000000e+00 : f32
    %broadcast_in_dim3A_86 = vector.broadcast %broadcast_in_dim3A_85 : f32 to vector<16xf32>
    %swap3A_87 = arith.constant 304 : index
    %swap3A_88 = tpu.vector_load %arg15[%swap3A_87] {strides = array<i32>} : memref<640xf32, #tpu.memory_space<vmem>>, vector<16xf32>,
    tpu.vector_store %arg15[%swap3A_87], %broadcast_in_dim3A_86 {strides = array<i32>} : memref<640xf32, #tpu.memory_space<vmem>>, vector<16xf32>,
    %broadcast_in_dim3A_89 = arith.constant 0.000000e+00 : f32
    %broadcast_in_dim3A_90 = vector.broadcast %broadcast_in_dim3A_89 : f32 to vector<16xf32>
    %swap3A_91 = arith.constant 320 : index
    %swap3A_92 = tpu.vector_load %arg15[%swap3A_91] {strides = array<i32>} : memref<640xf32, #tpu.memory_space<vmem>>, vector<16xf32>,
    tpu.vector_store %arg15[%swap3A_91], %broadcast_in_dim3A_90 {strides = array<i32>} : memref<640xf32, #tpu.memory_space<vmem>>, vector<16xf32>,
    %broadcast_in_dim3A_93 = arith.constant 0.000000e+00 : f32
    %broadcast_in_dim3A_94 = vector.broadcast %broadcast_in_dim3A_93 : f32 to vector<16xf32>
    %swap3A_95 = arith.constant 336 : index
    %swap3A_96 = tpu.vector_load %arg15[%swap3A_95] {strides = array<i32>} : memref<640xf32, #tpu.memory_space<vmem>>, vector<16xf32>,
    tpu.vector_store %arg15[%swap3A_95], %broadcast_in_dim3A_94 {strides = array<i32>} : memref<640xf32, #tpu.memory_space<vmem>>, vector<16xf32>,
    %broadcast_in_dim3A_97 = arith.constant 0.000000e+00 : f32
    %broadcast_in_dim3A_98 = vector.broadcast %broadcast_in_dim3A_97 : f32 to vector<16xf32>
    %swap3A_99 = arith.constant 352 : index
    %swap3A_100 = tpu.vector_load %arg15[%swap3A_99] {strides = array<i32>} : memref<640xf32, #tpu.memory_space<vmem>>, vector<16xf32>,
    tpu.vector_store %arg15[%swap3A_99], %broadcast_in_dim3A_98 {strides = array<i32>} : memref<640xf32, #tpu.memory_space<vmem>>, vector<16xf32>,
    %broadcast_in_dim3A_101 = arith.constant 0.000000e+00 : f32
    %broadcast_in_dim3A_102 = vector.broadcast %broadcast_in_dim3A_101 : f32 to vector<16xf32>
    %swap3A_103 = arith.constant 368 : index
    %swap3A_104 = tpu.vector_load %arg15[%swap3A_103] {strides = array<i32>} : memref<640xf32, #tpu.memory_space<vmem>>, vector<16xf32>,
    tpu.vector_store %arg15[%swap3A_103], %broadcast_in_dim3A_102 {strides = array<i32>} : memref<640xf32, #tpu.memory_space<vmem>>, vector<16xf32>,
    %broadcast_in_dim3A_105 = arith.constant 0.000000e+00 : f32
    %broadcast_in_dim3A_106 = vector.broadcast %broadcast_in_dim3A_105 : f32 to vector<16xf32>
    %swap3A_107 = arith.constant 384 : index
    %swap3A_108 = tpu.vector_load %arg15[%swap3A_107] {strides = array<i32>} : memref<640xf32, #tpu.memory_space<vmem>>, vector<16xf32>,
    tpu.vector_store %arg15[%swap3A_107], %broadcast_in_dim3A_106 {strides = array<i32>} : memref<640xf32, #tpu.memory_space<vmem>>, vector<16xf32>,
    %broadcast_in_dim3A_109 = arith.constant 0.000000e+00 : f32
    %broadcast_in_dim3A_110 = vector.broadcast %broadcast_in_dim3A_109 : f32 to vector<16xf32>
    %swap3A_111 = arith.constant 400 : index
    %swap3A_112 = tpu.vector_load %arg15[%swap3A_111] {strides = array<i32>} : memref<640xf32, #tpu.memory_space<vmem>>, vector<16xf32>,
    tpu.vector_store %arg15[%swap3A_111], %broadcast_in_dim3A_110 {strides = array<i32>} : memref<640xf32, #tpu.memory_space<vmem>>, vector<16xf32>,
    %broadcast_in_dim3A_113 = arith.constant 0.000000e+00 : f32
    %broadcast_in_dim3A_114 = vector.broadcast %broadcast_in_dim3A_113 : f32 to vector<16xf32>
    %swap3A_115 = arith.constant 416 : index
    %swap3A_116 = tpu.vector_load %arg15[%swap3A_115] {strides = array<i32>} : memref<640xf32, #tpu.memory_space<vmem>>, vector<16xf32>,
    tpu.vector_store %arg15[%swap3A_115], %broadcast_in_dim3A_114 {strides = array<i32>} : memref<640xf32, #tpu.memory_space<vmem>>, vector<16xf32>,
    %broadcast_in_dim3A_117 = arith.constant 0.000000e+00 : f32
    %broadcast_in_dim3A_118 = vector.broadcast %broadcast_in_dim3A_117 : f32 to vector<16xf32>
    %swap3A_119 = arith.constant 432 : index
    %swap3A_120 = tpu.vector_load %arg15[%swap3A_119] {strides = array<i32>} : memref<640xf32, #tpu.memory_space<vmem>>, vector<16xf32>,
    tpu.vector_store %arg15[%swap3A_119], %broadcast_in_dim3A_118 {strides = array<i32>} : memref<640xf32, #tpu.memory_space<vmem>>, vector<16xf32>,
    %broadcast_in_dim3A_121 = arith.constant 0.000000e+00 : f32
    %broadcast_in_dim3A_122 = vector.broadcast %broadcast_in_dim3A_121 : f32 to vector<16xf32>
    %swap3A_123 = arith.constant 448 : index
    %swap3A_124 = tpu.vector_load %arg15[%swap3A_123] {strides = array<i32>} : memref<640xf32, #tpu.memory_space<vmem>>, vector<16xf32>,
    tpu.vector_store %arg15[%swap3A_123], %broadcast_in_dim3A_122 {strides = array<i32>} : memref<640xf32, #tpu.memory_space<vmem>>, vector<16xf32>,
    %broadcast_in_dim3A_125 = arith.constant 0.000000e+00 : f32
    %broadcast_in_dim3A_126 = vector.broadcast %broadcast_in_dim3A_125 : f32 to vector<16xf32>
    %swap3A_127 = arith.constant 464 : index
    %swap3A_128 = tpu.vector_load %arg15[%swap3A_127] {strides = array<i32>} : memref<640xf32, #tpu.memory_space<vmem>>, vector<16xf32>,
    tpu.vector_store %arg15[%swap3A_127], %broadcast_in_dim3A_126 {strides = array<i32>} : memref<640xf32, #tpu.memory_space<vmem>>, vector<16xf32>,
    %broadcast_in_dim3A_129 = arith.constant 0.000000e+00 : f32
    %broadcast_in_dim3A_130 = vector.broadcast %broadcast_in_dim3A_129 : f32 to vector<16xf32>
    %swap3A_131 = arith.constant 480 : index
    %swap3A_132 = tpu.vector_load %arg15[%swap3A_131] {strides = array<i32>} : memref<640xf32, #tpu.memory_space<vmem>>, vector<16xf32>,
    tpu.vector_store %arg15[%swap3A_131], %broadcast_in_dim3A_130 {strides = array<i32>} : memref<640xf32, #tpu.memory_space<vmem>>, vector<16xf32>,
    %broadcast_in_dim3A_133 = arith.constant 0.000000e+00 : f32
    %broadcast_in_dim3A_134 = vector.broadcast %broadcast_in_dim3A_133 : f32 to vector<16xf32>
    %swap3A_135 = arith.constant 496 : index
    %swap3A_136 = tpu.vector_load %arg15[%swap3A_135] {strides = array<i32>} : memref<640xf32, #tpu.memory_space<vmem>>, vector<16xf32>,
    tpu.vector_store %arg15[%swap3A_135], %broadcast_in_dim3A_134 {strides = array<i32>} : memref<640xf32, #tpu.memory_space<vmem>>, vector<16xf32>,
    %broadcast_in_dim3A_137 = arith.constant 0.000000e+00 : f32
    %broadcast_in_dim3A_138 = vector.broadcast %broadcast_in_dim3A_137 : f32 to vector<16xf32>
    %swap3A_139 = arith.constant 512 : index
    %swap3A_140 = tpu.vector_load %arg15[%swap3A_139] {strides = array<i32>} : memref<640xf32, #tpu.memory_space<vmem>>, vector<16xf32>,
    tpu.vector_store %arg15[%swap3A_139], %broadcast_in_dim3A_138 {strides = array<i32>} : memref<640xf32, #tpu.memory_space<vmem>>, vector<16xf32>,
    %broadcast_in_dim3A_141 = arith.constant 0.000000e+00 : f32
    %broadcast_in_dim3A_142 = vector.broadcast %broadcast_in_dim3A_141 : f32 to vector<16xf32>
    %swap3A_143 = arith.constant 528 : index
    %swap3A_144 = tpu.vector_load %arg15[%swap3A_143] {strides = array<i32>} : memref<640xf32, #tpu.memory_space<vmem>>, vector<16xf32>,
    tpu.vector_store %arg15[%swap3A_143], %broadcast_in_dim3A_142 {strides = array<i32>} : memref<640xf32, #tpu.memory_space<vmem>>, vector<16xf32>,
    %broadcast_in_dim3A_145 = arith.constant 0.000000e+00 : f32
    %broadcast_in_dim3A_146 = vector.broadcast %broadcast_in_dim3A_145 : f32 to vector<16xf32>
    %swap3A_147 = arith.constant 544 : index
    %swap3A_148 = tpu.vector_load %arg15[%swap3A_147] {strides = array<i32>} : memref<640xf32, #tpu.memory_space<vmem>>, vector<16xf32>,
    tpu.vector_store %arg15[%swap3A_147], %broadcast_in_dim3A_146 {strides = array<i32>} : memref<640xf32, #tpu.memory_space<vmem>>, vector<16xf32>,
    %broadcast_in_dim3A_149 = arith.constant 0.000000e+00 : f32
    %broadcast_in_dim3A_150 = vector.broadcast %broadcast_in_dim3A_149 : f32 to vector<16xf32>
    %swap3A_151 = arith.constant 560 : index
    %swap3A_152 = tpu.vector_load %arg15[%swap3A_151] {strides = array<i32>} : memref<640xf32, #tpu.memory_space<vmem>>, vector<16xf32>,
    tpu.vector_store %arg15[%swap3A_151], %broadcast_in_dim3A_150 {strides = array<i32>} : memref<640xf32, #tpu.memory_space<vmem>>, vector<16xf32>,
    %broadcast_in_dim3A_153 = arith.constant 0.000000e+00 : f32
    %broadcast_in_dim3A_154 = vector.broadcast %broadcast_in_dim3A_153 : f32 to vector<16xf32>
    %swap3A_155 = arith.constant 576 : index
    %swap3A_156 = tpu.vector_load %arg15[%swap3A_155] {strides = array<i32>} : memref<640xf32, #tpu.memory_space<vmem>>, vector<16xf32>,
    tpu.vector_store %arg15[%swap3A_155], %broadcast_in_dim3A_154 {strides = array<i32>} : memref<640xf32, #tpu.memory_space<vmem>>, vector<16xf32>,
    %broadcast_in_dim3A_157 = arith.constant 0.000000e+00 : f32
    %broadcast_in_dim3A_158 = vector.broadcast %broadcast_in_dim3A_157 : f32 to vector<16xf32>
    %swap3A_159 = arith.constant 592 : index
    %swap3A_160 = tpu.vector_load %arg15[%swap3A_159] {strides = array<i32>} : memref<640xf32, #tpu.memory_space<vmem>>, vector<16xf32>,
    tpu.vector_store %arg15[%swap3A_159], %broadcast_in_dim3A_158 {strides = array<i32>} : memref<640xf32, #tpu.memory_space<vmem>>, vector<16xf32>,
    %broadcast_in_dim3A_161 = arith.constant 0.000000e+00 : f32
    %broadcast_in_dim3A_162 = vector.broadcast %broadcast_in_dim3A_161 : f32 to vector<16xf32>
    %swap3A_163 = arith.constant 608 : index
    %swap3A_164 = tpu.vector_load %arg15[%swap3A_163] {strides = array<i32>} : memref<640xf32, #tpu.memory_space<vmem>>, vector<16xf32>,
    tpu.vector_store %arg15[%swap3A_163], %broadcast_in_dim3A_162 {strides = array<i32>} : memref<640xf32, #tpu.memory_space<vmem>>, vector<16xf32>,
    %broadcast_in_dim3A_165 = arith.constant 0.000000e+00 : f32
    %broadcast_in_dim3A_166 = vector.broadcast %broadcast_in_dim3A_165 : f32 to vector<16xf32>
    %swap3A_167 = arith.constant 624 : index
    %swap3A_168 = tpu.vector_load %arg15[%swap3A_167] {strides = array<i32>} : memref<640xf32, #tpu.memory_space<vmem>>, vector<16xf32>,
    tpu.vector_store %arg15[%swap3A_167], %broadcast_in_dim3A_166 {strides = array<i32>} : memref<640xf32, #tpu.memory_space<vmem>>, vector<16xf32>,
    "tpu.region"() ({
      %run_scoped3A = tpu.sem_alloc : memref<!tpu.dma_semaphore, #tpu.memory_space<semaphore_mem>>
      %dma_start3A_2312 = tpu.memref_slice %arg17[%mul3A_8] : memref<10240xf32, #tpu.memory_space<vmem_shared>> -> memref<640xf32, #tpu.memory_space<vmem_shared>>
      %dma_start3A_2313 = tpu.memref_slice %arg17[%mul3A_8] : memref<10240xf32, #tpu.memory_space<vmem_shared>> -> memref<640xf32, #tpu.memory_space<vmem_shared>>
      tpu.enqueue_dma source(%arg15 : memref<640xf32, #tpu.memory_space<vmem>>) target(%dma_start3A_2313 : memref<640xf32, #tpu.memory_space<vmem_shared>>) target_semaphore(%run_scoped3A : memref<!tpu.dma_semaphore, #tpu.memory_space<semaphore_mem>>)
      %dma_wait3A_2314 = tpu.memref_slice %arg17[%mul3A_8] : memref<10240xf32, #tpu.memory_space<vmem_shared>> -> memref<640xf32, #tpu.memory_space<vmem_shared>>
      %dma_wait3A_2315 = tpu.memref_slice %arg17[%mul3A_8] : memref<10240xf32, #tpu.memory_space<vmem_shared>> -> memref<640xf32, #tpu.memory_space<vmem_shared>>
      tpu.wait_dma2 semaphore(%run_scoped3A : memref<!tpu.dma_semaphore, #tpu.memory_space<semaphore_mem>>) src(%arg15 : memref<640xf32, #tpu.memory_space<vmem>>) dst(%dma_wait3A_2315 : memref<640xf32, #tpu.memory_space<vmem_shared>>)
      tpu.yield
    }) : () -> ()
    %add3A_169 = arith.constant 0 : i32
    %add3A_170 = arith.addi %mul3A_8, %add3A_169 : i32
    "tpu.region"() ({
      %run_scoped3A = tpu.sem_alloc : memref<!tpu.dma_semaphore, #tpu.memory_space<semaphore_mem>>
      %dma_start3A_2312 = arith.constant 0 : i32
      %dma_start3A_2313 = tpu.memref_slice %arg16[%add3A_170, %dma_start3A_2312] : memref<10240x128xf32, #tpu.memory_space<vmem_shared>> -> memref<128x128xf32, #tpu.memory_space<vmem_shared>>
      %dma_start3A_2314 = arith.constant 0 : i32
      %dma_start3A_2315 = tpu.memref_slice %arg16[%add3A_170, %dma_start3A_2314] : memref<10240x128xf32, #tpu.memory_space<vmem_shared>> -> memref<128x128xf32, #tpu.memory_space<vmem_shared>>
      tpu.enqueue_dma source(%arg12 : memref<128x128xf32, #tpu.memory_space<vmem>>) target(%dma_start3A_2315 : memref<128x128xf32, #tpu.memory_space<vmem_shared>>) target_semaphore(%run_scoped3A : memref<!tpu.dma_semaphore, #tpu.memory_space<semaphore_mem>>)
      %dma_wait3A_2316 = arith.constant 0 : i32
      %dma_wait3A_2317 = tpu.memref_slice %arg16[%add3A_170, %dma_wait3A_2316] : memref<10240x128xf32, #tpu.memory_space<vmem_shared>> -> memref<128x128xf32, #tpu.memory_space<vmem_shared>>
      %dma_wait3A_2318 = arith.constant 0 : i32
      %dma_wait3A_2319 = tpu.memref_slice %arg16[%add3A_170, %dma_wait3A_2318] : memref<10240x128xf32, #tpu.memory_space<vmem_shared>> -> memref<128x128xf32, #tpu.memory_space<vmem_shared>>
      tpu.wait_dma2 semaphore(%run_scoped3A : memref<!tpu.dma_semaphore, #tpu.memory_space<semaphore_mem>>) src(%arg12 : memref<128x128xf32, #tpu.memory_space<vmem>>) dst(%dma_wait3A_2319 : memref<128x128xf32, #tpu.memory_space<vmem_shared>>)
      tpu.yield
    }) : () -> ()
    %add3A_171 = arith.constant 128 : i32
    %add3A_172 = arith.addi %mul3A_8, %add3A_171 : i32
    "tpu.region"() ({
      %run_scoped3A = tpu.sem_alloc : memref<!tpu.dma_semaphore, #tpu.memory_space<semaphore_mem>>
      %dma_start3A_2312 = arith.constant 0 : i32
      %dma_start3A_2313 = tpu.memref_slice %arg16[%add3A_172, %dma_start3A_2312] : memref<10240x128xf32, #tpu.memory_space<vmem_shared>> -> memref<128x128xf32, #tpu.memory_space<vmem_shared>>
      %dma_start3A_2314 = arith.constant 0 : i32
      %dma_start3A_2315 = tpu.memref_slice %arg16[%add3A_172, %dma_start3A_2314] : memref<10240x128xf32, #tpu.memory_space<vmem_shared>> -> memref<128x128xf32, #tpu.memory_space<vmem_shared>>
      tpu.enqueue_dma source(%arg12 : memref<128x128xf32, #tpu.memory_space<vmem>>) target(%dma_start3A_2315 : memref<128x128xf32, #tpu.memory_space<vmem_shared>>) target_semaphore(%run_scoped3A : memref<!tpu.dma_semaphore, #tpu.memory_space<semaphore_mem>>)
      %dma_wait3A_2316 = arith.constant 0 : i32
      %dma_wait3A_2317 = tpu.memref_slice %arg16[%add3A_172, %dma_wait3A_2316] : memref<10240x128xf32, #tpu.memory_space<vmem_shared>> -> memref<128x128xf32, #tpu.memory_space<vmem_shared>>
      %dma_wait3A_2318 = arith.constant 0 : i32
      %dma_wait3A_2319 = tpu.memref_slice %arg16[%add3A_172, %dma_wait3A_2318] : memref<10240x128xf32, #tpu.memory_space<vmem_shared>> -> memref<128x128xf32, #tpu.memory_space<vmem_shared>>
      tpu.wait_dma2 semaphore(%run_scoped3A : memref<!tpu.dma_semaphore, #tpu.memory_space<semaphore_mem>>) src(%arg12 : memref<128x128xf32, #tpu.memory_space<vmem>>) dst(%dma_wait3A_2319 : memref<128x128xf32, #tpu.memory_space<vmem_shared>>)
      tpu.yield
    }) : () -> ()
    %add3A_173 = arith.constant 256 : i32
    %add3A_174 = arith.addi %mul3A_8, %add3A_173 : i32
    "tpu.region"() ({
      %run_scoped3A = tpu.sem_alloc : memref<!tpu.dma_semaphore, #tpu.memory_space<semaphore_mem>>
      %dma_start3A_2312 = arith.constant 0 : i32
      %dma_start3A_2313 = tpu.memref_slice %arg16[%add3A_174, %dma_start3A_2312] : memref<10240x128xf32, #tpu.memory_space<vmem_shared>> -> memref<128x128xf32, #tpu.memory_space<vmem_shared>>
      %dma_start3A_2314 = arith.constant 0 : i32
      %dma_start3A_2315 = tpu.memref_slice %arg16[%add3A_174, %dma_start3A_2314] : memref<10240x128xf32, #tpu.memory_space<vmem_shared>> -> memref<128x128xf32, #tpu.memory_space<vmem_shared>>
      tpu.enqueue_dma source(%arg12 : memref<128x128xf32, #tpu.memory_space<vmem>>) target(%dma_start3A_2315 : memref<128x128xf32, #tpu.memory_space<vmem_shared>>) target_semaphore(%run_scoped3A : memref<!tpu.dma_semaphore, #tpu.memory_space<semaphore_mem>>)
      %dma_wait3A_2316 = arith.constant 0 : i32
      %dma_wait3A_2317 = tpu.memref_slice %arg16[%add3A_174, %dma_wait3A_2316] : memref<10240x128xf32, #tpu.memory_space<vmem_shared>> -> memref<128x128xf32, #tpu.memory_space<vmem_shared>>
      %dma_wait3A_2318 = arith.constant 0 : i32
      %dma_wait3A_2319 = tpu.memref_slice %arg16[%add3A_174, %dma_wait3A_2318] : memref<10240x128xf32, #tpu.memory_space<vmem_shared>> -> memref<128x128xf32, #tpu.memory_space<vmem_shared>>
      tpu.wait_dma2 semaphore(%run_scoped3A : memref<!tpu.dma_semaphore, #tpu.memory_space<semaphore_mem>>) src(%arg12 : memref<128x128xf32, #tpu.memory_space<vmem>>) dst(%dma_wait3A_2319 : memref<128x128xf32, #tpu.memory_space<vmem_shared>>)
      tpu.yield
    }) : () -> ()
    %add3A_175 = arith.constant 384 : i32
    %add3A_176 = arith.addi %mul3A_8, %add3A_175 : i32
    "tpu.region"() ({
      %run_scoped3A = tpu.sem_alloc : memref<!tpu.dma_semaphore, #tpu.memory_space<semaphore_mem>>
      %dma_start3A_2312 = arith.constant 0 : i32
      %dma_start3A_2313 = tpu.memref_slice %arg16[%add3A_176, %dma_start3A_2312] : memref<10240x128xf32, #tpu.memory_space<vmem_shared>> -> memref<128x128xf32, #tpu.memory_space<vmem_shared>>
      %dma_start3A_2314 = arith.constant 0 : i32
      %dma_start3A_2315 = tpu.memref_slice %arg16[%add3A_176, %dma_start3A_2314] : memref<10240x128xf32, #tpu.memory_space<vmem_shared>> -> memref<128x128xf32, #tpu.memory_space<vmem_shared>>
      tpu.enqueue_dma source(%arg12 : memref<128x128xf32, #tpu.memory_space<vmem>>) target(%dma_start3A_2315 : memref<128x128xf32, #tpu.memory_space<vmem_shared>>) target_semaphore(%run_scoped3A : memref<!tpu.dma_semaphore, #tpu.memory_space<semaphore_mem>>)
      %dma_wait3A_2316 = arith.constant 0 : i32
      %dma_wait3A_2317 = tpu.memref_slice %arg16[%add3A_176, %dma_wait3A_2316] : memref<10240x128xf32, #tpu.memory_space<vmem_shared>> -> memref<128x128xf32, #tpu.memory_space<vmem_shared>>
      %dma_wait3A_2318 = arith.constant 0 : i32
      %dma_wait3A_2319 = tpu.memref_slice %arg16[%add3A_176, %dma_wait3A_2318] : memref<10240x128xf32, #tpu.memory_space<vmem_shared>> -> memref<128x128xf32, #tpu.memory_space<vmem_shared>>
      tpu.wait_dma2 semaphore(%run_scoped3A : memref<!tpu.dma_semaphore, #tpu.memory_space<semaphore_mem>>) src(%arg12 : memref<128x128xf32, #tpu.memory_space<vmem>>) dst(%dma_wait3A_2319 : memref<128x128xf32, #tpu.memory_space<vmem_shared>>)
      tpu.yield
    }) : () -> ()
    %add3A_177 = arith.constant 512 : i32
    %add3A_178 = arith.addi %mul3A_8, %add3A_177 : i32
    "tpu.region"() ({
      %run_scoped3A = tpu.sem_alloc : memref<!tpu.dma_semaphore, #tpu.memory_space<semaphore_mem>>
      %dma_start3A_2312 = arith.constant 0 : i32
      %dma_start3A_2313 = tpu.memref_slice %arg16[%add3A_178, %dma_start3A_2312] : memref<10240x128xf32, #tpu.memory_space<vmem_shared>> -> memref<128x128xf32, #tpu.memory_space<vmem_shared>>
      %dma_start3A_2314 = arith.constant 0 : i32
      %dma_start3A_2315 = tpu.memref_slice %arg16[%add3A_178, %dma_start3A_2314] : memref<10240x128xf32, #tpu.memory_space<vmem_shared>> -> memref<128x128xf32, #tpu.memory_space<vmem_shared>>
      tpu.enqueue_dma source(%arg12 : memref<128x128xf32, #tpu.memory_space<vmem>>) target(%dma_start3A_2315 : memref<128x128xf32, #tpu.memory_space<vmem_shared>>) target_semaphore(%run_scoped3A : memref<!tpu.dma_semaphore, #tpu.memory_space<semaphore_mem>>)
      %dma_wait3A_2316 = arith.constant 0 : i32
      %dma_wait3A_2317 = tpu.memref_slice %arg16[%add3A_178, %dma_wait3A_2316] : memref<10240x128xf32, #tpu.memory_space<vmem_shared>> -> memref<128x128xf32, #tpu.memory_space<vmem_shared>>
      %dma_wait3A_2318 = arith.constant 0 : i32
      %dma_wait3A_2319 = tpu.memref_slice %arg16[%add3A_178, %dma_wait3A_2318] : memref<10240x128xf32, #tpu.memory_space<vmem_shared>> -> memref<128x128xf32, #tpu.memory_space<vmem_shared>>
      tpu.wait_dma2 semaphore(%run_scoped3A : memref<!tpu.dma_semaphore, #tpu.memory_space<semaphore_mem>>) src(%arg12 : memref<128x128xf32, #tpu.memory_space<vmem>>) dst(%dma_wait3A_2319 : memref<128x128xf32, #tpu.memory_space<vmem_shared>>)
      tpu.yield
    }) : () -> ()
    %barrier3A = arith.constant 0 : index
    tpu.barrier barrier_id(%barrier3A)
    %gt3A = arith.constant 0 : i32
    %gt3A_179 = arith.cmpi sgt, %select_n3A, %gt3A : i32
    %select_n3A_180 = arith.select %gt3A_179, %add3A, %add3A_4 : i32
    %gt3A_181 = arith.constant 0 : i32
    %gt3A_182 = arith.cmpi sgt, %select_n3A, %gt3A_181 : i32
    %sub3A_183 = arith.constant 0 : i32
    %sub3A_184 = arith.subi %sub3A_183, %select_n3A : i32
    %jit3A_185 = arith.constant 0 : i32
    %select_n3A_186 = arith.select %gt3A_182, %jit3A_185, %sub3A_184 : i32
    %dma_start3A = arith.constant 0 : i32
    %dma_start3A_187 = arith.constant 0 : i32
    %dma_start3A_188 = tpu.memref_slice %arg3[%select_n3A_180, %select_n3A_186, %dma_start3A, %dma_start3A_187] : memref<32x122x3x128xi32, #tpu.memory_space<hbm>> -> memref<1x1x3x128xi32, #tpu.memory_space<hbm>>
    %dma_start3A_189 = tpu.memref_squeeze %dma_start3A_188 : memref<1x1x3x128xi32, #tpu.memory_space<hbm>> -> memref<3x128xi32, #tpu.memory_space<hbm>>
    %dma_start3A_190 = arith.constant 0 : i32
    %dma_start3A_191 = arith.constant 0 : i32
    %dma_start3A_192 = tpu.memref_slice %arg3[%select_n3A_180, %select_n3A_186, %dma_start3A_190, %dma_start3A_191] : memref<32x122x3x128xi32, #tpu.memory_space<hbm>> -> memref<1x1x3x128xi32, #tpu.memory_space<hbm>>
    %dma_start3A_193 = tpu.memref_squeeze %dma_start3A_192 : memref<1x1x3x128xi32, #tpu.memory_space<hbm>> -> memref<3x128xi32, #tpu.memory_space<hbm>>
    tpu.enqueue_dma source(%dma_start3A_193 : memref<3x128xi32, #tpu.memory_space<hbm>>) target(%arg6 : memref<3x128xi32, #tpu.memory_space<vmem>>) target_semaphore(%arg19 : memref<!tpu.dma_semaphore, #tpu.memory_space<semaphore_mem>>)
    %gt3A_194 = arith.constant 1 : i32
    %gt3A_195 = arith.cmpi sgt, %select_n3A, %gt3A_194 : i32
    %select_n3A_196 = arith.select %gt3A_195, %add3A, %add3A_4 : i32
    %gt3A_197 = arith.constant 1 : i32
    %gt3A_198 = arith.cmpi sgt, %select_n3A, %gt3A_197 : i32
    %sub3A_199 = arith.constant 1 : i32
    %sub3A_200 = arith.subi %sub3A_199, %select_n3A : i32
    %jit3A_201 = arith.constant 1 : i32
    %select_n3A_202 = arith.select %gt3A_198, %jit3A_201, %sub3A_200 : i32
    %dma_start3A_203 = arith.constant 0 : i32
    %dma_start3A_204 = arith.constant 0 : i32
    %dma_start3A_205 = tpu.memref_slice %arg3[%select_n3A_196, %select_n3A_202, %dma_start3A_203, %dma_start3A_204] : memref<32x122x3x128xi32, #tpu.memory_space<hbm>> -> memref<1x1x3x128xi32, #tpu.memory_space<hbm>>
    %dma_start3A_206 = tpu.memref_squeeze %dma_start3A_205 : memref<1x1x3x128xi32, #tpu.memory_space<hbm>> -> memref<3x128xi32, #tpu.memory_space<hbm>>
    %dma_start3A_207 = arith.constant 0 : i32
    %dma_start3A_208 = arith.constant 0 : i32
    %dma_start3A_209 = tpu.memref_slice %arg3[%select_n3A_196, %select_n3A_202, %dma_start3A_207, %dma_start3A_208] : memref<32x122x3x128xi32, #tpu.memory_space<hbm>> -> memref<1x1x3x128xi32, #tpu.memory_space<hbm>>
    %dma_start3A_210 = tpu.memref_squeeze %dma_start3A_209 : memref<1x1x3x128xi32, #tpu.memory_space<hbm>> -> memref<3x128xi32, #tpu.memory_space<hbm>>
    tpu.enqueue_dma source(%dma_start3A_210 : memref<3x128xi32, #tpu.memory_space<hbm>>) target(%arg7 : memref<3x128xi32, #tpu.memory_space<vmem>>) target_semaphore(%arg20 : memref<!tpu.dma_semaphore, #tpu.memory_space<semaphore_mem>>)
    %gt3A_211 = arith.constant 0 : i32
    %gt3A_212 = arith.cmpi sgt, %select_n3A, %gt3A_211 : i32
    %select_n3A_213 = arith.select %gt3A_212, %add3A, %add3A_4 : i32
    %gt3A_214 = arith.constant 0 : i32
    %gt3A_215 = arith.cmpi sgt, %select_n3A, %gt3A_214 : i32
    %sub3A_216 = arith.constant 0 : i32
    %sub3A_217 = arith.subi %sub3A_216, %select_n3A : i32
    %jit3A_218 = arith.constant 0 : i32
    %select_n3A_219 = arith.select %gt3A_215, %jit3A_218, %sub3A_217 : i32
    %dma_wait3A = arith.constant 0 : i32
    %dma_wait3A_220 = arith.constant 0 : i32
    %dma_wait3A_221 = tpu.memref_slice %arg3[%select_n3A_213, %select_n3A_219, %dma_wait3A, %dma_wait3A_220] : memref<32x122x3x128xi32, #tpu.memory_space<hbm>> -> memref<1x1x3x128xi32, #tpu.memory_space<hbm>>
    %dma_wait3A_222 = tpu.memref_squeeze %dma_wait3A_221 : memref<1x1x3x128xi32, #tpu.memory_space<hbm>> -> memref<3x128xi32, #tpu.memory_space<hbm>>
    %dma_wait3A_223 = arith.constant 0 : i32
    %dma_wait3A_224 = arith.constant 0 : i32
    %dma_wait3A_225 = tpu.memref_slice %arg3[%select_n3A_213, %select_n3A_219, %dma_wait3A_223, %dma_wait3A_224] : memref<32x122x3x128xi32, #tpu.memory_space<hbm>> -> memref<1x1x3x128xi32, #tpu.memory_space<hbm>>
    %dma_wait3A_226 = tpu.memref_squeeze %dma_wait3A_225 : memref<1x1x3x128xi32, #tpu.memory_space<hbm>> -> memref<3x128xi32, #tpu.memory_space<hbm>>
    tpu.wait_dma2 semaphore(%arg19 : memref<!tpu.dma_semaphore, #tpu.memory_space<semaphore_mem>>) src(%dma_wait3A_226 : memref<3x128xi32, #tpu.memory_space<hbm>>) dst(%arg6 : memref<3x128xi32, #tpu.memory_space<vmem>>)
    %get3A = arith.constant 0 : i32
    %get3A_227 = arith.index_cast %get3A : i32 to index
    %get3A_228 = arith.constant 0 : index
    %get3A_229 = tpu.vector_load %arg6[%get3A_227, %get3A_228] {strides = array<i32>} : memref<3x128xi32, #tpu.memory_space<vmem>>, vector<16xi32>,
    %swap3A_230 = arith.constant 0 : index
    %swap3A_231 = tpu.vector_load %arg8[%swap3A_230] {strides = array<i32>} : memref<128xi32, #tpu.memory_space<vmem>>, vector<16xi32>,
    tpu.vector_store %arg8[%swap3A_230], %get3A_229 {strides = array<i32>} : memref<128xi32, #tpu.memory_space<vmem>>, vector<16xi32>,
    %get3A_232 = arith.constant 2 : i32
    %get3A_233 = arith.index_cast %get3A_232 : i32 to index
    %get3A_234 = arith.constant 0 : index
    %get3A_235 = tpu.vector_load %arg6[%get3A_233, %get3A_234] {strides = array<i32>} : memref<3x128xi32, #tpu.memory_space<vmem>>, vector<16xi32>,
    %bitcast_convert_type3A = tpu.bitcast %get3A_235 : vector<16xi32> -> vector<16xf32>
    %swap3A_236 = arith.constant 0 : index
    %swap3A_237 = tpu.vector_load %arg10[%swap3A_236] {strides = array<i32>} : memref<128xf32, #tpu.memory_space<vmem>>, vector<16xf32>,
    tpu.vector_store %arg10[%swap3A_236], %bitcast_convert_type3A {strides = array<i32>} : memref<128xf32, #tpu.memory_space<vmem>>, vector<16xf32>,
    %get3A_238 = arith.constant 0 : i32
    %get3A_239 = arith.index_cast %get3A_238 : i32 to index
    %get3A_240 = arith.constant 16 : index
    %get3A_241 = tpu.vector_load %arg6[%get3A_239, %get3A_240] {strides = array<i32>} : memref<3x128xi32, #tpu.memory_space<vmem>>, vector<16xi32>,
    %swap3A_242 = arith.constant 16 : index
    %swap3A_243 = tpu.vector_load %arg8[%swap3A_242] {strides = array<i32>} : memref<128xi32, #tpu.memory_space<vmem>>, vector<16xi32>,
    tpu.vector_store %arg8[%swap3A_242], %get3A_241 {strides = array<i32>} : memref<128xi32, #tpu.memory_space<vmem>>, vector<16xi32>,
    %get3A_244 = arith.constant 2 : i32
    %get3A_245 = arith.index_cast %get3A_244 : i32 to index
    %get3A_246 = arith.constant 16 : index
    %get3A_247 = tpu.vector_load %arg6[%get3A_245, %get3A_246] {strides = array<i32>} : memref<3x128xi32, #tpu.memory_space<vmem>>, vector<16xi32>,
    %bitcast_convert_type3A_248 = tpu.bitcast %get3A_247 : vector<16xi32> -> vector<16xf32>
    %swap3A_249 = arith.constant 16 : index
    %swap3A_250 = tpu.vector_load %arg10[%swap3A_249] {strides = array<i32>} : memref<128xf32, #tpu.memory_space<vmem>>, vector<16xf32>,
    tpu.vector_store %arg10[%swap3A_249], %bitcast_convert_type3A_248 {strides = array<i32>} : memref<128xf32, #tpu.memory_space<vmem>>, vector<16xf32>,
    %get3A_251 = arith.constant 0 : i32
    %get3A_252 = arith.index_cast %get3A_251 : i32 to index
    %get3A_253 = arith.constant 32 : index
    %get3A_254 = tpu.vector_load %arg6[%get3A_252, %get3A_253] {strides = array<i32>} : memref<3x128xi32, #tpu.memory_space<vmem>>, vector<16xi32>,
    %swap3A_255 = arith.constant 32 : index
    %swap3A_256 = tpu.vector_load %arg8[%swap3A_255] {strides = array<i32>} : memref<128xi32, #tpu.memory_space<vmem>>, vector<16xi32>,
    tpu.vector_store %arg8[%swap3A_255], %get3A_254 {strides = array<i32>} : memref<128xi32, #tpu.memory_space<vmem>>, vector<16xi32>,
    %get3A_257 = arith.constant 2 : i32
    %get3A_258 = arith.index_cast %get3A_257 : i32 to index
    %get3A_259 = arith.constant 32 : index
    %get3A_260 = tpu.vector_load %arg6[%get3A_258, %get3A_259] {strides = array<i32>} : memref<3x128xi32, #tpu.memory_space<vmem>>, vector<16xi32>,
    %bitcast_convert_type3A_261 = tpu.bitcast %get3A_260 : vector<16xi32> -> vector<16xf32>
    %swap3A_262 = arith.constant 32 : index
    %swap3A_263 = tpu.vector_load %arg10[%swap3A_262] {strides = array<i32>} : memref<128xf32, #tpu.memory_space<vmem>>, vector<16xf32>,
    tpu.vector_store %arg10[%swap3A_262], %bitcast_convert_type3A_261 {strides = array<i32>} : memref<128xf32, #tpu.memory_space<vmem>>, vector<16xf32>,
    %get3A_264 = arith.constant 0 : i32
    %get3A_265 = arith.index_cast %get3A_264 : i32 to index
    %get3A_266 = arith.constant 48 : index
    %get3A_267 = tpu.vector_load %arg6[%get3A_265, %get3A_266] {strides = array<i32>} : memref<3x128xi32, #tpu.memory_space<vmem>>, vector<16xi32>,
    %swap3A_268 = arith.constant 48 : index
    %swap3A_269 = tpu.vector_load %arg8[%swap3A_268] {strides = array<i32>} : memref<128xi32, #tpu.memory_space<vmem>>, vector<16xi32>,
    tpu.vector_store %arg8[%swap3A_268], %get3A_267 {strides = array<i32>} : memref<128xi32, #tpu.memory_space<vmem>>, vector<16xi32>,
    %get3A_270 = arith.constant 2 : i32
    %get3A_271 = arith.index_cast %get3A_270 : i32 to index
    %get3A_272 = arith.constant 48 : index
    %get3A_273 = tpu.vector_load %arg6[%get3A_271, %get3A_272] {strides = array<i32>} : memref<3x128xi32, #tpu.memory_space<vmem>>, vector<16xi32>,
    %bitcast_convert_type3A_274 = tpu.bitcast %get3A_273 : vector<16xi32> -> vector<16xf32>
    %swap3A_275 = arith.constant 48 : index
    %swap3A_276 = tpu.vector_load %arg10[%swap3A_275] {strides = array<i32>} : memref<128xf32, #tpu.memory_space<vmem>>, vector<16xf32>,
    tpu.vector_store %arg10[%swap3A_275], %bitcast_convert_type3A_274 {strides = array<i32>} : memref<128xf32, #tpu.memory_space<vmem>>, vector<16xf32>,
    %get3A_277 = arith.constant 0 : i32
    %get3A_278 = arith.index_cast %get3A_277 : i32 to index
    %get3A_279 = arith.constant 64 : index
    %get3A_280 = tpu.vector_load %arg6[%get3A_278, %get3A_279] {strides = array<i32>} : memref<3x128xi32, #tpu.memory_space<vmem>>, vector<16xi32>,
    %swap3A_281 = arith.constant 64 : index
    %swap3A_282 = tpu.vector_load %arg8[%swap3A_281] {strides = array<i32>} : memref<128xi32, #tpu.memory_space<vmem>>, vector<16xi32>,
    tpu.vector_store %arg8[%swap3A_281], %get3A_280 {strides = array<i32>} : memref<128xi32, #tpu.memory_space<vmem>>, vector<16xi32>,
    %get3A_283 = arith.constant 2 : i32
    %get3A_284 = arith.index_cast %get3A_283 : i32 to index
    %get3A_285 = arith.constant 64 : index
    %get3A_286 = tpu.vector_load %arg6[%get3A_284, %get3A_285] {strides = array<i32>} : memref<3x128xi32, #tpu.memory_space<vmem>>, vector<16xi32>,
    %bitcast_convert_type3A_287 = tpu.bitcast %get3A_286 : vector<16xi32> -> vector<16xf32>
    %swap3A_288 = arith.constant 64 : index
    %swap3A_289 = tpu.vector_load %arg10[%swap3A_288] {strides = array<i32>} : memref<128xf32, #tpu.memory_space<vmem>>, vector<16xf32>,
    tpu.vector_store %arg10[%swap3A_288], %bitcast_convert_type3A_287 {strides = array<i32>} : memref<128xf32, #tpu.memory_space<vmem>>, vector<16xf32>,
    %get3A_290 = arith.constant 0 : i32
    %get3A_291 = arith.index_cast %get3A_290 : i32 to index
    %get3A_292 = arith.constant 80 : index
    %get3A_293 = tpu.vector_load %arg6[%get3A_291, %get3A_292] {strides = array<i32>} : memref<3x128xi32, #tpu.memory_space<vmem>>, vector<16xi32>,
    %swap3A_294 = arith.constant 80 : index
    %swap3A_295 = tpu.vector_load %arg8[%swap3A_294] {strides = array<i32>} : memref<128xi32, #tpu.memory_space<vmem>>, vector<16xi32>,
    tpu.vector_store %arg8[%swap3A_294], %get3A_293 {strides = array<i32>} : memref<128xi32, #tpu.memory_space<vmem>>, vector<16xi32>,
    %get3A_296 = arith.constant 2 : i32
    %get3A_297 = arith.index_cast %get3A_296 : i32 to index
    %get3A_298 = arith.constant 80 : index
    %get3A_299 = tpu.vector_load %arg6[%get3A_297, %get3A_298] {strides = array<i32>} : memref<3x128xi32, #tpu.memory_space<vmem>>, vector<16xi32>,
    %bitcast_convert_type3A_300 = tpu.bitcast %get3A_299 : vector<16xi32> -> vector<16xf32>
    %swap3A_301 = arith.constant 80 : index
    %swap3A_302 = tpu.vector_load %arg10[%swap3A_301] {strides = array<i32>} : memref<128xf32, #tpu.memory_space<vmem>>, vector<16xf32>,
    tpu.vector_store %arg10[%swap3A_301], %bitcast_convert_type3A_300 {strides = array<i32>} : memref<128xf32, #tpu.memory_space<vmem>>, vector<16xf32>,
    %get3A_303 = arith.constant 0 : i32
    %get3A_304 = arith.index_cast %get3A_303 : i32 to index
    %get3A_305 = arith.constant 96 : index
    %get3A_306 = tpu.vector_load %arg6[%get3A_304, %get3A_305] {strides = array<i32>} : memref<3x128xi32, #tpu.memory_space<vmem>>, vector<16xi32>,
    %swap3A_307 = arith.constant 96 : index
    %swap3A_308 = tpu.vector_load %arg8[%swap3A_307] {strides = array<i32>} : memref<128xi32, #tpu.memory_space<vmem>>, vector<16xi32>,
    tpu.vector_store %arg8[%swap3A_307], %get3A_306 {strides = array<i32>} : memref<128xi32, #tpu.memory_space<vmem>>, vector<16xi32>,
    %get3A_309 = arith.constant 2 : i32
    %get3A_310 = arith.index_cast %get3A_309 : i32 to index
    %get3A_311 = arith.constant 96 : index
    %get3A_312 = tpu.vector_load %arg6[%get3A_310, %get3A_311] {strides = array<i32>} : memref<3x128xi32, #tpu.memory_space<vmem>>, vector<16xi32>,
    %bitcast_convert_type3A_313 = tpu.bitcast %get3A_312 : vector<16xi32> -> vector<16xf32>
    %swap3A_314 = arith.constant 96 : index
    %swap3A_315 = tpu.vector_load %arg10[%swap3A_314] {strides = array<i32>} : memref<128xf32, #tpu.memory_space<vmem>>, vector<16xf32>,
    tpu.vector_store %arg10[%swap3A_314], %bitcast_convert_type3A_313 {strides = array<i32>} : memref<128xf32, #tpu.memory_space<vmem>>, vector<16xf32>,
    %get3A_316 = arith.constant 0 : i32
    %get3A_317 = arith.index_cast %get3A_316 : i32 to index
    %get3A_318 = arith.constant 112 : index
    %get3A_319 = tpu.vector_load %arg6[%get3A_317, %get3A_318] {strides = array<i32>} : memref<3x128xi32, #tpu.memory_space<vmem>>, vector<16xi32>,
    %swap3A_320 = arith.constant 112 : index
    %swap3A_321 = tpu.vector_load %arg8[%swap3A_320] {strides = array<i32>} : memref<128xi32, #tpu.memory_space<vmem>>, vector<16xi32>,
    tpu.vector_store %arg8[%swap3A_320], %get3A_319 {strides = array<i32>} : memref<128xi32, #tpu.memory_space<vmem>>, vector<16xi32>,
    %get3A_322 = arith.constant 2 : i32
    %get3A_323 = arith.index_cast %get3A_322 : i32 to index
    %get3A_324 = arith.constant 112 : index
    %get3A_325 = tpu.vector_load %arg6[%get3A_323, %get3A_324] {strides = array<i32>} : memref<3x128xi32, #tpu.memory_space<vmem>>, vector<16xi32>,
    %bitcast_convert_type3A_326 = tpu.bitcast %get3A_325 : vector<16xi32> -> vector<16xf32>
    %swap3A_327 = arith.constant 112 : index
    %swap3A_328 = tpu.vector_load %arg10[%swap3A_327] {strides = array<i32>} : memref<128xf32, #tpu.memory_space<vmem>>, vector<16xf32>,
    tpu.vector_store %arg10[%swap3A_327], %bitcast_convert_type3A_326 {strides = array<i32>} : memref<128xf32, #tpu.memory_space<vmem>>, vector<16xf32>,
    %dma_start3A_329 = arith.constant 0 : i32
    %dma_start3A_330 = tpu.memref_slice %arg17[%dma_start3A_329] : memref<10240xf32, #tpu.memory_space<vmem_shared>> -> memref<10240xf32, #tpu.memory_space<vmem_shared>>
    tpu.enqueue_indirect_dma source(%arg10 : memref<128xf32, #tpu.memory_space<vmem>>) target(%dma_start3A_330 : memref<10240xf32, #tpu.memory_space<vmem_shared>>) offsets(%arg8 : memref<128xi32, #tpu.memory_space<vmem>>) semaphore(%arg23 : memref<!tpu.dma_semaphore, #tpu.memory_space<semaphore_mem>>) {add = true}
    %gt3A_331 = arith.constant 2 : i32
    %gt3A_332 = arith.cmpi sgt, %select_n3A, %gt3A_331 : i32
    %select_n3A_333 = arith.select %gt3A_332, %add3A, %add3A_4 : i32
    %gt3A_334 = arith.constant 2 : i32
    %gt3A_335 = arith.cmpi sgt, %select_n3A, %gt3A_334 : i32
    %sub3A_336 = arith.constant 2 : i32
    %sub3A_337 = arith.subi %sub3A_336, %select_n3A : i32
    %jit3A_338 = arith.constant 2 : i32
    %select_n3A_339 = arith.select %gt3A_335, %jit3A_338, %sub3A_337 : i32
    %dma_start3A_340 = arith.constant 0 : i32
    %dma_start3A_341 = arith.constant 0 : i32
    %dma_start3A_342 = tpu.memref_slice %arg3[%select_n3A_333, %select_n3A_339, %dma_start3A_340, %dma_start3A_341] : memref<32x122x3x128xi32, #tpu.memory_space<hbm>> -> memref<1x1x3x128xi32, #tpu.memory_space<hbm>>
    %dma_start3A_343 = tpu.memref_squeeze %dma_start3A_342 : memref<1x1x3x128xi32, #tpu.memory_space<hbm>> -> memref<3x128xi32, #tpu.memory_space<hbm>>
    %dma_start3A_344 = arith.constant 0 : i32
    %dma_start3A_345 = arith.constant 0 : i32
    %dma_start3A_346 = tpu.memref_slice %arg3[%select_n3A_333, %select_n3A_339, %dma_start3A_344, %dma_start3A_345] : memref<32x122x3x128xi32, #tpu.memory_space<hbm>> -> memref<1x1x3x128xi32, #tpu.memory_space<hbm>>
    %dma_start3A_347 = tpu.memref_squeeze %dma_start3A_346 : memref<1x1x3x128xi32, #tpu.memory_space<hbm>> -> memref<3x128xi32, #tpu.memory_space<hbm>>
    tpu.enqueue_dma source(%dma_start3A_347 : memref<3x128xi32, #tpu.memory_space<hbm>>) target(%arg6 : memref<3x128xi32, #tpu.memory_space<vmem>>) target_semaphore(%arg19 : memref<!tpu.dma_semaphore, #tpu.memory_space<semaphore_mem>>)
    %gt3A_348 = arith.constant 1 : i32
    %gt3A_349 = arith.cmpi sgt, %select_n3A, %gt3A_348 : i32
    %select_n3A_350 = arith.select %gt3A_349, %add3A, %add3A_4 : i32
    %gt3A_351 = arith.constant 1 : i32
    %gt3A_352 = arith.cmpi sgt, %select_n3A, %gt3A_351 : i32
    %sub3A_353 = arith.constant 1 : i32
    %sub3A_354 = arith.subi %sub3A_353, %select_n3A : i32
    %jit3A_355 = arith.constant 1 : i32
    %select_n3A_356 = arith.select %gt3A_352, %jit3A_355, %sub3A_354 : i32
    %dma_wait3A_357 = arith.constant 0 : i32
    %dma_wait3A_358 = arith.constant 0 : i32
    %dma_wait3A_359 = tpu.memref_slice %arg3[%select_n3A_350, %select_n3A_356, %dma_wait3A_357, %dma_wait3A_358] : memref<32x122x3x128xi32, #tpu.memory_space<hbm>> -> memref<1x1x3x128xi32, #tpu.memory_space<hbm>>
    %dma_wait3A_360 = tpu.memref_squeeze %dma_wait3A_359 : memref<1x1x3x128xi32, #tpu.memory_space<hbm>> -> memref<3x128xi32, #tpu.memory_space<hbm>>
    %dma_wait3A_361 = arith.constant 0 : i32
    %dma_wait3A_362 = arith.constant 0 : i32
    %dma_wait3A_363 = tpu.memref_slice %arg3[%select_n3A_350, %select_n3A_356, %dma_wait3A_361, %dma_wait3A_362] : memref<32x122x3x128xi32, #tpu.memory_space<hbm>> -> memref<1x1x3x128xi32, #tpu.memory_space<hbm>>
    %dma_wait3A_364 = tpu.memref_squeeze %dma_wait3A_363 : memref<1x1x3x128xi32, #tpu.memory_space<hbm>> -> memref<3x128xi32, #tpu.memory_space<hbm>>
    tpu.wait_dma2 semaphore(%arg20 : memref<!tpu.dma_semaphore, #tpu.memory_space<semaphore_mem>>) src(%dma_wait3A_364 : memref<3x128xi32, #tpu.memory_space<hbm>>) dst(%arg7 : memref<3x128xi32, #tpu.memory_space<vmem>>)
    %get3A_365 = arith.constant 0 : i32
    %get3A_366 = arith.index_cast %get3A_365 : i32 to index
    %get3A_367 = arith.constant 0 : index
    %get3A_368 = tpu.vector_load %arg7[%get3A_366, %get3A_367] {strides = array<i32>} : memref<3x128xi32, #tpu.memory_space<vmem>>, vector<16xi32>,
    %swap3A_369 = arith.constant 0 : index
    %swap3A_370 = tpu.vector_load %arg9[%swap3A_369] {strides = array<i32>} : memref<128xi32, #tpu.memory_space<vmem>>, vector<16xi32>,
    tpu.vector_store %arg9[%swap3A_369], %get3A_368 {strides = array<i32>} : memref<128xi32, #tpu.memory_space<vmem>>, vector<16xi32>,
    %get3A_371 = arith.constant 2 : i32
    %get3A_372 = arith.index_cast %get3A_371 : i32 to index
    %get3A_373 = arith.constant 0 : index
    %get3A_374 = tpu.vector_load %arg7[%get3A_372, %get3A_373] {strides = array<i32>} : memref<3x128xi32, #tpu.memory_space<vmem>>, vector<16xi32>,
    %bitcast_convert_type3A_375 = tpu.bitcast %get3A_374 : vector<16xi32> -> vector<16xf32>
    %swap3A_376 = arith.constant 0 : index
    %swap3A_377 = tpu.vector_load %arg11[%swap3A_376] {strides = array<i32>} : memref<128xf32, #tpu.memory_space<vmem>>, vector<16xf32>,
    tpu.vector_store %arg11[%swap3A_376], %bitcast_convert_type3A_375 {strides = array<i32>} : memref<128xf32, #tpu.memory_space<vmem>>, vector<16xf32>,
    %get3A_378 = arith.constant 0 : i32
    %get3A_379 = arith.index_cast %get3A_378 : i32 to index
    %get3A_380 = arith.constant 16 : index
    %get3A_381 = tpu.vector_load %arg7[%get3A_379, %get3A_380] {strides = array<i32>} : memref<3x128xi32, #tpu.memory_space<vmem>>, vector<16xi32>,
    %swap3A_382 = arith.constant 16 : index
    %swap3A_383 = tpu.vector_load %arg9[%swap3A_382] {strides = array<i32>} : memref<128xi32, #tpu.memory_space<vmem>>, vector<16xi32>,
    tpu.vector_store %arg9[%swap3A_382], %get3A_381 {strides = array<i32>} : memref<128xi32, #tpu.memory_space<vmem>>, vector<16xi32>,
    %get3A_384 = arith.constant 2 : i32
    %get3A_385 = arith.index_cast %get3A_384 : i32 to index
    %get3A_386 = arith.constant 16 : index
    %get3A_387 = tpu.vector_load %arg7[%get3A_385, %get3A_386] {strides = array<i32>} : memref<3x128xi32, #tpu.memory_space<vmem>>, vector<16xi32>,
    %bitcast_convert_type3A_388 = tpu.bitcast %get3A_387 : vector<16xi32> -> vector<16xf32>
    %swap3A_389 = arith.constant 16 : index
    %swap3A_390 = tpu.vector_load %arg11[%swap3A_389] {strides = array<i32>} : memref<128xf32, #tpu.memory_space<vmem>>, vector<16xf32>,
    tpu.vector_store %arg11[%swap3A_389], %bitcast_convert_type3A_388 {strides = array<i32>} : memref<128xf32, #tpu.memory_space<vmem>>, vector<16xf32>,
    %get3A_391 = arith.constant 0 : i32
    %get3A_392 = arith.index_cast %get3A_391 : i32 to index
    %get3A_393 = arith.constant 32 : index
    %get3A_394 = tpu.vector_load %arg7[%get3A_392, %get3A_393] {strides = array<i32>} : memref<3x128xi32, #tpu.memory_space<vmem>>, vector<16xi32>,
    %swap3A_395 = arith.constant 32 : index
    %swap3A_396 = tpu.vector_load %arg9[%swap3A_395] {strides = array<i32>} : memref<128xi32, #tpu.memory_space<vmem>>, vector<16xi32>,
    tpu.vector_store %arg9[%swap3A_395], %get3A_394 {strides = array<i32>} : memref<128xi32, #tpu.memory_space<vmem>>, vector<16xi32>,
    %get3A_397 = arith.constant 2 : i32
    %get3A_398 = arith.index_cast %get3A_397 : i32 to index
    %get3A_399 = arith.constant 32 : index
    %get3A_400 = tpu.vector_load %arg7[%get3A_398, %get3A_399] {strides = array<i32>} : memref<3x128xi32, #tpu.memory_space<vmem>>, vector<16xi32>,
    %bitcast_convert_type3A_401 = tpu.bitcast %get3A_400 : vector<16xi32> -> vector<16xf32>
    %swap3A_402 = arith.constant 32 : index
    %swap3A_403 = tpu.vector_load %arg11[%swap3A_402] {strides = array<i32>} : memref<128xf32, #tpu.memory_space<vmem>>, vector<16xf32>,
    tpu.vector_store %arg11[%swap3A_402], %bitcast_convert_type3A_401 {strides = array<i32>} : memref<128xf32, #tpu.memory_space<vmem>>, vector<16xf32>,
    %get3A_404 = arith.constant 0 : i32
    %get3A_405 = arith.index_cast %get3A_404 : i32 to index
    %get3A_406 = arith.constant 48 : index
    %get3A_407 = tpu.vector_load %arg7[%get3A_405, %get3A_406] {strides = array<i32>} : memref<3x128xi32, #tpu.memory_space<vmem>>, vector<16xi32>,
    %swap3A_408 = arith.constant 48 : index
    %swap3A_409 = tpu.vector_load %arg9[%swap3A_408] {strides = array<i32>} : memref<128xi32, #tpu.memory_space<vmem>>, vector<16xi32>,
    tpu.vector_store %arg9[%swap3A_408], %get3A_407 {strides = array<i32>} : memref<128xi32, #tpu.memory_space<vmem>>, vector<16xi32>,
    %get3A_410 = arith.constant 2 : i32
    %get3A_411 = arith.index_cast %get3A_410 : i32 to index
    %get3A_412 = arith.constant 48 : index
    %get3A_413 = tpu.vector_load %arg7[%get3A_411, %get3A_412] {strides = array<i32>} : memref<3x128xi32, #tpu.memory_space<vmem>>, vector<16xi32>,
    %bitcast_convert_type3A_414 = tpu.bitcast %get3A_413 : vector<16xi32> -> vector<16xf32>
    %swap3A_415 = arith.constant 48 : index
    %swap3A_416 = tpu.vector_load %arg11[%swap3A_415] {strides = array<i32>} : memref<128xf32, #tpu.memory_space<vmem>>, vector<16xf32>,
    tpu.vector_store %arg11[%swap3A_415], %bitcast_convert_type3A_414 {strides = array<i32>} : memref<128xf32, #tpu.memory_space<vmem>>, vector<16xf32>,
    %get3A_417 = arith.constant 0 : i32
    %get3A_418 = arith.index_cast %get3A_417 : i32 to index
    %get3A_419 = arith.constant 64 : index
    %get3A_420 = tpu.vector_load %arg7[%get3A_418, %get3A_419] {strides = array<i32>} : memref<3x128xi32, #tpu.memory_space<vmem>>, vector<16xi32>,
    %swap3A_421 = arith.constant 64 : index
    %swap3A_422 = tpu.vector_load %arg9[%swap3A_421] {strides = array<i32>} : memref<128xi32, #tpu.memory_space<vmem>>, vector<16xi32>,
    tpu.vector_store %arg9[%swap3A_421], %get3A_420 {strides = array<i32>} : memref<128xi32, #tpu.memory_space<vmem>>, vector<16xi32>,
    %get3A_423 = arith.constant 2 : i32
    %get3A_424 = arith.index_cast %get3A_423 : i32 to index
    %get3A_425 = arith.constant 64 : index
    %get3A_426 = tpu.vector_load %arg7[%get3A_424, %get3A_425] {strides = array<i32>} : memref<3x128xi32, #tpu.memory_space<vmem>>, vector<16xi32>,
    %bitcast_convert_type3A_427 = tpu.bitcast %get3A_426 : vector<16xi32> -> vector<16xf32>
    %swap3A_428 = arith.constant 64 : index
    %swap3A_429 = tpu.vector_load %arg11[%swap3A_428] {strides = array<i32>} : memref<128xf32, #tpu.memory_space<vmem>>, vector<16xf32>,
    tpu.vector_store %arg11[%swap3A_428], %bitcast_convert_type3A_427 {strides = array<i32>} : memref<128xf32, #tpu.memory_space<vmem>>, vector<16xf32>,
    %get3A_430 = arith.constant 0 : i32
    %get3A_431 = arith.index_cast %get3A_430 : i32 to index
    %get3A_432 = arith.constant 80 : index
    %get3A_433 = tpu.vector_load %arg7[%get3A_431, %get3A_432] {strides = array<i32>} : memref<3x128xi32, #tpu.memory_space<vmem>>, vector<16xi32>,
    %swap3A_434 = arith.constant 80 : index
    %swap3A_435 = tpu.vector_load %arg9[%swap3A_434] {strides = array<i32>} : memref<128xi32, #tpu.memory_space<vmem>>, vector<16xi32>,
    tpu.vector_store %arg9[%swap3A_434], %get3A_433 {strides = array<i32>} : memref<128xi32, #tpu.memory_space<vmem>>, vector<16xi32>,
    %get3A_436 = arith.constant 2 : i32
    %get3A_437 = arith.index_cast %get3A_436 : i32 to index
    %get3A_438 = arith.constant 80 : index
    %get3A_439 = tpu.vector_load %arg7[%get3A_437, %get3A_438] {strides = array<i32>} : memref<3x128xi32, #tpu.memory_space<vmem>>, vector<16xi32>,
    %bitcast_convert_type3A_440 = tpu.bitcast %get3A_439 : vector<16xi32> -> vector<16xf32>
    %swap3A_441 = arith.constant 80 : index
    %swap3A_442 = tpu.vector_load %arg11[%swap3A_441] {strides = array<i32>} : memref<128xf32, #tpu.memory_space<vmem>>, vector<16xf32>,
    tpu.vector_store %arg11[%swap3A_441], %bitcast_convert_type3A_440 {strides = array<i32>} : memref<128xf32, #tpu.memory_space<vmem>>, vector<16xf32>,
    %get3A_443 = arith.constant 0 : i32
    %get3A_444 = arith.index_cast %get3A_443 : i32 to index
    %get3A_445 = arith.constant 96 : index
    %get3A_446 = tpu.vector_load %arg7[%get3A_444, %get3A_445] {strides = array<i32>} : memref<3x128xi32, #tpu.memory_space<vmem>>, vector<16xi32>,
    %swap3A_447 = arith.constant 96 : index
    %swap3A_448 = tpu.vector_load %arg9[%swap3A_447] {strides = array<i32>} : memref<128xi32, #tpu.memory_space<vmem>>, vector<16xi32>,
    tpu.vector_store %arg9[%swap3A_447], %get3A_446 {strides = array<i32>} : memref<128xi32, #tpu.memory_space<vmem>>, vector<16xi32>,
    %get3A_449 = arith.constant 2 : i32
    %get3A_450 = arith.index_cast %get3A_449 : i32 to index
    %get3A_451 = arith.constant 96 : index
    %get3A_452 = tpu.vector_load %arg7[%get3A_450, %get3A_451] {strides = array<i32>} : memref<3x128xi32, #tpu.memory_space<vmem>>, vector<16xi32>,
    %bitcast_convert_type3A_453 = tpu.bitcast %get3A_452 : vector<16xi32> -> vector<16xf32>
    %swap3A_454 = arith.constant 96 : index
    %swap3A_455 = tpu.vector_load %arg11[%swap3A_454] {strides = array<i32>} : memref<128xf32, #tpu.memory_space<vmem>>, vector<16xf32>,
    tpu.vector_store %arg11[%swap3A_454], %bitcast_convert_type3A_453 {strides = array<i32>} : memref<128xf32, #tpu.memory_space<vmem>>, vector<16xf32>,
    %get3A_456 = arith.constant 0 : i32
    %get3A_457 = arith.index_cast %get3A_456 : i32 to index
    %get3A_458 = arith.constant 112 : index
    %get3A_459 = tpu.vector_load %arg7[%get3A_457, %get3A_458] {strides = array<i32>} : memref<3x128xi32, #tpu.memory_space<vmem>>, vector<16xi32>,
    %swap3A_460 = arith.constant 112 : index
    %swap3A_461 = tpu.vector_load %arg9[%swap3A_460] {strides = array<i32>} : memref<128xi32, #tpu.memory_space<vmem>>, vector<16xi32>,
    tpu.vector_store %arg9[%swap3A_460], %get3A_459 {strides = array<i32>} : memref<128xi32, #tpu.memory_space<vmem>>, vector<16xi32>,
    %get3A_462 = arith.constant 2 : i32
    %get3A_463 = arith.index_cast %get3A_462 : i32 to index
    %get3A_464 = arith.constant 112 : index
    %get3A_465 = tpu.vector_load %arg7[%get3A_463, %get3A_464] {strides = array<i32>} : memref<3x128xi32, #tpu.memory_space<vmem>>, vector<16xi32>,
    %bitcast_convert_type3A_466 = tpu.bitcast %get3A_465 : vector<16xi32> -> vector<16xf32>
    %swap3A_467 = arith.constant 112 : index
    %swap3A_468 = tpu.vector_load %arg11[%swap3A_467] {strides = array<i32>} : memref<128xf32, #tpu.memory_space<vmem>>, vector<16xf32>,
    tpu.vector_store %arg11[%swap3A_467], %bitcast_convert_type3A_466 {strides = array<i32>} : memref<128xf32, #tpu.memory_space<vmem>>, vector<16xf32>,
    %dma_start3A_469 = arith.constant 0 : i32
    %dma_start3A_470 = tpu.memref_slice %arg17[%dma_start3A_469] : memref<10240xf32, #tpu.memory_space<vmem_shared>> -> memref<10240xf32, #tpu.memory_space<vmem_shared>>
    tpu.enqueue_indirect_dma source(%arg11 : memref<128xf32, #tpu.memory_space<vmem>>) target(%dma_start3A_470 : memref<10240xf32, #tpu.memory_space<vmem_shared>>) offsets(%arg9 : memref<128xi32, #tpu.memory_space<vmem>>) semaphore(%arg24 : memref<!tpu.dma_semaphore, #tpu.memory_space<semaphore_mem>>) {add = true}
    %gt3A_471 = arith.constant 3 : i32
    %gt3A_472 = arith.cmpi sgt, %select_n3A, %gt3A_471 : i32
    %select_n3A_473 = arith.select %gt3A_472, %add3A, %add3A_4 : i32
    %gt3A_474 = arith.constant 3 : i32
    %gt3A_475 = arith.cmpi sgt, %select_n3A, %gt3A_474 : i32
    %sub3A_476 = arith.constant 3 : i32
    %sub3A_477 = arith.subi %sub3A_476, %select_n3A : i32
    %jit3A_478 = arith.constant 3 : i32
    %select_n3A_479 = arith.select %gt3A_475, %jit3A_478, %sub3A_477 : i32
    %dma_start3A_480 = arith.constant 0 : i32
    %dma_start3A_481 = arith.constant 0 : i32
    %dma_start3A_482 = tpu.memref_slice %arg3[%select_n3A_473, %select_n3A_479, %dma_start3A_480, %dma_start3A_481] : memref<32x122x3x128xi32, #tpu.memory_space<hbm>> -> memref<1x1x3x128xi32, #tpu.memory_space<hbm>>
    %dma_start3A_483 = tpu.memref_squeeze %dma_start3A_482 : memref<1x1x3x128xi32, #tpu.memory_space<hbm>> -> memref<3x128xi32, #tpu.memory_space<hbm>>
    %dma_start3A_484 = arith.constant 0 : i32
    %dma_start3A_485 = arith.constant 0 : i32
    %dma_start3A_486 = tpu.memref_slice %arg3[%select_n3A_473, %select_n3A_479, %dma_start3A_484, %dma_start3A_485] : memref<32x122x3x128xi32, #tpu.memory_space<hbm>> -> memref<1x1x3x128xi32, #tpu.memory_space<hbm>>
    %dma_start3A_487 = tpu.memref_squeeze %dma_start3A_486 : memref<1x1x3x128xi32, #tpu.memory_space<hbm>> -> memref<3x128xi32, #tpu.memory_space<hbm>>
    tpu.enqueue_dma source(%dma_start3A_487 : memref<3x128xi32, #tpu.memory_space<hbm>>) target(%arg7 : memref<3x128xi32, #tpu.memory_space<vmem>>) target_semaphore(%arg20 : memref<!tpu.dma_semaphore, #tpu.memory_space<semaphore_mem>>)
    %scan3A = arith.constant 0 : i32
    %scan3A_488 = arith.constant 1 : i32
    %scan3A_489 = arith.constant 78 : i32
    %scan3A_490 = arith.addi %scan3A_488, %scan3A_489 : i32
    %scan3A_491 = arith.constant 1 : i32
    scf.for %scan3A_2312 = %scan3A_488 to %scan3A_490 step %scan3A_491  : i32 {
      %mul3A_2313 = arith.constant 2 : i32
      %mul3A_2314 = arith.muli %mul3A_2313, %scan3A_2312 : i32
      %lt3A = arith.cmpi slt, %mul3A_2314, %select_n3A : i32
      %select_n3A_2315 = arith.select %lt3A, %add3A, %add3A_4 : i32
      %lt3A_2316 = arith.cmpi slt, %mul3A_2314, %select_n3A : i32
      %sub3A_2317 = arith.subi %mul3A_2314, %select_n3A : i32
      %select_n3A_2318 = arith.select %lt3A_2316, %mul3A_2314, %sub3A_2317 : i32
      %dma_wait3A_2319 = arith.constant 0 : i32
      %dma_wait3A_2320 = arith.constant 0 : i32
      %dma_wait3A_2321 = tpu.memref_slice %arg3[%select_n3A_2315, %select_n3A_2318, %dma_wait3A_2319, %dma_wait3A_2320] : memref<32x122x3x128xi32, #tpu.memory_space<hbm>> -> memref<1x1x3x128xi32, #tpu.memory_space<hbm>>
      %dma_wait3A_2322 = tpu.memref_squeeze %dma_wait3A_2321 : memref<1x1x3x128xi32, #tpu.memory_space<hbm>> -> memref<3x128xi32, #tpu.memory_space<hbm>>
      %dma_wait3A_2323 = arith.constant 0 : i32
      %dma_wait3A_2324 = arith.constant 0 : i32
      %dma_wait3A_2325 = tpu.memref_slice %arg3[%select_n3A_2315, %select_n3A_2318, %dma_wait3A_2323, %dma_wait3A_2324] : memref<32x122x3x128xi32, #tpu.memory_space<hbm>> -> memref<1x1x3x128xi32, #tpu.memory_space<hbm>>
      %dma_wait3A_2326 = tpu.memref_squeeze %dma_wait3A_2325 : memref<1x1x3x128xi32, #tpu.memory_space<hbm>> -> memref<3x128xi32, #tpu.memory_space<hbm>>
      tpu.wait_dma2 semaphore(%arg19 : memref<!tpu.dma_semaphore, #tpu.memory_space<semaphore_mem>>) src(%dma_wait3A_2326 : memref<3x128xi32, #tpu.memory_space<hbm>>) dst(%arg6 : memref<3x128xi32, #tpu.memory_space<vmem>>)
      %dma_wait3A_2327 = arith.constant 0 : i32
      %dma_wait3A_2328 = tpu.memref_slice %arg17[%dma_wait3A_2327] : memref<10240xf32, #tpu.memory_space<vmem_shared>> -> memref<10240xf32, #tpu.memory_space<vmem_shared>>
      tpu.wait_indirect_dma semaphore(%arg23 : memref<!tpu.dma_semaphore, #tpu.memory_space<semaphore_mem>>) src(%arg10 : memref<128xf32, #tpu.memory_space<vmem>>) dst(%dma_wait3A_2328 : memref<10240xf32, #tpu.memory_space<vmem_shared>>)
      %get3A_2329 = arith.constant 0 : i32
      %get3A_2330 = arith.index_cast %get3A_2329 : i32 to index
      %get3A_2331 = arith.constant 0 : index
      %get3A_2332 = tpu.vector_load %arg6[%get3A_2330, %get3A_2331] {strides = array<i32>} : memref<3x128xi32, #tpu.memory_space<vmem>>, vector<16xi32>,
      %swap3A_2333 = arith.constant 0 : index
      %swap3A_2334 = tpu.vector_load %arg8[%swap3A_2333] {strides = array<i32>} : memref<128xi32, #tpu.memory_space<vmem>>, vector<16xi32>,
      tpu.vector_store %arg8[%swap3A_2333], %get3A_2332 {strides = array<i32>} : memref<128xi32, #tpu.memory_space<vmem>>, vector<16xi32>,
      %get3A_2335 = arith.constant 2 : i32
      %get3A_2336 = arith.index_cast %get3A_2335 : i32 to index
      %get3A_2337 = arith.constant 0 : index
      %get3A_2338 = tpu.vector_load %arg6[%get3A_2336, %get3A_2337] {strides = array<i32>} : memref<3x128xi32, #tpu.memory_space<vmem>>, vector<16xi32>,
      %bitcast_convert_type3A_2339 = tpu.bitcast %get3A_2338 : vector<16xi32> -> vector<16xf32>
      %swap3A_2340 = arith.constant 0 : index
      %swap3A_2341 = tpu.vector_load %arg10[%swap3A_2340] {strides = array<i32>} : memref<128xf32, #tpu.memory_space<vmem>>, vector<16xf32>,
      tpu.vector_store %arg10[%swap3A_2340], %bitcast_convert_type3A_2339 {strides = array<i32>} : memref<128xf32, #tpu.memory_space<vmem>>, vector<16xf32>,
      %get3A_2342 = arith.constant 0 : i32
      %get3A_2343 = arith.index_cast %get3A_2342 : i32 to index
      %get3A_2344 = arith.constant 16 : index
      %get3A_2345 = tpu.vector_load %arg6[%get3A_2343, %get3A_2344] {strides = array<i32>} : memref<3x128xi32, #tpu.memory_space<vmem>>, vector<16xi32>,
      %swap3A_2346 = arith.constant 16 : index
      %swap3A_2347 = tpu.vector_load %arg8[%swap3A_2346] {strides = array<i32>} : memref<128xi32, #tpu.memory_space<vmem>>, vector<16xi32>,
      tpu.vector_store %arg8[%swap3A_2346], %get3A_2345 {strides = array<i32>} : memref<128xi32, #tpu.memory_space<vmem>>, vector<16xi32>,
      %get3A_2348 = arith.constant 2 : i32
      %get3A_2349 = arith.index_cast %get3A_2348 : i32 to index
      %get3A_2350 = arith.constant 16 : index
      %get3A_2351 = tpu.vector_load %arg6[%get3A_2349, %get3A_2350] {strides = array<i32>} : memref<3x128xi32, #tpu.memory_space<vmem>>, vector<16xi32>,
      %bitcast_convert_type3A_2352 = tpu.bitcast %get3A_2351 : vector<16xi32> -> vector<16xf32>
      %swap3A_2353 = arith.constant 16 : index
      %swap3A_2354 = tpu.vector_load %arg10[%swap3A_2353] {strides = array<i32>} : memref<128xf32, #tpu.memory_space<vmem>>, vector<16xf32>,
      tpu.vector_store %arg10[%swap3A_2353], %bitcast_convert_type3A_2352 {strides = array<i32>} : memref<128xf32, #tpu.memory_space<vmem>>, vector<16xf32>,
      %get3A_2355 = arith.constant 0 : i32
      %get3A_2356 = arith.index_cast %get3A_2355 : i32 to index
      %get3A_2357 = arith.constant 32 : index
      %get3A_2358 = tpu.vector_load %arg6[%get3A_2356, %get3A_2357] {strides = array<i32>} : memref<3x128xi32, #tpu.memory_space<vmem>>, vector<16xi32>,
      %swap3A_2359 = arith.constant 32 : index
      %swap3A_2360 = tpu.vector_load %arg8[%swap3A_2359] {strides = array<i32>} : memref<128xi32, #tpu.memory_space<vmem>>, vector<16xi32>,
      tpu.vector_store %arg8[%swap3A_2359], %get3A_2358 {strides = array<i32>} : memref<128xi32, #tpu.memory_space<vmem>>, vector<16xi32>,
      %get3A_2361 = arith.constant 2 : i32
      %get3A_2362 = arith.index_cast %get3A_2361 : i32 to index
      %get3A_2363 = arith.constant 32 : index
      %get3A_2364 = tpu.vector_load %arg6[%get3A_2362, %get3A_2363] {strides = array<i32>} : memref<3x128xi32, #tpu.memory_space<vmem>>, vector<16xi32>,
      %bitcast_convert_type3A_2365 = tpu.bitcast %get3A_2364 : vector<16xi32> -> vector<16xf32>
      %swap3A_2366 = arith.constant 32 : index
      %swap3A_2367 = tpu.vector_load %arg10[%swap3A_2366] {strides = array<i32>} : memref<128xf32, #tpu.memory_space<vmem>>, vector<16xf32>,
      tpu.vector_store %arg10[%swap3A_2366], %bitcast_convert_type3A_2365 {strides = array<i32>} : memref<128xf32, #tpu.memory_space<vmem>>, vector<16xf32>,
      %get3A_2368 = arith.constant 0 : i32
      %get3A_2369 = arith.index_cast %get3A_2368 : i32 to index
      %get3A_2370 = arith.constant 48 : index
      %get3A_2371 = tpu.vector_load %arg6[%get3A_2369, %get3A_2370] {strides = array<i32>} : memref<3x128xi32, #tpu.memory_space<vmem>>, vector<16xi32>,
      %swap3A_2372 = arith.constant 48 : index
      %swap3A_2373 = tpu.vector_load %arg8[%swap3A_2372] {strides = array<i32>} : memref<128xi32, #tpu.memory_space<vmem>>, vector<16xi32>,
      tpu.vector_store %arg8[%swap3A_2372], %get3A_2371 {strides = array<i32>} : memref<128xi32, #tpu.memory_space<vmem>>, vector<16xi32>,
      %get3A_2374 = arith.constant 2 : i32
      %get3A_2375 = arith.index_cast %get3A_2374 : i32 to index
      %get3A_2376 = arith.constant 48 : index
      %get3A_2377 = tpu.vector_load %arg6[%get3A_2375, %get3A_2376] {strides = array<i32>} : memref<3x128xi32, #tpu.memory_space<vmem>>, vector<16xi32>,
      %bitcast_convert_type3A_2378 = tpu.bitcast %get3A_2377 : vector<16xi32> -> vector<16xf32>
      %swap3A_2379 = arith.constant 48 : index
      %swap3A_2380 = tpu.vector_load %arg10[%swap3A_2379] {strides = array<i32>} : memref<128xf32, #tpu.memory_space<vmem>>, vector<16xf32>,
      tpu.vector_store %arg10[%swap3A_2379], %bitcast_convert_type3A_2378 {strides = array<i32>} : memref<128xf32, #tpu.memory_space<vmem>>, vector<16xf32>,
      %get3A_2381 = arith.constant 0 : i32
      %get3A_2382 = arith.index_cast %get3A_2381 : i32 to index
      %get3A_2383 = arith.constant 64 : index
      %get3A_2384 = tpu.vector_load %arg6[%get3A_2382, %get3A_2383] {strides = array<i32>} : memref<3x128xi32, #tpu.memory_space<vmem>>, vector<16xi32>,
      %swap3A_2385 = arith.constant 64 : index
      %swap3A_2386 = tpu.vector_load %arg8[%swap3A_2385] {strides = array<i32>} : memref<128xi32, #tpu.memory_space<vmem>>, vector<16xi32>,
      tpu.vector_store %arg8[%swap3A_2385], %get3A_2384 {strides = array<i32>} : memref<128xi32, #tpu.memory_space<vmem>>, vector<16xi32>,
      %get3A_2387 = arith.constant 2 : i32
      %get3A_2388 = arith.index_cast %get3A_2387 : i32 to index
      %get3A_2389 = arith.constant 64 : index
      %get3A_2390 = tpu.vector_load %arg6[%get3A_2388, %get3A_2389] {strides = array<i32>} : memref<3x128xi32, #tpu.memory_space<vmem>>, vector<16xi32>,
      %bitcast_convert_type3A_2391 = tpu.bitcast %get3A_2390 : vector<16xi32> -> vector<16xf32>
      %swap3A_2392 = arith.constant 64 : index
      %swap3A_2393 = tpu.vector_load %arg10[%swap3A_2392] {strides = array<i32>} : memref<128xf32, #tpu.memory_space<vmem>>, vector<16xf32>,
      tpu.vector_store %arg10[%swap3A_2392], %bitcast_convert_type3A_2391 {strides = array<i32>} : memref<128xf32, #tpu.memory_space<vmem>>, vector<16xf32>,
      %get3A_2394 = arith.constant 0 : i32
      %get3A_2395 = arith.index_cast %get3A_2394 : i32 to index
      %get3A_2396 = arith.constant 80 : index
      %get3A_2397 = tpu.vector_load %arg6[%get3A_2395, %get3A_2396] {strides = array<i32>} : memref<3x128xi32, #tpu.memory_space<vmem>>, vector<16xi32>,
      %swap3A_2398 = arith.constant 80 : index
      %swap3A_2399 = tpu.vector_load %arg8[%swap3A_2398] {strides = array<i32>} : memref<128xi32, #tpu.memory_space<vmem>>, vector<16xi32>,
      tpu.vector_store %arg8[%swap3A_2398], %get3A_2397 {strides = array<i32>} : memref<128xi32, #tpu.memory_space<vmem>>, vector<16xi32>,
      %get3A_2400 = arith.constant 2 : i32
      %get3A_2401 = arith.index_cast %get3A_2400 : i32 to index
      %get3A_2402 = arith.constant 80 : index
      %get3A_2403 = tpu.vector_load %arg6[%get3A_2401, %get3A_2402] {strides = array<i32>} : memref<3x128xi32, #tpu.memory_space<vmem>>, vector<16xi32>,
      %bitcast_convert_type3A_2404 = tpu.bitcast %get3A_2403 : vector<16xi32> -> vector<16xf32>
      %swap3A_2405 = arith.constant 80 : index
      %swap3A_2406 = tpu.vector_load %arg10[%swap3A_2405] {strides = array<i32>} : memref<128xf32, #tpu.memory_space<vmem>>, vector<16xf32>,
      tpu.vector_store %arg10[%swap3A_2405], %bitcast_convert_type3A_2404 {strides = array<i32>} : memref<128xf32, #tpu.memory_space<vmem>>, vector<16xf32>,
      %get3A_2407 = arith.constant 0 : i32
      %get3A_2408 = arith.index_cast %get3A_2407 : i32 to index
      %get3A_2409 = arith.constant 96 : index
      %get3A_2410 = tpu.vector_load %arg6[%get3A_2408, %get3A_2409] {strides = array<i32>} : memref<3x128xi32, #tpu.memory_space<vmem>>, vector<16xi32>,
      %swap3A_2411 = arith.constant 96 : index
      %swap3A_2412 = tpu.vector_load %arg8[%swap3A_2411] {strides = array<i32>} : memref<128xi32, #tpu.memory_space<vmem>>, vector<16xi32>,
      tpu.vector_store %arg8[%swap3A_2411], %get3A_2410 {strides = array<i32>} : memref<128xi32, #tpu.memory_space<vmem>>, vector<16xi32>,
      %get3A_2413 = arith.constant 2 : i32
      %get3A_2414 = arith.index_cast %get3A_2413 : i32 to index
      %get3A_2415 = arith.constant 96 : index
      %get3A_2416 = tpu.vector_load %arg6[%get3A_2414, %get3A_2415] {strides = array<i32>} : memref<3x128xi32, #tpu.memory_space<vmem>>, vector<16xi32>,
      %bitcast_convert_type3A_2417 = tpu.bitcast %get3A_2416 : vector<16xi32> -> vector<16xf32>
      %swap3A_2418 = arith.constant 96 : index
      %swap3A_2419 = tpu.vector_load %arg10[%swap3A_2418] {strides = array<i32>} : memref<128xf32, #tpu.memory_space<vmem>>, vector<16xf32>,
      tpu.vector_store %arg10[%swap3A_2418], %bitcast_convert_type3A_2417 {strides = array<i32>} : memref<128xf32, #tpu.memory_space<vmem>>, vector<16xf32>,
      %get3A_2420 = arith.constant 0 : i32
      %get3A_2421 = arith.index_cast %get3A_2420 : i32 to index
      %get3A_2422 = arith.constant 112 : index
      %get3A_2423 = tpu.vector_load %arg6[%get3A_2421, %get3A_2422] {strides = array<i32>} : memref<3x128xi32, #tpu.memory_space<vmem>>, vector<16xi32>,
      %swap3A_2424 = arith.constant 112 : index
      %swap3A_2425 = tpu.vector_load %arg8[%swap3A_2424] {strides = array<i32>} : memref<128xi32, #tpu.memory_space<vmem>>, vector<16xi32>,
      tpu.vector_store %arg8[%swap3A_2424], %get3A_2423 {strides = array<i32>} : memref<128xi32, #tpu.memory_space<vmem>>, vector<16xi32>,
      %get3A_2426 = arith.constant 2 : i32
      %get3A_2427 = arith.index_cast %get3A_2426 : i32 to index
      %get3A_2428 = arith.constant 112 : index
      %get3A_2429 = tpu.vector_load %arg6[%get3A_2427, %get3A_2428] {strides = array<i32>} : memref<3x128xi32, #tpu.memory_space<vmem>>, vector<16xi32>,
      %bitcast_convert_type3A_2430 = tpu.bitcast %get3A_2429 : vector<16xi32> -> vector<16xf32>
      %swap3A_2431 = arith.constant 112 : index
      %swap3A_2432 = tpu.vector_load %arg10[%swap3A_2431] {strides = array<i32>} : memref<128xf32, #tpu.memory_space<vmem>>, vector<16xf32>,
      tpu.vector_store %arg10[%swap3A_2431], %bitcast_convert_type3A_2430 {strides = array<i32>} : memref<128xf32, #tpu.memory_space<vmem>>, vector<16xf32>,
      %dma_start3A_2433 = arith.constant 0 : i32
      %dma_start3A_2434 = tpu.memref_slice %arg17[%dma_start3A_2433] : memref<10240xf32, #tpu.memory_space<vmem_shared>> -> memref<10240xf32, #tpu.memory_space<vmem_shared>>
      tpu.enqueue_indirect_dma source(%arg10 : memref<128xf32, #tpu.memory_space<vmem>>) target(%dma_start3A_2434 : memref<10240xf32, #tpu.memory_space<vmem_shared>>) offsets(%arg8 : memref<128xi32, #tpu.memory_space<vmem>>) semaphore(%arg23 : memref<!tpu.dma_semaphore, #tpu.memory_space<semaphore_mem>>) {add = true}
      %add3A_2435 = arith.constant 2 : i32
      %add3A_2436 = arith.addi %mul3A_2314, %add3A_2435 : i32
      %lt3A_2437 = arith.constant 158 : i32
      %lt3A_2438 = arith.cmpi slt, %add3A_2436, %lt3A_2437 : i32
      %convert_element_type3A_2439 = arith.extui %lt3A_2438 : i1 to i32
      %cond3A_2440 = arith.constant 0 : i32
      %cond3A_2441 = arith.cmpi ne, %convert_element_type3A_2439, %cond3A_2440 : i32
      scf.if %cond3A_2441 {
        %add3A_2574 = arith.constant 2 : i32
        %add3A_2575 = arith.addi %mul3A_2314, %add3A_2574 : i32
        %lt3A_2576 = arith.cmpi slt, %add3A_2575, %select_n3A : i32
        %select_n3A_2577 = arith.select %lt3A_2576, %add3A, %add3A_4 : i32
        %lt3A_2578 = arith.cmpi slt, %add3A_2575, %select_n3A : i32
        %sub3A_2579 = arith.subi %add3A_2575, %select_n3A : i32
        %select_n3A_2580 = arith.select %lt3A_2578, %add3A_2575, %sub3A_2579 : i32
        %dma_start3A_2581 = arith.constant 0 : i32
        %dma_start3A_2582 = arith.constant 0 : i32
        %dma_start3A_2583 = tpu.memref_slice %arg3[%select_n3A_2577, %select_n3A_2580, %dma_start3A_2581, %dma_start3A_2582] : memref<32x122x3x128xi32, #tpu.memory_space<hbm>> -> memref<1x1x3x128xi32, #tpu.memory_space<hbm>>
        %dma_start3A_2584 = tpu.memref_squeeze %dma_start3A_2583 : memref<1x1x3x128xi32, #tpu.memory_space<hbm>> -> memref<3x128xi32, #tpu.memory_space<hbm>>
        %dma_start3A_2585 = arith.constant 0 : i32
        %dma_start3A_2586 = arith.constant 0 : i32
        %dma_start3A_2587 = tpu.memref_slice %arg3[%select_n3A_2577, %select_n3A_2580, %dma_start3A_2585, %dma_start3A_2586] : memref<32x122x3x128xi32, #tpu.memory_space<hbm>> -> memref<1x1x3x128xi32, #tpu.memory_space<hbm>>
        %dma_start3A_2588 = tpu.memref_squeeze %dma_start3A_2587 : memref<1x1x3x128xi32, #tpu.memory_space<hbm>> -> memref<3x128xi32, #tpu.memory_space<hbm>>
        tpu.enqueue_dma source(%dma_start3A_2588 : memref<3x128xi32, #tpu.memory_space<hbm>>) target(%arg6 : memref<3x128xi32, #tpu.memory_space<vmem>>) target_semaphore(%arg19 : memref<!tpu.dma_semaphore, #tpu.memory_space<semaphore_mem>>)
      } else {
      }
      %mul3A_2442 = arith.constant 2 : i32
      %mul3A_2443 = arith.muli %mul3A_2442, %scan3A_2312 : i32
      %add3A_2444 = arith.constant 1 : i32
      %add3A_2445 = arith.addi %mul3A_2443, %add3A_2444 : i32
      %lt3A_2446 = arith.cmpi slt, %add3A_2445, %select_n3A : i32
      %select_n3A_2447 = arith.select %lt3A_2446, %add3A, %add3A_4 : i32
      %lt3A_2448 = arith.cmpi slt, %add3A_2445, %select_n3A : i32
      %sub3A_2449 = arith.subi %add3A_2445, %select_n3A : i32
      %select_n3A_2450 = arith.select %lt3A_2448, %add3A_2445, %sub3A_2449 : i32
      %dma_wait3A_2451 = arith.constant 0 : i32
      %dma_wait3A_2452 = arith.constant 0 : i32
      %dma_wait3A_2453 = tpu.memref_slice %arg3[%select_n3A_2447, %select_n3A_2450, %dma_wait3A_2451, %dma_wait3A_2452] : memref<32x122x3x128xi32, #tpu.memory_space<hbm>> -> memref<1x1x3x128xi32, #tpu.memory_space<hbm>>
      %dma_wait3A_2454 = tpu.memref_squeeze %dma_wait3A_2453 : memref<1x1x3x128xi32, #tpu.memory_space<hbm>> -> memref<3x128xi32, #tpu.memory_space<hbm>>
      %dma_wait3A_2455 = arith.constant 0 : i32
      %dma_wait3A_2456 = arith.constant 0 : i32
      %dma_wait3A_2457 = tpu.memref_slice %arg3[%select_n3A_2447, %select_n3A_2450, %dma_wait3A_2455, %dma_wait3A_2456] : memref<32x122x3x128xi32, #tpu.memory_space<hbm>> -> memref<1x1x3x128xi32, #tpu.memory_space<hbm>>
      %dma_wait3A_2458 = tpu.memref_squeeze %dma_wait3A_2457 : memref<1x1x3x128xi32, #tpu.memory_space<hbm>> -> memref<3x128xi32, #tpu.memory_space<hbm>>
      tpu.wait_dma2 semaphore(%arg20 : memref<!tpu.dma_semaphore, #tpu.memory_space<semaphore_mem>>) src(%dma_wait3A_2458 : memref<3x128xi32, #tpu.memory_space<hbm>>) dst(%arg7 : memref<3x128xi32, #tpu.memory_space<vmem>>)
      %dma_wait3A_2459 = arith.constant 0 : i32
      %dma_wait3A_2460 = tpu.memref_slice %arg17[%dma_wait3A_2459] : memref<10240xf32, #tpu.memory_space<vmem_shared>> -> memref<10240xf32, #tpu.memory_space<vmem_shared>>
      tpu.wait_indirect_dma semaphore(%arg24 : memref<!tpu.dma_semaphore, #tpu.memory_space<semaphore_mem>>) src(%arg11 : memref<128xf32, #tpu.memory_space<vmem>>) dst(%dma_wait3A_2460 : memref<10240xf32, #tpu.memory_space<vmem_shared>>)
      %get3A_2461 = arith.constant 0 : i32
      %get3A_2462 = arith.index_cast %get3A_2461 : i32 to index
      %get3A_2463 = arith.constant 0 : index
      %get3A_2464 = tpu.vector_load %arg7[%get3A_2462, %get3A_2463] {strides = array<i32>} : memref<3x128xi32, #tpu.memory_space<vmem>>, vector<16xi32>,
      %swap3A_2465 = arith.constant 0 : index
      %swap3A_2466 = tpu.vector_load %arg9[%swap3A_2465] {strides = array<i32>} : memref<128xi32, #tpu.memory_space<vmem>>, vector<16xi32>,
      tpu.vector_store %arg9[%swap3A_2465], %get3A_2464 {strides = array<i32>} : memref<128xi32, #tpu.memory_space<vmem>>, vector<16xi32>,
      %get3A_2467 = arith.constant 2 : i32
      %get3A_2468 = arith.index_cast %get3A_2467 : i32 to index
      %get3A_2469 = arith.constant 0 : index
      %get3A_2470 = tpu.vector_load %arg7[%get3A_2468, %get3A_2469] {strides = array<i32>} : memref<3x128xi32, #tpu.memory_space<vmem>>, vector<16xi32>,
      %bitcast_convert_type3A_2471 = tpu.bitcast %get3A_2470 : vector<16xi32> -> vector<16xf32>
      %swap3A_2472 = arith.constant 0 : index
      %swap3A_2473 = tpu.vector_load %arg11[%swap3A_2472] {strides = array<i32>} : memref<128xf32, #tpu.memory_space<vmem>>, vector<16xf32>,
      tpu.vector_store %arg11[%swap3A_2472], %bitcast_convert_type3A_2471 {strides = array<i32>} : memref<128xf32, #tpu.memory_space<vmem>>, vector<16xf32>,
      %get3A_2474 = arith.constant 0 : i32
      %get3A_2475 = arith.index_cast %get3A_2474 : i32 to index
      %get3A_2476 = arith.constant 16 : index
      %get3A_2477 = tpu.vector_load %arg7[%get3A_2475, %get3A_2476] {strides = array<i32>} : memref<3x128xi32, #tpu.memory_space<vmem>>, vector<16xi32>,
      %swap3A_2478 = arith.constant 16 : index
      %swap3A_2479 = tpu.vector_load %arg9[%swap3A_2478] {strides = array<i32>} : memref<128xi32, #tpu.memory_space<vmem>>, vector<16xi32>,
      tpu.vector_store %arg9[%swap3A_2478], %get3A_2477 {strides = array<i32>} : memref<128xi32, #tpu.memory_space<vmem>>, vector<16xi32>,
      %get3A_2480 = arith.constant 2 : i32
      %get3A_2481 = arith.index_cast %get3A_2480 : i32 to index
      %get3A_2482 = arith.constant 16 : index
      %get3A_2483 = tpu.vector_load %arg7[%get3A_2481, %get3A_2482] {strides = array<i32>} : memref<3x128xi32, #tpu.memory_space<vmem>>, vector<16xi32>,
      %bitcast_convert_type3A_2484 = tpu.bitcast %get3A_2483 : vector<16xi32> -> vector<16xf32>
      %swap3A_2485 = arith.constant 16 : index
      %swap3A_2486 = tpu.vector_load %arg11[%swap3A_2485] {strides = array<i32>} : memref<128xf32, #tpu.memory_space<vmem>>, vector<16xf32>,
      tpu.vector_store %arg11[%swap3A_2485], %bitcast_convert_type3A_2484 {strides = array<i32>} : memref<128xf32, #tpu.memory_space<vmem>>, vector<16xf32>,
      %get3A_2487 = arith.constant 0 : i32
      %get3A_2488 = arith.index_cast %get3A_2487 : i32 to index
      %get3A_2489 = arith.constant 32 : index
      %get3A_2490 = tpu.vector_load %arg7[%get3A_2488, %get3A_2489] {strides = array<i32>} : memref<3x128xi32, #tpu.memory_space<vmem>>, vector<16xi32>,
      %swap3A_2491 = arith.constant 32 : index
      %swap3A_2492 = tpu.vector_load %arg9[%swap3A_2491] {strides = array<i32>} : memref<128xi32, #tpu.memory_space<vmem>>, vector<16xi32>,
      tpu.vector_store %arg9[%swap3A_2491], %get3A_2490 {strides = array<i32>} : memref<128xi32, #tpu.memory_space<vmem>>, vector<16xi32>,
      %get3A_2493 = arith.constant 2 : i32
      %get3A_2494 = arith.index_cast %get3A_2493 : i32 to index
      %get3A_2495 = arith.constant 32 : index
      %get3A_2496 = tpu.vector_load %arg7[%get3A_2494, %get3A_2495] {strides = array<i32>} : memref<3x128xi32, #tpu.memory_space<vmem>>, vector<16xi32>,
      %bitcast_convert_type3A_2497 = tpu.bitcast %get3A_2496 : vector<16xi32> -> vector<16xf32>
      %swap3A_2498 = arith.constant 32 : index
      %swap3A_2499 = tpu.vector_load %arg11[%swap3A_2498] {strides = array<i32>} : memref<128xf32, #tpu.memory_space<vmem>>, vector<16xf32>,
      tpu.vector_store %arg11[%swap3A_2498], %bitcast_convert_type3A_2497 {strides = array<i32>} : memref<128xf32, #tpu.memory_space<vmem>>, vector<16xf32>,
      %get3A_2500 = arith.constant 0 : i32
      %get3A_2501 = arith.index_cast %get3A_2500 : i32 to index
      %get3A_2502 = arith.constant 48 : index
      %get3A_2503 = tpu.vector_load %arg7[%get3A_2501, %get3A_2502] {strides = array<i32>} : memref<3x128xi32, #tpu.memory_space<vmem>>, vector<16xi32>,
      %swap3A_2504 = arith.constant 48 : index
      %swap3A_2505 = tpu.vector_load %arg9[%swap3A_2504] {strides = array<i32>} : memref<128xi32, #tpu.memory_space<vmem>>, vector<16xi32>,
      tpu.vector_store %arg9[%swap3A_2504], %get3A_2503 {strides = array<i32>} : memref<128xi32, #tpu.memory_space<vmem>>, vector<16xi32>,
      %get3A_2506 = arith.constant 2 : i32
      %get3A_2507 = arith.index_cast %get3A_2506 : i32 to index
      %get3A_2508 = arith.constant 48 : index
      %get3A_2509 = tpu.vector_load %arg7[%get3A_2507, %get3A_2508] {strides = array<i32>} : memref<3x128xi32, #tpu.memory_space<vmem>>, vector<16xi32>,
      %bitcast_convert_type3A_2510 = tpu.bitcast %get3A_2509 : vector<16xi32> -> vector<16xf32>
      %swap3A_2511 = arith.constant 48 : index
      %swap3A_2512 = tpu.vector_load %arg11[%swap3A_2511] {strides = array<i32>} : memref<128xf32, #tpu.memory_space<vmem>>, vector<16xf32>,
      tpu.vector_store %arg11[%swap3A_2511], %bitcast_convert_type3A_2510 {strides = array<i32>} : memref<128xf32, #tpu.memory_space<vmem>>, vector<16xf32>,
      %get3A_2513 = arith.constant 0 : i32
      %get3A_2514 = arith.index_cast %get3A_2513 : i32 to index
      %get3A_2515 = arith.constant 64 : index
      %get3A_2516 = tpu.vector_load %arg7[%get3A_2514, %get3A_2515] {strides = array<i32>} : memref<3x128xi32, #tpu.memory_space<vmem>>, vector<16xi32>,
      %swap3A_2517 = arith.constant 64 : index
      %swap3A_2518 = tpu.vector_load %arg9[%swap3A_2517] {strides = array<i32>} : memref<128xi32, #tpu.memory_space<vmem>>, vector<16xi32>,
      tpu.vector_store %arg9[%swap3A_2517], %get3A_2516 {strides = array<i32>} : memref<128xi32, #tpu.memory_space<vmem>>, vector<16xi32>,
      %get3A_2519 = arith.constant 2 : i32
      %get3A_2520 = arith.index_cast %get3A_2519 : i32 to index
      %get3A_2521 = arith.constant 64 : index
      %get3A_2522 = tpu.vector_load %arg7[%get3A_2520, %get3A_2521] {strides = array<i32>} : memref<3x128xi32, #tpu.memory_space<vmem>>, vector<16xi32>,
      %bitcast_convert_type3A_2523 = tpu.bitcast %get3A_2522 : vector<16xi32> -> vector<16xf32>
      %swap3A_2524 = arith.constant 64 : index
      %swap3A_2525 = tpu.vector_load %arg11[%swap3A_2524] {strides = array<i32>} : memref<128xf32, #tpu.memory_space<vmem>>, vector<16xf32>,
      tpu.vector_store %arg11[%swap3A_2524], %bitcast_convert_type3A_2523 {strides = array<i32>} : memref<128xf32, #tpu.memory_space<vmem>>, vector<16xf32>,
      %get3A_2526 = arith.constant 0 : i32
      %get3A_2527 = arith.index_cast %get3A_2526 : i32 to index
      %get3A_2528 = arith.constant 80 : index
      %get3A_2529 = tpu.vector_load %arg7[%get3A_2527, %get3A_2528] {strides = array<i32>} : memref<3x128xi32, #tpu.memory_space<vmem>>, vector<16xi32>,
      %swap3A_2530 = arith.constant 80 : index
      %swap3A_2531 = tpu.vector_load %arg9[%swap3A_2530] {strides = array<i32>} : memref<128xi32, #tpu.memory_space<vmem>>, vector<16xi32>,
      tpu.vector_store %arg9[%swap3A_2530], %get3A_2529 {strides = array<i32>} : memref<128xi32, #tpu.memory_space<vmem>>, vector<16xi32>,
      %get3A_2532 = arith.constant 2 : i32
      %get3A_2533 = arith.index_cast %get3A_2532 : i32 to index
      %get3A_2534 = arith.constant 80 : index
      %get3A_2535 = tpu.vector_load %arg7[%get3A_2533, %get3A_2534] {strides = array<i32>} : memref<3x128xi32, #tpu.memory_space<vmem>>, vector<16xi32>,
      %bitcast_convert_type3A_2536 = tpu.bitcast %get3A_2535 : vector<16xi32> -> vector<16xf32>
      %swap3A_2537 = arith.constant 80 : index
      %swap3A_2538 = tpu.vector_load %arg11[%swap3A_2537] {strides = array<i32>} : memref<128xf32, #tpu.memory_space<vmem>>, vector<16xf32>,
      tpu.vector_store %arg11[%swap3A_2537], %bitcast_convert_type3A_2536 {strides = array<i32>} : memref<128xf32, #tpu.memory_space<vmem>>, vector<16xf32>,
      %get3A_2539 = arith.constant 0 : i32
      %get3A_2540 = arith.index_cast %get3A_2539 : i32 to index
      %get3A_2541 = arith.constant 96 : index
      %get3A_2542 = tpu.vector_load %arg7[%get3A_2540, %get3A_2541] {strides = array<i32>} : memref<3x128xi32, #tpu.memory_space<vmem>>, vector<16xi32>,
      %swap3A_2543 = arith.constant 96 : index
      %swap3A_2544 = tpu.vector_load %arg9[%swap3A_2543] {strides = array<i32>} : memref<128xi32, #tpu.memory_space<vmem>>, vector<16xi32>,
      tpu.vector_store %arg9[%swap3A_2543], %get3A_2542 {strides = array<i32>} : memref<128xi32, #tpu.memory_space<vmem>>, vector<16xi32>,
      %get3A_2545 = arith.constant 2 : i32
      %get3A_2546 = arith.index_cast %get3A_2545 : i32 to index
      %get3A_2547 = arith.constant 96 : index
      %get3A_2548 = tpu.vector_load %arg7[%get3A_2546, %get3A_2547] {strides = array<i32>} : memref<3x128xi32, #tpu.memory_space<vmem>>, vector<16xi32>,
      %bitcast_convert_type3A_2549 = tpu.bitcast %get3A_2548 : vector<16xi32> -> vector<16xf32>
      %swap3A_2550 = arith.constant 96 : index
      %swap3A_2551 = tpu.vector_load %arg11[%swap3A_2550] {strides = array<i32>} : memref<128xf32, #tpu.memory_space<vmem>>, vector<16xf32>,
      tpu.vector_store %arg11[%swap3A_2550], %bitcast_convert_type3A_2549 {strides = array<i32>} : memref<128xf32, #tpu.memory_space<vmem>>, vector<16xf32>,
      %get3A_2552 = arith.constant 0 : i32
      %get3A_2553 = arith.index_cast %get3A_2552 : i32 to index
      %get3A_2554 = arith.constant 112 : index
      %get3A_2555 = tpu.vector_load %arg7[%get3A_2553, %get3A_2554] {strides = array<i32>} : memref<3x128xi32, #tpu.memory_space<vmem>>, vector<16xi32>,
      %swap3A_2556 = arith.constant 112 : index
      %swap3A_2557 = tpu.vector_load %arg9[%swap3A_2556] {strides = array<i32>} : memref<128xi32, #tpu.memory_space<vmem>>, vector<16xi32>,
      tpu.vector_store %arg9[%swap3A_2556], %get3A_2555 {strides = array<i32>} : memref<128xi32, #tpu.memory_space<vmem>>, vector<16xi32>,
      %get3A_2558 = arith.constant 2 : i32
      %get3A_2559 = arith.index_cast %get3A_2558 : i32 to index
      %get3A_2560 = arith.constant 112 : index
      %get3A_2561 = tpu.vector_load %arg7[%get3A_2559, %get3A_2560] {strides = array<i32>} : memref<3x128xi32, #tpu.memory_space<vmem>>, vector<16xi32>,
      %bitcast_convert_type3A_2562 = tpu.bitcast %get3A_2561 : vector<16xi32> -> vector<16xf32>
      %swap3A_2563 = arith.constant 112 : index
      %swap3A_2564 = tpu.vector_load %arg11[%swap3A_2563] {strides = array<i32>} : memref<128xf32, #tpu.memory_space<vmem>>, vector<16xf32>,
      tpu.vector_store %arg11[%swap3A_2563], %bitcast_convert_type3A_2562 {strides = array<i32>} : memref<128xf32, #tpu.memory_space<vmem>>, vector<16xf32>,
      %dma_start3A_2565 = arith.constant 0 : i32
      %dma_start3A_2566 = tpu.memref_slice %arg17[%dma_start3A_2565] : memref<10240xf32, #tpu.memory_space<vmem_shared>> -> memref<10240xf32, #tpu.memory_space<vmem_shared>>
      tpu.enqueue_indirect_dma source(%arg11 : memref<128xf32, #tpu.memory_space<vmem>>) target(%dma_start3A_2566 : memref<10240xf32, #tpu.memory_space<vmem_shared>>) offsets(%arg9 : memref<128xi32, #tpu.memory_space<vmem>>) semaphore(%arg24 : memref<!tpu.dma_semaphore, #tpu.memory_space<semaphore_mem>>) {add = true}
      %add3A_2567 = arith.constant 2 : i32
      %add3A_2568 = arith.addi %add3A_2445, %add3A_2567 : i32
      %lt3A_2569 = arith.constant 158 : i32
      %lt3A_2570 = arith.cmpi slt, %add3A_2568, %lt3A_2569 : i32
      %convert_element_type3A_2571 = arith.extui %lt3A_2570 : i1 to i32
      %cond3A_2572 = arith.constant 0 : i32
      %cond3A_2573 = arith.cmpi ne, %convert_element_type3A_2571, %cond3A_2572 : i32
      scf.if %cond3A_2573 {
        %add3A_2574 = arith.constant 2 : i32
        %add3A_2575 = arith.addi %add3A_2445, %add3A_2574 : i32
        %lt3A_2576 = arith.cmpi slt, %add3A_2575, %select_n3A : i32
        %select_n3A_2577 = arith.select %lt3A_2576, %add3A, %add3A_4 : i32
        %lt3A_2578 = arith.cmpi slt, %add3A_2575, %select_n3A : i32
        %sub3A_2579 = arith.subi %add3A_2575, %select_n3A : i32
        %select_n3A_2580 = arith.select %lt3A_2578, %add3A_2575, %sub3A_2579 : i32
        %dma_start3A_2581 = arith.constant 0 : i32
        %dma_start3A_2582 = arith.constant 0 : i32
        %dma_start3A_2583 = tpu.memref_slice %arg3[%select_n3A_2577, %select_n3A_2580, %dma_start3A_2581, %dma_start3A_2582] : memref<32x122x3x128xi32, #tpu.memory_space<hbm>> -> memref<1x1x3x128xi32, #tpu.memory_space<hbm>>
        %dma_start3A_2584 = tpu.memref_squeeze %dma_start3A_2583 : memref<1x1x3x128xi32, #tpu.memory_space<hbm>> -> memref<3x128xi32, #tpu.memory_space<hbm>>
        %dma_start3A_2585 = arith.constant 0 : i32
        %dma_start3A_2586 = arith.constant 0 : i32
        %dma_start3A_2587 = tpu.memref_slice %arg3[%select_n3A_2577, %select_n3A_2580, %dma_start3A_2585, %dma_start3A_2586] : memref<32x122x3x128xi32, #tpu.memory_space<hbm>> -> memref<1x1x3x128xi32, #tpu.memory_space<hbm>>
        %dma_start3A_2588 = tpu.memref_squeeze %dma_start3A_2587 : memref<1x1x3x128xi32, #tpu.memory_space<hbm>> -> memref<3x128xi32, #tpu.memory_space<hbm>>
        tpu.enqueue_dma source(%dma_start3A_2588 : memref<3x128xi32, #tpu.memory_space<hbm>>) target(%arg7 : memref<3x128xi32, #tpu.memory_space<vmem>>) target_semaphore(%arg20 : memref<!tpu.dma_semaphore, #tpu.memory_space<semaphore_mem>>)
      } else {
      }
    }
    %scan3A_492 = arith.constant 78 : i32
    %dma_wait3A_493 = arith.constant 0 : i32
    %dma_wait3A_494 = tpu.memref_slice %arg17[%dma_wait3A_493] : memref<10240xf32, #tpu.memory_space<vmem_shared>> -> memref<10240xf32, #tpu.memory_space<vmem_shared>>
    tpu.wait_indirect_dma semaphore(%arg23 : memref<!tpu.dma_semaphore, #tpu.memory_space<semaphore_mem>>) src(%arg10 : memref<128xf32, #tpu.memory_space<vmem>>) dst(%dma_wait3A_494 : memref<10240xf32, #tpu.memory_space<vmem_shared>>)
    %dma_wait3A_495 = arith.constant 0 : i32
    %dma_wait3A_496 = tpu.memref_slice %arg17[%dma_wait3A_495] : memref<10240xf32, #tpu.memory_space<vmem_shared>> -> memref<10240xf32, #tpu.memory_space<vmem_shared>>
    tpu.wait_indirect_dma semaphore(%arg24 : memref<!tpu.dma_semaphore, #tpu.memory_space<semaphore_mem>>) src(%arg11 : memref<128xf32, #tpu.memory_space<vmem>>) dst(%dma_wait3A_496 : memref<10240xf32, #tpu.memory_space<vmem_shared>>)
    %barrier3A_497 = arith.constant 0 : index
    tpu.barrier barrier_id(%barrier3A_497)
    "tpu.region"() ({
      %run_scoped3A = tpu.sem_alloc : memref<!tpu.dma_semaphore, #tpu.memory_space<semaphore_mem>>
      %dma_start3A_2312 = tpu.memref_slice %arg17[%mul3A_8] : memref<10240xf32, #tpu.memory_space<vmem_shared>> -> memref<640xf32, #tpu.memory_space<vmem_shared>>
      %dma_start3A_2313 = tpu.memref_slice %arg17[%mul3A_8] : memref<10240xf32, #tpu.memory_space<vmem_shared>> -> memref<640xf32, #tpu.memory_space<vmem_shared>>
      tpu.enqueue_dma source(%dma_start3A_2313 : memref<640xf32, #tpu.memory_space<vmem_shared>>) target(%arg15 : memref<640xf32, #tpu.memory_space<vmem>>) target_semaphore(%run_scoped3A : memref<!tpu.dma_semaphore, #tpu.memory_space<semaphore_mem>>)
      %dma_wait3A_2314 = tpu.memref_slice %arg17[%mul3A_8] : memref<10240xf32, #tpu.memory_space<vmem_shared>> -> memref<640xf32, #tpu.memory_space<vmem_shared>>
      %dma_wait3A_2315 = tpu.memref_slice %arg17[%mul3A_8] : memref<10240xf32, #tpu.memory_space<vmem_shared>> -> memref<640xf32, #tpu.memory_space<vmem_shared>>
      tpu.wait_dma2 semaphore(%run_scoped3A : memref<!tpu.dma_semaphore, #tpu.memory_space<semaphore_mem>>) src(%dma_wait3A_2315 : memref<640xf32, #tpu.memory_space<vmem_shared>>) dst(%arg15 : memref<640xf32, #tpu.memory_space<vmem>>)
      tpu.yield
    }) : () -> ()
    %get3A_498 = arith.constant 0 : index
    %get3A_499 = tpu.vector_load %arg15[%get3A_498] {strides = array<i32>} : memref<640xf32, #tpu.memory_space<vmem>>, vector<16xf32>,
    %bitcast_convert_type3A_500 = tpu.bitcast %get3A_499 : vector<16xf32> -> vector<16xi32>
    %shift_right_arithmetic3A = arith.constant 1 : i32
    %shift_right_arithmetic3A_501 = vector.broadcast %shift_right_arithmetic3A : i32 to vector<16xi32>
    %shift_right_arithmetic3A_502 = arith.shrsi %bitcast_convert_type3A_500, %shift_right_arithmetic3A_501 : vector<16xi32>
    %sub3A_503 = arith.constant 1597463007 : i32
    %sub3A_504 = vector.broadcast %sub3A_503 : i32 to vector<16xi32>
    %sub3A_505 = arith.subi %sub3A_504, %shift_right_arithmetic3A_502 : vector<16xi32>
    %bitcast_convert_type3A_506 = tpu.bitcast %sub3A_505 : vector<16xi32> -> vector<16xf32>
    %mul3A_507 = arith.constant 5.000000e-01 : f32
    %mul3A_508 = vector.broadcast %mul3A_507 : f32 to vector<16xf32>
    %mul3A_509 = arith.mulf %mul3A_508, %get3A_499 : vector<16xf32>
    %mul3A_510 = arith.mulf %mul3A_509, %bitcast_convert_type3A_506 : vector<16xf32>
    %mul3A_511 = arith.mulf %mul3A_510, %bitcast_convert_type3A_506 : vector<16xf32>
    %sub3A_512 = arith.constant 1.500000e+00 : f32
    %sub3A_513 = vector.broadcast %sub3A_512 : f32 to vector<16xf32>
    %sub3A_514 = arith.subf %sub3A_513, %mul3A_511 : vector<16xf32>
    %mul3A_515 = arith.mulf %bitcast_convert_type3A_506, %sub3A_514 : vector<16xf32>
    %mul3A_516 = arith.constant 5.000000e-01 : f32
    %mul3A_517 = vector.broadcast %mul3A_516 : f32 to vector<16xf32>
    %mul3A_518 = arith.mulf %mul3A_517, %get3A_499 : vector<16xf32>
    %mul3A_519 = arith.mulf %mul3A_518, %mul3A_515 : vector<16xf32>
    %mul3A_520 = arith.mulf %mul3A_519, %mul3A_515 : vector<16xf32>
    %sub3A_521 = arith.constant 1.500000e+00 : f32
    %sub3A_522 = vector.broadcast %sub3A_521 : f32 to vector<16xf32>
    %sub3A_523 = arith.subf %sub3A_522, %mul3A_520 : vector<16xf32>
    %mul3A_524 = arith.mulf %mul3A_515, %sub3A_523 : vector<16xf32>
    %mul3A_525 = arith.constant 5.000000e-01 : f32
    %mul3A_526 = vector.broadcast %mul3A_525 : f32 to vector<16xf32>
    %mul3A_527 = arith.mulf %mul3A_526, %get3A_499 : vector<16xf32>
    %mul3A_528 = arith.mulf %mul3A_527, %mul3A_524 : vector<16xf32>
    %mul3A_529 = arith.mulf %mul3A_528, %mul3A_524 : vector<16xf32>
    %sub3A_530 = arith.constant 1.500000e+00 : f32
    %sub3A_531 = vector.broadcast %sub3A_530 : f32 to vector<16xf32>
    %sub3A_532 = arith.subf %sub3A_531, %mul3A_529 : vector<16xf32>
    %mul3A_533 = arith.mulf %mul3A_524, %sub3A_532 : vector<16xf32>
    %gt3A_534 = arith.constant 0.000000e+00 : f32
    %gt3A_535 = vector.broadcast %gt3A_534 : f32 to vector<16xf32>
    %gt3A_536 = arith.cmpf ogt, %get3A_499, %gt3A_535 : vector<16xf32>
    %jit3A_537 = arith.constant 0.000000e+00 : f32
    %broadcast_in_dim3A_538 = vector.broadcast %jit3A_537 : f32 to vector<16xf32>
    %select_n3A_539 = arith.select %gt3A_536, %mul3A_533, %broadcast_in_dim3A_538 : vector<16xi1>, vector<16xf32>
    %swap3A_540 = arith.constant 0 : index
    %swap3A_541 = tpu.vector_load %arg15[%swap3A_540] {strides = array<i32>} : memref<640xf32, #tpu.memory_space<vmem>>, vector<16xf32>,
    tpu.vector_store %arg15[%swap3A_540], %select_n3A_539 {strides = array<i32>} : memref<640xf32, #tpu.memory_space<vmem>>, vector<16xf32>,
    %get3A_542 = arith.constant 16 : index
    %get3A_543 = tpu.vector_load %arg15[%get3A_542] {strides = array<i32>} : memref<640xf32, #tpu.memory_space<vmem>>, vector<16xf32>,
    %bitcast_convert_type3A_544 = tpu.bitcast %get3A_543 : vector<16xf32> -> vector<16xi32>
    %shift_right_arithmetic3A_545 = arith.constant 1 : i32
    %shift_right_arithmetic3A_546 = vector.broadcast %shift_right_arithmetic3A_545 : i32 to vector<16xi32>
    %shift_right_arithmetic3A_547 = arith.shrsi %bitcast_convert_type3A_544, %shift_right_arithmetic3A_546 : vector<16xi32>
    %sub3A_548 = arith.constant 1597463007 : i32
    %sub3A_549 = vector.broadcast %sub3A_548 : i32 to vector<16xi32>
    %sub3A_550 = arith.subi %sub3A_549, %shift_right_arithmetic3A_547 : vector<16xi32>
    %bitcast_convert_type3A_551 = tpu.bitcast %sub3A_550 : vector<16xi32> -> vector<16xf32>
    %mul3A_552 = arith.constant 5.000000e-01 : f32
    %mul3A_553 = vector.broadcast %mul3A_552 : f32 to vector<16xf32>
    %mul3A_554 = arith.mulf %mul3A_553, %get3A_543 : vector<16xf32>
    %mul3A_555 = arith.mulf %mul3A_554, %bitcast_convert_type3A_551 : vector<16xf32>
    %mul3A_556 = arith.mulf %mul3A_555, %bitcast_convert_type3A_551 : vector<16xf32>
    %sub3A_557 = arith.constant 1.500000e+00 : f32
    %sub3A_558 = vector.broadcast %sub3A_557 : f32 to vector<16xf32>
    %sub3A_559 = arith.subf %sub3A_558, %mul3A_556 : vector<16xf32>
    %mul3A_560 = arith.mulf %bitcast_convert_type3A_551, %sub3A_559 : vector<16xf32>
    %mul3A_561 = arith.constant 5.000000e-01 : f32
    %mul3A_562 = vector.broadcast %mul3A_561 : f32 to vector<16xf32>
    %mul3A_563 = arith.mulf %mul3A_562, %get3A_543 : vector<16xf32>
    %mul3A_564 = arith.mulf %mul3A_563, %mul3A_560 : vector<16xf32>
    %mul3A_565 = arith.mulf %mul3A_564, %mul3A_560 : vector<16xf32>
    %sub3A_566 = arith.constant 1.500000e+00 : f32
    %sub3A_567 = vector.broadcast %sub3A_566 : f32 to vector<16xf32>
    %sub3A_568 = arith.subf %sub3A_567, %mul3A_565 : vector<16xf32>
    %mul3A_569 = arith.mulf %mul3A_560, %sub3A_568 : vector<16xf32>
    %mul3A_570 = arith.constant 5.000000e-01 : f32
    %mul3A_571 = vector.broadcast %mul3A_570 : f32 to vector<16xf32>
    %mul3A_572 = arith.mulf %mul3A_571, %get3A_543 : vector<16xf32>
    %mul3A_573 = arith.mulf %mul3A_572, %mul3A_569 : vector<16xf32>
    %mul3A_574 = arith.mulf %mul3A_573, %mul3A_569 : vector<16xf32>
    %sub3A_575 = arith.constant 1.500000e+00 : f32
    %sub3A_576 = vector.broadcast %sub3A_575 : f32 to vector<16xf32>
    %sub3A_577 = arith.subf %sub3A_576, %mul3A_574 : vector<16xf32>
    %mul3A_578 = arith.mulf %mul3A_569, %sub3A_577 : vector<16xf32>
    %gt3A_579 = arith.constant 0.000000e+00 : f32
    %gt3A_580 = vector.broadcast %gt3A_579 : f32 to vector<16xf32>
    %gt3A_581 = arith.cmpf ogt, %get3A_543, %gt3A_580 : vector<16xf32>
    %jit3A_582 = arith.constant 0.000000e+00 : f32
    %broadcast_in_dim3A_583 = vector.broadcast %jit3A_582 : f32 to vector<16xf32>
    %select_n3A_584 = arith.select %gt3A_581, %mul3A_578, %broadcast_in_dim3A_583 : vector<16xi1>, vector<16xf32>
    %swap3A_585 = arith.constant 16 : index
    %swap3A_586 = tpu.vector_load %arg15[%swap3A_585] {strides = array<i32>} : memref<640xf32, #tpu.memory_space<vmem>>, vector<16xf32>,
    tpu.vector_store %arg15[%swap3A_585], %select_n3A_584 {strides = array<i32>} : memref<640xf32, #tpu.memory_space<vmem>>, vector<16xf32>,
    %get3A_587 = arith.constant 32 : index
    %get3A_588 = tpu.vector_load %arg15[%get3A_587] {strides = array<i32>} : memref<640xf32, #tpu.memory_space<vmem>>, vector<16xf32>,
    %bitcast_convert_type3A_589 = tpu.bitcast %get3A_588 : vector<16xf32> -> vector<16xi32>
    %shift_right_arithmetic3A_590 = arith.constant 1 : i32
    %shift_right_arithmetic3A_591 = vector.broadcast %shift_right_arithmetic3A_590 : i32 to vector<16xi32>
    %shift_right_arithmetic3A_592 = arith.shrsi %bitcast_convert_type3A_589, %shift_right_arithmetic3A_591 : vector<16xi32>
    %sub3A_593 = arith.constant 1597463007 : i32
    %sub3A_594 = vector.broadcast %sub3A_593 : i32 to vector<16xi32>
    %sub3A_595 = arith.subi %sub3A_594, %shift_right_arithmetic3A_592 : vector<16xi32>
    %bitcast_convert_type3A_596 = tpu.bitcast %sub3A_595 : vector<16xi32> -> vector<16xf32>
    %mul3A_597 = arith.constant 5.000000e-01 : f32
    %mul3A_598 = vector.broadcast %mul3A_597 : f32 to vector<16xf32>
    %mul3A_599 = arith.mulf %mul3A_598, %get3A_588 : vector<16xf32>
    %mul3A_600 = arith.mulf %mul3A_599, %bitcast_convert_type3A_596 : vector<16xf32>
    %mul3A_601 = arith.mulf %mul3A_600, %bitcast_convert_type3A_596 : vector<16xf32>
    %sub3A_602 = arith.constant 1.500000e+00 : f32
    %sub3A_603 = vector.broadcast %sub3A_602 : f32 to vector<16xf32>
    %sub3A_604 = arith.subf %sub3A_603, %mul3A_601 : vector<16xf32>
    %mul3A_605 = arith.mulf %bitcast_convert_type3A_596, %sub3A_604 : vector<16xf32>
    %mul3A_606 = arith.constant 5.000000e-01 : f32
    %mul3A_607 = vector.broadcast %mul3A_606 : f32 to vector<16xf32>
    %mul3A_608 = arith.mulf %mul3A_607, %get3A_588 : vector<16xf32>
    %mul3A_609 = arith.mulf %mul3A_608, %mul3A_605 : vector<16xf32>
    %mul3A_610 = arith.mulf %mul3A_609, %mul3A_605 : vector<16xf32>
    %sub3A_611 = arith.constant 1.500000e+00 : f32
    %sub3A_612 = vector.broadcast %sub3A_611 : f32 to vector<16xf32>
    %sub3A_613 = arith.subf %sub3A_612, %mul3A_610 : vector<16xf32>
    %mul3A_614 = arith.mulf %mul3A_605, %sub3A_613 : vector<16xf32>
    %mul3A_615 = arith.constant 5.000000e-01 : f32
    %mul3A_616 = vector.broadcast %mul3A_615 : f32 to vector<16xf32>
    %mul3A_617 = arith.mulf %mul3A_616, %get3A_588 : vector<16xf32>
    %mul3A_618 = arith.mulf %mul3A_617, %mul3A_614 : vector<16xf32>
    %mul3A_619 = arith.mulf %mul3A_618, %mul3A_614 : vector<16xf32>
    %sub3A_620 = arith.constant 1.500000e+00 : f32
    %sub3A_621 = vector.broadcast %sub3A_620 : f32 to vector<16xf32>
    %sub3A_622 = arith.subf %sub3A_621, %mul3A_619 : vector<16xf32>
    %mul3A_623 = arith.mulf %mul3A_614, %sub3A_622 : vector<16xf32>
    %gt3A_624 = arith.constant 0.000000e+00 : f32
    %gt3A_625 = vector.broadcast %gt3A_624 : f32 to vector<16xf32>
    %gt3A_626 = arith.cmpf ogt, %get3A_588, %gt3A_625 : vector<16xf32>
    %jit3A_627 = arith.constant 0.000000e+00 : f32
    %broadcast_in_dim3A_628 = vector.broadcast %jit3A_627 : f32 to vector<16xf32>
    %select_n3A_629 = arith.select %gt3A_626, %mul3A_623, %broadcast_in_dim3A_628 : vector<16xi1>, vector<16xf32>
    %swap3A_630 = arith.constant 32 : index
    %swap3A_631 = tpu.vector_load %arg15[%swap3A_630] {strides = array<i32>} : memref<640xf32, #tpu.memory_space<vmem>>, vector<16xf32>,
    tpu.vector_store %arg15[%swap3A_630], %select_n3A_629 {strides = array<i32>} : memref<640xf32, #tpu.memory_space<vmem>>, vector<16xf32>,
    %get3A_632 = arith.constant 48 : index
    %get3A_633 = tpu.vector_load %arg15[%get3A_632] {strides = array<i32>} : memref<640xf32, #tpu.memory_space<vmem>>, vector<16xf32>,
    %bitcast_convert_type3A_634 = tpu.bitcast %get3A_633 : vector<16xf32> -> vector<16xi32>
    %shift_right_arithmetic3A_635 = arith.constant 1 : i32
    %shift_right_arithmetic3A_636 = vector.broadcast %shift_right_arithmetic3A_635 : i32 to vector<16xi32>
    %shift_right_arithmetic3A_637 = arith.shrsi %bitcast_convert_type3A_634, %shift_right_arithmetic3A_636 : vector<16xi32>
    %sub3A_638 = arith.constant 1597463007 : i32
    %sub3A_639 = vector.broadcast %sub3A_638 : i32 to vector<16xi32>
    %sub3A_640 = arith.subi %sub3A_639, %shift_right_arithmetic3A_637 : vector<16xi32>
    %bitcast_convert_type3A_641 = tpu.bitcast %sub3A_640 : vector<16xi32> -> vector<16xf32>
    %mul3A_642 = arith.constant 5.000000e-01 : f32
    %mul3A_643 = vector.broadcast %mul3A_642 : f32 to vector<16xf32>
    %mul3A_644 = arith.mulf %mul3A_643, %get3A_633 : vector<16xf32>
    %mul3A_645 = arith.mulf %mul3A_644, %bitcast_convert_type3A_641 : vector<16xf32>
    %mul3A_646 = arith.mulf %mul3A_645, %bitcast_convert_type3A_641 : vector<16xf32>
    %sub3A_647 = arith.constant 1.500000e+00 : f32
    %sub3A_648 = vector.broadcast %sub3A_647 : f32 to vector<16xf32>
    %sub3A_649 = arith.subf %sub3A_648, %mul3A_646 : vector<16xf32>
    %mul3A_650 = arith.mulf %bitcast_convert_type3A_641, %sub3A_649 : vector<16xf32>
    %mul3A_651 = arith.constant 5.000000e-01 : f32
    %mul3A_652 = vector.broadcast %mul3A_651 : f32 to vector<16xf32>
    %mul3A_653 = arith.mulf %mul3A_652, %get3A_633 : vector<16xf32>
    %mul3A_654 = arith.mulf %mul3A_653, %mul3A_650 : vector<16xf32>
    %mul3A_655 = arith.mulf %mul3A_654, %mul3A_650 : vector<16xf32>
    %sub3A_656 = arith.constant 1.500000e+00 : f32
    %sub3A_657 = vector.broadcast %sub3A_656 : f32 to vector<16xf32>
    %sub3A_658 = arith.subf %sub3A_657, %mul3A_655 : vector<16xf32>
    %mul3A_659 = arith.mulf %mul3A_650, %sub3A_658 : vector<16xf32>
    %mul3A_660 = arith.constant 5.000000e-01 : f32
    %mul3A_661 = vector.broadcast %mul3A_660 : f32 to vector<16xf32>
    %mul3A_662 = arith.mulf %mul3A_661, %get3A_633 : vector<16xf32>
    %mul3A_663 = arith.mulf %mul3A_662, %mul3A_659 : vector<16xf32>
    %mul3A_664 = arith.mulf %mul3A_663, %mul3A_659 : vector<16xf32>
    %sub3A_665 = arith.constant 1.500000e+00 : f32
    %sub3A_666 = vector.broadcast %sub3A_665 : f32 to vector<16xf32>
    %sub3A_667 = arith.subf %sub3A_666, %mul3A_664 : vector<16xf32>
    %mul3A_668 = arith.mulf %mul3A_659, %sub3A_667 : vector<16xf32>
    %gt3A_669 = arith.constant 0.000000e+00 : f32
    %gt3A_670 = vector.broadcast %gt3A_669 : f32 to vector<16xf32>
    %gt3A_671 = arith.cmpf ogt, %get3A_633, %gt3A_670 : vector<16xf32>
    %jit3A_672 = arith.constant 0.000000e+00 : f32
    %broadcast_in_dim3A_673 = vector.broadcast %jit3A_672 : f32 to vector<16xf32>
    %select_n3A_674 = arith.select %gt3A_671, %mul3A_668, %broadcast_in_dim3A_673 : vector<16xi1>, vector<16xf32>
    %swap3A_675 = arith.constant 48 : index
    %swap3A_676 = tpu.vector_load %arg15[%swap3A_675] {strides = array<i32>} : memref<640xf32, #tpu.memory_space<vmem>>, vector<16xf32>,
    tpu.vector_store %arg15[%swap3A_675], %select_n3A_674 {strides = array<i32>} : memref<640xf32, #tpu.memory_space<vmem>>, vector<16xf32>,
    %get3A_677 = arith.constant 64 : index
    %get3A_678 = tpu.vector_load %arg15[%get3A_677] {strides = array<i32>} : memref<640xf32, #tpu.memory_space<vmem>>, vector<16xf32>,
    %bitcast_convert_type3A_679 = tpu.bitcast %get3A_678 : vector<16xf32> -> vector<16xi32>
    %shift_right_arithmetic3A_680 = arith.constant 1 : i32
    %shift_right_arithmetic3A_681 = vector.broadcast %shift_right_arithmetic3A_680 : i32 to vector<16xi32>
    %shift_right_arithmetic3A_682 = arith.shrsi %bitcast_convert_type3A_679, %shift_right_arithmetic3A_681 : vector<16xi32>
    %sub3A_683 = arith.constant 1597463007 : i32
    %sub3A_684 = vector.broadcast %sub3A_683 : i32 to vector<16xi32>
    %sub3A_685 = arith.subi %sub3A_684, %shift_right_arithmetic3A_682 : vector<16xi32>
    %bitcast_convert_type3A_686 = tpu.bitcast %sub3A_685 : vector<16xi32> -> vector<16xf32>
    %mul3A_687 = arith.constant 5.000000e-01 : f32
    %mul3A_688 = vector.broadcast %mul3A_687 : f32 to vector<16xf32>
    %mul3A_689 = arith.mulf %mul3A_688, %get3A_678 : vector<16xf32>
    %mul3A_690 = arith.mulf %mul3A_689, %bitcast_convert_type3A_686 : vector<16xf32>
    %mul3A_691 = arith.mulf %mul3A_690, %bitcast_convert_type3A_686 : vector<16xf32>
    %sub3A_692 = arith.constant 1.500000e+00 : f32
    %sub3A_693 = vector.broadcast %sub3A_692 : f32 to vector<16xf32>
    %sub3A_694 = arith.subf %sub3A_693, %mul3A_691 : vector<16xf32>
    %mul3A_695 = arith.mulf %bitcast_convert_type3A_686, %sub3A_694 : vector<16xf32>
    %mul3A_696 = arith.constant 5.000000e-01 : f32
    %mul3A_697 = vector.broadcast %mul3A_696 : f32 to vector<16xf32>
    %mul3A_698 = arith.mulf %mul3A_697, %get3A_678 : vector<16xf32>
    %mul3A_699 = arith.mulf %mul3A_698, %mul3A_695 : vector<16xf32>
    %mul3A_700 = arith.mulf %mul3A_699, %mul3A_695 : vector<16xf32>
    %sub3A_701 = arith.constant 1.500000e+00 : f32
    %sub3A_702 = vector.broadcast %sub3A_701 : f32 to vector<16xf32>
    %sub3A_703 = arith.subf %sub3A_702, %mul3A_700 : vector<16xf32>
    %mul3A_704 = arith.mulf %mul3A_695, %sub3A_703 : vector<16xf32>
    %mul3A_705 = arith.constant 5.000000e-01 : f32
    %mul3A_706 = vector.broadcast %mul3A_705 : f32 to vector<16xf32>
    %mul3A_707 = arith.mulf %mul3A_706, %get3A_678 : vector<16xf32>
    %mul3A_708 = arith.mulf %mul3A_707, %mul3A_704 : vector<16xf32>
    %mul3A_709 = arith.mulf %mul3A_708, %mul3A_704 : vector<16xf32>
    %sub3A_710 = arith.constant 1.500000e+00 : f32
    %sub3A_711 = vector.broadcast %sub3A_710 : f32 to vector<16xf32>
    %sub3A_712 = arith.subf %sub3A_711, %mul3A_709 : vector<16xf32>
    %mul3A_713 = arith.mulf %mul3A_704, %sub3A_712 : vector<16xf32>
    %gt3A_714 = arith.constant 0.000000e+00 : f32
    %gt3A_715 = vector.broadcast %gt3A_714 : f32 to vector<16xf32>
    %gt3A_716 = arith.cmpf ogt, %get3A_678, %gt3A_715 : vector<16xf32>
    %jit3A_717 = arith.constant 0.000000e+00 : f32
    %broadcast_in_dim3A_718 = vector.broadcast %jit3A_717 : f32 to vector<16xf32>
    %select_n3A_719 = arith.select %gt3A_716, %mul3A_713, %broadcast_in_dim3A_718 : vector<16xi1>, vector<16xf32>
    %swap3A_720 = arith.constant 64 : index
    %swap3A_721 = tpu.vector_load %arg15[%swap3A_720] {strides = array<i32>} : memref<640xf32, #tpu.memory_space<vmem>>, vector<16xf32>,
    tpu.vector_store %arg15[%swap3A_720], %select_n3A_719 {strides = array<i32>} : memref<640xf32, #tpu.memory_space<vmem>>, vector<16xf32>,
    %get3A_722 = arith.constant 80 : index
    %get3A_723 = tpu.vector_load %arg15[%get3A_722] {strides = array<i32>} : memref<640xf32, #tpu.memory_space<vmem>>, vector<16xf32>,
    %bitcast_convert_type3A_724 = tpu.bitcast %get3A_723 : vector<16xf32> -> vector<16xi32>
    %shift_right_arithmetic3A_725 = arith.constant 1 : i32
    %shift_right_arithmetic3A_726 = vector.broadcast %shift_right_arithmetic3A_725 : i32 to vector<16xi32>
    %shift_right_arithmetic3A_727 = arith.shrsi %bitcast_convert_type3A_724, %shift_right_arithmetic3A_726 : vector<16xi32>
    %sub3A_728 = arith.constant 1597463007 : i32
    %sub3A_729 = vector.broadcast %sub3A_728 : i32 to vector<16xi32>
    %sub3A_730 = arith.subi %sub3A_729, %shift_right_arithmetic3A_727 : vector<16xi32>
    %bitcast_convert_type3A_731 = tpu.bitcast %sub3A_730 : vector<16xi32> -> vector<16xf32>
    %mul3A_732 = arith.constant 5.000000e-01 : f32
    %mul3A_733 = vector.broadcast %mul3A_732 : f32 to vector<16xf32>
    %mul3A_734 = arith.mulf %mul3A_733, %get3A_723 : vector<16xf32>
    %mul3A_735 = arith.mulf %mul3A_734, %bitcast_convert_type3A_731 : vector<16xf32>
    %mul3A_736 = arith.mulf %mul3A_735, %bitcast_convert_type3A_731 : vector<16xf32>
    %sub3A_737 = arith.constant 1.500000e+00 : f32
    %sub3A_738 = vector.broadcast %sub3A_737 : f32 to vector<16xf32>
    %sub3A_739 = arith.subf %sub3A_738, %mul3A_736 : vector<16xf32>
    %mul3A_740 = arith.mulf %bitcast_convert_type3A_731, %sub3A_739 : vector<16xf32>
    %mul3A_741 = arith.constant 5.000000e-01 : f32
    %mul3A_742 = vector.broadcast %mul3A_741 : f32 to vector<16xf32>
    %mul3A_743 = arith.mulf %mul3A_742, %get3A_723 : vector<16xf32>
    %mul3A_744 = arith.mulf %mul3A_743, %mul3A_740 : vector<16xf32>
    %mul3A_745 = arith.mulf %mul3A_744, %mul3A_740 : vector<16xf32>
    %sub3A_746 = arith.constant 1.500000e+00 : f32
    %sub3A_747 = vector.broadcast %sub3A_746 : f32 to vector<16xf32>
    %sub3A_748 = arith.subf %sub3A_747, %mul3A_745 : vector<16xf32>
    %mul3A_749 = arith.mulf %mul3A_740, %sub3A_748 : vector<16xf32>
    %mul3A_750 = arith.constant 5.000000e-01 : f32
    %mul3A_751 = vector.broadcast %mul3A_750 : f32 to vector<16xf32>
    %mul3A_752 = arith.mulf %mul3A_751, %get3A_723 : vector<16xf32>
    %mul3A_753 = arith.mulf %mul3A_752, %mul3A_749 : vector<16xf32>
    %mul3A_754 = arith.mulf %mul3A_753, %mul3A_749 : vector<16xf32>
    %sub3A_755 = arith.constant 1.500000e+00 : f32
    %sub3A_756 = vector.broadcast %sub3A_755 : f32 to vector<16xf32>
    %sub3A_757 = arith.subf %sub3A_756, %mul3A_754 : vector<16xf32>
    %mul3A_758 = arith.mulf %mul3A_749, %sub3A_757 : vector<16xf32>
    %gt3A_759 = arith.constant 0.000000e+00 : f32
    %gt3A_760 = vector.broadcast %gt3A_759 : f32 to vector<16xf32>
    %gt3A_761 = arith.cmpf ogt, %get3A_723, %gt3A_760 : vector<16xf32>
    %jit3A_762 = arith.constant 0.000000e+00 : f32
    %broadcast_in_dim3A_763 = vector.broadcast %jit3A_762 : f32 to vector<16xf32>
    %select_n3A_764 = arith.select %gt3A_761, %mul3A_758, %broadcast_in_dim3A_763 : vector<16xi1>, vector<16xf32>
    %swap3A_765 = arith.constant 80 : index
    %swap3A_766 = tpu.vector_load %arg15[%swap3A_765] {strides = array<i32>} : memref<640xf32, #tpu.memory_space<vmem>>, vector<16xf32>,
    tpu.vector_store %arg15[%swap3A_765], %select_n3A_764 {strides = array<i32>} : memref<640xf32, #tpu.memory_space<vmem>>, vector<16xf32>,
    %get3A_767 = arith.constant 96 : index
    %get3A_768 = tpu.vector_load %arg15[%get3A_767] {strides = array<i32>} : memref<640xf32, #tpu.memory_space<vmem>>, vector<16xf32>,
    %bitcast_convert_type3A_769 = tpu.bitcast %get3A_768 : vector<16xf32> -> vector<16xi32>
    %shift_right_arithmetic3A_770 = arith.constant 1 : i32
    %shift_right_arithmetic3A_771 = vector.broadcast %shift_right_arithmetic3A_770 : i32 to vector<16xi32>
    %shift_right_arithmetic3A_772 = arith.shrsi %bitcast_convert_type3A_769, %shift_right_arithmetic3A_771 : vector<16xi32>
    %sub3A_773 = arith.constant 1597463007 : i32
    %sub3A_774 = vector.broadcast %sub3A_773 : i32 to vector<16xi32>
    %sub3A_775 = arith.subi %sub3A_774, %shift_right_arithmetic3A_772 : vector<16xi32>
    %bitcast_convert_type3A_776 = tpu.bitcast %sub3A_775 : vector<16xi32> -> vector<16xf32>
    %mul3A_777 = arith.constant 5.000000e-01 : f32
    %mul3A_778 = vector.broadcast %mul3A_777 : f32 to vector<16xf32>
    %mul3A_779 = arith.mulf %mul3A_778, %get3A_768 : vector<16xf32>
    %mul3A_780 = arith.mulf %mul3A_779, %bitcast_convert_type3A_776 : vector<16xf32>
    %mul3A_781 = arith.mulf %mul3A_780, %bitcast_convert_type3A_776 : vector<16xf32>
    %sub3A_782 = arith.constant 1.500000e+00 : f32
    %sub3A_783 = vector.broadcast %sub3A_782 : f32 to vector<16xf32>
    %sub3A_784 = arith.subf %sub3A_783, %mul3A_781 : vector<16xf32>
    %mul3A_785 = arith.mulf %bitcast_convert_type3A_776, %sub3A_784 : vector<16xf32>
    %mul3A_786 = arith.constant 5.000000e-01 : f32
    %mul3A_787 = vector.broadcast %mul3A_786 : f32 to vector<16xf32>
    %mul3A_788 = arith.mulf %mul3A_787, %get3A_768 : vector<16xf32>
    %mul3A_789 = arith.mulf %mul3A_788, %mul3A_785 : vector<16xf32>
    %mul3A_790 = arith.mulf %mul3A_789, %mul3A_785 : vector<16xf32>
    %sub3A_791 = arith.constant 1.500000e+00 : f32
    %sub3A_792 = vector.broadcast %sub3A_791 : f32 to vector<16xf32>
    %sub3A_793 = arith.subf %sub3A_792, %mul3A_790 : vector<16xf32>
    %mul3A_794 = arith.mulf %mul3A_785, %sub3A_793 : vector<16xf32>
    %mul3A_795 = arith.constant 5.000000e-01 : f32
    %mul3A_796 = vector.broadcast %mul3A_795 : f32 to vector<16xf32>
    %mul3A_797 = arith.mulf %mul3A_796, %get3A_768 : vector<16xf32>
    %mul3A_798 = arith.mulf %mul3A_797, %mul3A_794 : vector<16xf32>
    %mul3A_799 = arith.mulf %mul3A_798, %mul3A_794 : vector<16xf32>
    %sub3A_800 = arith.constant 1.500000e+00 : f32
    %sub3A_801 = vector.broadcast %sub3A_800 : f32 to vector<16xf32>
    %sub3A_802 = arith.subf %sub3A_801, %mul3A_799 : vector<16xf32>
    %mul3A_803 = arith.mulf %mul3A_794, %sub3A_802 : vector<16xf32>
    %gt3A_804 = arith.constant 0.000000e+00 : f32
    %gt3A_805 = vector.broadcast %gt3A_804 : f32 to vector<16xf32>
    %gt3A_806 = arith.cmpf ogt, %get3A_768, %gt3A_805 : vector<16xf32>
    %jit3A_807 = arith.constant 0.000000e+00 : f32
    %broadcast_in_dim3A_808 = vector.broadcast %jit3A_807 : f32 to vector<16xf32>
    %select_n3A_809 = arith.select %gt3A_806, %mul3A_803, %broadcast_in_dim3A_808 : vector<16xi1>, vector<16xf32>
    %swap3A_810 = arith.constant 96 : index
    %swap3A_811 = tpu.vector_load %arg15[%swap3A_810] {strides = array<i32>} : memref<640xf32, #tpu.memory_space<vmem>>, vector<16xf32>,
    tpu.vector_store %arg15[%swap3A_810], %select_n3A_809 {strides = array<i32>} : memref<640xf32, #tpu.memory_space<vmem>>, vector<16xf32>,
    %get3A_812 = arith.constant 112 : index
    %get3A_813 = tpu.vector_load %arg15[%get3A_812] {strides = array<i32>} : memref<640xf32, #tpu.memory_space<vmem>>, vector<16xf32>,
    %bitcast_convert_type3A_814 = tpu.bitcast %get3A_813 : vector<16xf32> -> vector<16xi32>
    %shift_right_arithmetic3A_815 = arith.constant 1 : i32
    %shift_right_arithmetic3A_816 = vector.broadcast %shift_right_arithmetic3A_815 : i32 to vector<16xi32>
    %shift_right_arithmetic3A_817 = arith.shrsi %bitcast_convert_type3A_814, %shift_right_arithmetic3A_816 : vector<16xi32>
    %sub3A_818 = arith.constant 1597463007 : i32
    %sub3A_819 = vector.broadcast %sub3A_818 : i32 to vector<16xi32>
    %sub3A_820 = arith.subi %sub3A_819, %shift_right_arithmetic3A_817 : vector<16xi32>
    %bitcast_convert_type3A_821 = tpu.bitcast %sub3A_820 : vector<16xi32> -> vector<16xf32>
    %mul3A_822 = arith.constant 5.000000e-01 : f32
    %mul3A_823 = vector.broadcast %mul3A_822 : f32 to vector<16xf32>
    %mul3A_824 = arith.mulf %mul3A_823, %get3A_813 : vector<16xf32>
    %mul3A_825 = arith.mulf %mul3A_824, %bitcast_convert_type3A_821 : vector<16xf32>
    %mul3A_826 = arith.mulf %mul3A_825, %bitcast_convert_type3A_821 : vector<16xf32>
    %sub3A_827 = arith.constant 1.500000e+00 : f32
    %sub3A_828 = vector.broadcast %sub3A_827 : f32 to vector<16xf32>
    %sub3A_829 = arith.subf %sub3A_828, %mul3A_826 : vector<16xf32>
    %mul3A_830 = arith.mulf %bitcast_convert_type3A_821, %sub3A_829 : vector<16xf32>
    %mul3A_831 = arith.constant 5.000000e-01 : f32
    %mul3A_832 = vector.broadcast %mul3A_831 : f32 to vector<16xf32>
    %mul3A_833 = arith.mulf %mul3A_832, %get3A_813 : vector<16xf32>
    %mul3A_834 = arith.mulf %mul3A_833, %mul3A_830 : vector<16xf32>
    %mul3A_835 = arith.mulf %mul3A_834, %mul3A_830 : vector<16xf32>
    %sub3A_836 = arith.constant 1.500000e+00 : f32
    %sub3A_837 = vector.broadcast %sub3A_836 : f32 to vector<16xf32>
    %sub3A_838 = arith.subf %sub3A_837, %mul3A_835 : vector<16xf32>
    %mul3A_839 = arith.mulf %mul3A_830, %sub3A_838 : vector<16xf32>
    %mul3A_840 = arith.constant 5.000000e-01 : f32
    %mul3A_841 = vector.broadcast %mul3A_840 : f32 to vector<16xf32>
    %mul3A_842 = arith.mulf %mul3A_841, %get3A_813 : vector<16xf32>
    %mul3A_843 = arith.mulf %mul3A_842, %mul3A_839 : vector<16xf32>
    %mul3A_844 = arith.mulf %mul3A_843, %mul3A_839 : vector<16xf32>
    %sub3A_845 = arith.constant 1.500000e+00 : f32
    %sub3A_846 = vector.broadcast %sub3A_845 : f32 to vector<16xf32>
    %sub3A_847 = arith.subf %sub3A_846, %mul3A_844 : vector<16xf32>
    %mul3A_848 = arith.mulf %mul3A_839, %sub3A_847 : vector<16xf32>
    %gt3A_849 = arith.constant 0.000000e+00 : f32
    %gt3A_850 = vector.broadcast %gt3A_849 : f32 to vector<16xf32>
    %gt3A_851 = arith.cmpf ogt, %get3A_813, %gt3A_850 : vector<16xf32>
    %jit3A_852 = arith.constant 0.000000e+00 : f32
    %broadcast_in_dim3A_853 = vector.broadcast %jit3A_852 : f32 to vector<16xf32>
    %select_n3A_854 = arith.select %gt3A_851, %mul3A_848, %broadcast_in_dim3A_853 : vector<16xi1>, vector<16xf32>
    %swap3A_855 = arith.constant 112 : index
    %swap3A_856 = tpu.vector_load %arg15[%swap3A_855] {strides = array<i32>} : memref<640xf32, #tpu.memory_space<vmem>>, vector<16xf32>,
    tpu.vector_store %arg15[%swap3A_855], %select_n3A_854 {strides = array<i32>} : memref<640xf32, #tpu.memory_space<vmem>>, vector<16xf32>,
    %get3A_857 = arith.constant 128 : index
    %get3A_858 = tpu.vector_load %arg15[%get3A_857] {strides = array<i32>} : memref<640xf32, #tpu.memory_space<vmem>>, vector<16xf32>,
    %bitcast_convert_type3A_859 = tpu.bitcast %get3A_858 : vector<16xf32> -> vector<16xi32>
    %shift_right_arithmetic3A_860 = arith.constant 1 : i32
    %shift_right_arithmetic3A_861 = vector.broadcast %shift_right_arithmetic3A_860 : i32 to vector<16xi32>
    %shift_right_arithmetic3A_862 = arith.shrsi %bitcast_convert_type3A_859, %shift_right_arithmetic3A_861 : vector<16xi32>
    %sub3A_863 = arith.constant 1597463007 : i32
    %sub3A_864 = vector.broadcast %sub3A_863 : i32 to vector<16xi32>
    %sub3A_865 = arith.subi %sub3A_864, %shift_right_arithmetic3A_862 : vector<16xi32>
    %bitcast_convert_type3A_866 = tpu.bitcast %sub3A_865 : vector<16xi32> -> vector<16xf32>
    %mul3A_867 = arith.constant 5.000000e-01 : f32
    %mul3A_868 = vector.broadcast %mul3A_867 : f32 to vector<16xf32>
    %mul3A_869 = arith.mulf %mul3A_868, %get3A_858 : vector<16xf32>
    %mul3A_870 = arith.mulf %mul3A_869, %bitcast_convert_type3A_866 : vector<16xf32>
    %mul3A_871 = arith.mulf %mul3A_870, %bitcast_convert_type3A_866 : vector<16xf32>
    %sub3A_872 = arith.constant 1.500000e+00 : f32
    %sub3A_873 = vector.broadcast %sub3A_872 : f32 to vector<16xf32>
    %sub3A_874 = arith.subf %sub3A_873, %mul3A_871 : vector<16xf32>
    %mul3A_875 = arith.mulf %bitcast_convert_type3A_866, %sub3A_874 : vector<16xf32>
    %mul3A_876 = arith.constant 5.000000e-01 : f32
    %mul3A_877 = vector.broadcast %mul3A_876 : f32 to vector<16xf32>
    %mul3A_878 = arith.mulf %mul3A_877, %get3A_858 : vector<16xf32>
    %mul3A_879 = arith.mulf %mul3A_878, %mul3A_875 : vector<16xf32>
    %mul3A_880 = arith.mulf %mul3A_879, %mul3A_875 : vector<16xf32>
    %sub3A_881 = arith.constant 1.500000e+00 : f32
    %sub3A_882 = vector.broadcast %sub3A_881 : f32 to vector<16xf32>
    %sub3A_883 = arith.subf %sub3A_882, %mul3A_880 : vector<16xf32>
    %mul3A_884 = arith.mulf %mul3A_875, %sub3A_883 : vector<16xf32>
    %mul3A_885 = arith.constant 5.000000e-01 : f32
    %mul3A_886 = vector.broadcast %mul3A_885 : f32 to vector<16xf32>
    %mul3A_887 = arith.mulf %mul3A_886, %get3A_858 : vector<16xf32>
    %mul3A_888 = arith.mulf %mul3A_887, %mul3A_884 : vector<16xf32>
    %mul3A_889 = arith.mulf %mul3A_888, %mul3A_884 : vector<16xf32>
    %sub3A_890 = arith.constant 1.500000e+00 : f32
    %sub3A_891 = vector.broadcast %sub3A_890 : f32 to vector<16xf32>
    %sub3A_892 = arith.subf %sub3A_891, %mul3A_889 : vector<16xf32>
    %mul3A_893 = arith.mulf %mul3A_884, %sub3A_892 : vector<16xf32>
    %gt3A_894 = arith.constant 0.000000e+00 : f32
    %gt3A_895 = vector.broadcast %gt3A_894 : f32 to vector<16xf32>
    %gt3A_896 = arith.cmpf ogt, %get3A_858, %gt3A_895 : vector<16xf32>
    %jit3A_897 = arith.constant 0.000000e+00 : f32
    %broadcast_in_dim3A_898 = vector.broadcast %jit3A_897 : f32 to vector<16xf32>
    %select_n3A_899 = arith.select %gt3A_896, %mul3A_893, %broadcast_in_dim3A_898 : vector<16xi1>, vector<16xf32>
    %swap3A_900 = arith.constant 128 : index
    %swap3A_901 = tpu.vector_load %arg15[%swap3A_900] {strides = array<i32>} : memref<640xf32, #tpu.memory_space<vmem>>, vector<16xf32>,
    tpu.vector_store %arg15[%swap3A_900], %select_n3A_899 {strides = array<i32>} : memref<640xf32, #tpu.memory_space<vmem>>, vector<16xf32>,
    %get3A_902 = arith.constant 144 : index
    %get3A_903 = tpu.vector_load %arg15[%get3A_902] {strides = array<i32>} : memref<640xf32, #tpu.memory_space<vmem>>, vector<16xf32>,
    %bitcast_convert_type3A_904 = tpu.bitcast %get3A_903 : vector<16xf32> -> vector<16xi32>
    %shift_right_arithmetic3A_905 = arith.constant 1 : i32
    %shift_right_arithmetic3A_906 = vector.broadcast %shift_right_arithmetic3A_905 : i32 to vector<16xi32>
    %shift_right_arithmetic3A_907 = arith.shrsi %bitcast_convert_type3A_904, %shift_right_arithmetic3A_906 : vector<16xi32>
    %sub3A_908 = arith.constant 1597463007 : i32
    %sub3A_909 = vector.broadcast %sub3A_908 : i32 to vector<16xi32>
    %sub3A_910 = arith.subi %sub3A_909, %shift_right_arithmetic3A_907 : vector<16xi32>
    %bitcast_convert_type3A_911 = tpu.bitcast %sub3A_910 : vector<16xi32> -> vector<16xf32>
    %mul3A_912 = arith.constant 5.000000e-01 : f32
    %mul3A_913 = vector.broadcast %mul3A_912 : f32 to vector<16xf32>
    %mul3A_914 = arith.mulf %mul3A_913, %get3A_903 : vector<16xf32>
    %mul3A_915 = arith.mulf %mul3A_914, %bitcast_convert_type3A_911 : vector<16xf32>
    %mul3A_916 = arith.mulf %mul3A_915, %bitcast_convert_type3A_911 : vector<16xf32>
    %sub3A_917 = arith.constant 1.500000e+00 : f32
    %sub3A_918 = vector.broadcast %sub3A_917 : f32 to vector<16xf32>
    %sub3A_919 = arith.subf %sub3A_918, %mul3A_916 : vector<16xf32>
    %mul3A_920 = arith.mulf %bitcast_convert_type3A_911, %sub3A_919 : vector<16xf32>
    %mul3A_921 = arith.constant 5.000000e-01 : f32
    %mul3A_922 = vector.broadcast %mul3A_921 : f32 to vector<16xf32>
    %mul3A_923 = arith.mulf %mul3A_922, %get3A_903 : vector<16xf32>
    %mul3A_924 = arith.mulf %mul3A_923, %mul3A_920 : vector<16xf32>
    %mul3A_925 = arith.mulf %mul3A_924, %mul3A_920 : vector<16xf32>
    %sub3A_926 = arith.constant 1.500000e+00 : f32
    %sub3A_927 = vector.broadcast %sub3A_926 : f32 to vector<16xf32>
    %sub3A_928 = arith.subf %sub3A_927, %mul3A_925 : vector<16xf32>
    %mul3A_929 = arith.mulf %mul3A_920, %sub3A_928 : vector<16xf32>
    %mul3A_930 = arith.constant 5.000000e-01 : f32
    %mul3A_931 = vector.broadcast %mul3A_930 : f32 to vector<16xf32>
    %mul3A_932 = arith.mulf %mul3A_931, %get3A_903 : vector<16xf32>
    %mul3A_933 = arith.mulf %mul3A_932, %mul3A_929 : vector<16xf32>
    %mul3A_934 = arith.mulf %mul3A_933, %mul3A_929 : vector<16xf32>
    %sub3A_935 = arith.constant 1.500000e+00 : f32
    %sub3A_936 = vector.broadcast %sub3A_935 : f32 to vector<16xf32>
    %sub3A_937 = arith.subf %sub3A_936, %mul3A_934 : vector<16xf32>
    %mul3A_938 = arith.mulf %mul3A_929, %sub3A_937 : vector<16xf32>
    %gt3A_939 = arith.constant 0.000000e+00 : f32
    %gt3A_940 = vector.broadcast %gt3A_939 : f32 to vector<16xf32>
    %gt3A_941 = arith.cmpf ogt, %get3A_903, %gt3A_940 : vector<16xf32>
    %jit3A_942 = arith.constant 0.000000e+00 : f32
    %broadcast_in_dim3A_943 = vector.broadcast %jit3A_942 : f32 to vector<16xf32>
    %select_n3A_944 = arith.select %gt3A_941, %mul3A_938, %broadcast_in_dim3A_943 : vector<16xi1>, vector<16xf32>
    %swap3A_945 = arith.constant 144 : index
    %swap3A_946 = tpu.vector_load %arg15[%swap3A_945] {strides = array<i32>} : memref<640xf32, #tpu.memory_space<vmem>>, vector<16xf32>,
    tpu.vector_store %arg15[%swap3A_945], %select_n3A_944 {strides = array<i32>} : memref<640xf32, #tpu.memory_space<vmem>>, vector<16xf32>,
    %get3A_947 = arith.constant 160 : index
    %get3A_948 = tpu.vector_load %arg15[%get3A_947] {strides = array<i32>} : memref<640xf32, #tpu.memory_space<vmem>>, vector<16xf32>,
    %bitcast_convert_type3A_949 = tpu.bitcast %get3A_948 : vector<16xf32> -> vector<16xi32>
    %shift_right_arithmetic3A_950 = arith.constant 1 : i32
    %shift_right_arithmetic3A_951 = vector.broadcast %shift_right_arithmetic3A_950 : i32 to vector<16xi32>
    %shift_right_arithmetic3A_952 = arith.shrsi %bitcast_convert_type3A_949, %shift_right_arithmetic3A_951 : vector<16xi32>
    %sub3A_953 = arith.constant 1597463007 : i32
    %sub3A_954 = vector.broadcast %sub3A_953 : i32 to vector<16xi32>
    %sub3A_955 = arith.subi %sub3A_954, %shift_right_arithmetic3A_952 : vector<16xi32>
    %bitcast_convert_type3A_956 = tpu.bitcast %sub3A_955 : vector<16xi32> -> vector<16xf32>
    %mul3A_957 = arith.constant 5.000000e-01 : f32
    %mul3A_958 = vector.broadcast %mul3A_957 : f32 to vector<16xf32>
    %mul3A_959 = arith.mulf %mul3A_958, %get3A_948 : vector<16xf32>
    %mul3A_960 = arith.mulf %mul3A_959, %bitcast_convert_type3A_956 : vector<16xf32>
    %mul3A_961 = arith.mulf %mul3A_960, %bitcast_convert_type3A_956 : vector<16xf32>
    %sub3A_962 = arith.constant 1.500000e+00 : f32
    %sub3A_963 = vector.broadcast %sub3A_962 : f32 to vector<16xf32>
    %sub3A_964 = arith.subf %sub3A_963, %mul3A_961 : vector<16xf32>
    %mul3A_965 = arith.mulf %bitcast_convert_type3A_956, %sub3A_964 : vector<16xf32>
    %mul3A_966 = arith.constant 5.000000e-01 : f32
    %mul3A_967 = vector.broadcast %mul3A_966 : f32 to vector<16xf32>
    %mul3A_968 = arith.mulf %mul3A_967, %get3A_948 : vector<16xf32>
    %mul3A_969 = arith.mulf %mul3A_968, %mul3A_965 : vector<16xf32>
    %mul3A_970 = arith.mulf %mul3A_969, %mul3A_965 : vector<16xf32>
    %sub3A_971 = arith.constant 1.500000e+00 : f32
    %sub3A_972 = vector.broadcast %sub3A_971 : f32 to vector<16xf32>
    %sub3A_973 = arith.subf %sub3A_972, %mul3A_970 : vector<16xf32>
    %mul3A_974 = arith.mulf %mul3A_965, %sub3A_973 : vector<16xf32>
    %mul3A_975 = arith.constant 5.000000e-01 : f32
    %mul3A_976 = vector.broadcast %mul3A_975 : f32 to vector<16xf32>
    %mul3A_977 = arith.mulf %mul3A_976, %get3A_948 : vector<16xf32>
    %mul3A_978 = arith.mulf %mul3A_977, %mul3A_974 : vector<16xf32>
    %mul3A_979 = arith.mulf %mul3A_978, %mul3A_974 : vector<16xf32>
    %sub3A_980 = arith.constant 1.500000e+00 : f32
    %sub3A_981 = vector.broadcast %sub3A_980 : f32 to vector<16xf32>
    %sub3A_982 = arith.subf %sub3A_981, %mul3A_979 : vector<16xf32>
    %mul3A_983 = arith.mulf %mul3A_974, %sub3A_982 : vector<16xf32>
    %gt3A_984 = arith.constant 0.000000e+00 : f32
    %gt3A_985 = vector.broadcast %gt3A_984 : f32 to vector<16xf32>
    %gt3A_986 = arith.cmpf ogt, %get3A_948, %gt3A_985 : vector<16xf32>
    %jit3A_987 = arith.constant 0.000000e+00 : f32
    %broadcast_in_dim3A_988 = vector.broadcast %jit3A_987 : f32 to vector<16xf32>
    %select_n3A_989 = arith.select %gt3A_986, %mul3A_983, %broadcast_in_dim3A_988 : vector<16xi1>, vector<16xf32>
    %swap3A_990 = arith.constant 160 : index
    %swap3A_991 = tpu.vector_load %arg15[%swap3A_990] {strides = array<i32>} : memref<640xf32, #tpu.memory_space<vmem>>, vector<16xf32>,
    tpu.vector_store %arg15[%swap3A_990], %select_n3A_989 {strides = array<i32>} : memref<640xf32, #tpu.memory_space<vmem>>, vector<16xf32>,
    %get3A_992 = arith.constant 176 : index
    %get3A_993 = tpu.vector_load %arg15[%get3A_992] {strides = array<i32>} : memref<640xf32, #tpu.memory_space<vmem>>, vector<16xf32>,
    %bitcast_convert_type3A_994 = tpu.bitcast %get3A_993 : vector<16xf32> -> vector<16xi32>
    %shift_right_arithmetic3A_995 = arith.constant 1 : i32
    %shift_right_arithmetic3A_996 = vector.broadcast %shift_right_arithmetic3A_995 : i32 to vector<16xi32>
    %shift_right_arithmetic3A_997 = arith.shrsi %bitcast_convert_type3A_994, %shift_right_arithmetic3A_996 : vector<16xi32>
    %sub3A_998 = arith.constant 1597463007 : i32
    %sub3A_999 = vector.broadcast %sub3A_998 : i32 to vector<16xi32>
    %sub3A_1000 = arith.subi %sub3A_999, %shift_right_arithmetic3A_997 : vector<16xi32>
    %bitcast_convert_type3A_1001 = tpu.bitcast %sub3A_1000 : vector<16xi32> -> vector<16xf32>
    %mul3A_1002 = arith.constant 5.000000e-01 : f32
    %mul3A_1003 = vector.broadcast %mul3A_1002 : f32 to vector<16xf32>
    %mul3A_1004 = arith.mulf %mul3A_1003, %get3A_993 : vector<16xf32>
    %mul3A_1005 = arith.mulf %mul3A_1004, %bitcast_convert_type3A_1001 : vector<16xf32>
    %mul3A_1006 = arith.mulf %mul3A_1005, %bitcast_convert_type3A_1001 : vector<16xf32>
    %sub3A_1007 = arith.constant 1.500000e+00 : f32
    %sub3A_1008 = vector.broadcast %sub3A_1007 : f32 to vector<16xf32>
    %sub3A_1009 = arith.subf %sub3A_1008, %mul3A_1006 : vector<16xf32>
    %mul3A_1010 = arith.mulf %bitcast_convert_type3A_1001, %sub3A_1009 : vector<16xf32>
    %mul3A_1011 = arith.constant 5.000000e-01 : f32
    %mul3A_1012 = vector.broadcast %mul3A_1011 : f32 to vector<16xf32>
    %mul3A_1013 = arith.mulf %mul3A_1012, %get3A_993 : vector<16xf32>
    %mul3A_1014 = arith.mulf %mul3A_1013, %mul3A_1010 : vector<16xf32>
    %mul3A_1015 = arith.mulf %mul3A_1014, %mul3A_1010 : vector<16xf32>
    %sub3A_1016 = arith.constant 1.500000e+00 : f32
    %sub3A_1017 = vector.broadcast %sub3A_1016 : f32 to vector<16xf32>
    %sub3A_1018 = arith.subf %sub3A_1017, %mul3A_1015 : vector<16xf32>
    %mul3A_1019 = arith.mulf %mul3A_1010, %sub3A_1018 : vector<16xf32>
    %mul3A_1020 = arith.constant 5.000000e-01 : f32
    %mul3A_1021 = vector.broadcast %mul3A_1020 : f32 to vector<16xf32>
    %mul3A_1022 = arith.mulf %mul3A_1021, %get3A_993 : vector<16xf32>
    %mul3A_1023 = arith.mulf %mul3A_1022, %mul3A_1019 : vector<16xf32>
    %mul3A_1024 = arith.mulf %mul3A_1023, %mul3A_1019 : vector<16xf32>
    %sub3A_1025 = arith.constant 1.500000e+00 : f32
    %sub3A_1026 = vector.broadcast %sub3A_1025 : f32 to vector<16xf32>
    %sub3A_1027 = arith.subf %sub3A_1026, %mul3A_1024 : vector<16xf32>
    %mul3A_1028 = arith.mulf %mul3A_1019, %sub3A_1027 : vector<16xf32>
    %gt3A_1029 = arith.constant 0.000000e+00 : f32
    %gt3A_1030 = vector.broadcast %gt3A_1029 : f32 to vector<16xf32>
    %gt3A_1031 = arith.cmpf ogt, %get3A_993, %gt3A_1030 : vector<16xf32>
    %jit3A_1032 = arith.constant 0.000000e+00 : f32
    %broadcast_in_dim3A_1033 = vector.broadcast %jit3A_1032 : f32 to vector<16xf32>
    %select_n3A_1034 = arith.select %gt3A_1031, %mul3A_1028, %broadcast_in_dim3A_1033 : vector<16xi1>, vector<16xf32>
    %swap3A_1035 = arith.constant 176 : index
    %swap3A_1036 = tpu.vector_load %arg15[%swap3A_1035] {strides = array<i32>} : memref<640xf32, #tpu.memory_space<vmem>>, vector<16xf32>,
    tpu.vector_store %arg15[%swap3A_1035], %select_n3A_1034 {strides = array<i32>} : memref<640xf32, #tpu.memory_space<vmem>>, vector<16xf32>,
    %get3A_1037 = arith.constant 192 : index
    %get3A_1038 = tpu.vector_load %arg15[%get3A_1037] {strides = array<i32>} : memref<640xf32, #tpu.memory_space<vmem>>, vector<16xf32>,
    %bitcast_convert_type3A_1039 = tpu.bitcast %get3A_1038 : vector<16xf32> -> vector<16xi32>
    %shift_right_arithmetic3A_1040 = arith.constant 1 : i32
    %shift_right_arithmetic3A_1041 = vector.broadcast %shift_right_arithmetic3A_1040 : i32 to vector<16xi32>
    %shift_right_arithmetic3A_1042 = arith.shrsi %bitcast_convert_type3A_1039, %shift_right_arithmetic3A_1041 : vector<16xi32>
    %sub3A_1043 = arith.constant 1597463007 : i32
    %sub3A_1044 = vector.broadcast %sub3A_1043 : i32 to vector<16xi32>
    %sub3A_1045 = arith.subi %sub3A_1044, %shift_right_arithmetic3A_1042 : vector<16xi32>
    %bitcast_convert_type3A_1046 = tpu.bitcast %sub3A_1045 : vector<16xi32> -> vector<16xf32>
    %mul3A_1047 = arith.constant 5.000000e-01 : f32
    %mul3A_1048 = vector.broadcast %mul3A_1047 : f32 to vector<16xf32>
    %mul3A_1049 = arith.mulf %mul3A_1048, %get3A_1038 : vector<16xf32>
    %mul3A_1050 = arith.mulf %mul3A_1049, %bitcast_convert_type3A_1046 : vector<16xf32>
    %mul3A_1051 = arith.mulf %mul3A_1050, %bitcast_convert_type3A_1046 : vector<16xf32>
    %sub3A_1052 = arith.constant 1.500000e+00 : f32
    %sub3A_1053 = vector.broadcast %sub3A_1052 : f32 to vector<16xf32>
    %sub3A_1054 = arith.subf %sub3A_1053, %mul3A_1051 : vector<16xf32>
    %mul3A_1055 = arith.mulf %bitcast_convert_type3A_1046, %sub3A_1054 : vector<16xf32>
    %mul3A_1056 = arith.constant 5.000000e-01 : f32
    %mul3A_1057 = vector.broadcast %mul3A_1056 : f32 to vector<16xf32>
    %mul3A_1058 = arith.mulf %mul3A_1057, %get3A_1038 : vector<16xf32>
    %mul3A_1059 = arith.mulf %mul3A_1058, %mul3A_1055 : vector<16xf32>
    %mul3A_1060 = arith.mulf %mul3A_1059, %mul3A_1055 : vector<16xf32>
    %sub3A_1061 = arith.constant 1.500000e+00 : f32
    %sub3A_1062 = vector.broadcast %sub3A_1061 : f32 to vector<16xf32>
    %sub3A_1063 = arith.subf %sub3A_1062, %mul3A_1060 : vector<16xf32>
    %mul3A_1064 = arith.mulf %mul3A_1055, %sub3A_1063 : vector<16xf32>
    %mul3A_1065 = arith.constant 5.000000e-01 : f32
    %mul3A_1066 = vector.broadcast %mul3A_1065 : f32 to vector<16xf32>
    %mul3A_1067 = arith.mulf %mul3A_1066, %get3A_1038 : vector<16xf32>
    %mul3A_1068 = arith.mulf %mul3A_1067, %mul3A_1064 : vector<16xf32>
    %mul3A_1069 = arith.mulf %mul3A_1068, %mul3A_1064 : vector<16xf32>
    %sub3A_1070 = arith.constant 1.500000e+00 : f32
    %sub3A_1071 = vector.broadcast %sub3A_1070 : f32 to vector<16xf32>
    %sub3A_1072 = arith.subf %sub3A_1071, %mul3A_1069 : vector<16xf32>
    %mul3A_1073 = arith.mulf %mul3A_1064, %sub3A_1072 : vector<16xf32>
    %gt3A_1074 = arith.constant 0.000000e+00 : f32
    %gt3A_1075 = vector.broadcast %gt3A_1074 : f32 to vector<16xf32>
    %gt3A_1076 = arith.cmpf ogt, %get3A_1038, %gt3A_1075 : vector<16xf32>
    %jit3A_1077 = arith.constant 0.000000e+00 : f32
    %broadcast_in_dim3A_1078 = vector.broadcast %jit3A_1077 : f32 to vector<16xf32>
    %select_n3A_1079 = arith.select %gt3A_1076, %mul3A_1073, %broadcast_in_dim3A_1078 : vector<16xi1>, vector<16xf32>
    %swap3A_1080 = arith.constant 192 : index
    %swap3A_1081 = tpu.vector_load %arg15[%swap3A_1080] {strides = array<i32>} : memref<640xf32, #tpu.memory_space<vmem>>, vector<16xf32>,
    tpu.vector_store %arg15[%swap3A_1080], %select_n3A_1079 {strides = array<i32>} : memref<640xf32, #tpu.memory_space<vmem>>, vector<16xf32>,
    %get3A_1082 = arith.constant 208 : index
    %get3A_1083 = tpu.vector_load %arg15[%get3A_1082] {strides = array<i32>} : memref<640xf32, #tpu.memory_space<vmem>>, vector<16xf32>,
    %bitcast_convert_type3A_1084 = tpu.bitcast %get3A_1083 : vector<16xf32> -> vector<16xi32>
    %shift_right_arithmetic3A_1085 = arith.constant 1 : i32
    %shift_right_arithmetic3A_1086 = vector.broadcast %shift_right_arithmetic3A_1085 : i32 to vector<16xi32>
    %shift_right_arithmetic3A_1087 = arith.shrsi %bitcast_convert_type3A_1084, %shift_right_arithmetic3A_1086 : vector<16xi32>
    %sub3A_1088 = arith.constant 1597463007 : i32
    %sub3A_1089 = vector.broadcast %sub3A_1088 : i32 to vector<16xi32>
    %sub3A_1090 = arith.subi %sub3A_1089, %shift_right_arithmetic3A_1087 : vector<16xi32>
    %bitcast_convert_type3A_1091 = tpu.bitcast %sub3A_1090 : vector<16xi32> -> vector<16xf32>
    %mul3A_1092 = arith.constant 5.000000e-01 : f32
    %mul3A_1093 = vector.broadcast %mul3A_1092 : f32 to vector<16xf32>
    %mul3A_1094 = arith.mulf %mul3A_1093, %get3A_1083 : vector<16xf32>
    %mul3A_1095 = arith.mulf %mul3A_1094, %bitcast_convert_type3A_1091 : vector<16xf32>
    %mul3A_1096 = arith.mulf %mul3A_1095, %bitcast_convert_type3A_1091 : vector<16xf32>
    %sub3A_1097 = arith.constant 1.500000e+00 : f32
    %sub3A_1098 = vector.broadcast %sub3A_1097 : f32 to vector<16xf32>
    %sub3A_1099 = arith.subf %sub3A_1098, %mul3A_1096 : vector<16xf32>
    %mul3A_1100 = arith.mulf %bitcast_convert_type3A_1091, %sub3A_1099 : vector<16xf32>
    %mul3A_1101 = arith.constant 5.000000e-01 : f32
    %mul3A_1102 = vector.broadcast %mul3A_1101 : f32 to vector<16xf32>
    %mul3A_1103 = arith.mulf %mul3A_1102, %get3A_1083 : vector<16xf32>
    %mul3A_1104 = arith.mulf %mul3A_1103, %mul3A_1100 : vector<16xf32>
    %mul3A_1105 = arith.mulf %mul3A_1104, %mul3A_1100 : vector<16xf32>
    %sub3A_1106 = arith.constant 1.500000e+00 : f32
    %sub3A_1107 = vector.broadcast %sub3A_1106 : f32 to vector<16xf32>
    %sub3A_1108 = arith.subf %sub3A_1107, %mul3A_1105 : vector<16xf32>
    %mul3A_1109 = arith.mulf %mul3A_1100, %sub3A_1108 : vector<16xf32>
    %mul3A_1110 = arith.constant 5.000000e-01 : f32
    %mul3A_1111 = vector.broadcast %mul3A_1110 : f32 to vector<16xf32>
    %mul3A_1112 = arith.mulf %mul3A_1111, %get3A_1083 : vector<16xf32>
    %mul3A_1113 = arith.mulf %mul3A_1112, %mul3A_1109 : vector<16xf32>
    %mul3A_1114 = arith.mulf %mul3A_1113, %mul3A_1109 : vector<16xf32>
    %sub3A_1115 = arith.constant 1.500000e+00 : f32
    %sub3A_1116 = vector.broadcast %sub3A_1115 : f32 to vector<16xf32>
    %sub3A_1117 = arith.subf %sub3A_1116, %mul3A_1114 : vector<16xf32>
    %mul3A_1118 = arith.mulf %mul3A_1109, %sub3A_1117 : vector<16xf32>
    %gt3A_1119 = arith.constant 0.000000e+00 : f32
    %gt3A_1120 = vector.broadcast %gt3A_1119 : f32 to vector<16xf32>
    %gt3A_1121 = arith.cmpf ogt, %get3A_1083, %gt3A_1120 : vector<16xf32>
    %jit3A_1122 = arith.constant 0.000000e+00 : f32
    %broadcast_in_dim3A_1123 = vector.broadcast %jit3A_1122 : f32 to vector<16xf32>
    %select_n3A_1124 = arith.select %gt3A_1121, %mul3A_1118, %broadcast_in_dim3A_1123 : vector<16xi1>, vector<16xf32>
    %swap3A_1125 = arith.constant 208 : index
    %swap3A_1126 = tpu.vector_load %arg15[%swap3A_1125] {strides = array<i32>} : memref<640xf32, #tpu.memory_space<vmem>>, vector<16xf32>,
    tpu.vector_store %arg15[%swap3A_1125], %select_n3A_1124 {strides = array<i32>} : memref<640xf32, #tpu.memory_space<vmem>>, vector<16xf32>,
    %get3A_1127 = arith.constant 224 : index
    %get3A_1128 = tpu.vector_load %arg15[%get3A_1127] {strides = array<i32>} : memref<640xf32, #tpu.memory_space<vmem>>, vector<16xf32>,
    %bitcast_convert_type3A_1129 = tpu.bitcast %get3A_1128 : vector<16xf32> -> vector<16xi32>
    %shift_right_arithmetic3A_1130 = arith.constant 1 : i32
    %shift_right_arithmetic3A_1131 = vector.broadcast %shift_right_arithmetic3A_1130 : i32 to vector<16xi32>
    %shift_right_arithmetic3A_1132 = arith.shrsi %bitcast_convert_type3A_1129, %shift_right_arithmetic3A_1131 : vector<16xi32>
    %sub3A_1133 = arith.constant 1597463007 : i32
    %sub3A_1134 = vector.broadcast %sub3A_1133 : i32 to vector<16xi32>
    %sub3A_1135 = arith.subi %sub3A_1134, %shift_right_arithmetic3A_1132 : vector<16xi32>
    %bitcast_convert_type3A_1136 = tpu.bitcast %sub3A_1135 : vector<16xi32> -> vector<16xf32>
    %mul3A_1137 = arith.constant 5.000000e-01 : f32
    %mul3A_1138 = vector.broadcast %mul3A_1137 : f32 to vector<16xf32>
    %mul3A_1139 = arith.mulf %mul3A_1138, %get3A_1128 : vector<16xf32>
    %mul3A_1140 = arith.mulf %mul3A_1139, %bitcast_convert_type3A_1136 : vector<16xf32>
    %mul3A_1141 = arith.mulf %mul3A_1140, %bitcast_convert_type3A_1136 : vector<16xf32>
    %sub3A_1142 = arith.constant 1.500000e+00 : f32
    %sub3A_1143 = vector.broadcast %sub3A_1142 : f32 to vector<16xf32>
    %sub3A_1144 = arith.subf %sub3A_1143, %mul3A_1141 : vector<16xf32>
    %mul3A_1145 = arith.mulf %bitcast_convert_type3A_1136, %sub3A_1144 : vector<16xf32>
    %mul3A_1146 = arith.constant 5.000000e-01 : f32
    %mul3A_1147 = vector.broadcast %mul3A_1146 : f32 to vector<16xf32>
    %mul3A_1148 = arith.mulf %mul3A_1147, %get3A_1128 : vector<16xf32>
    %mul3A_1149 = arith.mulf %mul3A_1148, %mul3A_1145 : vector<16xf32>
    %mul3A_1150 = arith.mulf %mul3A_1149, %mul3A_1145 : vector<16xf32>
    %sub3A_1151 = arith.constant 1.500000e+00 : f32
    %sub3A_1152 = vector.broadcast %sub3A_1151 : f32 to vector<16xf32>
    %sub3A_1153 = arith.subf %sub3A_1152, %mul3A_1150 : vector<16xf32>
    %mul3A_1154 = arith.mulf %mul3A_1145, %sub3A_1153 : vector<16xf32>
    %mul3A_1155 = arith.constant 5.000000e-01 : f32
    %mul3A_1156 = vector.broadcast %mul3A_1155 : f32 to vector<16xf32>
    %mul3A_1157 = arith.mulf %mul3A_1156, %get3A_1128 : vector<16xf32>
    %mul3A_1158 = arith.mulf %mul3A_1157, %mul3A_1154 : vector<16xf32>
    %mul3A_1159 = arith.mulf %mul3A_1158, %mul3A_1154 : vector<16xf32>
    %sub3A_1160 = arith.constant 1.500000e+00 : f32
    %sub3A_1161 = vector.broadcast %sub3A_1160 : f32 to vector<16xf32>
    %sub3A_1162 = arith.subf %sub3A_1161, %mul3A_1159 : vector<16xf32>
    %mul3A_1163 = arith.mulf %mul3A_1154, %sub3A_1162 : vector<16xf32>
    %gt3A_1164 = arith.constant 0.000000e+00 : f32
    %gt3A_1165 = vector.broadcast %gt3A_1164 : f32 to vector<16xf32>
    %gt3A_1166 = arith.cmpf ogt, %get3A_1128, %gt3A_1165 : vector<16xf32>
    %jit3A_1167 = arith.constant 0.000000e+00 : f32
    %broadcast_in_dim3A_1168 = vector.broadcast %jit3A_1167 : f32 to vector<16xf32>
    %select_n3A_1169 = arith.select %gt3A_1166, %mul3A_1163, %broadcast_in_dim3A_1168 : vector<16xi1>, vector<16xf32>
    %swap3A_1170 = arith.constant 224 : index
    %swap3A_1171 = tpu.vector_load %arg15[%swap3A_1170] {strides = array<i32>} : memref<640xf32, #tpu.memory_space<vmem>>, vector<16xf32>,
    tpu.vector_store %arg15[%swap3A_1170], %select_n3A_1169 {strides = array<i32>} : memref<640xf32, #tpu.memory_space<vmem>>, vector<16xf32>,
    %get3A_1172 = arith.constant 240 : index
    %get3A_1173 = tpu.vector_load %arg15[%get3A_1172] {strides = array<i32>} : memref<640xf32, #tpu.memory_space<vmem>>, vector<16xf32>,
    %bitcast_convert_type3A_1174 = tpu.bitcast %get3A_1173 : vector<16xf32> -> vector<16xi32>
    %shift_right_arithmetic3A_1175 = arith.constant 1 : i32
    %shift_right_arithmetic3A_1176 = vector.broadcast %shift_right_arithmetic3A_1175 : i32 to vector<16xi32>
    %shift_right_arithmetic3A_1177 = arith.shrsi %bitcast_convert_type3A_1174, %shift_right_arithmetic3A_1176 : vector<16xi32>
    %sub3A_1178 = arith.constant 1597463007 : i32
    %sub3A_1179 = vector.broadcast %sub3A_1178 : i32 to vector<16xi32>
    %sub3A_1180 = arith.subi %sub3A_1179, %shift_right_arithmetic3A_1177 : vector<16xi32>
    %bitcast_convert_type3A_1181 = tpu.bitcast %sub3A_1180 : vector<16xi32> -> vector<16xf32>
    %mul3A_1182 = arith.constant 5.000000e-01 : f32
    %mul3A_1183 = vector.broadcast %mul3A_1182 : f32 to vector<16xf32>
    %mul3A_1184 = arith.mulf %mul3A_1183, %get3A_1173 : vector<16xf32>
    %mul3A_1185 = arith.mulf %mul3A_1184, %bitcast_convert_type3A_1181 : vector<16xf32>
    %mul3A_1186 = arith.mulf %mul3A_1185, %bitcast_convert_type3A_1181 : vector<16xf32>
    %sub3A_1187 = arith.constant 1.500000e+00 : f32
    %sub3A_1188 = vector.broadcast %sub3A_1187 : f32 to vector<16xf32>
    %sub3A_1189 = arith.subf %sub3A_1188, %mul3A_1186 : vector<16xf32>
    %mul3A_1190 = arith.mulf %bitcast_convert_type3A_1181, %sub3A_1189 : vector<16xf32>
    %mul3A_1191 = arith.constant 5.000000e-01 : f32
    %mul3A_1192 = vector.broadcast %mul3A_1191 : f32 to vector<16xf32>
    %mul3A_1193 = arith.mulf %mul3A_1192, %get3A_1173 : vector<16xf32>
    %mul3A_1194 = arith.mulf %mul3A_1193, %mul3A_1190 : vector<16xf32>
    %mul3A_1195 = arith.mulf %mul3A_1194, %mul3A_1190 : vector<16xf32>
    %sub3A_1196 = arith.constant 1.500000e+00 : f32
    %sub3A_1197 = vector.broadcast %sub3A_1196 : f32 to vector<16xf32>
    %sub3A_1198 = arith.subf %sub3A_1197, %mul3A_1195 : vector<16xf32>
    %mul3A_1199 = arith.mulf %mul3A_1190, %sub3A_1198 : vector<16xf32>
    %mul3A_1200 = arith.constant 5.000000e-01 : f32
    %mul3A_1201 = vector.broadcast %mul3A_1200 : f32 to vector<16xf32>
    %mul3A_1202 = arith.mulf %mul3A_1201, %get3A_1173 : vector<16xf32>
    %mul3A_1203 = arith.mulf %mul3A_1202, %mul3A_1199 : vector<16xf32>
    %mul3A_1204 = arith.mulf %mul3A_1203, %mul3A_1199 : vector<16xf32>
    %sub3A_1205 = arith.constant 1.500000e+00 : f32
    %sub3A_1206 = vector.broadcast %sub3A_1205 : f32 to vector<16xf32>
    %sub3A_1207 = arith.subf %sub3A_1206, %mul3A_1204 : vector<16xf32>
    %mul3A_1208 = arith.mulf %mul3A_1199, %sub3A_1207 : vector<16xf32>
    %gt3A_1209 = arith.constant 0.000000e+00 : f32
    %gt3A_1210 = vector.broadcast %gt3A_1209 : f32 to vector<16xf32>
    %gt3A_1211 = arith.cmpf ogt, %get3A_1173, %gt3A_1210 : vector<16xf32>
    %jit3A_1212 = arith.constant 0.000000e+00 : f32
    %broadcast_in_dim3A_1213 = vector.broadcast %jit3A_1212 : f32 to vector<16xf32>
    %select_n3A_1214 = arith.select %gt3A_1211, %mul3A_1208, %broadcast_in_dim3A_1213 : vector<16xi1>, vector<16xf32>
    %swap3A_1215 = arith.constant 240 : index
    %swap3A_1216 = tpu.vector_load %arg15[%swap3A_1215] {strides = array<i32>} : memref<640xf32, #tpu.memory_space<vmem>>, vector<16xf32>,
    tpu.vector_store %arg15[%swap3A_1215], %select_n3A_1214 {strides = array<i32>} : memref<640xf32, #tpu.memory_space<vmem>>, vector<16xf32>,
    %get3A_1217 = arith.constant 256 : index
    %get3A_1218 = tpu.vector_load %arg15[%get3A_1217] {strides = array<i32>} : memref<640xf32, #tpu.memory_space<vmem>>, vector<16xf32>,
    %bitcast_convert_type3A_1219 = tpu.bitcast %get3A_1218 : vector<16xf32> -> vector<16xi32>
    %shift_right_arithmetic3A_1220 = arith.constant 1 : i32
    %shift_right_arithmetic3A_1221 = vector.broadcast %shift_right_arithmetic3A_1220 : i32 to vector<16xi32>
    %shift_right_arithmetic3A_1222 = arith.shrsi %bitcast_convert_type3A_1219, %shift_right_arithmetic3A_1221 : vector<16xi32>
    %sub3A_1223 = arith.constant 1597463007 : i32
    %sub3A_1224 = vector.broadcast %sub3A_1223 : i32 to vector<16xi32>
    %sub3A_1225 = arith.subi %sub3A_1224, %shift_right_arithmetic3A_1222 : vector<16xi32>
    %bitcast_convert_type3A_1226 = tpu.bitcast %sub3A_1225 : vector<16xi32> -> vector<16xf32>
    %mul3A_1227 = arith.constant 5.000000e-01 : f32
    %mul3A_1228 = vector.broadcast %mul3A_1227 : f32 to vector<16xf32>
    %mul3A_1229 = arith.mulf %mul3A_1228, %get3A_1218 : vector<16xf32>
    %mul3A_1230 = arith.mulf %mul3A_1229, %bitcast_convert_type3A_1226 : vector<16xf32>
    %mul3A_1231 = arith.mulf %mul3A_1230, %bitcast_convert_type3A_1226 : vector<16xf32>
    %sub3A_1232 = arith.constant 1.500000e+00 : f32
    %sub3A_1233 = vector.broadcast %sub3A_1232 : f32 to vector<16xf32>
    %sub3A_1234 = arith.subf %sub3A_1233, %mul3A_1231 : vector<16xf32>
    %mul3A_1235 = arith.mulf %bitcast_convert_type3A_1226, %sub3A_1234 : vector<16xf32>
    %mul3A_1236 = arith.constant 5.000000e-01 : f32
    %mul3A_1237 = vector.broadcast %mul3A_1236 : f32 to vector<16xf32>
    %mul3A_1238 = arith.mulf %mul3A_1237, %get3A_1218 : vector<16xf32>
    %mul3A_1239 = arith.mulf %mul3A_1238, %mul3A_1235 : vector<16xf32>
    %mul3A_1240 = arith.mulf %mul3A_1239, %mul3A_1235 : vector<16xf32>
    %sub3A_1241 = arith.constant 1.500000e+00 : f32
    %sub3A_1242 = vector.broadcast %sub3A_1241 : f32 to vector<16xf32>
    %sub3A_1243 = arith.subf %sub3A_1242, %mul3A_1240 : vector<16xf32>
    %mul3A_1244 = arith.mulf %mul3A_1235, %sub3A_1243 : vector<16xf32>
    %mul3A_1245 = arith.constant 5.000000e-01 : f32
    %mul3A_1246 = vector.broadcast %mul3A_1245 : f32 to vector<16xf32>
    %mul3A_1247 = arith.mulf %mul3A_1246, %get3A_1218 : vector<16xf32>
    %mul3A_1248 = arith.mulf %mul3A_1247, %mul3A_1244 : vector<16xf32>
    %mul3A_1249 = arith.mulf %mul3A_1248, %mul3A_1244 : vector<16xf32>
    %sub3A_1250 = arith.constant 1.500000e+00 : f32
    %sub3A_1251 = vector.broadcast %sub3A_1250 : f32 to vector<16xf32>
    %sub3A_1252 = arith.subf %sub3A_1251, %mul3A_1249 : vector<16xf32>
    %mul3A_1253 = arith.mulf %mul3A_1244, %sub3A_1252 : vector<16xf32>
    %gt3A_1254 = arith.constant 0.000000e+00 : f32
    %gt3A_1255 = vector.broadcast %gt3A_1254 : f32 to vector<16xf32>
    %gt3A_1256 = arith.cmpf ogt, %get3A_1218, %gt3A_1255 : vector<16xf32>
    %jit3A_1257 = arith.constant 0.000000e+00 : f32
    %broadcast_in_dim3A_1258 = vector.broadcast %jit3A_1257 : f32 to vector<16xf32>
    %select_n3A_1259 = arith.select %gt3A_1256, %mul3A_1253, %broadcast_in_dim3A_1258 : vector<16xi1>, vector<16xf32>
    %swap3A_1260 = arith.constant 256 : index
    %swap3A_1261 = tpu.vector_load %arg15[%swap3A_1260] {strides = array<i32>} : memref<640xf32, #tpu.memory_space<vmem>>, vector<16xf32>,
    tpu.vector_store %arg15[%swap3A_1260], %select_n3A_1259 {strides = array<i32>} : memref<640xf32, #tpu.memory_space<vmem>>, vector<16xf32>,
    %get3A_1262 = arith.constant 272 : index
    %get3A_1263 = tpu.vector_load %arg15[%get3A_1262] {strides = array<i32>} : memref<640xf32, #tpu.memory_space<vmem>>, vector<16xf32>,
    %bitcast_convert_type3A_1264 = tpu.bitcast %get3A_1263 : vector<16xf32> -> vector<16xi32>
    %shift_right_arithmetic3A_1265 = arith.constant 1 : i32
    %shift_right_arithmetic3A_1266 = vector.broadcast %shift_right_arithmetic3A_1265 : i32 to vector<16xi32>
    %shift_right_arithmetic3A_1267 = arith.shrsi %bitcast_convert_type3A_1264, %shift_right_arithmetic3A_1266 : vector<16xi32>
    %sub3A_1268 = arith.constant 1597463007 : i32
    %sub3A_1269 = vector.broadcast %sub3A_1268 : i32 to vector<16xi32>
    %sub3A_1270 = arith.subi %sub3A_1269, %shift_right_arithmetic3A_1267 : vector<16xi32>
    %bitcast_convert_type3A_1271 = tpu.bitcast %sub3A_1270 : vector<16xi32> -> vector<16xf32>
    %mul3A_1272 = arith.constant 5.000000e-01 : f32
    %mul3A_1273 = vector.broadcast %mul3A_1272 : f32 to vector<16xf32>
    %mul3A_1274 = arith.mulf %mul3A_1273, %get3A_1263 : vector<16xf32>
    %mul3A_1275 = arith.mulf %mul3A_1274, %bitcast_convert_type3A_1271 : vector<16xf32>
    %mul3A_1276 = arith.mulf %mul3A_1275, %bitcast_convert_type3A_1271 : vector<16xf32>
    %sub3A_1277 = arith.constant 1.500000e+00 : f32
    %sub3A_1278 = vector.broadcast %sub3A_1277 : f32 to vector<16xf32>
    %sub3A_1279 = arith.subf %sub3A_1278, %mul3A_1276 : vector<16xf32>
    %mul3A_1280 = arith.mulf %bitcast_convert_type3A_1271, %sub3A_1279 : vector<16xf32>
    %mul3A_1281 = arith.constant 5.000000e-01 : f32
    %mul3A_1282 = vector.broadcast %mul3A_1281 : f32 to vector<16xf32>
    %mul3A_1283 = arith.mulf %mul3A_1282, %get3A_1263 : vector<16xf32>
    %mul3A_1284 = arith.mulf %mul3A_1283, %mul3A_1280 : vector<16xf32>
    %mul3A_1285 = arith.mulf %mul3A_1284, %mul3A_1280 : vector<16xf32>
    %sub3A_1286 = arith.constant 1.500000e+00 : f32
    %sub3A_1287 = vector.broadcast %sub3A_1286 : f32 to vector<16xf32>
    %sub3A_1288 = arith.subf %sub3A_1287, %mul3A_1285 : vector<16xf32>
    %mul3A_1289 = arith.mulf %mul3A_1280, %sub3A_1288 : vector<16xf32>
    %mul3A_1290 = arith.constant 5.000000e-01 : f32
    %mul3A_1291 = vector.broadcast %mul3A_1290 : f32 to vector<16xf32>
    %mul3A_1292 = arith.mulf %mul3A_1291, %get3A_1263 : vector<16xf32>
    %mul3A_1293 = arith.mulf %mul3A_1292, %mul3A_1289 : vector<16xf32>
    %mul3A_1294 = arith.mulf %mul3A_1293, %mul3A_1289 : vector<16xf32>
    %sub3A_1295 = arith.constant 1.500000e+00 : f32
    %sub3A_1296 = vector.broadcast %sub3A_1295 : f32 to vector<16xf32>
    %sub3A_1297 = arith.subf %sub3A_1296, %mul3A_1294 : vector<16xf32>
    %mul3A_1298 = arith.mulf %mul3A_1289, %sub3A_1297 : vector<16xf32>
    %gt3A_1299 = arith.constant 0.000000e+00 : f32
    %gt3A_1300 = vector.broadcast %gt3A_1299 : f32 to vector<16xf32>
    %gt3A_1301 = arith.cmpf ogt, %get3A_1263, %gt3A_1300 : vector<16xf32>
    %jit3A_1302 = arith.constant 0.000000e+00 : f32
    %broadcast_in_dim3A_1303 = vector.broadcast %jit3A_1302 : f32 to vector<16xf32>
    %select_n3A_1304 = arith.select %gt3A_1301, %mul3A_1298, %broadcast_in_dim3A_1303 : vector<16xi1>, vector<16xf32>
    %swap3A_1305 = arith.constant 272 : index
    %swap3A_1306 = tpu.vector_load %arg15[%swap3A_1305] {strides = array<i32>} : memref<640xf32, #tpu.memory_space<vmem>>, vector<16xf32>,
    tpu.vector_store %arg15[%swap3A_1305], %select_n3A_1304 {strides = array<i32>} : memref<640xf32, #tpu.memory_space<vmem>>, vector<16xf32>,
    %get3A_1307 = arith.constant 288 : index
    %get3A_1308 = tpu.vector_load %arg15[%get3A_1307] {strides = array<i32>} : memref<640xf32, #tpu.memory_space<vmem>>, vector<16xf32>,
    %bitcast_convert_type3A_1309 = tpu.bitcast %get3A_1308 : vector<16xf32> -> vector<16xi32>
    %shift_right_arithmetic3A_1310 = arith.constant 1 : i32
    %shift_right_arithmetic3A_1311 = vector.broadcast %shift_right_arithmetic3A_1310 : i32 to vector<16xi32>
    %shift_right_arithmetic3A_1312 = arith.shrsi %bitcast_convert_type3A_1309, %shift_right_arithmetic3A_1311 : vector<16xi32>
    %sub3A_1313 = arith.constant 1597463007 : i32
    %sub3A_1314 = vector.broadcast %sub3A_1313 : i32 to vector<16xi32>
    %sub3A_1315 = arith.subi %sub3A_1314, %shift_right_arithmetic3A_1312 : vector<16xi32>
    %bitcast_convert_type3A_1316 = tpu.bitcast %sub3A_1315 : vector<16xi32> -> vector<16xf32>
    %mul3A_1317 = arith.constant 5.000000e-01 : f32
    %mul3A_1318 = vector.broadcast %mul3A_1317 : f32 to vector<16xf32>
    %mul3A_1319 = arith.mulf %mul3A_1318, %get3A_1308 : vector<16xf32>
    %mul3A_1320 = arith.mulf %mul3A_1319, %bitcast_convert_type3A_1316 : vector<16xf32>
    %mul3A_1321 = arith.mulf %mul3A_1320, %bitcast_convert_type3A_1316 : vector<16xf32>
    %sub3A_1322 = arith.constant 1.500000e+00 : f32
    %sub3A_1323 = vector.broadcast %sub3A_1322 : f32 to vector<16xf32>
    %sub3A_1324 = arith.subf %sub3A_1323, %mul3A_1321 : vector<16xf32>
    %mul3A_1325 = arith.mulf %bitcast_convert_type3A_1316, %sub3A_1324 : vector<16xf32>
    %mul3A_1326 = arith.constant 5.000000e-01 : f32
    %mul3A_1327 = vector.broadcast %mul3A_1326 : f32 to vector<16xf32>
    %mul3A_1328 = arith.mulf %mul3A_1327, %get3A_1308 : vector<16xf32>
    %mul3A_1329 = arith.mulf %mul3A_1328, %mul3A_1325 : vector<16xf32>
    %mul3A_1330 = arith.mulf %mul3A_1329, %mul3A_1325 : vector<16xf32>
    %sub3A_1331 = arith.constant 1.500000e+00 : f32
    %sub3A_1332 = vector.broadcast %sub3A_1331 : f32 to vector<16xf32>
    %sub3A_1333 = arith.subf %sub3A_1332, %mul3A_1330 : vector<16xf32>
    %mul3A_1334 = arith.mulf %mul3A_1325, %sub3A_1333 : vector<16xf32>
    %mul3A_1335 = arith.constant 5.000000e-01 : f32
    %mul3A_1336 = vector.broadcast %mul3A_1335 : f32 to vector<16xf32>
    %mul3A_1337 = arith.mulf %mul3A_1336, %get3A_1308 : vector<16xf32>
    %mul3A_1338 = arith.mulf %mul3A_1337, %mul3A_1334 : vector<16xf32>
    %mul3A_1339 = arith.mulf %mul3A_1338, %mul3A_1334 : vector<16xf32>
    %sub3A_1340 = arith.constant 1.500000e+00 : f32
    %sub3A_1341 = vector.broadcast %sub3A_1340 : f32 to vector<16xf32>
    %sub3A_1342 = arith.subf %sub3A_1341, %mul3A_1339 : vector<16xf32>
    %mul3A_1343 = arith.mulf %mul3A_1334, %sub3A_1342 : vector<16xf32>
    %gt3A_1344 = arith.constant 0.000000e+00 : f32
    %gt3A_1345 = vector.broadcast %gt3A_1344 : f32 to vector<16xf32>
    %gt3A_1346 = arith.cmpf ogt, %get3A_1308, %gt3A_1345 : vector<16xf32>
    %jit3A_1347 = arith.constant 0.000000e+00 : f32
    %broadcast_in_dim3A_1348 = vector.broadcast %jit3A_1347 : f32 to vector<16xf32>
    %select_n3A_1349 = arith.select %gt3A_1346, %mul3A_1343, %broadcast_in_dim3A_1348 : vector<16xi1>, vector<16xf32>
    %swap3A_1350 = arith.constant 288 : index
    %swap3A_1351 = tpu.vector_load %arg15[%swap3A_1350] {strides = array<i32>} : memref<640xf32, #tpu.memory_space<vmem>>, vector<16xf32>,
    tpu.vector_store %arg15[%swap3A_1350], %select_n3A_1349 {strides = array<i32>} : memref<640xf32, #tpu.memory_space<vmem>>, vector<16xf32>,
    %get3A_1352 = arith.constant 304 : index
    %get3A_1353 = tpu.vector_load %arg15[%get3A_1352] {strides = array<i32>} : memref<640xf32, #tpu.memory_space<vmem>>, vector<16xf32>,
    %bitcast_convert_type3A_1354 = tpu.bitcast %get3A_1353 : vector<16xf32> -> vector<16xi32>
    %shift_right_arithmetic3A_1355 = arith.constant 1 : i32
    %shift_right_arithmetic3A_1356 = vector.broadcast %shift_right_arithmetic3A_1355 : i32 to vector<16xi32>
    %shift_right_arithmetic3A_1357 = arith.shrsi %bitcast_convert_type3A_1354, %shift_right_arithmetic3A_1356 : vector<16xi32>
    %sub3A_1358 = arith.constant 1597463007 : i32
    %sub3A_1359 = vector.broadcast %sub3A_1358 : i32 to vector<16xi32>
    %sub3A_1360 = arith.subi %sub3A_1359, %shift_right_arithmetic3A_1357 : vector<16xi32>
    %bitcast_convert_type3A_1361 = tpu.bitcast %sub3A_1360 : vector<16xi32> -> vector<16xf32>
    %mul3A_1362 = arith.constant 5.000000e-01 : f32
    %mul3A_1363 = vector.broadcast %mul3A_1362 : f32 to vector<16xf32>
    %mul3A_1364 = arith.mulf %mul3A_1363, %get3A_1353 : vector<16xf32>
    %mul3A_1365 = arith.mulf %mul3A_1364, %bitcast_convert_type3A_1361 : vector<16xf32>
    %mul3A_1366 = arith.mulf %mul3A_1365, %bitcast_convert_type3A_1361 : vector<16xf32>
    %sub3A_1367 = arith.constant 1.500000e+00 : f32
    %sub3A_1368 = vector.broadcast %sub3A_1367 : f32 to vector<16xf32>
    %sub3A_1369 = arith.subf %sub3A_1368, %mul3A_1366 : vector<16xf32>
    %mul3A_1370 = arith.mulf %bitcast_convert_type3A_1361, %sub3A_1369 : vector<16xf32>
    %mul3A_1371 = arith.constant 5.000000e-01 : f32
    %mul3A_1372 = vector.broadcast %mul3A_1371 : f32 to vector<16xf32>
    %mul3A_1373 = arith.mulf %mul3A_1372, %get3A_1353 : vector<16xf32>
    %mul3A_1374 = arith.mulf %mul3A_1373, %mul3A_1370 : vector<16xf32>
    %mul3A_1375 = arith.mulf %mul3A_1374, %mul3A_1370 : vector<16xf32>
    %sub3A_1376 = arith.constant 1.500000e+00 : f32
    %sub3A_1377 = vector.broadcast %sub3A_1376 : f32 to vector<16xf32>
    %sub3A_1378 = arith.subf %sub3A_1377, %mul3A_1375 : vector<16xf32>
    %mul3A_1379 = arith.mulf %mul3A_1370, %sub3A_1378 : vector<16xf32>
    %mul3A_1380 = arith.constant 5.000000e-01 : f32
    %mul3A_1381 = vector.broadcast %mul3A_1380 : f32 to vector<16xf32>
    %mul3A_1382 = arith.mulf %mul3A_1381, %get3A_1353 : vector<16xf32>
    %mul3A_1383 = arith.mulf %mul3A_1382, %mul3A_1379 : vector<16xf32>
    %mul3A_1384 = arith.mulf %mul3A_1383, %mul3A_1379 : vector<16xf32>
    %sub3A_1385 = arith.constant 1.500000e+00 : f32
    %sub3A_1386 = vector.broadcast %sub3A_1385 : f32 to vector<16xf32>
    %sub3A_1387 = arith.subf %sub3A_1386, %mul3A_1384 : vector<16xf32>
    %mul3A_1388 = arith.mulf %mul3A_1379, %sub3A_1387 : vector<16xf32>
    %gt3A_1389 = arith.constant 0.000000e+00 : f32
    %gt3A_1390 = vector.broadcast %gt3A_1389 : f32 to vector<16xf32>
    %gt3A_1391 = arith.cmpf ogt, %get3A_1353, %gt3A_1390 : vector<16xf32>
    %jit3A_1392 = arith.constant 0.000000e+00 : f32
    %broadcast_in_dim3A_1393 = vector.broadcast %jit3A_1392 : f32 to vector<16xf32>
    %select_n3A_1394 = arith.select %gt3A_1391, %mul3A_1388, %broadcast_in_dim3A_1393 : vector<16xi1>, vector<16xf32>
    %swap3A_1395 = arith.constant 304 : index
    %swap3A_1396 = tpu.vector_load %arg15[%swap3A_1395] {strides = array<i32>} : memref<640xf32, #tpu.memory_space<vmem>>, vector<16xf32>,
    tpu.vector_store %arg15[%swap3A_1395], %select_n3A_1394 {strides = array<i32>} : memref<640xf32, #tpu.memory_space<vmem>>, vector<16xf32>,
    %get3A_1397 = arith.constant 320 : index
    %get3A_1398 = tpu.vector_load %arg15[%get3A_1397] {strides = array<i32>} : memref<640xf32, #tpu.memory_space<vmem>>, vector<16xf32>,
    %bitcast_convert_type3A_1399 = tpu.bitcast %get3A_1398 : vector<16xf32> -> vector<16xi32>
    %shift_right_arithmetic3A_1400 = arith.constant 1 : i32
    %shift_right_arithmetic3A_1401 = vector.broadcast %shift_right_arithmetic3A_1400 : i32 to vector<16xi32>
    %shift_right_arithmetic3A_1402 = arith.shrsi %bitcast_convert_type3A_1399, %shift_right_arithmetic3A_1401 : vector<16xi32>
    %sub3A_1403 = arith.constant 1597463007 : i32
    %sub3A_1404 = vector.broadcast %sub3A_1403 : i32 to vector<16xi32>
    %sub3A_1405 = arith.subi %sub3A_1404, %shift_right_arithmetic3A_1402 : vector<16xi32>
    %bitcast_convert_type3A_1406 = tpu.bitcast %sub3A_1405 : vector<16xi32> -> vector<16xf32>
    %mul3A_1407 = arith.constant 5.000000e-01 : f32
    %mul3A_1408 = vector.broadcast %mul3A_1407 : f32 to vector<16xf32>
    %mul3A_1409 = arith.mulf %mul3A_1408, %get3A_1398 : vector<16xf32>
    %mul3A_1410 = arith.mulf %mul3A_1409, %bitcast_convert_type3A_1406 : vector<16xf32>
    %mul3A_1411 = arith.mulf %mul3A_1410, %bitcast_convert_type3A_1406 : vector<16xf32>
    %sub3A_1412 = arith.constant 1.500000e+00 : f32
    %sub3A_1413 = vector.broadcast %sub3A_1412 : f32 to vector<16xf32>
    %sub3A_1414 = arith.subf %sub3A_1413, %mul3A_1411 : vector<16xf32>
    %mul3A_1415 = arith.mulf %bitcast_convert_type3A_1406, %sub3A_1414 : vector<16xf32>
    %mul3A_1416 = arith.constant 5.000000e-01 : f32
    %mul3A_1417 = vector.broadcast %mul3A_1416 : f32 to vector<16xf32>
    %mul3A_1418 = arith.mulf %mul3A_1417, %get3A_1398 : vector<16xf32>
    %mul3A_1419 = arith.mulf %mul3A_1418, %mul3A_1415 : vector<16xf32>
    %mul3A_1420 = arith.mulf %mul3A_1419, %mul3A_1415 : vector<16xf32>
    %sub3A_1421 = arith.constant 1.500000e+00 : f32
    %sub3A_1422 = vector.broadcast %sub3A_1421 : f32 to vector<16xf32>
    %sub3A_1423 = arith.subf %sub3A_1422, %mul3A_1420 : vector<16xf32>
    %mul3A_1424 = arith.mulf %mul3A_1415, %sub3A_1423 : vector<16xf32>
    %mul3A_1425 = arith.constant 5.000000e-01 : f32
    %mul3A_1426 = vector.broadcast %mul3A_1425 : f32 to vector<16xf32>
    %mul3A_1427 = arith.mulf %mul3A_1426, %get3A_1398 : vector<16xf32>
    %mul3A_1428 = arith.mulf %mul3A_1427, %mul3A_1424 : vector<16xf32>
    %mul3A_1429 = arith.mulf %mul3A_1428, %mul3A_1424 : vector<16xf32>
    %sub3A_1430 = arith.constant 1.500000e+00 : f32
    %sub3A_1431 = vector.broadcast %sub3A_1430 : f32 to vector<16xf32>
    %sub3A_1432 = arith.subf %sub3A_1431, %mul3A_1429 : vector<16xf32>
    %mul3A_1433 = arith.mulf %mul3A_1424, %sub3A_1432 : vector<16xf32>
    %gt3A_1434 = arith.constant 0.000000e+00 : f32
    %gt3A_1435 = vector.broadcast %gt3A_1434 : f32 to vector<16xf32>
    %gt3A_1436 = arith.cmpf ogt, %get3A_1398, %gt3A_1435 : vector<16xf32>
    %jit3A_1437 = arith.constant 0.000000e+00 : f32
    %broadcast_in_dim3A_1438 = vector.broadcast %jit3A_1437 : f32 to vector<16xf32>
    %select_n3A_1439 = arith.select %gt3A_1436, %mul3A_1433, %broadcast_in_dim3A_1438 : vector<16xi1>, vector<16xf32>
    %swap3A_1440 = arith.constant 320 : index
    %swap3A_1441 = tpu.vector_load %arg15[%swap3A_1440] {strides = array<i32>} : memref<640xf32, #tpu.memory_space<vmem>>, vector<16xf32>,
    tpu.vector_store %arg15[%swap3A_1440], %select_n3A_1439 {strides = array<i32>} : memref<640xf32, #tpu.memory_space<vmem>>, vector<16xf32>,
    %get3A_1442 = arith.constant 336 : index
    %get3A_1443 = tpu.vector_load %arg15[%get3A_1442] {strides = array<i32>} : memref<640xf32, #tpu.memory_space<vmem>>, vector<16xf32>,
    %bitcast_convert_type3A_1444 = tpu.bitcast %get3A_1443 : vector<16xf32> -> vector<16xi32>
    %shift_right_arithmetic3A_1445 = arith.constant 1 : i32
    %shift_right_arithmetic3A_1446 = vector.broadcast %shift_right_arithmetic3A_1445 : i32 to vector<16xi32>
    %shift_right_arithmetic3A_1447 = arith.shrsi %bitcast_convert_type3A_1444, %shift_right_arithmetic3A_1446 : vector<16xi32>
    %sub3A_1448 = arith.constant 1597463007 : i32
    %sub3A_1449 = vector.broadcast %sub3A_1448 : i32 to vector<16xi32>
    %sub3A_1450 = arith.subi %sub3A_1449, %shift_right_arithmetic3A_1447 : vector<16xi32>
    %bitcast_convert_type3A_1451 = tpu.bitcast %sub3A_1450 : vector<16xi32> -> vector<16xf32>
    %mul3A_1452 = arith.constant 5.000000e-01 : f32
    %mul3A_1453 = vector.broadcast %mul3A_1452 : f32 to vector<16xf32>
    %mul3A_1454 = arith.mulf %mul3A_1453, %get3A_1443 : vector<16xf32>
    %mul3A_1455 = arith.mulf %mul3A_1454, %bitcast_convert_type3A_1451 : vector<16xf32>
    %mul3A_1456 = arith.mulf %mul3A_1455, %bitcast_convert_type3A_1451 : vector<16xf32>
    %sub3A_1457 = arith.constant 1.500000e+00 : f32
    %sub3A_1458 = vector.broadcast %sub3A_1457 : f32 to vector<16xf32>
    %sub3A_1459 = arith.subf %sub3A_1458, %mul3A_1456 : vector<16xf32>
    %mul3A_1460 = arith.mulf %bitcast_convert_type3A_1451, %sub3A_1459 : vector<16xf32>
    %mul3A_1461 = arith.constant 5.000000e-01 : f32
    %mul3A_1462 = vector.broadcast %mul3A_1461 : f32 to vector<16xf32>
    %mul3A_1463 = arith.mulf %mul3A_1462, %get3A_1443 : vector<16xf32>
    %mul3A_1464 = arith.mulf %mul3A_1463, %mul3A_1460 : vector<16xf32>
    %mul3A_1465 = arith.mulf %mul3A_1464, %mul3A_1460 : vector<16xf32>
    %sub3A_1466 = arith.constant 1.500000e+00 : f32
    %sub3A_1467 = vector.broadcast %sub3A_1466 : f32 to vector<16xf32>
    %sub3A_1468 = arith.subf %sub3A_1467, %mul3A_1465 : vector<16xf32>
    %mul3A_1469 = arith.mulf %mul3A_1460, %sub3A_1468 : vector<16xf32>
    %mul3A_1470 = arith.constant 5.000000e-01 : f32
    %mul3A_1471 = vector.broadcast %mul3A_1470 : f32 to vector<16xf32>
    %mul3A_1472 = arith.mulf %mul3A_1471, %get3A_1443 : vector<16xf32>
    %mul3A_1473 = arith.mulf %mul3A_1472, %mul3A_1469 : vector<16xf32>
    %mul3A_1474 = arith.mulf %mul3A_1473, %mul3A_1469 : vector<16xf32>
    %sub3A_1475 = arith.constant 1.500000e+00 : f32
    %sub3A_1476 = vector.broadcast %sub3A_1475 : f32 to vector<16xf32>
    %sub3A_1477 = arith.subf %sub3A_1476, %mul3A_1474 : vector<16xf32>
    %mul3A_1478 = arith.mulf %mul3A_1469, %sub3A_1477 : vector<16xf32>
    %gt3A_1479 = arith.constant 0.000000e+00 : f32
    %gt3A_1480 = vector.broadcast %gt3A_1479 : f32 to vector<16xf32>
    %gt3A_1481 = arith.cmpf ogt, %get3A_1443, %gt3A_1480 : vector<16xf32>
    %jit3A_1482 = arith.constant 0.000000e+00 : f32
    %broadcast_in_dim3A_1483 = vector.broadcast %jit3A_1482 : f32 to vector<16xf32>
    %select_n3A_1484 = arith.select %gt3A_1481, %mul3A_1478, %broadcast_in_dim3A_1483 : vector<16xi1>, vector<16xf32>
    %swap3A_1485 = arith.constant 336 : index
    %swap3A_1486 = tpu.vector_load %arg15[%swap3A_1485] {strides = array<i32>} : memref<640xf32, #tpu.memory_space<vmem>>, vector<16xf32>,
    tpu.vector_store %arg15[%swap3A_1485], %select_n3A_1484 {strides = array<i32>} : memref<640xf32, #tpu.memory_space<vmem>>, vector<16xf32>,
    %get3A_1487 = arith.constant 352 : index
    %get3A_1488 = tpu.vector_load %arg15[%get3A_1487] {strides = array<i32>} : memref<640xf32, #tpu.memory_space<vmem>>, vector<16xf32>,
    %bitcast_convert_type3A_1489 = tpu.bitcast %get3A_1488 : vector<16xf32> -> vector<16xi32>
    %shift_right_arithmetic3A_1490 = arith.constant 1 : i32
    %shift_right_arithmetic3A_1491 = vector.broadcast %shift_right_arithmetic3A_1490 : i32 to vector<16xi32>
    %shift_right_arithmetic3A_1492 = arith.shrsi %bitcast_convert_type3A_1489, %shift_right_arithmetic3A_1491 : vector<16xi32>
    %sub3A_1493 = arith.constant 1597463007 : i32
    %sub3A_1494 = vector.broadcast %sub3A_1493 : i32 to vector<16xi32>
    %sub3A_1495 = arith.subi %sub3A_1494, %shift_right_arithmetic3A_1492 : vector<16xi32>
    %bitcast_convert_type3A_1496 = tpu.bitcast %sub3A_1495 : vector<16xi32> -> vector<16xf32>
    %mul3A_1497 = arith.constant 5.000000e-01 : f32
    %mul3A_1498 = vector.broadcast %mul3A_1497 : f32 to vector<16xf32>
    %mul3A_1499 = arith.mulf %mul3A_1498, %get3A_1488 : vector<16xf32>
    %mul3A_1500 = arith.mulf %mul3A_1499, %bitcast_convert_type3A_1496 : vector<16xf32>
    %mul3A_1501 = arith.mulf %mul3A_1500, %bitcast_convert_type3A_1496 : vector<16xf32>
    %sub3A_1502 = arith.constant 1.500000e+00 : f32
    %sub3A_1503 = vector.broadcast %sub3A_1502 : f32 to vector<16xf32>
    %sub3A_1504 = arith.subf %sub3A_1503, %mul3A_1501 : vector<16xf32>
    %mul3A_1505 = arith.mulf %bitcast_convert_type3A_1496, %sub3A_1504 : vector<16xf32>
    %mul3A_1506 = arith.constant 5.000000e-01 : f32
    %mul3A_1507 = vector.broadcast %mul3A_1506 : f32 to vector<16xf32>
    %mul3A_1508 = arith.mulf %mul3A_1507, %get3A_1488 : vector<16xf32>
    %mul3A_1509 = arith.mulf %mul3A_1508, %mul3A_1505 : vector<16xf32>
    %mul3A_1510 = arith.mulf %mul3A_1509, %mul3A_1505 : vector<16xf32>
    %sub3A_1511 = arith.constant 1.500000e+00 : f32
    %sub3A_1512 = vector.broadcast %sub3A_1511 : f32 to vector<16xf32>
    %sub3A_1513 = arith.subf %sub3A_1512, %mul3A_1510 : vector<16xf32>
    %mul3A_1514 = arith.mulf %mul3A_1505, %sub3A_1513 : vector<16xf32>
    %mul3A_1515 = arith.constant 5.000000e-01 : f32
    %mul3A_1516 = vector.broadcast %mul3A_1515 : f32 to vector<16xf32>
    %mul3A_1517 = arith.mulf %mul3A_1516, %get3A_1488 : vector<16xf32>
    %mul3A_1518 = arith.mulf %mul3A_1517, %mul3A_1514 : vector<16xf32>
    %mul3A_1519 = arith.mulf %mul3A_1518, %mul3A_1514 : vector<16xf32>
    %sub3A_1520 = arith.constant 1.500000e+00 : f32
    %sub3A_1521 = vector.broadcast %sub3A_1520 : f32 to vector<16xf32>
    %sub3A_1522 = arith.subf %sub3A_1521, %mul3A_1519 : vector<16xf32>
    %mul3A_1523 = arith.mulf %mul3A_1514, %sub3A_1522 : vector<16xf32>
    %gt3A_1524 = arith.constant 0.000000e+00 : f32
    %gt3A_1525 = vector.broadcast %gt3A_1524 : f32 to vector<16xf32>
    %gt3A_1526 = arith.cmpf ogt, %get3A_1488, %gt3A_1525 : vector<16xf32>
    %jit3A_1527 = arith.constant 0.000000e+00 : f32
    %broadcast_in_dim3A_1528 = vector.broadcast %jit3A_1527 : f32 to vector<16xf32>
    %select_n3A_1529 = arith.select %gt3A_1526, %mul3A_1523, %broadcast_in_dim3A_1528 : vector<16xi1>, vector<16xf32>
    %swap3A_1530 = arith.constant 352 : index
    %swap3A_1531 = tpu.vector_load %arg15[%swap3A_1530] {strides = array<i32>} : memref<640xf32, #tpu.memory_space<vmem>>, vector<16xf32>,
    tpu.vector_store %arg15[%swap3A_1530], %select_n3A_1529 {strides = array<i32>} : memref<640xf32, #tpu.memory_space<vmem>>, vector<16xf32>,
    %get3A_1532 = arith.constant 368 : index
    %get3A_1533 = tpu.vector_load %arg15[%get3A_1532] {strides = array<i32>} : memref<640xf32, #tpu.memory_space<vmem>>, vector<16xf32>,
    %bitcast_convert_type3A_1534 = tpu.bitcast %get3A_1533 : vector<16xf32> -> vector<16xi32>
    %shift_right_arithmetic3A_1535 = arith.constant 1 : i32
    %shift_right_arithmetic3A_1536 = vector.broadcast %shift_right_arithmetic3A_1535 : i32 to vector<16xi32>
    %shift_right_arithmetic3A_1537 = arith.shrsi %bitcast_convert_type3A_1534, %shift_right_arithmetic3A_1536 : vector<16xi32>
    %sub3A_1538 = arith.constant 1597463007 : i32
    %sub3A_1539 = vector.broadcast %sub3A_1538 : i32 to vector<16xi32>
    %sub3A_1540 = arith.subi %sub3A_1539, %shift_right_arithmetic3A_1537 : vector<16xi32>
    %bitcast_convert_type3A_1541 = tpu.bitcast %sub3A_1540 : vector<16xi32> -> vector<16xf32>
    %mul3A_1542 = arith.constant 5.000000e-01 : f32
    %mul3A_1543 = vector.broadcast %mul3A_1542 : f32 to vector<16xf32>
    %mul3A_1544 = arith.mulf %mul3A_1543, %get3A_1533 : vector<16xf32>
    %mul3A_1545 = arith.mulf %mul3A_1544, %bitcast_convert_type3A_1541 : vector<16xf32>
    %mul3A_1546 = arith.mulf %mul3A_1545, %bitcast_convert_type3A_1541 : vector<16xf32>
    %sub3A_1547 = arith.constant 1.500000e+00 : f32
    %sub3A_1548 = vector.broadcast %sub3A_1547 : f32 to vector<16xf32>
    %sub3A_1549 = arith.subf %sub3A_1548, %mul3A_1546 : vector<16xf32>
    %mul3A_1550 = arith.mulf %bitcast_convert_type3A_1541, %sub3A_1549 : vector<16xf32>
    %mul3A_1551 = arith.constant 5.000000e-01 : f32
    %mul3A_1552 = vector.broadcast %mul3A_1551 : f32 to vector<16xf32>
    %mul3A_1553 = arith.mulf %mul3A_1552, %get3A_1533 : vector<16xf32>
    %mul3A_1554 = arith.mulf %mul3A_1553, %mul3A_1550 : vector<16xf32>
    %mul3A_1555 = arith.mulf %mul3A_1554, %mul3A_1550 : vector<16xf32>
    %sub3A_1556 = arith.constant 1.500000e+00 : f32
    %sub3A_1557 = vector.broadcast %sub3A_1556 : f32 to vector<16xf32>
    %sub3A_1558 = arith.subf %sub3A_1557, %mul3A_1555 : vector<16xf32>
    %mul3A_1559 = arith.mulf %mul3A_1550, %sub3A_1558 : vector<16xf32>
    %mul3A_1560 = arith.constant 5.000000e-01 : f32
    %mul3A_1561 = vector.broadcast %mul3A_1560 : f32 to vector<16xf32>
    %mul3A_1562 = arith.mulf %mul3A_1561, %get3A_1533 : vector<16xf32>
    %mul3A_1563 = arith.mulf %mul3A_1562, %mul3A_1559 : vector<16xf32>
    %mul3A_1564 = arith.mulf %mul3A_1563, %mul3A_1559 : vector<16xf32>
    %sub3A_1565 = arith.constant 1.500000e+00 : f32
    %sub3A_1566 = vector.broadcast %sub3A_1565 : f32 to vector<16xf32>
    %sub3A_1567 = arith.subf %sub3A_1566, %mul3A_1564 : vector<16xf32>
    %mul3A_1568 = arith.mulf %mul3A_1559, %sub3A_1567 : vector<16xf32>
    %gt3A_1569 = arith.constant 0.000000e+00 : f32
    %gt3A_1570 = vector.broadcast %gt3A_1569 : f32 to vector<16xf32>
    %gt3A_1571 = arith.cmpf ogt, %get3A_1533, %gt3A_1570 : vector<16xf32>
    %jit3A_1572 = arith.constant 0.000000e+00 : f32
    %broadcast_in_dim3A_1573 = vector.broadcast %jit3A_1572 : f32 to vector<16xf32>
    %select_n3A_1574 = arith.select %gt3A_1571, %mul3A_1568, %broadcast_in_dim3A_1573 : vector<16xi1>, vector<16xf32>
    %swap3A_1575 = arith.constant 368 : index
    %swap3A_1576 = tpu.vector_load %arg15[%swap3A_1575] {strides = array<i32>} : memref<640xf32, #tpu.memory_space<vmem>>, vector<16xf32>,
    tpu.vector_store %arg15[%swap3A_1575], %select_n3A_1574 {strides = array<i32>} : memref<640xf32, #tpu.memory_space<vmem>>, vector<16xf32>,
    %get3A_1577 = arith.constant 384 : index
    %get3A_1578 = tpu.vector_load %arg15[%get3A_1577] {strides = array<i32>} : memref<640xf32, #tpu.memory_space<vmem>>, vector<16xf32>,
    %bitcast_convert_type3A_1579 = tpu.bitcast %get3A_1578 : vector<16xf32> -> vector<16xi32>
    %shift_right_arithmetic3A_1580 = arith.constant 1 : i32
    %shift_right_arithmetic3A_1581 = vector.broadcast %shift_right_arithmetic3A_1580 : i32 to vector<16xi32>
    %shift_right_arithmetic3A_1582 = arith.shrsi %bitcast_convert_type3A_1579, %shift_right_arithmetic3A_1581 : vector<16xi32>
    %sub3A_1583 = arith.constant 1597463007 : i32
    %sub3A_1584 = vector.broadcast %sub3A_1583 : i32 to vector<16xi32>
    %sub3A_1585 = arith.subi %sub3A_1584, %shift_right_arithmetic3A_1582 : vector<16xi32>
    %bitcast_convert_type3A_1586 = tpu.bitcast %sub3A_1585 : vector<16xi32> -> vector<16xf32>
    %mul3A_1587 = arith.constant 5.000000e-01 : f32
    %mul3A_1588 = vector.broadcast %mul3A_1587 : f32 to vector<16xf32>
    %mul3A_1589 = arith.mulf %mul3A_1588, %get3A_1578 : vector<16xf32>
    %mul3A_1590 = arith.mulf %mul3A_1589, %bitcast_convert_type3A_1586 : vector<16xf32>
    %mul3A_1591 = arith.mulf %mul3A_1590, %bitcast_convert_type3A_1586 : vector<16xf32>
    %sub3A_1592 = arith.constant 1.500000e+00 : f32
    %sub3A_1593 = vector.broadcast %sub3A_1592 : f32 to vector<16xf32>
    %sub3A_1594 = arith.subf %sub3A_1593, %mul3A_1591 : vector<16xf32>
    %mul3A_1595 = arith.mulf %bitcast_convert_type3A_1586, %sub3A_1594 : vector<16xf32>
    %mul3A_1596 = arith.constant 5.000000e-01 : f32
    %mul3A_1597 = vector.broadcast %mul3A_1596 : f32 to vector<16xf32>
    %mul3A_1598 = arith.mulf %mul3A_1597, %get3A_1578 : vector<16xf32>
    %mul3A_1599 = arith.mulf %mul3A_1598, %mul3A_1595 : vector<16xf32>
    %mul3A_1600 = arith.mulf %mul3A_1599, %mul3A_1595 : vector<16xf32>
    %sub3A_1601 = arith.constant 1.500000e+00 : f32
    %sub3A_1602 = vector.broadcast %sub3A_1601 : f32 to vector<16xf32>
    %sub3A_1603 = arith.subf %sub3A_1602, %mul3A_1600 : vector<16xf32>
    %mul3A_1604 = arith.mulf %mul3A_1595, %sub3A_1603 : vector<16xf32>
    %mul3A_1605 = arith.constant 5.000000e-01 : f32
    %mul3A_1606 = vector.broadcast %mul3A_1605 : f32 to vector<16xf32>
    %mul3A_1607 = arith.mulf %mul3A_1606, %get3A_1578 : vector<16xf32>
    %mul3A_1608 = arith.mulf %mul3A_1607, %mul3A_1604 : vector<16xf32>
    %mul3A_1609 = arith.mulf %mul3A_1608, %mul3A_1604 : vector<16xf32>
    %sub3A_1610 = arith.constant 1.500000e+00 : f32
    %sub3A_1611 = vector.broadcast %sub3A_1610 : f32 to vector<16xf32>
    %sub3A_1612 = arith.subf %sub3A_1611, %mul3A_1609 : vector<16xf32>
    %mul3A_1613 = arith.mulf %mul3A_1604, %sub3A_1612 : vector<16xf32>
    %gt3A_1614 = arith.constant 0.000000e+00 : f32
    %gt3A_1615 = vector.broadcast %gt3A_1614 : f32 to vector<16xf32>
    %gt3A_1616 = arith.cmpf ogt, %get3A_1578, %gt3A_1615 : vector<16xf32>
    %jit3A_1617 = arith.constant 0.000000e+00 : f32
    %broadcast_in_dim3A_1618 = vector.broadcast %jit3A_1617 : f32 to vector<16xf32>
    %select_n3A_1619 = arith.select %gt3A_1616, %mul3A_1613, %broadcast_in_dim3A_1618 : vector<16xi1>, vector<16xf32>
    %swap3A_1620 = arith.constant 384 : index
    %swap3A_1621 = tpu.vector_load %arg15[%swap3A_1620] {strides = array<i32>} : memref<640xf32, #tpu.memory_space<vmem>>, vector<16xf32>,
    tpu.vector_store %arg15[%swap3A_1620], %select_n3A_1619 {strides = array<i32>} : memref<640xf32, #tpu.memory_space<vmem>>, vector<16xf32>,
    %get3A_1622 = arith.constant 400 : index
    %get3A_1623 = tpu.vector_load %arg15[%get3A_1622] {strides = array<i32>} : memref<640xf32, #tpu.memory_space<vmem>>, vector<16xf32>,
    %bitcast_convert_type3A_1624 = tpu.bitcast %get3A_1623 : vector<16xf32> -> vector<16xi32>
    %shift_right_arithmetic3A_1625 = arith.constant 1 : i32
    %shift_right_arithmetic3A_1626 = vector.broadcast %shift_right_arithmetic3A_1625 : i32 to vector<16xi32>
    %shift_right_arithmetic3A_1627 = arith.shrsi %bitcast_convert_type3A_1624, %shift_right_arithmetic3A_1626 : vector<16xi32>
    %sub3A_1628 = arith.constant 1597463007 : i32
    %sub3A_1629 = vector.broadcast %sub3A_1628 : i32 to vector<16xi32>
    %sub3A_1630 = arith.subi %sub3A_1629, %shift_right_arithmetic3A_1627 : vector<16xi32>
    %bitcast_convert_type3A_1631 = tpu.bitcast %sub3A_1630 : vector<16xi32> -> vector<16xf32>
    %mul3A_1632 = arith.constant 5.000000e-01 : f32
    %mul3A_1633 = vector.broadcast %mul3A_1632 : f32 to vector<16xf32>
    %mul3A_1634 = arith.mulf %mul3A_1633, %get3A_1623 : vector<16xf32>
    %mul3A_1635 = arith.mulf %mul3A_1634, %bitcast_convert_type3A_1631 : vector<16xf32>
    %mul3A_1636 = arith.mulf %mul3A_1635, %bitcast_convert_type3A_1631 : vector<16xf32>
    %sub3A_1637 = arith.constant 1.500000e+00 : f32
    %sub3A_1638 = vector.broadcast %sub3A_1637 : f32 to vector<16xf32>
    %sub3A_1639 = arith.subf %sub3A_1638, %mul3A_1636 : vector<16xf32>
    %mul3A_1640 = arith.mulf %bitcast_convert_type3A_1631, %sub3A_1639 : vector<16xf32>
    %mul3A_1641 = arith.constant 5.000000e-01 : f32
    %mul3A_1642 = vector.broadcast %mul3A_1641 : f32 to vector<16xf32>
    %mul3A_1643 = arith.mulf %mul3A_1642, %get3A_1623 : vector<16xf32>
    %mul3A_1644 = arith.mulf %mul3A_1643, %mul3A_1640 : vector<16xf32>
    %mul3A_1645 = arith.mulf %mul3A_1644, %mul3A_1640 : vector<16xf32>
    %sub3A_1646 = arith.constant 1.500000e+00 : f32
    %sub3A_1647 = vector.broadcast %sub3A_1646 : f32 to vector<16xf32>
    %sub3A_1648 = arith.subf %sub3A_1647, %mul3A_1645 : vector<16xf32>
    %mul3A_1649 = arith.mulf %mul3A_1640, %sub3A_1648 : vector<16xf32>
    %mul3A_1650 = arith.constant 5.000000e-01 : f32
    %mul3A_1651 = vector.broadcast %mul3A_1650 : f32 to vector<16xf32>
    %mul3A_1652 = arith.mulf %mul3A_1651, %get3A_1623 : vector<16xf32>
    %mul3A_1653 = arith.mulf %mul3A_1652, %mul3A_1649 : vector<16xf32>
    %mul3A_1654 = arith.mulf %mul3A_1653, %mul3A_1649 : vector<16xf32>
    %sub3A_1655 = arith.constant 1.500000e+00 : f32
    %sub3A_1656 = vector.broadcast %sub3A_1655 : f32 to vector<16xf32>
    %sub3A_1657 = arith.subf %sub3A_1656, %mul3A_1654 : vector<16xf32>
    %mul3A_1658 = arith.mulf %mul3A_1649, %sub3A_1657 : vector<16xf32>
    %gt3A_1659 = arith.constant 0.000000e+00 : f32
    %gt3A_1660 = vector.broadcast %gt3A_1659 : f32 to vector<16xf32>
    %gt3A_1661 = arith.cmpf ogt, %get3A_1623, %gt3A_1660 : vector<16xf32>
    %jit3A_1662 = arith.constant 0.000000e+00 : f32
    %broadcast_in_dim3A_1663 = vector.broadcast %jit3A_1662 : f32 to vector<16xf32>
    %select_n3A_1664 = arith.select %gt3A_1661, %mul3A_1658, %broadcast_in_dim3A_1663 : vector<16xi1>, vector<16xf32>
    %swap3A_1665 = arith.constant 400 : index
    %swap3A_1666 = tpu.vector_load %arg15[%swap3A_1665] {strides = array<i32>} : memref<640xf32, #tpu.memory_space<vmem>>, vector<16xf32>,
    tpu.vector_store %arg15[%swap3A_1665], %select_n3A_1664 {strides = array<i32>} : memref<640xf32, #tpu.memory_space<vmem>>, vector<16xf32>,
    %get3A_1667 = arith.constant 416 : index
    %get3A_1668 = tpu.vector_load %arg15[%get3A_1667] {strides = array<i32>} : memref<640xf32, #tpu.memory_space<vmem>>, vector<16xf32>,
    %bitcast_convert_type3A_1669 = tpu.bitcast %get3A_1668 : vector<16xf32> -> vector<16xi32>
    %shift_right_arithmetic3A_1670 = arith.constant 1 : i32
    %shift_right_arithmetic3A_1671 = vector.broadcast %shift_right_arithmetic3A_1670 : i32 to vector<16xi32>
    %shift_right_arithmetic3A_1672 = arith.shrsi %bitcast_convert_type3A_1669, %shift_right_arithmetic3A_1671 : vector<16xi32>
    %sub3A_1673 = arith.constant 1597463007 : i32
    %sub3A_1674 = vector.broadcast %sub3A_1673 : i32 to vector<16xi32>
    %sub3A_1675 = arith.subi %sub3A_1674, %shift_right_arithmetic3A_1672 : vector<16xi32>
    %bitcast_convert_type3A_1676 = tpu.bitcast %sub3A_1675 : vector<16xi32> -> vector<16xf32>
    %mul3A_1677 = arith.constant 5.000000e-01 : f32
    %mul3A_1678 = vector.broadcast %mul3A_1677 : f32 to vector<16xf32>
    %mul3A_1679 = arith.mulf %mul3A_1678, %get3A_1668 : vector<16xf32>
    %mul3A_1680 = arith.mulf %mul3A_1679, %bitcast_convert_type3A_1676 : vector<16xf32>
    %mul3A_1681 = arith.mulf %mul3A_1680, %bitcast_convert_type3A_1676 : vector<16xf32>
    %sub3A_1682 = arith.constant 1.500000e+00 : f32
    %sub3A_1683 = vector.broadcast %sub3A_1682 : f32 to vector<16xf32>
    %sub3A_1684 = arith.subf %sub3A_1683, %mul3A_1681 : vector<16xf32>
    %mul3A_1685 = arith.mulf %bitcast_convert_type3A_1676, %sub3A_1684 : vector<16xf32>
    %mul3A_1686 = arith.constant 5.000000e-01 : f32
    %mul3A_1687 = vector.broadcast %mul3A_1686 : f32 to vector<16xf32>
    %mul3A_1688 = arith.mulf %mul3A_1687, %get3A_1668 : vector<16xf32>
    %mul3A_1689 = arith.mulf %mul3A_1688, %mul3A_1685 : vector<16xf32>
    %mul3A_1690 = arith.mulf %mul3A_1689, %mul3A_1685 : vector<16xf32>
    %sub3A_1691 = arith.constant 1.500000e+00 : f32
    %sub3A_1692 = vector.broadcast %sub3A_1691 : f32 to vector<16xf32>
    %sub3A_1693 = arith.subf %sub3A_1692, %mul3A_1690 : vector<16xf32>
    %mul3A_1694 = arith.mulf %mul3A_1685, %sub3A_1693 : vector<16xf32>
    %mul3A_1695 = arith.constant 5.000000e-01 : f32
    %mul3A_1696 = vector.broadcast %mul3A_1695 : f32 to vector<16xf32>
    %mul3A_1697 = arith.mulf %mul3A_1696, %get3A_1668 : vector<16xf32>
    %mul3A_1698 = arith.mulf %mul3A_1697, %mul3A_1694 : vector<16xf32>
    %mul3A_1699 = arith.mulf %mul3A_1698, %mul3A_1694 : vector<16xf32>
    %sub3A_1700 = arith.constant 1.500000e+00 : f32
    %sub3A_1701 = vector.broadcast %sub3A_1700 : f32 to vector<16xf32>
    %sub3A_1702 = arith.subf %sub3A_1701, %mul3A_1699 : vector<16xf32>
    %mul3A_1703 = arith.mulf %mul3A_1694, %sub3A_1702 : vector<16xf32>
    %gt3A_1704 = arith.constant 0.000000e+00 : f32
    %gt3A_1705 = vector.broadcast %gt3A_1704 : f32 to vector<16xf32>
    %gt3A_1706 = arith.cmpf ogt, %get3A_1668, %gt3A_1705 : vector<16xf32>
    %jit3A_1707 = arith.constant 0.000000e+00 : f32
    %broadcast_in_dim3A_1708 = vector.broadcast %jit3A_1707 : f32 to vector<16xf32>
    %select_n3A_1709 = arith.select %gt3A_1706, %mul3A_1703, %broadcast_in_dim3A_1708 : vector<16xi1>, vector<16xf32>
    %swap3A_1710 = arith.constant 416 : index
    %swap3A_1711 = tpu.vector_load %arg15[%swap3A_1710] {strides = array<i32>} : memref<640xf32, #tpu.memory_space<vmem>>, vector<16xf32>,
    tpu.vector_store %arg15[%swap3A_1710], %select_n3A_1709 {strides = array<i32>} : memref<640xf32, #tpu.memory_space<vmem>>, vector<16xf32>,
    %get3A_1712 = arith.constant 432 : index
    %get3A_1713 = tpu.vector_load %arg15[%get3A_1712] {strides = array<i32>} : memref<640xf32, #tpu.memory_space<vmem>>, vector<16xf32>,
    %bitcast_convert_type3A_1714 = tpu.bitcast %get3A_1713 : vector<16xf32> -> vector<16xi32>
    %shift_right_arithmetic3A_1715 = arith.constant 1 : i32
    %shift_right_arithmetic3A_1716 = vector.broadcast %shift_right_arithmetic3A_1715 : i32 to vector<16xi32>
    %shift_right_arithmetic3A_1717 = arith.shrsi %bitcast_convert_type3A_1714, %shift_right_arithmetic3A_1716 : vector<16xi32>
    %sub3A_1718 = arith.constant 1597463007 : i32
    %sub3A_1719 = vector.broadcast %sub3A_1718 : i32 to vector<16xi32>
    %sub3A_1720 = arith.subi %sub3A_1719, %shift_right_arithmetic3A_1717 : vector<16xi32>
    %bitcast_convert_type3A_1721 = tpu.bitcast %sub3A_1720 : vector<16xi32> -> vector<16xf32>
    %mul3A_1722 = arith.constant 5.000000e-01 : f32
    %mul3A_1723 = vector.broadcast %mul3A_1722 : f32 to vector<16xf32>
    %mul3A_1724 = arith.mulf %mul3A_1723, %get3A_1713 : vector<16xf32>
    %mul3A_1725 = arith.mulf %mul3A_1724, %bitcast_convert_type3A_1721 : vector<16xf32>
    %mul3A_1726 = arith.mulf %mul3A_1725, %bitcast_convert_type3A_1721 : vector<16xf32>
    %sub3A_1727 = arith.constant 1.500000e+00 : f32
    %sub3A_1728 = vector.broadcast %sub3A_1727 : f32 to vector<16xf32>
    %sub3A_1729 = arith.subf %sub3A_1728, %mul3A_1726 : vector<16xf32>
    %mul3A_1730 = arith.mulf %bitcast_convert_type3A_1721, %sub3A_1729 : vector<16xf32>
    %mul3A_1731 = arith.constant 5.000000e-01 : f32
    %mul3A_1732 = vector.broadcast %mul3A_1731 : f32 to vector<16xf32>
    %mul3A_1733 = arith.mulf %mul3A_1732, %get3A_1713 : vector<16xf32>
    %mul3A_1734 = arith.mulf %mul3A_1733, %mul3A_1730 : vector<16xf32>
    %mul3A_1735 = arith.mulf %mul3A_1734, %mul3A_1730 : vector<16xf32>
    %sub3A_1736 = arith.constant 1.500000e+00 : f32
    %sub3A_1737 = vector.broadcast %sub3A_1736 : f32 to vector<16xf32>
    %sub3A_1738 = arith.subf %sub3A_1737, %mul3A_1735 : vector<16xf32>
    %mul3A_1739 = arith.mulf %mul3A_1730, %sub3A_1738 : vector<16xf32>
    %mul3A_1740 = arith.constant 5.000000e-01 : f32
    %mul3A_1741 = vector.broadcast %mul3A_1740 : f32 to vector<16xf32>
    %mul3A_1742 = arith.mulf %mul3A_1741, %get3A_1713 : vector<16xf32>
    %mul3A_1743 = arith.mulf %mul3A_1742, %mul3A_1739 : vector<16xf32>
    %mul3A_1744 = arith.mulf %mul3A_1743, %mul3A_1739 : vector<16xf32>
    %sub3A_1745 = arith.constant 1.500000e+00 : f32
    %sub3A_1746 = vector.broadcast %sub3A_1745 : f32 to vector<16xf32>
    %sub3A_1747 = arith.subf %sub3A_1746, %mul3A_1744 : vector<16xf32>
    %mul3A_1748 = arith.mulf %mul3A_1739, %sub3A_1747 : vector<16xf32>
    %gt3A_1749 = arith.constant 0.000000e+00 : f32
    %gt3A_1750 = vector.broadcast %gt3A_1749 : f32 to vector<16xf32>
    %gt3A_1751 = arith.cmpf ogt, %get3A_1713, %gt3A_1750 : vector<16xf32>
    %jit3A_1752 = arith.constant 0.000000e+00 : f32
    %broadcast_in_dim3A_1753 = vector.broadcast %jit3A_1752 : f32 to vector<16xf32>
    %select_n3A_1754 = arith.select %gt3A_1751, %mul3A_1748, %broadcast_in_dim3A_1753 : vector<16xi1>, vector<16xf32>
    %swap3A_1755 = arith.constant 432 : index
    %swap3A_1756 = tpu.vector_load %arg15[%swap3A_1755] {strides = array<i32>} : memref<640xf32, #tpu.memory_space<vmem>>, vector<16xf32>,
    tpu.vector_store %arg15[%swap3A_1755], %select_n3A_1754 {strides = array<i32>} : memref<640xf32, #tpu.memory_space<vmem>>, vector<16xf32>,
    %get3A_1757 = arith.constant 448 : index
    %get3A_1758 = tpu.vector_load %arg15[%get3A_1757] {strides = array<i32>} : memref<640xf32, #tpu.memory_space<vmem>>, vector<16xf32>,
    %bitcast_convert_type3A_1759 = tpu.bitcast %get3A_1758 : vector<16xf32> -> vector<16xi32>
    %shift_right_arithmetic3A_1760 = arith.constant 1 : i32
    %shift_right_arithmetic3A_1761 = vector.broadcast %shift_right_arithmetic3A_1760 : i32 to vector<16xi32>
    %shift_right_arithmetic3A_1762 = arith.shrsi %bitcast_convert_type3A_1759, %shift_right_arithmetic3A_1761 : vector<16xi32>
    %sub3A_1763 = arith.constant 1597463007 : i32
    %sub3A_1764 = vector.broadcast %sub3A_1763 : i32 to vector<16xi32>
    %sub3A_1765 = arith.subi %sub3A_1764, %shift_right_arithmetic3A_1762 : vector<16xi32>
    %bitcast_convert_type3A_1766 = tpu.bitcast %sub3A_1765 : vector<16xi32> -> vector<16xf32>
    %mul3A_1767 = arith.constant 5.000000e-01 : f32
    %mul3A_1768 = vector.broadcast %mul3A_1767 : f32 to vector<16xf32>
    %mul3A_1769 = arith.mulf %mul3A_1768, %get3A_1758 : vector<16xf32>
    %mul3A_1770 = arith.mulf %mul3A_1769, %bitcast_convert_type3A_1766 : vector<16xf32>
    %mul3A_1771 = arith.mulf %mul3A_1770, %bitcast_convert_type3A_1766 : vector<16xf32>
    %sub3A_1772 = arith.constant 1.500000e+00 : f32
    %sub3A_1773 = vector.broadcast %sub3A_1772 : f32 to vector<16xf32>
    %sub3A_1774 = arith.subf %sub3A_1773, %mul3A_1771 : vector<16xf32>
    %mul3A_1775 = arith.mulf %bitcast_convert_type3A_1766, %sub3A_1774 : vector<16xf32>
    %mul3A_1776 = arith.constant 5.000000e-01 : f32
    %mul3A_1777 = vector.broadcast %mul3A_1776 : f32 to vector<16xf32>
    %mul3A_1778 = arith.mulf %mul3A_1777, %get3A_1758 : vector<16xf32>
    %mul3A_1779 = arith.mulf %mul3A_1778, %mul3A_1775 : vector<16xf32>
    %mul3A_1780 = arith.mulf %mul3A_1779, %mul3A_1775 : vector<16xf32>
    %sub3A_1781 = arith.constant 1.500000e+00 : f32
    %sub3A_1782 = vector.broadcast %sub3A_1781 : f32 to vector<16xf32>
    %sub3A_1783 = arith.subf %sub3A_1782, %mul3A_1780 : vector<16xf32>
    %mul3A_1784 = arith.mulf %mul3A_1775, %sub3A_1783 : vector<16xf32>
    %mul3A_1785 = arith.constant 5.000000e-01 : f32
    %mul3A_1786 = vector.broadcast %mul3A_1785 : f32 to vector<16xf32>
    %mul3A_1787 = arith.mulf %mul3A_1786, %get3A_1758 : vector<16xf32>
    %mul3A_1788 = arith.mulf %mul3A_1787, %mul3A_1784 : vector<16xf32>
    %mul3A_1789 = arith.mulf %mul3A_1788, %mul3A_1784 : vector<16xf32>
    %sub3A_1790 = arith.constant 1.500000e+00 : f32
    %sub3A_1791 = vector.broadcast %sub3A_1790 : f32 to vector<16xf32>
    %sub3A_1792 = arith.subf %sub3A_1791, %mul3A_1789 : vector<16xf32>
    %mul3A_1793 = arith.mulf %mul3A_1784, %sub3A_1792 : vector<16xf32>
    %gt3A_1794 = arith.constant 0.000000e+00 : f32
    %gt3A_1795 = vector.broadcast %gt3A_1794 : f32 to vector<16xf32>
    %gt3A_1796 = arith.cmpf ogt, %get3A_1758, %gt3A_1795 : vector<16xf32>
    %jit3A_1797 = arith.constant 0.000000e+00 : f32
    %broadcast_in_dim3A_1798 = vector.broadcast %jit3A_1797 : f32 to vector<16xf32>
    %select_n3A_1799 = arith.select %gt3A_1796, %mul3A_1793, %broadcast_in_dim3A_1798 : vector<16xi1>, vector<16xf32>
    %swap3A_1800 = arith.constant 448 : index
    %swap3A_1801 = tpu.vector_load %arg15[%swap3A_1800] {strides = array<i32>} : memref<640xf32, #tpu.memory_space<vmem>>, vector<16xf32>,
    tpu.vector_store %arg15[%swap3A_1800], %select_n3A_1799 {strides = array<i32>} : memref<640xf32, #tpu.memory_space<vmem>>, vector<16xf32>,
    %get3A_1802 = arith.constant 464 : index
    %get3A_1803 = tpu.vector_load %arg15[%get3A_1802] {strides = array<i32>} : memref<640xf32, #tpu.memory_space<vmem>>, vector<16xf32>,
    %bitcast_convert_type3A_1804 = tpu.bitcast %get3A_1803 : vector<16xf32> -> vector<16xi32>
    %shift_right_arithmetic3A_1805 = arith.constant 1 : i32
    %shift_right_arithmetic3A_1806 = vector.broadcast %shift_right_arithmetic3A_1805 : i32 to vector<16xi32>
    %shift_right_arithmetic3A_1807 = arith.shrsi %bitcast_convert_type3A_1804, %shift_right_arithmetic3A_1806 : vector<16xi32>
    %sub3A_1808 = arith.constant 1597463007 : i32
    %sub3A_1809 = vector.broadcast %sub3A_1808 : i32 to vector<16xi32>
    %sub3A_1810 = arith.subi %sub3A_1809, %shift_right_arithmetic3A_1807 : vector<16xi32>
    %bitcast_convert_type3A_1811 = tpu.bitcast %sub3A_1810 : vector<16xi32> -> vector<16xf32>
    %mul3A_1812 = arith.constant 5.000000e-01 : f32
    %mul3A_1813 = vector.broadcast %mul3A_1812 : f32 to vector<16xf32>
    %mul3A_1814 = arith.mulf %mul3A_1813, %get3A_1803 : vector<16xf32>
    %mul3A_1815 = arith.mulf %mul3A_1814, %bitcast_convert_type3A_1811 : vector<16xf32>
    %mul3A_1816 = arith.mulf %mul3A_1815, %bitcast_convert_type3A_1811 : vector<16xf32>
    %sub3A_1817 = arith.constant 1.500000e+00 : f32
    %sub3A_1818 = vector.broadcast %sub3A_1817 : f32 to vector<16xf32>
    %sub3A_1819 = arith.subf %sub3A_1818, %mul3A_1816 : vector<16xf32>
    %mul3A_1820 = arith.mulf %bitcast_convert_type3A_1811, %sub3A_1819 : vector<16xf32>
    %mul3A_1821 = arith.constant 5.000000e-01 : f32
    %mul3A_1822 = vector.broadcast %mul3A_1821 : f32 to vector<16xf32>
    %mul3A_1823 = arith.mulf %mul3A_1822, %get3A_1803 : vector<16xf32>
    %mul3A_1824 = arith.mulf %mul3A_1823, %mul3A_1820 : vector<16xf32>
    %mul3A_1825 = arith.mulf %mul3A_1824, %mul3A_1820 : vector<16xf32>
    %sub3A_1826 = arith.constant 1.500000e+00 : f32
    %sub3A_1827 = vector.broadcast %sub3A_1826 : f32 to vector<16xf32>
    %sub3A_1828 = arith.subf %sub3A_1827, %mul3A_1825 : vector<16xf32>
    %mul3A_1829 = arith.mulf %mul3A_1820, %sub3A_1828 : vector<16xf32>
    %mul3A_1830 = arith.constant 5.000000e-01 : f32
    %mul3A_1831 = vector.broadcast %mul3A_1830 : f32 to vector<16xf32>
    %mul3A_1832 = arith.mulf %mul3A_1831, %get3A_1803 : vector<16xf32>
    %mul3A_1833 = arith.mulf %mul3A_1832, %mul3A_1829 : vector<16xf32>
    %mul3A_1834 = arith.mulf %mul3A_1833, %mul3A_1829 : vector<16xf32>
    %sub3A_1835 = arith.constant 1.500000e+00 : f32
    %sub3A_1836 = vector.broadcast %sub3A_1835 : f32 to vector<16xf32>
    %sub3A_1837 = arith.subf %sub3A_1836, %mul3A_1834 : vector<16xf32>
    %mul3A_1838 = arith.mulf %mul3A_1829, %sub3A_1837 : vector<16xf32>
    %gt3A_1839 = arith.constant 0.000000e+00 : f32
    %gt3A_1840 = vector.broadcast %gt3A_1839 : f32 to vector<16xf32>
    %gt3A_1841 = arith.cmpf ogt, %get3A_1803, %gt3A_1840 : vector<16xf32>
    %jit3A_1842 = arith.constant 0.000000e+00 : f32
    %broadcast_in_dim3A_1843 = vector.broadcast %jit3A_1842 : f32 to vector<16xf32>
    %select_n3A_1844 = arith.select %gt3A_1841, %mul3A_1838, %broadcast_in_dim3A_1843 : vector<16xi1>, vector<16xf32>
    %swap3A_1845 = arith.constant 464 : index
    %swap3A_1846 = tpu.vector_load %arg15[%swap3A_1845] {strides = array<i32>} : memref<640xf32, #tpu.memory_space<vmem>>, vector<16xf32>,
    tpu.vector_store %arg15[%swap3A_1845], %select_n3A_1844 {strides = array<i32>} : memref<640xf32, #tpu.memory_space<vmem>>, vector<16xf32>,
    %get3A_1847 = arith.constant 480 : index
    %get3A_1848 = tpu.vector_load %arg15[%get3A_1847] {strides = array<i32>} : memref<640xf32, #tpu.memory_space<vmem>>, vector<16xf32>,
    %bitcast_convert_type3A_1849 = tpu.bitcast %get3A_1848 : vector<16xf32> -> vector<16xi32>
    %shift_right_arithmetic3A_1850 = arith.constant 1 : i32
    %shift_right_arithmetic3A_1851 = vector.broadcast %shift_right_arithmetic3A_1850 : i32 to vector<16xi32>
    %shift_right_arithmetic3A_1852 = arith.shrsi %bitcast_convert_type3A_1849, %shift_right_arithmetic3A_1851 : vector<16xi32>
    %sub3A_1853 = arith.constant 1597463007 : i32
    %sub3A_1854 = vector.broadcast %sub3A_1853 : i32 to vector<16xi32>
    %sub3A_1855 = arith.subi %sub3A_1854, %shift_right_arithmetic3A_1852 : vector<16xi32>
    %bitcast_convert_type3A_1856 = tpu.bitcast %sub3A_1855 : vector<16xi32> -> vector<16xf32>
    %mul3A_1857 = arith.constant 5.000000e-01 : f32
    %mul3A_1858 = vector.broadcast %mul3A_1857 : f32 to vector<16xf32>
    %mul3A_1859 = arith.mulf %mul3A_1858, %get3A_1848 : vector<16xf32>
    %mul3A_1860 = arith.mulf %mul3A_1859, %bitcast_convert_type3A_1856 : vector<16xf32>
    %mul3A_1861 = arith.mulf %mul3A_1860, %bitcast_convert_type3A_1856 : vector<16xf32>
    %sub3A_1862 = arith.constant 1.500000e+00 : f32
    %sub3A_1863 = vector.broadcast %sub3A_1862 : f32 to vector<16xf32>
    %sub3A_1864 = arith.subf %sub3A_1863, %mul3A_1861 : vector<16xf32>
    %mul3A_1865 = arith.mulf %bitcast_convert_type3A_1856, %sub3A_1864 : vector<16xf32>
    %mul3A_1866 = arith.constant 5.000000e-01 : f32
    %mul3A_1867 = vector.broadcast %mul3A_1866 : f32 to vector<16xf32>
    %mul3A_1868 = arith.mulf %mul3A_1867, %get3A_1848 : vector<16xf32>
    %mul3A_1869 = arith.mulf %mul3A_1868, %mul3A_1865 : vector<16xf32>
    %mul3A_1870 = arith.mulf %mul3A_1869, %mul3A_1865 : vector<16xf32>
    %sub3A_1871 = arith.constant 1.500000e+00 : f32
    %sub3A_1872 = vector.broadcast %sub3A_1871 : f32 to vector<16xf32>
    %sub3A_1873 = arith.subf %sub3A_1872, %mul3A_1870 : vector<16xf32>
    %mul3A_1874 = arith.mulf %mul3A_1865, %sub3A_1873 : vector<16xf32>
    %mul3A_1875 = arith.constant 5.000000e-01 : f32
    %mul3A_1876 = vector.broadcast %mul3A_1875 : f32 to vector<16xf32>
    %mul3A_1877 = arith.mulf %mul3A_1876, %get3A_1848 : vector<16xf32>
    %mul3A_1878 = arith.mulf %mul3A_1877, %mul3A_1874 : vector<16xf32>
    %mul3A_1879 = arith.mulf %mul3A_1878, %mul3A_1874 : vector<16xf32>
    %sub3A_1880 = arith.constant 1.500000e+00 : f32
    %sub3A_1881 = vector.broadcast %sub3A_1880 : f32 to vector<16xf32>
    %sub3A_1882 = arith.subf %sub3A_1881, %mul3A_1879 : vector<16xf32>
    %mul3A_1883 = arith.mulf %mul3A_1874, %sub3A_1882 : vector<16xf32>
    %gt3A_1884 = arith.constant 0.000000e+00 : f32
    %gt3A_1885 = vector.broadcast %gt3A_1884 : f32 to vector<16xf32>
    %gt3A_1886 = arith.cmpf ogt, %get3A_1848, %gt3A_1885 : vector<16xf32>
    %jit3A_1887 = arith.constant 0.000000e+00 : f32
    %broadcast_in_dim3A_1888 = vector.broadcast %jit3A_1887 : f32 to vector<16xf32>
    %select_n3A_1889 = arith.select %gt3A_1886, %mul3A_1883, %broadcast_in_dim3A_1888 : vector<16xi1>, vector<16xf32>
    %swap3A_1890 = arith.constant 480 : index
    %swap3A_1891 = tpu.vector_load %arg15[%swap3A_1890] {strides = array<i32>} : memref<640xf32, #tpu.memory_space<vmem>>, vector<16xf32>,
    tpu.vector_store %arg15[%swap3A_1890], %select_n3A_1889 {strides = array<i32>} : memref<640xf32, #tpu.memory_space<vmem>>, vector<16xf32>,
    %get3A_1892 = arith.constant 496 : index
    %get3A_1893 = tpu.vector_load %arg15[%get3A_1892] {strides = array<i32>} : memref<640xf32, #tpu.memory_space<vmem>>, vector<16xf32>,
    %bitcast_convert_type3A_1894 = tpu.bitcast %get3A_1893 : vector<16xf32> -> vector<16xi32>
    %shift_right_arithmetic3A_1895 = arith.constant 1 : i32
    %shift_right_arithmetic3A_1896 = vector.broadcast %shift_right_arithmetic3A_1895 : i32 to vector<16xi32>
    %shift_right_arithmetic3A_1897 = arith.shrsi %bitcast_convert_type3A_1894, %shift_right_arithmetic3A_1896 : vector<16xi32>
    %sub3A_1898 = arith.constant 1597463007 : i32
    %sub3A_1899 = vector.broadcast %sub3A_1898 : i32 to vector<16xi32>
    %sub3A_1900 = arith.subi %sub3A_1899, %shift_right_arithmetic3A_1897 : vector<16xi32>
    %bitcast_convert_type3A_1901 = tpu.bitcast %sub3A_1900 : vector<16xi32> -> vector<16xf32>
    %mul3A_1902 = arith.constant 5.000000e-01 : f32
    %mul3A_1903 = vector.broadcast %mul3A_1902 : f32 to vector<16xf32>
    %mul3A_1904 = arith.mulf %mul3A_1903, %get3A_1893 : vector<16xf32>
    %mul3A_1905 = arith.mulf %mul3A_1904, %bitcast_convert_type3A_1901 : vector<16xf32>
    %mul3A_1906 = arith.mulf %mul3A_1905, %bitcast_convert_type3A_1901 : vector<16xf32>
    %sub3A_1907 = arith.constant 1.500000e+00 : f32
    %sub3A_1908 = vector.broadcast %sub3A_1907 : f32 to vector<16xf32>
    %sub3A_1909 = arith.subf %sub3A_1908, %mul3A_1906 : vector<16xf32>
    %mul3A_1910 = arith.mulf %bitcast_convert_type3A_1901, %sub3A_1909 : vector<16xf32>
    %mul3A_1911 = arith.constant 5.000000e-01 : f32
    %mul3A_1912 = vector.broadcast %mul3A_1911 : f32 to vector<16xf32>
    %mul3A_1913 = arith.mulf %mul3A_1912, %get3A_1893 : vector<16xf32>
    %mul3A_1914 = arith.mulf %mul3A_1913, %mul3A_1910 : vector<16xf32>
    %mul3A_1915 = arith.mulf %mul3A_1914, %mul3A_1910 : vector<16xf32>
    %sub3A_1916 = arith.constant 1.500000e+00 : f32
    %sub3A_1917 = vector.broadcast %sub3A_1916 : f32 to vector<16xf32>
    %sub3A_1918 = arith.subf %sub3A_1917, %mul3A_1915 : vector<16xf32>
    %mul3A_1919 = arith.mulf %mul3A_1910, %sub3A_1918 : vector<16xf32>
    %mul3A_1920 = arith.constant 5.000000e-01 : f32
    %mul3A_1921 = vector.broadcast %mul3A_1920 : f32 to vector<16xf32>
    %mul3A_1922 = arith.mulf %mul3A_1921, %get3A_1893 : vector<16xf32>
    %mul3A_1923 = arith.mulf %mul3A_1922, %mul3A_1919 : vector<16xf32>
    %mul3A_1924 = arith.mulf %mul3A_1923, %mul3A_1919 : vector<16xf32>
    %sub3A_1925 = arith.constant 1.500000e+00 : f32
    %sub3A_1926 = vector.broadcast %sub3A_1925 : f32 to vector<16xf32>
    %sub3A_1927 = arith.subf %sub3A_1926, %mul3A_1924 : vector<16xf32>
    %mul3A_1928 = arith.mulf %mul3A_1919, %sub3A_1927 : vector<16xf32>
    %gt3A_1929 = arith.constant 0.000000e+00 : f32
    %gt3A_1930 = vector.broadcast %gt3A_1929 : f32 to vector<16xf32>
    %gt3A_1931 = arith.cmpf ogt, %get3A_1893, %gt3A_1930 : vector<16xf32>
    %jit3A_1932 = arith.constant 0.000000e+00 : f32
    %broadcast_in_dim3A_1933 = vector.broadcast %jit3A_1932 : f32 to vector<16xf32>
    %select_n3A_1934 = arith.select %gt3A_1931, %mul3A_1928, %broadcast_in_dim3A_1933 : vector<16xi1>, vector<16xf32>
    %swap3A_1935 = arith.constant 496 : index
    %swap3A_1936 = tpu.vector_load %arg15[%swap3A_1935] {strides = array<i32>} : memref<640xf32, #tpu.memory_space<vmem>>, vector<16xf32>,
    tpu.vector_store %arg15[%swap3A_1935], %select_n3A_1934 {strides = array<i32>} : memref<640xf32, #tpu.memory_space<vmem>>, vector<16xf32>,
    %get3A_1937 = arith.constant 512 : index
    %get3A_1938 = tpu.vector_load %arg15[%get3A_1937] {strides = array<i32>} : memref<640xf32, #tpu.memory_space<vmem>>, vector<16xf32>,
    %bitcast_convert_type3A_1939 = tpu.bitcast %get3A_1938 : vector<16xf32> -> vector<16xi32>
    %shift_right_arithmetic3A_1940 = arith.constant 1 : i32
    %shift_right_arithmetic3A_1941 = vector.broadcast %shift_right_arithmetic3A_1940 : i32 to vector<16xi32>
    %shift_right_arithmetic3A_1942 = arith.shrsi %bitcast_convert_type3A_1939, %shift_right_arithmetic3A_1941 : vector<16xi32>
    %sub3A_1943 = arith.constant 1597463007 : i32
    %sub3A_1944 = vector.broadcast %sub3A_1943 : i32 to vector<16xi32>
    %sub3A_1945 = arith.subi %sub3A_1944, %shift_right_arithmetic3A_1942 : vector<16xi32>
    %bitcast_convert_type3A_1946 = tpu.bitcast %sub3A_1945 : vector<16xi32> -> vector<16xf32>
    %mul3A_1947 = arith.constant 5.000000e-01 : f32
    %mul3A_1948 = vector.broadcast %mul3A_1947 : f32 to vector<16xf32>
    %mul3A_1949 = arith.mulf %mul3A_1948, %get3A_1938 : vector<16xf32>
    %mul3A_1950 = arith.mulf %mul3A_1949, %bitcast_convert_type3A_1946 : vector<16xf32>
    %mul3A_1951 = arith.mulf %mul3A_1950, %bitcast_convert_type3A_1946 : vector<16xf32>
    %sub3A_1952 = arith.constant 1.500000e+00 : f32
    %sub3A_1953 = vector.broadcast %sub3A_1952 : f32 to vector<16xf32>
    %sub3A_1954 = arith.subf %sub3A_1953, %mul3A_1951 : vector<16xf32>
    %mul3A_1955 = arith.mulf %bitcast_convert_type3A_1946, %sub3A_1954 : vector<16xf32>
    %mul3A_1956 = arith.constant 5.000000e-01 : f32
    %mul3A_1957 = vector.broadcast %mul3A_1956 : f32 to vector<16xf32>
    %mul3A_1958 = arith.mulf %mul3A_1957, %get3A_1938 : vector<16xf32>
    %mul3A_1959 = arith.mulf %mul3A_1958, %mul3A_1955 : vector<16xf32>
    %mul3A_1960 = arith.mulf %mul3A_1959, %mul3A_1955 : vector<16xf32>
    %sub3A_1961 = arith.constant 1.500000e+00 : f32
    %sub3A_1962 = vector.broadcast %sub3A_1961 : f32 to vector<16xf32>
    %sub3A_1963 = arith.subf %sub3A_1962, %mul3A_1960 : vector<16xf32>
    %mul3A_1964 = arith.mulf %mul3A_1955, %sub3A_1963 : vector<16xf32>
    %mul3A_1965 = arith.constant 5.000000e-01 : f32
    %mul3A_1966 = vector.broadcast %mul3A_1965 : f32 to vector<16xf32>
    %mul3A_1967 = arith.mulf %mul3A_1966, %get3A_1938 : vector<16xf32>
    %mul3A_1968 = arith.mulf %mul3A_1967, %mul3A_1964 : vector<16xf32>
    %mul3A_1969 = arith.mulf %mul3A_1968, %mul3A_1964 : vector<16xf32>
    %sub3A_1970 = arith.constant 1.500000e+00 : f32
    %sub3A_1971 = vector.broadcast %sub3A_1970 : f32 to vector<16xf32>
    %sub3A_1972 = arith.subf %sub3A_1971, %mul3A_1969 : vector<16xf32>
    %mul3A_1973 = arith.mulf %mul3A_1964, %sub3A_1972 : vector<16xf32>
    %gt3A_1974 = arith.constant 0.000000e+00 : f32
    %gt3A_1975 = vector.broadcast %gt3A_1974 : f32 to vector<16xf32>
    %gt3A_1976 = arith.cmpf ogt, %get3A_1938, %gt3A_1975 : vector<16xf32>
    %jit3A_1977 = arith.constant 0.000000e+00 : f32
    %broadcast_in_dim3A_1978 = vector.broadcast %jit3A_1977 : f32 to vector<16xf32>
    %select_n3A_1979 = arith.select %gt3A_1976, %mul3A_1973, %broadcast_in_dim3A_1978 : vector<16xi1>, vector<16xf32>
    %swap3A_1980 = arith.constant 512 : index
    %swap3A_1981 = tpu.vector_load %arg15[%swap3A_1980] {strides = array<i32>} : memref<640xf32, #tpu.memory_space<vmem>>, vector<16xf32>,
    tpu.vector_store %arg15[%swap3A_1980], %select_n3A_1979 {strides = array<i32>} : memref<640xf32, #tpu.memory_space<vmem>>, vector<16xf32>,
    %get3A_1982 = arith.constant 528 : index
    %get3A_1983 = tpu.vector_load %arg15[%get3A_1982] {strides = array<i32>} : memref<640xf32, #tpu.memory_space<vmem>>, vector<16xf32>,
    %bitcast_convert_type3A_1984 = tpu.bitcast %get3A_1983 : vector<16xf32> -> vector<16xi32>
    %shift_right_arithmetic3A_1985 = arith.constant 1 : i32
    %shift_right_arithmetic3A_1986 = vector.broadcast %shift_right_arithmetic3A_1985 : i32 to vector<16xi32>
    %shift_right_arithmetic3A_1987 = arith.shrsi %bitcast_convert_type3A_1984, %shift_right_arithmetic3A_1986 : vector<16xi32>
    %sub3A_1988 = arith.constant 1597463007 : i32
    %sub3A_1989 = vector.broadcast %sub3A_1988 : i32 to vector<16xi32>
    %sub3A_1990 = arith.subi %sub3A_1989, %shift_right_arithmetic3A_1987 : vector<16xi32>
    %bitcast_convert_type3A_1991 = tpu.bitcast %sub3A_1990 : vector<16xi32> -> vector<16xf32>
    %mul3A_1992 = arith.constant 5.000000e-01 : f32
    %mul3A_1993 = vector.broadcast %mul3A_1992 : f32 to vector<16xf32>
    %mul3A_1994 = arith.mulf %mul3A_1993, %get3A_1983 : vector<16xf32>
    %mul3A_1995 = arith.mulf %mul3A_1994, %bitcast_convert_type3A_1991 : vector<16xf32>
    %mul3A_1996 = arith.mulf %mul3A_1995, %bitcast_convert_type3A_1991 : vector<16xf32>
    %sub3A_1997 = arith.constant 1.500000e+00 : f32
    %sub3A_1998 = vector.broadcast %sub3A_1997 : f32 to vector<16xf32>
    %sub3A_1999 = arith.subf %sub3A_1998, %mul3A_1996 : vector<16xf32>
    %mul3A_2000 = arith.mulf %bitcast_convert_type3A_1991, %sub3A_1999 : vector<16xf32>
    %mul3A_2001 = arith.constant 5.000000e-01 : f32
    %mul3A_2002 = vector.broadcast %mul3A_2001 : f32 to vector<16xf32>
    %mul3A_2003 = arith.mulf %mul3A_2002, %get3A_1983 : vector<16xf32>
    %mul3A_2004 = arith.mulf %mul3A_2003, %mul3A_2000 : vector<16xf32>
    %mul3A_2005 = arith.mulf %mul3A_2004, %mul3A_2000 : vector<16xf32>
    %sub3A_2006 = arith.constant 1.500000e+00 : f32
    %sub3A_2007 = vector.broadcast %sub3A_2006 : f32 to vector<16xf32>
    %sub3A_2008 = arith.subf %sub3A_2007, %mul3A_2005 : vector<16xf32>
    %mul3A_2009 = arith.mulf %mul3A_2000, %sub3A_2008 : vector<16xf32>
    %mul3A_2010 = arith.constant 5.000000e-01 : f32
    %mul3A_2011 = vector.broadcast %mul3A_2010 : f32 to vector<16xf32>
    %mul3A_2012 = arith.mulf %mul3A_2011, %get3A_1983 : vector<16xf32>
    %mul3A_2013 = arith.mulf %mul3A_2012, %mul3A_2009 : vector<16xf32>
    %mul3A_2014 = arith.mulf %mul3A_2013, %mul3A_2009 : vector<16xf32>
    %sub3A_2015 = arith.constant 1.500000e+00 : f32
    %sub3A_2016 = vector.broadcast %sub3A_2015 : f32 to vector<16xf32>
    %sub3A_2017 = arith.subf %sub3A_2016, %mul3A_2014 : vector<16xf32>
    %mul3A_2018 = arith.mulf %mul3A_2009, %sub3A_2017 : vector<16xf32>
    %gt3A_2019 = arith.constant 0.000000e+00 : f32
    %gt3A_2020 = vector.broadcast %gt3A_2019 : f32 to vector<16xf32>
    %gt3A_2021 = arith.cmpf ogt, %get3A_1983, %gt3A_2020 : vector<16xf32>
    %jit3A_2022 = arith.constant 0.000000e+00 : f32
    %broadcast_in_dim3A_2023 = vector.broadcast %jit3A_2022 : f32 to vector<16xf32>
    %select_n3A_2024 = arith.select %gt3A_2021, %mul3A_2018, %broadcast_in_dim3A_2023 : vector<16xi1>, vector<16xf32>
    %swap3A_2025 = arith.constant 528 : index
    %swap3A_2026 = tpu.vector_load %arg15[%swap3A_2025] {strides = array<i32>} : memref<640xf32, #tpu.memory_space<vmem>>, vector<16xf32>,
    tpu.vector_store %arg15[%swap3A_2025], %select_n3A_2024 {strides = array<i32>} : memref<640xf32, #tpu.memory_space<vmem>>, vector<16xf32>,
    %get3A_2027 = arith.constant 544 : index
    %get3A_2028 = tpu.vector_load %arg15[%get3A_2027] {strides = array<i32>} : memref<640xf32, #tpu.memory_space<vmem>>, vector<16xf32>,
    %bitcast_convert_type3A_2029 = tpu.bitcast %get3A_2028 : vector<16xf32> -> vector<16xi32>
    %shift_right_arithmetic3A_2030 = arith.constant 1 : i32
    %shift_right_arithmetic3A_2031 = vector.broadcast %shift_right_arithmetic3A_2030 : i32 to vector<16xi32>
    %shift_right_arithmetic3A_2032 = arith.shrsi %bitcast_convert_type3A_2029, %shift_right_arithmetic3A_2031 : vector<16xi32>
    %sub3A_2033 = arith.constant 1597463007 : i32
    %sub3A_2034 = vector.broadcast %sub3A_2033 : i32 to vector<16xi32>
    %sub3A_2035 = arith.subi %sub3A_2034, %shift_right_arithmetic3A_2032 : vector<16xi32>
    %bitcast_convert_type3A_2036 = tpu.bitcast %sub3A_2035 : vector<16xi32> -> vector<16xf32>
    %mul3A_2037 = arith.constant 5.000000e-01 : f32
    %mul3A_2038 = vector.broadcast %mul3A_2037 : f32 to vector<16xf32>
    %mul3A_2039 = arith.mulf %mul3A_2038, %get3A_2028 : vector<16xf32>
    %mul3A_2040 = arith.mulf %mul3A_2039, %bitcast_convert_type3A_2036 : vector<16xf32>
    %mul3A_2041 = arith.mulf %mul3A_2040, %bitcast_convert_type3A_2036 : vector<16xf32>
    %sub3A_2042 = arith.constant 1.500000e+00 : f32
    %sub3A_2043 = vector.broadcast %sub3A_2042 : f32 to vector<16xf32>
    %sub3A_2044 = arith.subf %sub3A_2043, %mul3A_2041 : vector<16xf32>
    %mul3A_2045 = arith.mulf %bitcast_convert_type3A_2036, %sub3A_2044 : vector<16xf32>
    %mul3A_2046 = arith.constant 5.000000e-01 : f32
    %mul3A_2047 = vector.broadcast %mul3A_2046 : f32 to vector<16xf32>
    %mul3A_2048 = arith.mulf %mul3A_2047, %get3A_2028 : vector<16xf32>
    %mul3A_2049 = arith.mulf %mul3A_2048, %mul3A_2045 : vector<16xf32>
    %mul3A_2050 = arith.mulf %mul3A_2049, %mul3A_2045 : vector<16xf32>
    %sub3A_2051 = arith.constant 1.500000e+00 : f32
    %sub3A_2052 = vector.broadcast %sub3A_2051 : f32 to vector<16xf32>
    %sub3A_2053 = arith.subf %sub3A_2052, %mul3A_2050 : vector<16xf32>
    %mul3A_2054 = arith.mulf %mul3A_2045, %sub3A_2053 : vector<16xf32>
    %mul3A_2055 = arith.constant 5.000000e-01 : f32
    %mul3A_2056 = vector.broadcast %mul3A_2055 : f32 to vector<16xf32>
    %mul3A_2057 = arith.mulf %mul3A_2056, %get3A_2028 : vector<16xf32>
    %mul3A_2058 = arith.mulf %mul3A_2057, %mul3A_2054 : vector<16xf32>
    %mul3A_2059 = arith.mulf %mul3A_2058, %mul3A_2054 : vector<16xf32>
    %sub3A_2060 = arith.constant 1.500000e+00 : f32
    %sub3A_2061 = vector.broadcast %sub3A_2060 : f32 to vector<16xf32>
    %sub3A_2062 = arith.subf %sub3A_2061, %mul3A_2059 : vector<16xf32>
    %mul3A_2063 = arith.mulf %mul3A_2054, %sub3A_2062 : vector<16xf32>
    %gt3A_2064 = arith.constant 0.000000e+00 : f32
    %gt3A_2065 = vector.broadcast %gt3A_2064 : f32 to vector<16xf32>
    %gt3A_2066 = arith.cmpf ogt, %get3A_2028, %gt3A_2065 : vector<16xf32>
    %jit3A_2067 = arith.constant 0.000000e+00 : f32
    %broadcast_in_dim3A_2068 = vector.broadcast %jit3A_2067 : f32 to vector<16xf32>
    %select_n3A_2069 = arith.select %gt3A_2066, %mul3A_2063, %broadcast_in_dim3A_2068 : vector<16xi1>, vector<16xf32>
    %swap3A_2070 = arith.constant 544 : index
    %swap3A_2071 = tpu.vector_load %arg15[%swap3A_2070] {strides = array<i32>} : memref<640xf32, #tpu.memory_space<vmem>>, vector<16xf32>,
    tpu.vector_store %arg15[%swap3A_2070], %select_n3A_2069 {strides = array<i32>} : memref<640xf32, #tpu.memory_space<vmem>>, vector<16xf32>,
    %get3A_2072 = arith.constant 560 : index
    %get3A_2073 = tpu.vector_load %arg15[%get3A_2072] {strides = array<i32>} : memref<640xf32, #tpu.memory_space<vmem>>, vector<16xf32>,
    %bitcast_convert_type3A_2074 = tpu.bitcast %get3A_2073 : vector<16xf32> -> vector<16xi32>
    %shift_right_arithmetic3A_2075 = arith.constant 1 : i32
    %shift_right_arithmetic3A_2076 = vector.broadcast %shift_right_arithmetic3A_2075 : i32 to vector<16xi32>
    %shift_right_arithmetic3A_2077 = arith.shrsi %bitcast_convert_type3A_2074, %shift_right_arithmetic3A_2076 : vector<16xi32>
    %sub3A_2078 = arith.constant 1597463007 : i32
    %sub3A_2079 = vector.broadcast %sub3A_2078 : i32 to vector<16xi32>
    %sub3A_2080 = arith.subi %sub3A_2079, %shift_right_arithmetic3A_2077 : vector<16xi32>
    %bitcast_convert_type3A_2081 = tpu.bitcast %sub3A_2080 : vector<16xi32> -> vector<16xf32>
    %mul3A_2082 = arith.constant 5.000000e-01 : f32
    %mul3A_2083 = vector.broadcast %mul3A_2082 : f32 to vector<16xf32>
    %mul3A_2084 = arith.mulf %mul3A_2083, %get3A_2073 : vector<16xf32>
    %mul3A_2085 = arith.mulf %mul3A_2084, %bitcast_convert_type3A_2081 : vector<16xf32>
    %mul3A_2086 = arith.mulf %mul3A_2085, %bitcast_convert_type3A_2081 : vector<16xf32>
    %sub3A_2087 = arith.constant 1.500000e+00 : f32
    %sub3A_2088 = vector.broadcast %sub3A_2087 : f32 to vector<16xf32>
    %sub3A_2089 = arith.subf %sub3A_2088, %mul3A_2086 : vector<16xf32>
    %mul3A_2090 = arith.mulf %bitcast_convert_type3A_2081, %sub3A_2089 : vector<16xf32>
    %mul3A_2091 = arith.constant 5.000000e-01 : f32
    %mul3A_2092 = vector.broadcast %mul3A_2091 : f32 to vector<16xf32>
    %mul3A_2093 = arith.mulf %mul3A_2092, %get3A_2073 : vector<16xf32>
    %mul3A_2094 = arith.mulf %mul3A_2093, %mul3A_2090 : vector<16xf32>
    %mul3A_2095 = arith.mulf %mul3A_2094, %mul3A_2090 : vector<16xf32>
    %sub3A_2096 = arith.constant 1.500000e+00 : f32
    %sub3A_2097 = vector.broadcast %sub3A_2096 : f32 to vector<16xf32>
    %sub3A_2098 = arith.subf %sub3A_2097, %mul3A_2095 : vector<16xf32>
    %mul3A_2099 = arith.mulf %mul3A_2090, %sub3A_2098 : vector<16xf32>
    %mul3A_2100 = arith.constant 5.000000e-01 : f32
    %mul3A_2101 = vector.broadcast %mul3A_2100 : f32 to vector<16xf32>
    %mul3A_2102 = arith.mulf %mul3A_2101, %get3A_2073 : vector<16xf32>
    %mul3A_2103 = arith.mulf %mul3A_2102, %mul3A_2099 : vector<16xf32>
    %mul3A_2104 = arith.mulf %mul3A_2103, %mul3A_2099 : vector<16xf32>
    %sub3A_2105 = arith.constant 1.500000e+00 : f32
    %sub3A_2106 = vector.broadcast %sub3A_2105 : f32 to vector<16xf32>
    %sub3A_2107 = arith.subf %sub3A_2106, %mul3A_2104 : vector<16xf32>
    %mul3A_2108 = arith.mulf %mul3A_2099, %sub3A_2107 : vector<16xf32>
    %gt3A_2109 = arith.constant 0.000000e+00 : f32
    %gt3A_2110 = vector.broadcast %gt3A_2109 : f32 to vector<16xf32>
    %gt3A_2111 = arith.cmpf ogt, %get3A_2073, %gt3A_2110 : vector<16xf32>
    %jit3A_2112 = arith.constant 0.000000e+00 : f32
    %broadcast_in_dim3A_2113 = vector.broadcast %jit3A_2112 : f32 to vector<16xf32>
    %select_n3A_2114 = arith.select %gt3A_2111, %mul3A_2108, %broadcast_in_dim3A_2113 : vector<16xi1>, vector<16xf32>
    %swap3A_2115 = arith.constant 560 : index
    %swap3A_2116 = tpu.vector_load %arg15[%swap3A_2115] {strides = array<i32>} : memref<640xf32, #tpu.memory_space<vmem>>, vector<16xf32>,
    tpu.vector_store %arg15[%swap3A_2115], %select_n3A_2114 {strides = array<i32>} : memref<640xf32, #tpu.memory_space<vmem>>, vector<16xf32>,
    %get3A_2117 = arith.constant 576 : index
    %get3A_2118 = tpu.vector_load %arg15[%get3A_2117] {strides = array<i32>} : memref<640xf32, #tpu.memory_space<vmem>>, vector<16xf32>,
    %bitcast_convert_type3A_2119 = tpu.bitcast %get3A_2118 : vector<16xf32> -> vector<16xi32>
    %shift_right_arithmetic3A_2120 = arith.constant 1 : i32
    %shift_right_arithmetic3A_2121 = vector.broadcast %shift_right_arithmetic3A_2120 : i32 to vector<16xi32>
    %shift_right_arithmetic3A_2122 = arith.shrsi %bitcast_convert_type3A_2119, %shift_right_arithmetic3A_2121 : vector<16xi32>
    %sub3A_2123 = arith.constant 1597463007 : i32
    %sub3A_2124 = vector.broadcast %sub3A_2123 : i32 to vector<16xi32>
    %sub3A_2125 = arith.subi %sub3A_2124, %shift_right_arithmetic3A_2122 : vector<16xi32>
    %bitcast_convert_type3A_2126 = tpu.bitcast %sub3A_2125 : vector<16xi32> -> vector<16xf32>
    %mul3A_2127 = arith.constant 5.000000e-01 : f32
    %mul3A_2128 = vector.broadcast %mul3A_2127 : f32 to vector<16xf32>
    %mul3A_2129 = arith.mulf %mul3A_2128, %get3A_2118 : vector<16xf32>
    %mul3A_2130 = arith.mulf %mul3A_2129, %bitcast_convert_type3A_2126 : vector<16xf32>
    %mul3A_2131 = arith.mulf %mul3A_2130, %bitcast_convert_type3A_2126 : vector<16xf32>
    %sub3A_2132 = arith.constant 1.500000e+00 : f32
    %sub3A_2133 = vector.broadcast %sub3A_2132 : f32 to vector<16xf32>
    %sub3A_2134 = arith.subf %sub3A_2133, %mul3A_2131 : vector<16xf32>
    %mul3A_2135 = arith.mulf %bitcast_convert_type3A_2126, %sub3A_2134 : vector<16xf32>
    %mul3A_2136 = arith.constant 5.000000e-01 : f32
    %mul3A_2137 = vector.broadcast %mul3A_2136 : f32 to vector<16xf32>
    %mul3A_2138 = arith.mulf %mul3A_2137, %get3A_2118 : vector<16xf32>
    %mul3A_2139 = arith.mulf %mul3A_2138, %mul3A_2135 : vector<16xf32>
    %mul3A_2140 = arith.mulf %mul3A_2139, %mul3A_2135 : vector<16xf32>
    %sub3A_2141 = arith.constant 1.500000e+00 : f32
    %sub3A_2142 = vector.broadcast %sub3A_2141 : f32 to vector<16xf32>
    %sub3A_2143 = arith.subf %sub3A_2142, %mul3A_2140 : vector<16xf32>
    %mul3A_2144 = arith.mulf %mul3A_2135, %sub3A_2143 : vector<16xf32>
    %mul3A_2145 = arith.constant 5.000000e-01 : f32
    %mul3A_2146 = vector.broadcast %mul3A_2145 : f32 to vector<16xf32>
    %mul3A_2147 = arith.mulf %mul3A_2146, %get3A_2118 : vector<16xf32>
    %mul3A_2148 = arith.mulf %mul3A_2147, %mul3A_2144 : vector<16xf32>
    %mul3A_2149 = arith.mulf %mul3A_2148, %mul3A_2144 : vector<16xf32>
    %sub3A_2150 = arith.constant 1.500000e+00 : f32
    %sub3A_2151 = vector.broadcast %sub3A_2150 : f32 to vector<16xf32>
    %sub3A_2152 = arith.subf %sub3A_2151, %mul3A_2149 : vector<16xf32>
    %mul3A_2153 = arith.mulf %mul3A_2144, %sub3A_2152 : vector<16xf32>
    %gt3A_2154 = arith.constant 0.000000e+00 : f32
    %gt3A_2155 = vector.broadcast %gt3A_2154 : f32 to vector<16xf32>
    %gt3A_2156 = arith.cmpf ogt, %get3A_2118, %gt3A_2155 : vector<16xf32>
    %jit3A_2157 = arith.constant 0.000000e+00 : f32
    %broadcast_in_dim3A_2158 = vector.broadcast %jit3A_2157 : f32 to vector<16xf32>
    %select_n3A_2159 = arith.select %gt3A_2156, %mul3A_2153, %broadcast_in_dim3A_2158 : vector<16xi1>, vector<16xf32>
    %swap3A_2160 = arith.constant 576 : index
    %swap3A_2161 = tpu.vector_load %arg15[%swap3A_2160] {strides = array<i32>} : memref<640xf32, #tpu.memory_space<vmem>>, vector<16xf32>,
    tpu.vector_store %arg15[%swap3A_2160], %select_n3A_2159 {strides = array<i32>} : memref<640xf32, #tpu.memory_space<vmem>>, vector<16xf32>,
    %get3A_2162 = arith.constant 592 : index
    %get3A_2163 = tpu.vector_load %arg15[%get3A_2162] {strides = array<i32>} : memref<640xf32, #tpu.memory_space<vmem>>, vector<16xf32>,
    %bitcast_convert_type3A_2164 = tpu.bitcast %get3A_2163 : vector<16xf32> -> vector<16xi32>
    %shift_right_arithmetic3A_2165 = arith.constant 1 : i32
    %shift_right_arithmetic3A_2166 = vector.broadcast %shift_right_arithmetic3A_2165 : i32 to vector<16xi32>
    %shift_right_arithmetic3A_2167 = arith.shrsi %bitcast_convert_type3A_2164, %shift_right_arithmetic3A_2166 : vector<16xi32>
    %sub3A_2168 = arith.constant 1597463007 : i32
    %sub3A_2169 = vector.broadcast %sub3A_2168 : i32 to vector<16xi32>
    %sub3A_2170 = arith.subi %sub3A_2169, %shift_right_arithmetic3A_2167 : vector<16xi32>
    %bitcast_convert_type3A_2171 = tpu.bitcast %sub3A_2170 : vector<16xi32> -> vector<16xf32>
    %mul3A_2172 = arith.constant 5.000000e-01 : f32
    %mul3A_2173 = vector.broadcast %mul3A_2172 : f32 to vector<16xf32>
    %mul3A_2174 = arith.mulf %mul3A_2173, %get3A_2163 : vector<16xf32>
    %mul3A_2175 = arith.mulf %mul3A_2174, %bitcast_convert_type3A_2171 : vector<16xf32>
    %mul3A_2176 = arith.mulf %mul3A_2175, %bitcast_convert_type3A_2171 : vector<16xf32>
    %sub3A_2177 = arith.constant 1.500000e+00 : f32
    %sub3A_2178 = vector.broadcast %sub3A_2177 : f32 to vector<16xf32>
    %sub3A_2179 = arith.subf %sub3A_2178, %mul3A_2176 : vector<16xf32>
    %mul3A_2180 = arith.mulf %bitcast_convert_type3A_2171, %sub3A_2179 : vector<16xf32>
    %mul3A_2181 = arith.constant 5.000000e-01 : f32
    %mul3A_2182 = vector.broadcast %mul3A_2181 : f32 to vector<16xf32>
    %mul3A_2183 = arith.mulf %mul3A_2182, %get3A_2163 : vector<16xf32>
    %mul3A_2184 = arith.mulf %mul3A_2183, %mul3A_2180 : vector<16xf32>
    %mul3A_2185 = arith.mulf %mul3A_2184, %mul3A_2180 : vector<16xf32>
    %sub3A_2186 = arith.constant 1.500000e+00 : f32
    %sub3A_2187 = vector.broadcast %sub3A_2186 : f32 to vector<16xf32>
    %sub3A_2188 = arith.subf %sub3A_2187, %mul3A_2185 : vector<16xf32>
    %mul3A_2189 = arith.mulf %mul3A_2180, %sub3A_2188 : vector<16xf32>
    %mul3A_2190 = arith.constant 5.000000e-01 : f32
    %mul3A_2191 = vector.broadcast %mul3A_2190 : f32 to vector<16xf32>
    %mul3A_2192 = arith.mulf %mul3A_2191, %get3A_2163 : vector<16xf32>
    %mul3A_2193 = arith.mulf %mul3A_2192, %mul3A_2189 : vector<16xf32>
    %mul3A_2194 = arith.mulf %mul3A_2193, %mul3A_2189 : vector<16xf32>
    %sub3A_2195 = arith.constant 1.500000e+00 : f32
    %sub3A_2196 = vector.broadcast %sub3A_2195 : f32 to vector<16xf32>
    %sub3A_2197 = arith.subf %sub3A_2196, %mul3A_2194 : vector<16xf32>
    %mul3A_2198 = arith.mulf %mul3A_2189, %sub3A_2197 : vector<16xf32>
    %gt3A_2199 = arith.constant 0.000000e+00 : f32
    %gt3A_2200 = vector.broadcast %gt3A_2199 : f32 to vector<16xf32>
    %gt3A_2201 = arith.cmpf ogt, %get3A_2163, %gt3A_2200 : vector<16xf32>
    %jit3A_2202 = arith.constant 0.000000e+00 : f32
    %broadcast_in_dim3A_2203 = vector.broadcast %jit3A_2202 : f32 to vector<16xf32>
    %select_n3A_2204 = arith.select %gt3A_2201, %mul3A_2198, %broadcast_in_dim3A_2203 : vector<16xi1>, vector<16xf32>
    %swap3A_2205 = arith.constant 592 : index
    %swap3A_2206 = tpu.vector_load %arg15[%swap3A_2205] {strides = array<i32>} : memref<640xf32, #tpu.memory_space<vmem>>, vector<16xf32>,
    tpu.vector_store %arg15[%swap3A_2205], %select_n3A_2204 {strides = array<i32>} : memref<640xf32, #tpu.memory_space<vmem>>, vector<16xf32>,
    %get3A_2207 = arith.constant 608 : index
    %get3A_2208 = tpu.vector_load %arg15[%get3A_2207] {strides = array<i32>} : memref<640xf32, #tpu.memory_space<vmem>>, vector<16xf32>,
    %bitcast_convert_type3A_2209 = tpu.bitcast %get3A_2208 : vector<16xf32> -> vector<16xi32>
    %shift_right_arithmetic3A_2210 = arith.constant 1 : i32
    %shift_right_arithmetic3A_2211 = vector.broadcast %shift_right_arithmetic3A_2210 : i32 to vector<16xi32>
    %shift_right_arithmetic3A_2212 = arith.shrsi %bitcast_convert_type3A_2209, %shift_right_arithmetic3A_2211 : vector<16xi32>
    %sub3A_2213 = arith.constant 1597463007 : i32
    %sub3A_2214 = vector.broadcast %sub3A_2213 : i32 to vector<16xi32>
    %sub3A_2215 = arith.subi %sub3A_2214, %shift_right_arithmetic3A_2212 : vector<16xi32>
    %bitcast_convert_type3A_2216 = tpu.bitcast %sub3A_2215 : vector<16xi32> -> vector<16xf32>
    %mul3A_2217 = arith.constant 5.000000e-01 : f32
    %mul3A_2218 = vector.broadcast %mul3A_2217 : f32 to vector<16xf32>
    %mul3A_2219 = arith.mulf %mul3A_2218, %get3A_2208 : vector<16xf32>
    %mul3A_2220 = arith.mulf %mul3A_2219, %bitcast_convert_type3A_2216 : vector<16xf32>
    %mul3A_2221 = arith.mulf %mul3A_2220, %bitcast_convert_type3A_2216 : vector<16xf32>
    %sub3A_2222 = arith.constant 1.500000e+00 : f32
    %sub3A_2223 = vector.broadcast %sub3A_2222 : f32 to vector<16xf32>
    %sub3A_2224 = arith.subf %sub3A_2223, %mul3A_2221 : vector<16xf32>
    %mul3A_2225 = arith.mulf %bitcast_convert_type3A_2216, %sub3A_2224 : vector<16xf32>
    %mul3A_2226 = arith.constant 5.000000e-01 : f32
    %mul3A_2227 = vector.broadcast %mul3A_2226 : f32 to vector<16xf32>
    %mul3A_2228 = arith.mulf %mul3A_2227, %get3A_2208 : vector<16xf32>
    %mul3A_2229 = arith.mulf %mul3A_2228, %mul3A_2225 : vector<16xf32>
    %mul3A_2230 = arith.mulf %mul3A_2229, %mul3A_2225 : vector<16xf32>
    %sub3A_2231 = arith.constant 1.500000e+00 : f32
    %sub3A_2232 = vector.broadcast %sub3A_2231 : f32 to vector<16xf32>
    %sub3A_2233 = arith.subf %sub3A_2232, %mul3A_2230 : vector<16xf32>
    %mul3A_2234 = arith.mulf %mul3A_2225, %sub3A_2233 : vector<16xf32>
    %mul3A_2235 = arith.constant 5.000000e-01 : f32
    %mul3A_2236 = vector.broadcast %mul3A_2235 : f32 to vector<16xf32>
    %mul3A_2237 = arith.mulf %mul3A_2236, %get3A_2208 : vector<16xf32>
    %mul3A_2238 = arith.mulf %mul3A_2237, %mul3A_2234 : vector<16xf32>
    %mul3A_2239 = arith.mulf %mul3A_2238, %mul3A_2234 : vector<16xf32>
    %sub3A_2240 = arith.constant 1.500000e+00 : f32
    %sub3A_2241 = vector.broadcast %sub3A_2240 : f32 to vector<16xf32>
    %sub3A_2242 = arith.subf %sub3A_2241, %mul3A_2239 : vector<16xf32>
    %mul3A_2243 = arith.mulf %mul3A_2234, %sub3A_2242 : vector<16xf32>
    %gt3A_2244 = arith.constant 0.000000e+00 : f32
    %gt3A_2245 = vector.broadcast %gt3A_2244 : f32 to vector<16xf32>
    %gt3A_2246 = arith.cmpf ogt, %get3A_2208, %gt3A_2245 : vector<16xf32>
    %jit3A_2247 = arith.constant 0.000000e+00 : f32
    %broadcast_in_dim3A_2248 = vector.broadcast %jit3A_2247 : f32 to vector<16xf32>
    %select_n3A_2249 = arith.select %gt3A_2246, %mul3A_2243, %broadcast_in_dim3A_2248 : vector<16xi1>, vector<16xf32>
    %swap3A_2250 = arith.constant 608 : index
    %swap3A_2251 = tpu.vector_load %arg15[%swap3A_2250] {strides = array<i32>} : memref<640xf32, #tpu.memory_space<vmem>>, vector<16xf32>,
    tpu.vector_store %arg15[%swap3A_2250], %select_n3A_2249 {strides = array<i32>} : memref<640xf32, #tpu.memory_space<vmem>>, vector<16xf32>,
    %get3A_2252 = arith.constant 624 : index
    %get3A_2253 = tpu.vector_load %arg15[%get3A_2252] {strides = array<i32>} : memref<640xf32, #tpu.memory_space<vmem>>, vector<16xf32>,
    %bitcast_convert_type3A_2254 = tpu.bitcast %get3A_2253 : vector<16xf32> -> vector<16xi32>
    %shift_right_arithmetic3A_2255 = arith.constant 1 : i32
    %shift_right_arithmetic3A_2256 = vector.broadcast %shift_right_arithmetic3A_2255 : i32 to vector<16xi32>
    %shift_right_arithmetic3A_2257 = arith.shrsi %bitcast_convert_type3A_2254, %shift_right_arithmetic3A_2256 : vector<16xi32>
    %sub3A_2258 = arith.constant 1597463007 : i32
    %sub3A_2259 = vector.broadcast %sub3A_2258 : i32 to vector<16xi32>
    %sub3A_2260 = arith.subi %sub3A_2259, %shift_right_arithmetic3A_2257 : vector<16xi32>
    %bitcast_convert_type3A_2261 = tpu.bitcast %sub3A_2260 : vector<16xi32> -> vector<16xf32>
    %mul3A_2262 = arith.constant 5.000000e-01 : f32
    %mul3A_2263 = vector.broadcast %mul3A_2262 : f32 to vector<16xf32>
    %mul3A_2264 = arith.mulf %mul3A_2263, %get3A_2253 : vector<16xf32>
    %mul3A_2265 = arith.mulf %mul3A_2264, %bitcast_convert_type3A_2261 : vector<16xf32>
    %mul3A_2266 = arith.mulf %mul3A_2265, %bitcast_convert_type3A_2261 : vector<16xf32>
    %sub3A_2267 = arith.constant 1.500000e+00 : f32
    %sub3A_2268 = vector.broadcast %sub3A_2267 : f32 to vector<16xf32>
    %sub3A_2269 = arith.subf %sub3A_2268, %mul3A_2266 : vector<16xf32>
    %mul3A_2270 = arith.mulf %bitcast_convert_type3A_2261, %sub3A_2269 : vector<16xf32>
    %mul3A_2271 = arith.constant 5.000000e-01 : f32
    %mul3A_2272 = vector.broadcast %mul3A_2271 : f32 to vector<16xf32>
    %mul3A_2273 = arith.mulf %mul3A_2272, %get3A_2253 : vector<16xf32>
    %mul3A_2274 = arith.mulf %mul3A_2273, %mul3A_2270 : vector<16xf32>
    %mul3A_2275 = arith.mulf %mul3A_2274, %mul3A_2270 : vector<16xf32>
    %sub3A_2276 = arith.constant 1.500000e+00 : f32
    %sub3A_2277 = vector.broadcast %sub3A_2276 : f32 to vector<16xf32>
    %sub3A_2278 = arith.subf %sub3A_2277, %mul3A_2275 : vector<16xf32>
    %mul3A_2279 = arith.mulf %mul3A_2270, %sub3A_2278 : vector<16xf32>
    %mul3A_2280 = arith.constant 5.000000e-01 : f32
    %mul3A_2281 = vector.broadcast %mul3A_2280 : f32 to vector<16xf32>
    %mul3A_2282 = arith.mulf %mul3A_2281, %get3A_2253 : vector<16xf32>
    %mul3A_2283 = arith.mulf %mul3A_2282, %mul3A_2279 : vector<16xf32>
    %mul3A_2284 = arith.mulf %mul3A_2283, %mul3A_2279 : vector<16xf32>
    %sub3A_2285 = arith.constant 1.500000e+00 : f32
    %sub3A_2286 = vector.broadcast %sub3A_2285 : f32 to vector<16xf32>
    %sub3A_2287 = arith.subf %sub3A_2286, %mul3A_2284 : vector<16xf32>
    %mul3A_2288 = arith.mulf %mul3A_2279, %sub3A_2287 : vector<16xf32>
    %gt3A_2289 = arith.constant 0.000000e+00 : f32
    %gt3A_2290 = vector.broadcast %gt3A_2289 : f32 to vector<16xf32>
    %gt3A_2291 = arith.cmpf ogt, %get3A_2253, %gt3A_2290 : vector<16xf32>
    %jit3A_2292 = arith.constant 0.000000e+00 : f32
    %broadcast_in_dim3A_2293 = vector.broadcast %jit3A_2292 : f32 to vector<16xf32>
    %select_n3A_2294 = arith.select %gt3A_2291, %mul3A_2288, %broadcast_in_dim3A_2293 : vector<16xi1>, vector<16xf32>
    %swap3A_2295 = arith.constant 624 : index
    %swap3A_2296 = tpu.vector_load %arg15[%swap3A_2295] {strides = array<i32>} : memref<640xf32, #tpu.memory_space<vmem>>, vector<16xf32>,
    tpu.vector_store %arg15[%swap3A_2295], %select_n3A_2294 {strides = array<i32>} : memref<640xf32, #tpu.memory_space<vmem>>, vector<16xf32>,
    "tpu.region"() ({
      %run_scoped3A = tpu.sem_alloc : memref<!tpu.dma_semaphore, #tpu.memory_space<semaphore_mem>>
      %dma_start3A_2312 = tpu.memref_slice %arg18[%mul3A_8] : memref<10240xf32, #tpu.memory_space<vmem_shared>> -> memref<640xf32, #tpu.memory_space<vmem_shared>>
      %dma_start3A_2313 = tpu.memref_slice %arg18[%mul3A_8] : memref<10240xf32, #tpu.memory_space<vmem_shared>> -> memref<640xf32, #tpu.memory_space<vmem_shared>>
      tpu.enqueue_dma source(%arg15 : memref<640xf32, #tpu.memory_space<vmem>>) target(%dma_start3A_2313 : memref<640xf32, #tpu.memory_space<vmem_shared>>) target_semaphore(%run_scoped3A : memref<!tpu.dma_semaphore, #tpu.memory_space<semaphore_mem>>)
      %dma_wait3A_2314 = tpu.memref_slice %arg18[%mul3A_8] : memref<10240xf32, #tpu.memory_space<vmem_shared>> -> memref<640xf32, #tpu.memory_space<vmem_shared>>
      %dma_wait3A_2315 = tpu.memref_slice %arg18[%mul3A_8] : memref<10240xf32, #tpu.memory_space<vmem_shared>> -> memref<640xf32, #tpu.memory_space<vmem_shared>>
      tpu.wait_dma2 semaphore(%run_scoped3A : memref<!tpu.dma_semaphore, #tpu.memory_space<semaphore_mem>>) src(%arg15 : memref<640xf32, #tpu.memory_space<vmem>>) dst(%dma_wait3A_2315 : memref<640xf32, #tpu.memory_space<vmem_shared>>)
      tpu.yield
    }) : () -> ()
    %eq3A_2297 = arith.constant 0 : i32
    %eq3A_2298 = arith.cmpi eq, %arg0, %eq3A_2297 : i32
    %convert_element_type3A = arith.extui %eq3A_2298 : i1 to i32
    %cond3A = arith.constant 0 : i32
    %cond3A_2299 = arith.cmpi ne, %convert_element_type3A, %cond3A : i32
    scf.if %cond3A_2299 {
      "tpu.region"() ({
        %run_scoped3A = tpu.sem_alloc : memref<!tpu.dma_semaphore, #tpu.memory_space<semaphore_mem>>
        %dma_start3A_2312 = tpu.memref_slice %arg5[%mul3A_8] : memref<10240xf32, #tpu.memory_space<hbm>> -> memref<640xf32, #tpu.memory_space<hbm>>
        %dma_start3A_2313 = tpu.memref_slice %arg5[%mul3A_8] : memref<10240xf32, #tpu.memory_space<hbm>> -> memref<640xf32, #tpu.memory_space<hbm>>
        tpu.enqueue_dma source(%arg15 : memref<640xf32, #tpu.memory_space<vmem>>) target(%dma_start3A_2313 : memref<640xf32, #tpu.memory_space<hbm>>) target_semaphore(%run_scoped3A : memref<!tpu.dma_semaphore, #tpu.memory_space<semaphore_mem>>)
        %dma_wait3A_2314 = tpu.memref_slice %arg5[%mul3A_8] : memref<10240xf32, #tpu.memory_space<hbm>> -> memref<640xf32, #tpu.memory_space<hbm>>
        %dma_wait3A_2315 = tpu.memref_slice %arg5[%mul3A_8] : memref<10240xf32, #tpu.memory_space<hbm>> -> memref<640xf32, #tpu.memory_space<hbm>>
        tpu.wait_dma2 semaphore(%run_scoped3A : memref<!tpu.dma_semaphore, #tpu.memory_space<semaphore_mem>>) src(%arg15 : memref<640xf32, #tpu.memory_space<vmem>>) dst(%dma_wait3A_2315 : memref<640xf32, #tpu.memory_space<hbm>>)
        tpu.yield
      }) : () -> ()
    } else {
    }
    %barrier3A_2300 = arith.constant 0 : index
    tpu.barrier barrier_id(%barrier3A_2300)
    "tpu.region"() ({
      %run_scoped3A = tpu.sem_alloc : memref<!tpu.dma_semaphore, #tpu.memory_space<semaphore_mem>>
      tpu.enqueue_dma source(%arg18 : memref<10240xf32, #tpu.memory_space<vmem_shared>>) target(%arg14 : memref<10240xf32, #tpu.memory_space<vmem>>) target_semaphore(%run_scoped3A : memref<!tpu.dma_semaphore, #tpu.memory_space<semaphore_mem>>)
      tpu.wait_dma2 semaphore(%run_scoped3A : memref<!tpu.dma_semaphore, #tpu.memory_space<semaphore_mem>>) src(%arg18 : memref<10240xf32, #tpu.memory_space<vmem_shared>>) dst(%arg14 : memref<10240xf32, #tpu.memory_space<vmem>>)
      tpu.yield
    }) : () -> ()
    %eq3A_2301 = arith.constant 0 : i32
    %eq3A_2302 = arith.cmpi eq, %arg0, %eq3A_2301 : i32
    %convert_element_type3A_2303 = arith.extui %eq3A_2302 : i1 to i32
    %cond3A_2304 = arith.constant 0 : i32
    %cond3A_2305 = arith.cmpi ne, %convert_element_type3A_2303, %cond3A_2304 : i32
    scf.if %cond3A_2305 {
      %dma_start3A_2312 = arith.constant 0 : i32
      %dma_start3A_2313 = arith.constant 0 : i32
      %dma_start3A_2314 = arith.constant 0 : i32
      %dma_start3A_2315 = tpu.memref_slice %arg3[%add3A, %dma_start3A_2312, %dma_start3A_2313, %dma_start3A_2314] : memref<32x122x3x128xi32, #tpu.memory_space<hbm>> -> memref<1x1x3x128xi32, #tpu.memory_space<hbm>>
      %dma_start3A_2316 = tpu.memref_squeeze %dma_start3A_2315 : memref<1x1x3x128xi32, #tpu.memory_space<hbm>> -> memref<3x128xi32, #tpu.memory_space<hbm>>
      %dma_start3A_2317 = arith.constant 0 : i32
      %dma_start3A_2318 = arith.constant 0 : i32
      %dma_start3A_2319 = tpu.memref_slice %arg3[%add3A, %dma_start3A_2312, %dma_start3A_2317, %dma_start3A_2318] : memref<32x122x3x128xi32, #tpu.memory_space<hbm>> -> memref<1x1x3x128xi32, #tpu.memory_space<hbm>>
      %dma_start3A_2320 = tpu.memref_squeeze %dma_start3A_2319 : memref<1x1x3x128xi32, #tpu.memory_space<hbm>> -> memref<3x128xi32, #tpu.memory_space<hbm>>
      tpu.enqueue_dma source(%dma_start3A_2320 : memref<3x128xi32, #tpu.memory_space<hbm>>) target(%arg6 : memref<3x128xi32, #tpu.memory_space<vmem>>) target_semaphore(%arg19 : memref<!tpu.dma_semaphore, #tpu.memory_space<semaphore_mem>>)
      %dma_start3A_2321 = arith.constant 1 : i32
      %dma_start3A_2322 = arith.constant 0 : i32
      %dma_start3A_2323 = arith.constant 0 : i32
      %dma_start3A_2324 = tpu.memref_slice %arg3[%add3A, %dma_start3A_2321, %dma_start3A_2322, %dma_start3A_2323] : memref<32x122x3x128xi32, #tpu.memory_space<hbm>> -> memref<1x1x3x128xi32, #tpu.memory_space<hbm>>
      %dma_start3A_2325 = tpu.memref_squeeze %dma_start3A_2324 : memref<1x1x3x128xi32, #tpu.memory_space<hbm>> -> memref<3x128xi32, #tpu.memory_space<hbm>>
      %dma_start3A_2326 = arith.constant 0 : i32
      %dma_start3A_2327 = arith.constant 0 : i32
      %dma_start3A_2328 = tpu.memref_slice %arg3[%add3A, %dma_start3A_2321, %dma_start3A_2326, %dma_start3A_2327] : memref<32x122x3x128xi32, #tpu.memory_space<hbm>> -> memref<1x1x3x128xi32, #tpu.memory_space<hbm>>
      %dma_start3A_2329 = tpu.memref_squeeze %dma_start3A_2328 : memref<1x1x3x128xi32, #tpu.memory_space<hbm>> -> memref<3x128xi32, #tpu.memory_space<hbm>>
      tpu.enqueue_dma source(%dma_start3A_2329 : memref<3x128xi32, #tpu.memory_space<hbm>>) target(%arg7 : memref<3x128xi32, #tpu.memory_space<vmem>>) target_semaphore(%arg20 : memref<!tpu.dma_semaphore, #tpu.memory_space<semaphore_mem>>)
      %dma_wait3A_2330 = arith.constant 0 : i32
      %dma_wait3A_2331 = arith.constant 0 : i32
      %dma_wait3A_2332 = arith.constant 0 : i32
      %dma_wait3A_2333 = tpu.memref_slice %arg3[%add3A, %dma_wait3A_2330, %dma_wait3A_2331, %dma_wait3A_2332] : memref<32x122x3x128xi32, #tpu.memory_space<hbm>> -> memref<1x1x3x128xi32, #tpu.memory_space<hbm>>
      %dma_wait3A_2334 = tpu.memref_squeeze %dma_wait3A_2333 : memref<1x1x3x128xi32, #tpu.memory_space<hbm>> -> memref<3x128xi32, #tpu.memory_space<hbm>>
      %dma_wait3A_2335 = arith.constant 0 : i32
      %dma_wait3A_2336 = arith.constant 0 : i32
      %dma_wait3A_2337 = tpu.memref_slice %arg3[%add3A, %dma_wait3A_2330, %dma_wait3A_2335, %dma_wait3A_2336] : memref<32x122x3x128xi32, #tpu.memory_space<hbm>> -> memref<1x1x3x128xi32, #tpu.memory_space<hbm>>
      %dma_wait3A_2338 = tpu.memref_squeeze %dma_wait3A_2337 : memref<1x1x3x128xi32, #tpu.memory_space<hbm>> -> memref<3x128xi32, #tpu.memory_space<hbm>>
      tpu.wait_dma2 semaphore(%arg19 : memref<!tpu.dma_semaphore, #tpu.memory_space<semaphore_mem>>) src(%dma_wait3A_2338 : memref<3x128xi32, #tpu.memory_space<hbm>>) dst(%arg6 : memref<3x128xi32, #tpu.memory_space<vmem>>)
      %dma_start3A_2339 = arith.constant 0 : i32
      %dma_start3A_2340 = arith.constant 0 : i32
      %dma_start3A_2341 = tpu.memref_slice %arg6[%dma_start3A_2339, %dma_start3A_2340] : memref<3x128xi32, #tpu.memory_space<vmem>> -> memref<1x128xi32, #tpu.memory_space<vmem>>
      %dma_start3A_2342 = tpu.memref_squeeze %dma_start3A_2341 : memref<1x128xi32, #tpu.memory_space<vmem>> -> memref<128xi32, #tpu.memory_space<vmem>>
      %dma_start3A_2343 = arith.constant 0 : i32
      %dma_start3A_2344 = arith.constant 0 : i32
      %dma_start3A_2345 = tpu.memref_slice %arg2[%dma_start3A_2343, %dma_start3A_2344] : memref<10000x128xf32, #tpu.memory_space<hbm>> -> memref<10000x128xf32, #tpu.memory_space<hbm>>
      tpu.enqueue_indirect_dma source(%dma_start3A_2345 : memref<10000x128xf32, #tpu.memory_space<hbm>>) target(%arg12 : memref<128x128xf32, #tpu.memory_space<vmem>>) offsets(%dma_start3A_2342 : memref<128xi32, #tpu.memory_space<vmem>>) semaphore(%arg21 : memref<!tpu.dma_semaphore, #tpu.memory_space<semaphore_mem>>)
      %dma_wait3A_2346 = arith.constant 1 : i32
      %dma_wait3A_2347 = arith.constant 0 : i32
      %dma_wait3A_2348 = arith.constant 0 : i32
      %dma_wait3A_2349 = tpu.memref_slice %arg3[%add3A, %dma_wait3A_2346, %dma_wait3A_2347, %dma_wait3A_2348] : memref<32x122x3x128xi32, #tpu.memory_space<hbm>> -> memref<1x1x3x128xi32, #tpu.memory_space<hbm>>
      %dma_wait3A_2350 = tpu.memref_squeeze %dma_wait3A_2349 : memref<1x1x3x128xi32, #tpu.memory_space<hbm>> -> memref<3x128xi32, #tpu.memory_space<hbm>>
      %dma_wait3A_2351 = arith.constant 0 : i32
      %dma_wait3A_2352 = arith.constant 0 : i32
      %dma_wait3A_2353 = tpu.memref_slice %arg3[%add3A, %dma_wait3A_2346, %dma_wait3A_2351, %dma_wait3A_2352] : memref<32x122x3x128xi32, #tpu.memory_space<hbm>> -> memref<1x1x3x128xi32, #tpu.memory_space<hbm>>
      %dma_wait3A_2354 = tpu.memref_squeeze %dma_wait3A_2353 : memref<1x1x3x128xi32, #tpu.memory_space<hbm>> -> memref<3x128xi32, #tpu.memory_space<hbm>>
      tpu.wait_dma2 semaphore(%arg20 : memref<!tpu.dma_semaphore, #tpu.memory_space<semaphore_mem>>) src(%dma_wait3A_2354 : memref<3x128xi32, #tpu.memory_space<hbm>>) dst(%arg7 : memref<3x128xi32, #tpu.memory_space<vmem>>)
      %dma_start3A_2355 = arith.constant 0 : i32
      %dma_start3A_2356 = arith.constant 0 : i32
      %dma_start3A_2357 = tpu.memref_slice %arg7[%dma_start3A_2355, %dma_start3A_2356] : memref<3x128xi32, #tpu.memory_space<vmem>> -> memref<1x128xi32, #tpu.memory_space<vmem>>
      %dma_start3A_2358 = tpu.memref_squeeze %dma_start3A_2357 : memref<1x128xi32, #tpu.memory_space<vmem>> -> memref<128xi32, #tpu.memory_space<vmem>>
      %dma_start3A_2359 = arith.constant 0 : i32
      %dma_start3A_2360 = arith.constant 0 : i32
      %dma_start3A_2361 = tpu.memref_slice %arg2[%dma_start3A_2359, %dma_start3A_2360] : memref<10000x128xf32, #tpu.memory_space<hbm>> -> memref<10000x128xf32, #tpu.memory_space<hbm>>
      tpu.enqueue_indirect_dma source(%dma_start3A_2361 : memref<10000x128xf32, #tpu.memory_space<hbm>>) target(%arg13 : memref<128x128xf32, #tpu.memory_space<vmem>>) offsets(%dma_start3A_2358 : memref<128xi32, #tpu.memory_space<vmem>>) semaphore(%arg22 : memref<!tpu.dma_semaphore, #tpu.memory_space<semaphore_mem>>)
      %scan3A_2362 = arith.constant 0 : i32
      %scan3A_2363 = arith.constant 0 : i32
      %scan3A_2364 = arith.constant 61 : i32
      %scan3A_2365 = arith.addi %scan3A_2363, %scan3A_2364 : i32
      %scan3A_2366 = arith.constant 1 : i32
      scf.for %scan3A_2368 = %scan3A_2363 to %scan3A_2365 step %scan3A_2366  : i32 {
        %mul3A_2369 = arith.constant 2 : i32
        %mul3A_2370 = arith.muli %mul3A_2369, %scan3A_2368 : i32
        %mul3A_2371 = arith.constant 2 : i32
        %mul3A_2372 = arith.muli %mul3A_2371, %scan3A_2368 : i32
        %add3A_2373 = arith.constant 1 : i32
        %add3A_2374 = arith.addi %mul3A_2372, %add3A_2373 : i32
        %dma_wait3A_2375 = arith.constant 0 : i32
        %dma_wait3A_2376 = arith.constant 0 : i32
        %dma_wait3A_2377 = tpu.memref_slice %arg6[%dma_wait3A_2375, %dma_wait3A_2376] : memref<3x128xi32, #tpu.memory_space<vmem>> -> memref<1x128xi32, #tpu.memory_space<vmem>>
        %dma_wait3A_2378 = tpu.memref_squeeze %dma_wait3A_2377 : memref<1x128xi32, #tpu.memory_space<vmem>> -> memref<128xi32, #tpu.memory_space<vmem>>
        %dma_wait3A_2379 = arith.constant 0 : i32
        %dma_wait3A_2380 = arith.constant 0 : i32
        %dma_wait3A_2381 = tpu.memref_slice %arg2[%dma_wait3A_2379, %dma_wait3A_2380] : memref<10000x128xf32, #tpu.memory_space<hbm>> -> memref<10000x128xf32, #tpu.memory_space<hbm>>
        tpu.wait_indirect_dma semaphore(%arg21 : memref<!tpu.dma_semaphore, #tpu.memory_space<semaphore_mem>>) src(%dma_wait3A_2381 : memref<10000x128xf32, #tpu.memory_space<hbm>>) dst(%arg12 : memref<128x128xf32, #tpu.memory_space<vmem>>)
        %get3A_2382 = arith.constant 0 : i32
        %get3A_2383 = arith.index_cast %get3A_2382 : i32 to index
        %get3A_2384 = arith.constant 0 : index
        %get3A_2385 = tpu.vector_load %arg6[%get3A_2383, %get3A_2384] {strides = array<i32>} : memref<3x128xi32, #tpu.memory_space<vmem>>, vector<16xi32>,
        %gather3A = tpu.vector_load_idx %arg14[%get3A_2385] : memref<10240xf32, #tpu.memory_space<vmem>>[vector<16xi32>], vector<16xf32>,
        %get3A_2386 = arith.constant 2 : i32
        %get3A_2387 = arith.index_cast %get3A_2386 : i32 to index
        %get3A_2388 = arith.constant 0 : index
        %get3A_2389 = tpu.vector_load %arg6[%get3A_2387, %get3A_2388] {strides = array<i32>} : memref<3x128xi32, #tpu.memory_space<vmem>>, vector<16xi32>,
        %bitcast_convert_type3A_2390 = tpu.bitcast %get3A_2389 : vector<16xi32> -> vector<16xf32>
        %mul3A_2391 = arith.mulf %gather3A, %bitcast_convert_type3A_2390 : vector<16xf32>
        %swap3A_2392 = arith.constant 0 : index
        %swap3A_2393 = tpu.vector_load %arg10[%swap3A_2392] {strides = array<i32>} : memref<128xf32, #tpu.memory_space<vmem>>, vector<16xf32>,
        tpu.vector_store %arg10[%swap3A_2392], %mul3A_2391 {strides = array<i32>} : memref<128xf32, #tpu.memory_space<vmem>>, vector<16xf32>,
        %get3A_2394 = arith.constant 1 : i32
        %get3A_2395 = arith.index_cast %get3A_2394 : i32 to index
        %get3A_2396 = arith.constant 0 : index
        %get3A_2397 = tpu.vector_load %arg6[%get3A_2395, %get3A_2396] {strides = array<i32>} : memref<3x128xi32, #tpu.memory_space<vmem>>, vector<16xi32>,
        %swap3A_2398 = arith.constant 0 : index
        %swap3A_2399 = tpu.vector_load %arg8[%swap3A_2398] {strides = array<i32>} : memref<128xi32, #tpu.memory_space<vmem>>, vector<16xi32>,
        tpu.vector_store %arg8[%swap3A_2398], %get3A_2397 {strides = array<i32>} : memref<128xi32, #tpu.memory_space<vmem>>, vector<16xi32>,
        %get3A_2400 = arith.constant 0 : i32
        %get3A_2401 = arith.index_cast %get3A_2400 : i32 to index
        %get3A_2402 = arith.constant 16 : index
        %get3A_2403 = tpu.vector_load %arg6[%get3A_2401, %get3A_2402] {strides = array<i32>} : memref<3x128xi32, #tpu.memory_space<vmem>>, vector<16xi32>,
        %gather3A_2404 = tpu.vector_load_idx %arg14[%get3A_2403] : memref<10240xf32, #tpu.memory_space<vmem>>[vector<16xi32>], vector<16xf32>,
        %get3A_2405 = arith.constant 2 : i32
        %get3A_2406 = arith.index_cast %get3A_2405 : i32 to index
        %get3A_2407 = arith.constant 16 : index
        %get3A_2408 = tpu.vector_load %arg6[%get3A_2406, %get3A_2407] {strides = array<i32>} : memref<3x128xi32, #tpu.memory_space<vmem>>, vector<16xi32>,
        %bitcast_convert_type3A_2409 = tpu.bitcast %get3A_2408 : vector<16xi32> -> vector<16xf32>
        %mul3A_2410 = arith.mulf %gather3A_2404, %bitcast_convert_type3A_2409 : vector<16xf32>
        %swap3A_2411 = arith.constant 16 : index
        %swap3A_2412 = tpu.vector_load %arg10[%swap3A_2411] {strides = array<i32>} : memref<128xf32, #tpu.memory_space<vmem>>, vector<16xf32>,
        tpu.vector_store %arg10[%swap3A_2411], %mul3A_2410 {strides = array<i32>} : memref<128xf32, #tpu.memory_space<vmem>>, vector<16xf32>,
        %get3A_2413 = arith.constant 1 : i32
        %get3A_2414 = arith.index_cast %get3A_2413 : i32 to index
        %get3A_2415 = arith.constant 16 : index
        %get3A_2416 = tpu.vector_load %arg6[%get3A_2414, %get3A_2415] {strides = array<i32>} : memref<3x128xi32, #tpu.memory_space<vmem>>, vector<16xi32>,
        %swap3A_2417 = arith.constant 16 : index
        %swap3A_2418 = tpu.vector_load %arg8[%swap3A_2417] {strides = array<i32>} : memref<128xi32, #tpu.memory_space<vmem>>, vector<16xi32>,
        tpu.vector_store %arg8[%swap3A_2417], %get3A_2416 {strides = array<i32>} : memref<128xi32, #tpu.memory_space<vmem>>, vector<16xi32>,
        %get3A_2419 = arith.constant 0 : i32
        %get3A_2420 = arith.index_cast %get3A_2419 : i32 to index
        %get3A_2421 = arith.constant 32 : index
        %get3A_2422 = tpu.vector_load %arg6[%get3A_2420, %get3A_2421] {strides = array<i32>} : memref<3x128xi32, #tpu.memory_space<vmem>>, vector<16xi32>,
        %gather3A_2423 = tpu.vector_load_idx %arg14[%get3A_2422] : memref<10240xf32, #tpu.memory_space<vmem>>[vector<16xi32>], vector<16xf32>,
        %get3A_2424 = arith.constant 2 : i32
        %get3A_2425 = arith.index_cast %get3A_2424 : i32 to index
        %get3A_2426 = arith.constant 32 : index
        %get3A_2427 = tpu.vector_load %arg6[%get3A_2425, %get3A_2426] {strides = array<i32>} : memref<3x128xi32, #tpu.memory_space<vmem>>, vector<16xi32>,
        %bitcast_convert_type3A_2428 = tpu.bitcast %get3A_2427 : vector<16xi32> -> vector<16xf32>
        %mul3A_2429 = arith.mulf %gather3A_2423, %bitcast_convert_type3A_2428 : vector<16xf32>
        %swap3A_2430 = arith.constant 32 : index
        %swap3A_2431 = tpu.vector_load %arg10[%swap3A_2430] {strides = array<i32>} : memref<128xf32, #tpu.memory_space<vmem>>, vector<16xf32>,
        tpu.vector_store %arg10[%swap3A_2430], %mul3A_2429 {strides = array<i32>} : memref<128xf32, #tpu.memory_space<vmem>>, vector<16xf32>,
        %get3A_2432 = arith.constant 1 : i32
        %get3A_2433 = arith.index_cast %get3A_2432 : i32 to index
        %get3A_2434 = arith.constant 32 : index
        %get3A_2435 = tpu.vector_load %arg6[%get3A_2433, %get3A_2434] {strides = array<i32>} : memref<3x128xi32, #tpu.memory_space<vmem>>, vector<16xi32>,
        %swap3A_2436 = arith.constant 32 : index
        %swap3A_2437 = tpu.vector_load %arg8[%swap3A_2436] {strides = array<i32>} : memref<128xi32, #tpu.memory_space<vmem>>, vector<16xi32>,
        tpu.vector_store %arg8[%swap3A_2436], %get3A_2435 {strides = array<i32>} : memref<128xi32, #tpu.memory_space<vmem>>, vector<16xi32>,
        %get3A_2438 = arith.constant 0 : i32
        %get3A_2439 = arith.index_cast %get3A_2438 : i32 to index
        %get3A_2440 = arith.constant 48 : index
        %get3A_2441 = tpu.vector_load %arg6[%get3A_2439, %get3A_2440] {strides = array<i32>} : memref<3x128xi32, #tpu.memory_space<vmem>>, vector<16xi32>,
        %gather3A_2442 = tpu.vector_load_idx %arg14[%get3A_2441] : memref<10240xf32, #tpu.memory_space<vmem>>[vector<16xi32>], vector<16xf32>,
        %get3A_2443 = arith.constant 2 : i32
        %get3A_2444 = arith.index_cast %get3A_2443 : i32 to index
        %get3A_2445 = arith.constant 48 : index
        %get3A_2446 = tpu.vector_load %arg6[%get3A_2444, %get3A_2445] {strides = array<i32>} : memref<3x128xi32, #tpu.memory_space<vmem>>, vector<16xi32>,
        %bitcast_convert_type3A_2447 = tpu.bitcast %get3A_2446 : vector<16xi32> -> vector<16xf32>
        %mul3A_2448 = arith.mulf %gather3A_2442, %bitcast_convert_type3A_2447 : vector<16xf32>
        %swap3A_2449 = arith.constant 48 : index
        %swap3A_2450 = tpu.vector_load %arg10[%swap3A_2449] {strides = array<i32>} : memref<128xf32, #tpu.memory_space<vmem>>, vector<16xf32>,
        tpu.vector_store %arg10[%swap3A_2449], %mul3A_2448 {strides = array<i32>} : memref<128xf32, #tpu.memory_space<vmem>>, vector<16xf32>,
        %get3A_2451 = arith.constant 1 : i32
        %get3A_2452 = arith.index_cast %get3A_2451 : i32 to index
        %get3A_2453 = arith.constant 48 : index
        %get3A_2454 = tpu.vector_load %arg6[%get3A_2452, %get3A_2453] {strides = array<i32>} : memref<3x128xi32, #tpu.memory_space<vmem>>, vector<16xi32>,
        %swap3A_2455 = arith.constant 48 : index
        %swap3A_2456 = tpu.vector_load %arg8[%swap3A_2455] {strides = array<i32>} : memref<128xi32, #tpu.memory_space<vmem>>, vector<16xi32>,
        tpu.vector_store %arg8[%swap3A_2455], %get3A_2454 {strides = array<i32>} : memref<128xi32, #tpu.memory_space<vmem>>, vector<16xi32>,
        %get3A_2457 = arith.constant 0 : i32
        %get3A_2458 = arith.index_cast %get3A_2457 : i32 to index
        %get3A_2459 = arith.constant 64 : index
        %get3A_2460 = tpu.vector_load %arg6[%get3A_2458, %get3A_2459] {strides = array<i32>} : memref<3x128xi32, #tpu.memory_space<vmem>>, vector<16xi32>,
        %gather3A_2461 = tpu.vector_load_idx %arg14[%get3A_2460] : memref<10240xf32, #tpu.memory_space<vmem>>[vector<16xi32>], vector<16xf32>,
        %get3A_2462 = arith.constant 2 : i32
        %get3A_2463 = arith.index_cast %get3A_2462 : i32 to index
        %get3A_2464 = arith.constant 64 : index
        %get3A_2465 = tpu.vector_load %arg6[%get3A_2463, %get3A_2464] {strides = array<i32>} : memref<3x128xi32, #tpu.memory_space<vmem>>, vector<16xi32>,
        %bitcast_convert_type3A_2466 = tpu.bitcast %get3A_2465 : vector<16xi32> -> vector<16xf32>
        %mul3A_2467 = arith.mulf %gather3A_2461, %bitcast_convert_type3A_2466 : vector<16xf32>
        %swap3A_2468 = arith.constant 64 : index
        %swap3A_2469 = tpu.vector_load %arg10[%swap3A_2468] {strides = array<i32>} : memref<128xf32, #tpu.memory_space<vmem>>, vector<16xf32>,
        tpu.vector_store %arg10[%swap3A_2468], %mul3A_2467 {strides = array<i32>} : memref<128xf32, #tpu.memory_space<vmem>>, vector<16xf32>,
        %get3A_2470 = arith.constant 1 : i32
        %get3A_2471 = arith.index_cast %get3A_2470 : i32 to index
        %get3A_2472 = arith.constant 64 : index
        %get3A_2473 = tpu.vector_load %arg6[%get3A_2471, %get3A_2472] {strides = array<i32>} : memref<3x128xi32, #tpu.memory_space<vmem>>, vector<16xi32>,
        %swap3A_2474 = arith.constant 64 : index
        %swap3A_2475 = tpu.vector_load %arg8[%swap3A_2474] {strides = array<i32>} : memref<128xi32, #tpu.memory_space<vmem>>, vector<16xi32>,
        tpu.vector_store %arg8[%swap3A_2474], %get3A_2473 {strides = array<i32>} : memref<128xi32, #tpu.memory_space<vmem>>, vector<16xi32>,
        %get3A_2476 = arith.constant 0 : i32
        %get3A_2477 = arith.index_cast %get3A_2476 : i32 to index
        %get3A_2478 = arith.constant 80 : index
        %get3A_2479 = tpu.vector_load %arg6[%get3A_2477, %get3A_2478] {strides = array<i32>} : memref<3x128xi32, #tpu.memory_space<vmem>>, vector<16xi32>,
        %gather3A_2480 = tpu.vector_load_idx %arg14[%get3A_2479] : memref<10240xf32, #tpu.memory_space<vmem>>[vector<16xi32>], vector<16xf32>,
        %get3A_2481 = arith.constant 2 : i32
        %get3A_2482 = arith.index_cast %get3A_2481 : i32 to index
        %get3A_2483 = arith.constant 80 : index
        %get3A_2484 = tpu.vector_load %arg6[%get3A_2482, %get3A_2483] {strides = array<i32>} : memref<3x128xi32, #tpu.memory_space<vmem>>, vector<16xi32>,
        %bitcast_convert_type3A_2485 = tpu.bitcast %get3A_2484 : vector<16xi32> -> vector<16xf32>
        %mul3A_2486 = arith.mulf %gather3A_2480, %bitcast_convert_type3A_2485 : vector<16xf32>
        %swap3A_2487 = arith.constant 80 : index
        %swap3A_2488 = tpu.vector_load %arg10[%swap3A_2487] {strides = array<i32>} : memref<128xf32, #tpu.memory_space<vmem>>, vector<16xf32>,
        tpu.vector_store %arg10[%swap3A_2487], %mul3A_2486 {strides = array<i32>} : memref<128xf32, #tpu.memory_space<vmem>>, vector<16xf32>,
        %get3A_2489 = arith.constant 1 : i32
        %get3A_2490 = arith.index_cast %get3A_2489 : i32 to index
        %get3A_2491 = arith.constant 80 : index
        %get3A_2492 = tpu.vector_load %arg6[%get3A_2490, %get3A_2491] {strides = array<i32>} : memref<3x128xi32, #tpu.memory_space<vmem>>, vector<16xi32>,
        %swap3A_2493 = arith.constant 80 : index
        %swap3A_2494 = tpu.vector_load %arg8[%swap3A_2493] {strides = array<i32>} : memref<128xi32, #tpu.memory_space<vmem>>, vector<16xi32>,
        tpu.vector_store %arg8[%swap3A_2493], %get3A_2492 {strides = array<i32>} : memref<128xi32, #tpu.memory_space<vmem>>, vector<16xi32>,
        %get3A_2495 = arith.constant 0 : i32
        %get3A_2496 = arith.index_cast %get3A_2495 : i32 to index
        %get3A_2497 = arith.constant 96 : index
        %get3A_2498 = tpu.vector_load %arg6[%get3A_2496, %get3A_2497] {strides = array<i32>} : memref<3x128xi32, #tpu.memory_space<vmem>>, vector<16xi32>,
        %gather3A_2499 = tpu.vector_load_idx %arg14[%get3A_2498] : memref<10240xf32, #tpu.memory_space<vmem>>[vector<16xi32>], vector<16xf32>,
        %get3A_2500 = arith.constant 2 : i32
        %get3A_2501 = arith.index_cast %get3A_2500 : i32 to index
        %get3A_2502 = arith.constant 96 : index
        %get3A_2503 = tpu.vector_load %arg6[%get3A_2501, %get3A_2502] {strides = array<i32>} : memref<3x128xi32, #tpu.memory_space<vmem>>, vector<16xi32>,
        %bitcast_convert_type3A_2504 = tpu.bitcast %get3A_2503 : vector<16xi32> -> vector<16xf32>
        %mul3A_2505 = arith.mulf %gather3A_2499, %bitcast_convert_type3A_2504 : vector<16xf32>
        %swap3A_2506 = arith.constant 96 : index
        %swap3A_2507 = tpu.vector_load %arg10[%swap3A_2506] {strides = array<i32>} : memref<128xf32, #tpu.memory_space<vmem>>, vector<16xf32>,
        tpu.vector_store %arg10[%swap3A_2506], %mul3A_2505 {strides = array<i32>} : memref<128xf32, #tpu.memory_space<vmem>>, vector<16xf32>,
        %get3A_2508 = arith.constant 1 : i32
        %get3A_2509 = arith.index_cast %get3A_2508 : i32 to index
        %get3A_2510 = arith.constant 96 : index
        %get3A_2511 = tpu.vector_load %arg6[%get3A_2509, %get3A_2510] {strides = array<i32>} : memref<3x128xi32, #tpu.memory_space<vmem>>, vector<16xi32>,
        %swap3A_2512 = arith.constant 96 : index
        %swap3A_2513 = tpu.vector_load %arg8[%swap3A_2512] {strides = array<i32>} : memref<128xi32, #tpu.memory_space<vmem>>, vector<16xi32>,
        tpu.vector_store %arg8[%swap3A_2512], %get3A_2511 {strides = array<i32>} : memref<128xi32, #tpu.memory_space<vmem>>, vector<16xi32>,
        %get3A_2514 = arith.constant 0 : i32
        %get3A_2515 = arith.index_cast %get3A_2514 : i32 to index
        %get3A_2516 = arith.constant 112 : index
        %get3A_2517 = tpu.vector_load %arg6[%get3A_2515, %get3A_2516] {strides = array<i32>} : memref<3x128xi32, #tpu.memory_space<vmem>>, vector<16xi32>,
        %gather3A_2518 = tpu.vector_load_idx %arg14[%get3A_2517] : memref<10240xf32, #tpu.memory_space<vmem>>[vector<16xi32>], vector<16xf32>,
        %get3A_2519 = arith.constant 2 : i32
        %get3A_2520 = arith.index_cast %get3A_2519 : i32 to index
        %get3A_2521 = arith.constant 112 : index
        %get3A_2522 = tpu.vector_load %arg6[%get3A_2520, %get3A_2521] {strides = array<i32>} : memref<3x128xi32, #tpu.memory_space<vmem>>, vector<16xi32>,
        %bitcast_convert_type3A_2523 = tpu.bitcast %get3A_2522 : vector<16xi32> -> vector<16xf32>
        %mul3A_2524 = arith.mulf %gather3A_2518, %bitcast_convert_type3A_2523 : vector<16xf32>
        %swap3A_2525 = arith.constant 112 : index
        %swap3A_2526 = tpu.vector_load %arg10[%swap3A_2525] {strides = array<i32>} : memref<128xf32, #tpu.memory_space<vmem>>, vector<16xf32>,
        tpu.vector_store %arg10[%swap3A_2525], %mul3A_2524 {strides = array<i32>} : memref<128xf32, #tpu.memory_space<vmem>>, vector<16xf32>,
        %get3A_2527 = arith.constant 1 : i32
        %get3A_2528 = arith.index_cast %get3A_2527 : i32 to index
        %get3A_2529 = arith.constant 112 : index
        %get3A_2530 = tpu.vector_load %arg6[%get3A_2528, %get3A_2529] {strides = array<i32>} : memref<3x128xi32, #tpu.memory_space<vmem>>, vector<16xi32>,
        %swap3A_2531 = arith.constant 112 : index
        %swap3A_2532 = tpu.vector_load %arg8[%swap3A_2531] {strides = array<i32>} : memref<128xi32, #tpu.memory_space<vmem>>, vector<16xi32>,
        tpu.vector_store %arg8[%swap3A_2531], %get3A_2530 {strides = array<i32>} : memref<128xi32, #tpu.memory_space<vmem>>, vector<16xi32>,
        %parallel_loop3A_2533 = arith.constant 0 : i32
        %parallel_loop3A_2534 = arith.constant 128 : i32
        %parallel_loop3A_2535 = arith.constant 1 : i32
        scf.for %parallel_loop3A_2737 = %parallel_loop3A_2533 to %parallel_loop3A_2534 step %parallel_loop3A_2535  : i32 {
          %parallel_loop3A_2738 = arith.constant 0 : i32
          %parallel_loop3A_2739 = vector.broadcast %parallel_loop3A_2738 : i32 to vector<16xi32>
          %parallel_loop3A_2740 = vector.broadcast %parallel_loop3A_2737 : i32 to vector<16xi32>
          %parallel_loop3A_2741 = arith.addi %parallel_loop3A_2739, %parallel_loop3A_2740 : vector<16xi32>
          %parallel_loop3A_2742 = tpu.vector_load_idx %arg10[%parallel_loop3A_2741] : memref<128xf32, #tpu.memory_space<vmem>>[vector<16xi32>], vector<16xf32>,
          %parallel_loop3A_2743 = arith.index_cast %parallel_loop3A_2737 : i32 to index
          %parallel_loop3A_2744 = arith.constant 0 : index
          %parallel_loop3A_2745 = tpu.vector_load %arg12[%parallel_loop3A_2743, %parallel_loop3A_2744] {strides = array<i32>} : memref<128x128xf32, #tpu.memory_space<vmem>>, vector<16xf32>,
          %parallel_loop3A_2746 = arith.mulf %parallel_loop3A_2745, %parallel_loop3A_2742 : vector<16xf32>
          %parallel_loop3A_2747 = arith.index_cast %parallel_loop3A_2737 : i32 to index
          %parallel_loop3A_2748 = arith.constant 0 : index
          %parallel_loop3A_2749 = tpu.vector_load %arg12[%parallel_loop3A_2747, %parallel_loop3A_2748] {strides = array<i32>} : memref<128x128xf32, #tpu.memory_space<vmem>>, vector<16xf32>,
          tpu.vector_store %arg12[%parallel_loop3A_2747, %parallel_loop3A_2748], %parallel_loop3A_2746 {strides = array<i32>} : memref<128x128xf32, #tpu.memory_space<vmem>>, vector<16xf32>,
          %parallel_loop3A_2750 = arith.index_cast %parallel_loop3A_2737 : i32 to index
          %parallel_loop3A_2751 = arith.constant 16 : index
          %parallel_loop3A_2752 = tpu.vector_load %arg12[%parallel_loop3A_2750, %parallel_loop3A_2751] {strides = array<i32>} : memref<128x128xf32, #tpu.memory_space<vmem>>, vector<16xf32>,
          %parallel_loop3A_2753 = arith.mulf %parallel_loop3A_2752, %parallel_loop3A_2742 : vector<16xf32>
          %parallel_loop3A_2754 = arith.index_cast %parallel_loop3A_2737 : i32 to index
          %parallel_loop3A_2755 = arith.constant 16 : index
          %parallel_loop3A_2756 = tpu.vector_load %arg12[%parallel_loop3A_2754, %parallel_loop3A_2755] {strides = array<i32>} : memref<128x128xf32, #tpu.memory_space<vmem>>, vector<16xf32>,
          tpu.vector_store %arg12[%parallel_loop3A_2754, %parallel_loop3A_2755], %parallel_loop3A_2753 {strides = array<i32>} : memref<128x128xf32, #tpu.memory_space<vmem>>, vector<16xf32>,
          %parallel_loop3A_2757 = arith.index_cast %parallel_loop3A_2737 : i32 to index
          %parallel_loop3A_2758 = arith.constant 32 : index
          %parallel_loop3A_2759 = tpu.vector_load %arg12[%parallel_loop3A_2757, %parallel_loop3A_2758] {strides = array<i32>} : memref<128x128xf32, #tpu.memory_space<vmem>>, vector<16xf32>,
          %parallel_loop3A_2760 = arith.mulf %parallel_loop3A_2759, %parallel_loop3A_2742 : vector<16xf32>
          %parallel_loop3A_2761 = arith.index_cast %parallel_loop3A_2737 : i32 to index
          %parallel_loop3A_2762 = arith.constant 32 : index
          %parallel_loop3A_2763 = tpu.vector_load %arg12[%parallel_loop3A_2761, %parallel_loop3A_2762] {strides = array<i32>} : memref<128x128xf32, #tpu.memory_space<vmem>>, vector<16xf32>,
          tpu.vector_store %arg12[%parallel_loop3A_2761, %parallel_loop3A_2762], %parallel_loop3A_2760 {strides = array<i32>} : memref<128x128xf32, #tpu.memory_space<vmem>>, vector<16xf32>,
          %parallel_loop3A_2764 = arith.index_cast %parallel_loop3A_2737 : i32 to index
          %parallel_loop3A_2765 = arith.constant 48 : index
          %parallel_loop3A_2766 = tpu.vector_load %arg12[%parallel_loop3A_2764, %parallel_loop3A_2765] {strides = array<i32>} : memref<128x128xf32, #tpu.memory_space<vmem>>, vector<16xf32>,
          %parallel_loop3A_2767 = arith.mulf %parallel_loop3A_2766, %parallel_loop3A_2742 : vector<16xf32>
          %parallel_loop3A_2768 = arith.index_cast %parallel_loop3A_2737 : i32 to index
          %parallel_loop3A_2769 = arith.constant 48 : index
          %parallel_loop3A_2770 = tpu.vector_load %arg12[%parallel_loop3A_2768, %parallel_loop3A_2769] {strides = array<i32>} : memref<128x128xf32, #tpu.memory_space<vmem>>, vector<16xf32>,
          tpu.vector_store %arg12[%parallel_loop3A_2768, %parallel_loop3A_2769], %parallel_loop3A_2767 {strides = array<i32>} : memref<128x128xf32, #tpu.memory_space<vmem>>, vector<16xf32>,
          %parallel_loop3A_2771 = arith.index_cast %parallel_loop3A_2737 : i32 to index
          %parallel_loop3A_2772 = arith.constant 64 : index
          %parallel_loop3A_2773 = tpu.vector_load %arg12[%parallel_loop3A_2771, %parallel_loop3A_2772] {strides = array<i32>} : memref<128x128xf32, #tpu.memory_space<vmem>>, vector<16xf32>,
          %parallel_loop3A_2774 = arith.mulf %parallel_loop3A_2773, %parallel_loop3A_2742 : vector<16xf32>
          %parallel_loop3A_2775 = arith.index_cast %parallel_loop3A_2737 : i32 to index
          %parallel_loop3A_2776 = arith.constant 64 : index
          %parallel_loop3A_2777 = tpu.vector_load %arg12[%parallel_loop3A_2775, %parallel_loop3A_2776] {strides = array<i32>} : memref<128x128xf32, #tpu.memory_space<vmem>>, vector<16xf32>,
          tpu.vector_store %arg12[%parallel_loop3A_2775, %parallel_loop3A_2776], %parallel_loop3A_2774 {strides = array<i32>} : memref<128x128xf32, #tpu.memory_space<vmem>>, vector<16xf32>,
          %parallel_loop3A_2778 = arith.index_cast %parallel_loop3A_2737 : i32 to index
          %parallel_loop3A_2779 = arith.constant 80 : index
          %parallel_loop3A_2780 = tpu.vector_load %arg12[%parallel_loop3A_2778, %parallel_loop3A_2779] {strides = array<i32>} : memref<128x128xf32, #tpu.memory_space<vmem>>, vector<16xf32>,
          %parallel_loop3A_2781 = arith.mulf %parallel_loop3A_2780, %parallel_loop3A_2742 : vector<16xf32>
          %parallel_loop3A_2782 = arith.index_cast %parallel_loop3A_2737 : i32 to index
          %parallel_loop3A_2783 = arith.constant 80 : index
          %parallel_loop3A_2784 = tpu.vector_load %arg12[%parallel_loop3A_2782, %parallel_loop3A_2783] {strides = array<i32>} : memref<128x128xf32, #tpu.memory_space<vmem>>, vector<16xf32>,
          tpu.vector_store %arg12[%parallel_loop3A_2782, %parallel_loop3A_2783], %parallel_loop3A_2781 {strides = array<i32>} : memref<128x128xf32, #tpu.memory_space<vmem>>, vector<16xf32>,
          %parallel_loop3A_2785 = arith.index_cast %parallel_loop3A_2737 : i32 to index
          %parallel_loop3A_2786 = arith.constant 96 : index
          %parallel_loop3A_2787 = tpu.vector_load %arg12[%parallel_loop3A_2785, %parallel_loop3A_2786] {strides = array<i32>} : memref<128x128xf32, #tpu.memory_space<vmem>>, vector<16xf32>,
          %parallel_loop3A_2788 = arith.mulf %parallel_loop3A_2787, %parallel_loop3A_2742 : vector<16xf32>
          %parallel_loop3A_2789 = arith.index_cast %parallel_loop3A_2737 : i32 to index
          %parallel_loop3A_2790 = arith.constant 96 : index
          %parallel_loop3A_2791 = tpu.vector_load %arg12[%parallel_loop3A_2789, %parallel_loop3A_2790] {strides = array<i32>} : memref<128x128xf32, #tpu.memory_space<vmem>>, vector<16xf32>,
          tpu.vector_store %arg12[%parallel_loop3A_2789, %parallel_loop3A_2790], %parallel_loop3A_2788 {strides = array<i32>} : memref<128x128xf32, #tpu.memory_space<vmem>>, vector<16xf32>,
          %parallel_loop3A_2792 = arith.index_cast %parallel_loop3A_2737 : i32 to index
          %parallel_loop3A_2793 = arith.constant 112 : index
          %parallel_loop3A_2794 = tpu.vector_load %arg12[%parallel_loop3A_2792, %parallel_loop3A_2793] {strides = array<i32>} : memref<128x128xf32, #tpu.memory_space<vmem>>, vector<16xf32>,
          %parallel_loop3A_2795 = arith.mulf %parallel_loop3A_2794, %parallel_loop3A_2742 : vector<16xf32>
          %parallel_loop3A_2796 = arith.index_cast %parallel_loop3A_2737 : i32 to index
          %parallel_loop3A_2797 = arith.constant 112 : index
          %parallel_loop3A_2798 = tpu.vector_load %arg12[%parallel_loop3A_2796, %parallel_loop3A_2797] {strides = array<i32>} : memref<128x128xf32, #tpu.memory_space<vmem>>, vector<16xf32>,
          tpu.vector_store %arg12[%parallel_loop3A_2796, %parallel_loop3A_2797], %parallel_loop3A_2795 {strides = array<i32>} : memref<128x128xf32, #tpu.memory_space<vmem>>, vector<16xf32>,
        } {sc.loop_unroll_factor = 2 : i64, sc.parallel_access}
        %dma_start3A_2536 = arith.constant 0 : i32
        %dma_start3A_2537 = arith.constant 0 : i32
        %dma_start3A_2538 = tpu.memref_slice %arg16[%dma_start3A_2536, %dma_start3A_2537] : memref<10240x128xf32, #tpu.memory_space<vmem_shared>> -> memref<10240x128xf32, #tpu.memory_space<vmem_shared>>
        tpu.enqueue_indirect_dma source(%arg12 : memref<128x128xf32, #tpu.memory_space<vmem>>) target(%dma_start3A_2538 : memref<10240x128xf32, #tpu.memory_space<vmem_shared>>) offsets(%arg8 : memref<128xi32, #tpu.memory_space<vmem>>) semaphore(%arg23 : memref<!tpu.dma_semaphore, #tpu.memory_space<semaphore_mem>>) {add = true}
        %add3A_2539 = arith.constant 2 : i32
        %add3A_2540 = arith.addi %mul3A_2370, %add3A_2539 : i32
        %lt3A = arith.constant 122 : i32
        %lt3A_2541 = arith.cmpi slt, %add3A_2540, %lt3A : i32
        %convert_element_type3A_2542 = arith.extui %lt3A_2541 : i1 to i32
        %cond3A_2543 = arith.constant 0 : i32
        %cond3A_2544 = arith.cmpi ne, %convert_element_type3A_2542, %cond3A_2543 : i32
        scf.if %cond3A_2544 {
          %add3A_2737 = arith.constant 2 : i32
          %add3A_2738 = arith.addi %mul3A_2370, %add3A_2737 : i32
          %dma_start3A_2739 = arith.constant 0 : i32
          %dma_start3A_2740 = arith.constant 0 : i32
          %dma_start3A_2741 = tpu.memref_slice %arg3[%add3A, %add3A_2738, %dma_start3A_2739, %dma_start3A_2740] : memref<32x122x3x128xi32, #tpu.memory_space<hbm>> -> memref<1x1x3x128xi32, #tpu.memory_space<hbm>>
          %dma_start3A_2742 = tpu.memref_squeeze %dma_start3A_2741 : memref<1x1x3x128xi32, #tpu.memory_space<hbm>> -> memref<3x128xi32, #tpu.memory_space<hbm>>
          %dma_start3A_2743 = arith.constant 0 : i32
          %dma_start3A_2744 = arith.constant 0 : i32
          %dma_start3A_2745 = tpu.memref_slice %arg3[%add3A, %add3A_2738, %dma_start3A_2743, %dma_start3A_2744] : memref<32x122x3x128xi32, #tpu.memory_space<hbm>> -> memref<1x1x3x128xi32, #tpu.memory_space<hbm>>
          %dma_start3A_2746 = tpu.memref_squeeze %dma_start3A_2745 : memref<1x1x3x128xi32, #tpu.memory_space<hbm>> -> memref<3x128xi32, #tpu.memory_space<hbm>>
          tpu.enqueue_dma source(%dma_start3A_2746 : memref<3x128xi32, #tpu.memory_space<hbm>>) target(%arg6 : memref<3x128xi32, #tpu.memory_space<vmem>>) target_semaphore(%arg19 : memref<!tpu.dma_semaphore, #tpu.memory_space<semaphore_mem>>)
        } else {
        }
        %dma_wait3A_2545 = arith.constant 0 : i32
        %dma_wait3A_2546 = arith.constant 0 : i32
        %dma_wait3A_2547 = tpu.memref_slice %arg7[%dma_wait3A_2545, %dma_wait3A_2546] : memref<3x128xi32, #tpu.memory_space<vmem>> -> memref<1x128xi32, #tpu.memory_space<vmem>>
        %dma_wait3A_2548 = tpu.memref_squeeze %dma_wait3A_2547 : memref<1x128xi32, #tpu.memory_space<vmem>> -> memref<128xi32, #tpu.memory_space<vmem>>
        %dma_wait3A_2549 = arith.constant 0 : i32
        %dma_wait3A_2550 = arith.constant 0 : i32
        %dma_wait3A_2551 = tpu.memref_slice %arg2[%dma_wait3A_2549, %dma_wait3A_2550] : memref<10000x128xf32, #tpu.memory_space<hbm>> -> memref<10000x128xf32, #tpu.memory_space<hbm>>
        tpu.wait_indirect_dma semaphore(%arg22 : memref<!tpu.dma_semaphore, #tpu.memory_space<semaphore_mem>>) src(%dma_wait3A_2551 : memref<10000x128xf32, #tpu.memory_space<hbm>>) dst(%arg13 : memref<128x128xf32, #tpu.memory_space<vmem>>)
        %get3A_2552 = arith.constant 0 : i32
        %get3A_2553 = arith.index_cast %get3A_2552 : i32 to index
        %get3A_2554 = arith.constant 0 : index
        %get3A_2555 = tpu.vector_load %arg7[%get3A_2553, %get3A_2554] {strides = array<i32>} : memref<3x128xi32, #tpu.memory_space<vmem>>, vector<16xi32>,
        %gather3A_2556 = tpu.vector_load_idx %arg14[%get3A_2555] : memref<10240xf32, #tpu.memory_space<vmem>>[vector<16xi32>], vector<16xf32>,
        %get3A_2557 = arith.constant 2 : i32
        %get3A_2558 = arith.index_cast %get3A_2557 : i32 to index
        %get3A_2559 = arith.constant 0 : index
        %get3A_2560 = tpu.vector_load %arg7[%get3A_2558, %get3A_2559] {strides = array<i32>} : memref<3x128xi32, #tpu.memory_space<vmem>>, vector<16xi32>,
        %bitcast_convert_type3A_2561 = tpu.bitcast %get3A_2560 : vector<16xi32> -> vector<16xf32>
        %mul3A_2562 = arith.mulf %gather3A_2556, %bitcast_convert_type3A_2561 : vector<16xf32>
        %swap3A_2563 = arith.constant 0 : index
        %swap3A_2564 = tpu.vector_load %arg11[%swap3A_2563] {strides = array<i32>} : memref<128xf32, #tpu.memory_space<vmem>>, vector<16xf32>,
        tpu.vector_store %arg11[%swap3A_2563], %mul3A_2562 {strides = array<i32>} : memref<128xf32, #tpu.memory_space<vmem>>, vector<16xf32>,
        %get3A_2565 = arith.constant 1 : i32
        %get3A_2566 = arith.index_cast %get3A_2565 : i32 to index
        %get3A_2567 = arith.constant 0 : index
        %get3A_2568 = tpu.vector_load %arg7[%get3A_2566, %get3A_2567] {strides = array<i32>} : memref<3x128xi32, #tpu.memory_space<vmem>>, vector<16xi32>,
        %swap3A_2569 = arith.constant 0 : index
        %swap3A_2570 = tpu.vector_load %arg9[%swap3A_2569] {strides = array<i32>} : memref<128xi32, #tpu.memory_space<vmem>>, vector<16xi32>,
        tpu.vector_store %arg9[%swap3A_2569], %get3A_2568 {strides = array<i32>} : memref<128xi32, #tpu.memory_space<vmem>>, vector<16xi32>,
        %get3A_2571 = arith.constant 0 : i32
        %get3A_2572 = arith.index_cast %get3A_2571 : i32 to index
        %get3A_2573 = arith.constant 16 : index
        %get3A_2574 = tpu.vector_load %arg7[%get3A_2572, %get3A_2573] {strides = array<i32>} : memref<3x128xi32, #tpu.memory_space<vmem>>, vector<16xi32>,
        %gather3A_2575 = tpu.vector_load_idx %arg14[%get3A_2574] : memref<10240xf32, #tpu.memory_space<vmem>>[vector<16xi32>], vector<16xf32>,
        %get3A_2576 = arith.constant 2 : i32
        %get3A_2577 = arith.index_cast %get3A_2576 : i32 to index
        %get3A_2578 = arith.constant 16 : index
        %get3A_2579 = tpu.vector_load %arg7[%get3A_2577, %get3A_2578] {strides = array<i32>} : memref<3x128xi32, #tpu.memory_space<vmem>>, vector<16xi32>,
        %bitcast_convert_type3A_2580 = tpu.bitcast %get3A_2579 : vector<16xi32> -> vector<16xf32>
        %mul3A_2581 = arith.mulf %gather3A_2575, %bitcast_convert_type3A_2580 : vector<16xf32>
        %swap3A_2582 = arith.constant 16 : index
        %swap3A_2583 = tpu.vector_load %arg11[%swap3A_2582] {strides = array<i32>} : memref<128xf32, #tpu.memory_space<vmem>>, vector<16xf32>,
        tpu.vector_store %arg11[%swap3A_2582], %mul3A_2581 {strides = array<i32>} : memref<128xf32, #tpu.memory_space<vmem>>, vector<16xf32>,
        %get3A_2584 = arith.constant 1 : i32
        %get3A_2585 = arith.index_cast %get3A_2584 : i32 to index
        %get3A_2586 = arith.constant 16 : index
        %get3A_2587 = tpu.vector_load %arg7[%get3A_2585, %get3A_2586] {strides = array<i32>} : memref<3x128xi32, #tpu.memory_space<vmem>>, vector<16xi32>,
        %swap3A_2588 = arith.constant 16 : index
        %swap3A_2589 = tpu.vector_load %arg9[%swap3A_2588] {strides = array<i32>} : memref<128xi32, #tpu.memory_space<vmem>>, vector<16xi32>,
        tpu.vector_store %arg9[%swap3A_2588], %get3A_2587 {strides = array<i32>} : memref<128xi32, #tpu.memory_space<vmem>>, vector<16xi32>,
        %get3A_2590 = arith.constant 0 : i32
        %get3A_2591 = arith.index_cast %get3A_2590 : i32 to index
        %get3A_2592 = arith.constant 32 : index
        %get3A_2593 = tpu.vector_load %arg7[%get3A_2591, %get3A_2592] {strides = array<i32>} : memref<3x128xi32, #tpu.memory_space<vmem>>, vector<16xi32>,
        %gather3A_2594 = tpu.vector_load_idx %arg14[%get3A_2593] : memref<10240xf32, #tpu.memory_space<vmem>>[vector<16xi32>], vector<16xf32>,
        %get3A_2595 = arith.constant 2 : i32
        %get3A_2596 = arith.index_cast %get3A_2595 : i32 to index
        %get3A_2597 = arith.constant 32 : index
        %get3A_2598 = tpu.vector_load %arg7[%get3A_2596, %get3A_2597] {strides = array<i32>} : memref<3x128xi32, #tpu.memory_space<vmem>>, vector<16xi32>,
        %bitcast_convert_type3A_2599 = tpu.bitcast %get3A_2598 : vector<16xi32> -> vector<16xf32>
        %mul3A_2600 = arith.mulf %gather3A_2594, %bitcast_convert_type3A_2599 : vector<16xf32>
        %swap3A_2601 = arith.constant 32 : index
        %swap3A_2602 = tpu.vector_load %arg11[%swap3A_2601] {strides = array<i32>} : memref<128xf32, #tpu.memory_space<vmem>>, vector<16xf32>,
        tpu.vector_store %arg11[%swap3A_2601], %mul3A_2600 {strides = array<i32>} : memref<128xf32, #tpu.memory_space<vmem>>, vector<16xf32>,
        %get3A_2603 = arith.constant 1 : i32
        %get3A_2604 = arith.index_cast %get3A_2603 : i32 to index
        %get3A_2605 = arith.constant 32 : index
        %get3A_2606 = tpu.vector_load %arg7[%get3A_2604, %get3A_2605] {strides = array<i32>} : memref<3x128xi32, #tpu.memory_space<vmem>>, vector<16xi32>,
        %swap3A_2607 = arith.constant 32 : index
        %swap3A_2608 = tpu.vector_load %arg9[%swap3A_2607] {strides = array<i32>} : memref<128xi32, #tpu.memory_space<vmem>>, vector<16xi32>,
        tpu.vector_store %arg9[%swap3A_2607], %get3A_2606 {strides = array<i32>} : memref<128xi32, #tpu.memory_space<vmem>>, vector<16xi32>,
        %get3A_2609 = arith.constant 0 : i32
        %get3A_2610 = arith.index_cast %get3A_2609 : i32 to index
        %get3A_2611 = arith.constant 48 : index
        %get3A_2612 = tpu.vector_load %arg7[%get3A_2610, %get3A_2611] {strides = array<i32>} : memref<3x128xi32, #tpu.memory_space<vmem>>, vector<16xi32>,
        %gather3A_2613 = tpu.vector_load_idx %arg14[%get3A_2612] : memref<10240xf32, #tpu.memory_space<vmem>>[vector<16xi32>], vector<16xf32>,
        %get3A_2614 = arith.constant 2 : i32
        %get3A_2615 = arith.index_cast %get3A_2614 : i32 to index
        %get3A_2616 = arith.constant 48 : index
        %get3A_2617 = tpu.vector_load %arg7[%get3A_2615, %get3A_2616] {strides = array<i32>} : memref<3x128xi32, #tpu.memory_space<vmem>>, vector<16xi32>,
        %bitcast_convert_type3A_2618 = tpu.bitcast %get3A_2617 : vector<16xi32> -> vector<16xf32>
        %mul3A_2619 = arith.mulf %gather3A_2613, %bitcast_convert_type3A_2618 : vector<16xf32>
        %swap3A_2620 = arith.constant 48 : index
        %swap3A_2621 = tpu.vector_load %arg11[%swap3A_2620] {strides = array<i32>} : memref<128xf32, #tpu.memory_space<vmem>>, vector<16xf32>,
        tpu.vector_store %arg11[%swap3A_2620], %mul3A_2619 {strides = array<i32>} : memref<128xf32, #tpu.memory_space<vmem>>, vector<16xf32>,
        %get3A_2622 = arith.constant 1 : i32
        %get3A_2623 = arith.index_cast %get3A_2622 : i32 to index
        %get3A_2624 = arith.constant 48 : index
        %get3A_2625 = tpu.vector_load %arg7[%get3A_2623, %get3A_2624] {strides = array<i32>} : memref<3x128xi32, #tpu.memory_space<vmem>>, vector<16xi32>,
        %swap3A_2626 = arith.constant 48 : index
        %swap3A_2627 = tpu.vector_load %arg9[%swap3A_2626] {strides = array<i32>} : memref<128xi32, #tpu.memory_space<vmem>>, vector<16xi32>,
        tpu.vector_store %arg9[%swap3A_2626], %get3A_2625 {strides = array<i32>} : memref<128xi32, #tpu.memory_space<vmem>>, vector<16xi32>,
        %get3A_2628 = arith.constant 0 : i32
        %get3A_2629 = arith.index_cast %get3A_2628 : i32 to index
        %get3A_2630 = arith.constant 64 : index
        %get3A_2631 = tpu.vector_load %arg7[%get3A_2629, %get3A_2630] {strides = array<i32>} : memref<3x128xi32, #tpu.memory_space<vmem>>, vector<16xi32>,
        %gather3A_2632 = tpu.vector_load_idx %arg14[%get3A_2631] : memref<10240xf32, #tpu.memory_space<vmem>>[vector<16xi32>], vector<16xf32>,
        %get3A_2633 = arith.constant 2 : i32
        %get3A_2634 = arith.index_cast %get3A_2633 : i32 to index
        %get3A_2635 = arith.constant 64 : index
        %get3A_2636 = tpu.vector_load %arg7[%get3A_2634, %get3A_2635] {strides = array<i32>} : memref<3x128xi32, #tpu.memory_space<vmem>>, vector<16xi32>,
        %bitcast_convert_type3A_2637 = tpu.bitcast %get3A_2636 : vector<16xi32> -> vector<16xf32>
        %mul3A_2638 = arith.mulf %gather3A_2632, %bitcast_convert_type3A_2637 : vector<16xf32>
        %swap3A_2639 = arith.constant 64 : index
        %swap3A_2640 = tpu.vector_load %arg11[%swap3A_2639] {strides = array<i32>} : memref<128xf32, #tpu.memory_space<vmem>>, vector<16xf32>,
        tpu.vector_store %arg11[%swap3A_2639], %mul3A_2638 {strides = array<i32>} : memref<128xf32, #tpu.memory_space<vmem>>, vector<16xf32>,
        %get3A_2641 = arith.constant 1 : i32
        %get3A_2642 = arith.index_cast %get3A_2641 : i32 to index
        %get3A_2643 = arith.constant 64 : index
        %get3A_2644 = tpu.vector_load %arg7[%get3A_2642, %get3A_2643] {strides = array<i32>} : memref<3x128xi32, #tpu.memory_space<vmem>>, vector<16xi32>,
        %swap3A_2645 = arith.constant 64 : index
        %swap3A_2646 = tpu.vector_load %arg9[%swap3A_2645] {strides = array<i32>} : memref<128xi32, #tpu.memory_space<vmem>>, vector<16xi32>,
        tpu.vector_store %arg9[%swap3A_2645], %get3A_2644 {strides = array<i32>} : memref<128xi32, #tpu.memory_space<vmem>>, vector<16xi32>,
        %get3A_2647 = arith.constant 0 : i32
        %get3A_2648 = arith.index_cast %get3A_2647 : i32 to index
        %get3A_2649 = arith.constant 80 : index
        %get3A_2650 = tpu.vector_load %arg7[%get3A_2648, %get3A_2649] {strides = array<i32>} : memref<3x128xi32, #tpu.memory_space<vmem>>, vector<16xi32>,
        %gather3A_2651 = tpu.vector_load_idx %arg14[%get3A_2650] : memref<10240xf32, #tpu.memory_space<vmem>>[vector<16xi32>], vector<16xf32>,
        %get3A_2652 = arith.constant 2 : i32
        %get3A_2653 = arith.index_cast %get3A_2652 : i32 to index
        %get3A_2654 = arith.constant 80 : index
        %get3A_2655 = tpu.vector_load %arg7[%get3A_2653, %get3A_2654] {strides = array<i32>} : memref<3x128xi32, #tpu.memory_space<vmem>>, vector<16xi32>,
        %bitcast_convert_type3A_2656 = tpu.bitcast %get3A_2655 : vector<16xi32> -> vector<16xf32>
        %mul3A_2657 = arith.mulf %gather3A_2651, %bitcast_convert_type3A_2656 : vector<16xf32>
        %swap3A_2658 = arith.constant 80 : index
        %swap3A_2659 = tpu.vector_load %arg11[%swap3A_2658] {strides = array<i32>} : memref<128xf32, #tpu.memory_space<vmem>>, vector<16xf32>,
        tpu.vector_store %arg11[%swap3A_2658], %mul3A_2657 {strides = array<i32>} : memref<128xf32, #tpu.memory_space<vmem>>, vector<16xf32>,
        %get3A_2660 = arith.constant 1 : i32
        %get3A_2661 = arith.index_cast %get3A_2660 : i32 to index
        %get3A_2662 = arith.constant 80 : index
        %get3A_2663 = tpu.vector_load %arg7[%get3A_2661, %get3A_2662] {strides = array<i32>} : memref<3x128xi32, #tpu.memory_space<vmem>>, vector<16xi32>,
        %swap3A_2664 = arith.constant 80 : index
        %swap3A_2665 = tpu.vector_load %arg9[%swap3A_2664] {strides = array<i32>} : memref<128xi32, #tpu.memory_space<vmem>>, vector<16xi32>,
        tpu.vector_store %arg9[%swap3A_2664], %get3A_2663 {strides = array<i32>} : memref<128xi32, #tpu.memory_space<vmem>>, vector<16xi32>,
        %get3A_2666 = arith.constant 0 : i32
        %get3A_2667 = arith.index_cast %get3A_2666 : i32 to index
        %get3A_2668 = arith.constant 96 : index
        %get3A_2669 = tpu.vector_load %arg7[%get3A_2667, %get3A_2668] {strides = array<i32>} : memref<3x128xi32, #tpu.memory_space<vmem>>, vector<16xi32>,
        %gather3A_2670 = tpu.vector_load_idx %arg14[%get3A_2669] : memref<10240xf32, #tpu.memory_space<vmem>>[vector<16xi32>], vector<16xf32>,
        %get3A_2671 = arith.constant 2 : i32
        %get3A_2672 = arith.index_cast %get3A_2671 : i32 to index
        %get3A_2673 = arith.constant 96 : index
        %get3A_2674 = tpu.vector_load %arg7[%get3A_2672, %get3A_2673] {strides = array<i32>} : memref<3x128xi32, #tpu.memory_space<vmem>>, vector<16xi32>,
        %bitcast_convert_type3A_2675 = tpu.bitcast %get3A_2674 : vector<16xi32> -> vector<16xf32>
        %mul3A_2676 = arith.mulf %gather3A_2670, %bitcast_convert_type3A_2675 : vector<16xf32>
        %swap3A_2677 = arith.constant 96 : index
        %swap3A_2678 = tpu.vector_load %arg11[%swap3A_2677] {strides = array<i32>} : memref<128xf32, #tpu.memory_space<vmem>>, vector<16xf32>,
        tpu.vector_store %arg11[%swap3A_2677], %mul3A_2676 {strides = array<i32>} : memref<128xf32, #tpu.memory_space<vmem>>, vector<16xf32>,
        %get3A_2679 = arith.constant 1 : i32
        %get3A_2680 = arith.index_cast %get3A_2679 : i32 to index
        %get3A_2681 = arith.constant 96 : index
        %get3A_2682 = tpu.vector_load %arg7[%get3A_2680, %get3A_2681] {strides = array<i32>} : memref<3x128xi32, #tpu.memory_space<vmem>>, vector<16xi32>,
        %swap3A_2683 = arith.constant 96 : index
        %swap3A_2684 = tpu.vector_load %arg9[%swap3A_2683] {strides = array<i32>} : memref<128xi32, #tpu.memory_space<vmem>>, vector<16xi32>,
        tpu.vector_store %arg9[%swap3A_2683], %get3A_2682 {strides = array<i32>} : memref<128xi32, #tpu.memory_space<vmem>>, vector<16xi32>,
        %get3A_2685 = arith.constant 0 : i32
        %get3A_2686 = arith.index_cast %get3A_2685 : i32 to index
        %get3A_2687 = arith.constant 112 : index
        %get3A_2688 = tpu.vector_load %arg7[%get3A_2686, %get3A_2687] {strides = array<i32>} : memref<3x128xi32, #tpu.memory_space<vmem>>, vector<16xi32>,
        %gather3A_2689 = tpu.vector_load_idx %arg14[%get3A_2688] : memref<10240xf32, #tpu.memory_space<vmem>>[vector<16xi32>], vector<16xf32>,
        %get3A_2690 = arith.constant 2 : i32
        %get3A_2691 = arith.index_cast %get3A_2690 : i32 to index
        %get3A_2692 = arith.constant 112 : index
        %get3A_2693 = tpu.vector_load %arg7[%get3A_2691, %get3A_2692] {strides = array<i32>} : memref<3x128xi32, #tpu.memory_space<vmem>>, vector<16xi32>,
        %bitcast_convert_type3A_2694 = tpu.bitcast %get3A_2693 : vector<16xi32> -> vector<16xf32>
        %mul3A_2695 = arith.mulf %gather3A_2689, %bitcast_convert_type3A_2694 : vector<16xf32>
        %swap3A_2696 = arith.constant 112 : index
        %swap3A_2697 = tpu.vector_load %arg11[%swap3A_2696] {strides = array<i32>} : memref<128xf32, #tpu.memory_space<vmem>>, vector<16xf32>,
        tpu.vector_store %arg11[%swap3A_2696], %mul3A_2695 {strides = array<i32>} : memref<128xf32, #tpu.memory_space<vmem>>, vector<16xf32>,
        %get3A_2698 = arith.constant 1 : i32
        %get3A_2699 = arith.index_cast %get3A_2698 : i32 to index
        %get3A_2700 = arith.constant 112 : index
        %get3A_2701 = tpu.vector_load %arg7[%get3A_2699, %get3A_2700] {strides = array<i32>} : memref<3x128xi32, #tpu.memory_space<vmem>>, vector<16xi32>,
        %swap3A_2702 = arith.constant 112 : index
        %swap3A_2703 = tpu.vector_load %arg9[%swap3A_2702] {strides = array<i32>} : memref<128xi32, #tpu.memory_space<vmem>>, vector<16xi32>,
        tpu.vector_store %arg9[%swap3A_2702], %get3A_2701 {strides = array<i32>} : memref<128xi32, #tpu.memory_space<vmem>>, vector<16xi32>,
        %parallel_loop3A_2704 = arith.constant 0 : i32
        %parallel_loop3A_2705 = arith.constant 128 : i32
        %parallel_loop3A_2706 = arith.constant 1 : i32
        scf.for %parallel_loop3A_2737 = %parallel_loop3A_2704 to %parallel_loop3A_2705 step %parallel_loop3A_2706  : i32 {
          %parallel_loop3A_2738 = arith.constant 0 : i32
          %parallel_loop3A_2739 = vector.broadcast %parallel_loop3A_2738 : i32 to vector<16xi32>
          %parallel_loop3A_2740 = vector.broadcast %parallel_loop3A_2737 : i32 to vector<16xi32>
          %parallel_loop3A_2741 = arith.addi %parallel_loop3A_2739, %parallel_loop3A_2740 : vector<16xi32>
          %parallel_loop3A_2742 = tpu.vector_load_idx %arg11[%parallel_loop3A_2741] : memref<128xf32, #tpu.memory_space<vmem>>[vector<16xi32>], vector<16xf32>,
          %parallel_loop3A_2743 = arith.index_cast %parallel_loop3A_2737 : i32 to index
          %parallel_loop3A_2744 = arith.constant 0 : index
          %parallel_loop3A_2745 = tpu.vector_load %arg13[%parallel_loop3A_2743, %parallel_loop3A_2744] {strides = array<i32>} : memref<128x128xf32, #tpu.memory_space<vmem>>, vector<16xf32>,
          %parallel_loop3A_2746 = arith.mulf %parallel_loop3A_2745, %parallel_loop3A_2742 : vector<16xf32>
          %parallel_loop3A_2747 = arith.index_cast %parallel_loop3A_2737 : i32 to index
          %parallel_loop3A_2748 = arith.constant 0 : index
          %parallel_loop3A_2749 = tpu.vector_load %arg13[%parallel_loop3A_2747, %parallel_loop3A_2748] {strides = array<i32>} : memref<128x128xf32, #tpu.memory_space<vmem>>, vector<16xf32>,
          tpu.vector_store %arg13[%parallel_loop3A_2747, %parallel_loop3A_2748], %parallel_loop3A_2746 {strides = array<i32>} : memref<128x128xf32, #tpu.memory_space<vmem>>, vector<16xf32>,
          %parallel_loop3A_2750 = arith.index_cast %parallel_loop3A_2737 : i32 to index
          %parallel_loop3A_2751 = arith.constant 16 : index
          %parallel_loop3A_2752 = tpu.vector_load %arg13[%parallel_loop3A_2750, %parallel_loop3A_2751] {strides = array<i32>} : memref<128x128xf32, #tpu.memory_space<vmem>>, vector<16xf32>,
          %parallel_loop3A_2753 = arith.mulf %parallel_loop3A_2752, %parallel_loop3A_2742 : vector<16xf32>
          %parallel_loop3A_2754 = arith.index_cast %parallel_loop3A_2737 : i32 to index
          %parallel_loop3A_2755 = arith.constant 16 : index
          %parallel_loop3A_2756 = tpu.vector_load %arg13[%parallel_loop3A_2754, %parallel_loop3A_2755] {strides = array<i32>} : memref<128x128xf32, #tpu.memory_space<vmem>>, vector<16xf32>,
          tpu.vector_store %arg13[%parallel_loop3A_2754, %parallel_loop3A_2755], %parallel_loop3A_2753 {strides = array<i32>} : memref<128x128xf32, #tpu.memory_space<vmem>>, vector<16xf32>,
          %parallel_loop3A_2757 = arith.index_cast %parallel_loop3A_2737 : i32 to index
          %parallel_loop3A_2758 = arith.constant 32 : index
          %parallel_loop3A_2759 = tpu.vector_load %arg13[%parallel_loop3A_2757, %parallel_loop3A_2758] {strides = array<i32>} : memref<128x128xf32, #tpu.memory_space<vmem>>, vector<16xf32>,
          %parallel_loop3A_2760 = arith.mulf %parallel_loop3A_2759, %parallel_loop3A_2742 : vector<16xf32>
          %parallel_loop3A_2761 = arith.index_cast %parallel_loop3A_2737 : i32 to index
          %parallel_loop3A_2762 = arith.constant 32 : index
          %parallel_loop3A_2763 = tpu.vector_load %arg13[%parallel_loop3A_2761, %parallel_loop3A_2762] {strides = array<i32>} : memref<128x128xf32, #tpu.memory_space<vmem>>, vector<16xf32>,
          tpu.vector_store %arg13[%parallel_loop3A_2761, %parallel_loop3A_2762], %parallel_loop3A_2760 {strides = array<i32>} : memref<128x128xf32, #tpu.memory_space<vmem>>, vector<16xf32>,
          %parallel_loop3A_2764 = arith.index_cast %parallel_loop3A_2737 : i32 to index
          %parallel_loop3A_2765 = arith.constant 48 : index
          %parallel_loop3A_2766 = tpu.vector_load %arg13[%parallel_loop3A_2764, %parallel_loop3A_2765] {strides = array<i32>} : memref<128x128xf32, #tpu.memory_space<vmem>>, vector<16xf32>,
          %parallel_loop3A_2767 = arith.mulf %parallel_loop3A_2766, %parallel_loop3A_2742 : vector<16xf32>
          %parallel_loop3A_2768 = arith.index_cast %parallel_loop3A_2737 : i32 to index
          %parallel_loop3A_2769 = arith.constant 48 : index
          %parallel_loop3A_2770 = tpu.vector_load %arg13[%parallel_loop3A_2768, %parallel_loop3A_2769] {strides = array<i32>} : memref<128x128xf32, #tpu.memory_space<vmem>>, vector<16xf32>,
          tpu.vector_store %arg13[%parallel_loop3A_2768, %parallel_loop3A_2769], %parallel_loop3A_2767 {strides = array<i32>} : memref<128x128xf32, #tpu.memory_space<vmem>>, vector<16xf32>,
          %parallel_loop3A_2771 = arith.index_cast %parallel_loop3A_2737 : i32 to index
          %parallel_loop3A_2772 = arith.constant 64 : index
          %parallel_loop3A_2773 = tpu.vector_load %arg13[%parallel_loop3A_2771, %parallel_loop3A_2772] {strides = array<i32>} : memref<128x128xf32, #tpu.memory_space<vmem>>, vector<16xf32>,
          %parallel_loop3A_2774 = arith.mulf %parallel_loop3A_2773, %parallel_loop3A_2742 : vector<16xf32>
          %parallel_loop3A_2775 = arith.index_cast %parallel_loop3A_2737 : i32 to index
          %parallel_loop3A_2776 = arith.constant 64 : index
          %parallel_loop3A_2777 = tpu.vector_load %arg13[%parallel_loop3A_2775, %parallel_loop3A_2776] {strides = array<i32>} : memref<128x128xf32, #tpu.memory_space<vmem>>, vector<16xf32>,
          tpu.vector_store %arg13[%parallel_loop3A_2775, %parallel_loop3A_2776], %parallel_loop3A_2774 {strides = array<i32>} : memref<128x128xf32, #tpu.memory_space<vmem>>, vector<16xf32>,
          %parallel_loop3A_2778 = arith.index_cast %parallel_loop3A_2737 : i32 to index
          %parallel_loop3A_2779 = arith.constant 80 : index
          %parallel_loop3A_2780 = tpu.vector_load %arg13[%parallel_loop3A_2778, %parallel_loop3A_2779] {strides = array<i32>} : memref<128x128xf32, #tpu.memory_space<vmem>>, vector<16xf32>,
          %parallel_loop3A_2781 = arith.mulf %parallel_loop3A_2780, %parallel_loop3A_2742 : vector<16xf32>
          %parallel_loop3A_2782 = arith.index_cast %parallel_loop3A_2737 : i32 to index
          %parallel_loop3A_2783 = arith.constant 80 : index
          %parallel_loop3A_2784 = tpu.vector_load %arg13[%parallel_loop3A_2782, %parallel_loop3A_2783] {strides = array<i32>} : memref<128x128xf32, #tpu.memory_space<vmem>>, vector<16xf32>,
          tpu.vector_store %arg13[%parallel_loop3A_2782, %parallel_loop3A_2783], %parallel_loop3A_2781 {strides = array<i32>} : memref<128x128xf32, #tpu.memory_space<vmem>>, vector<16xf32>,
          %parallel_loop3A_2785 = arith.index_cast %parallel_loop3A_2737 : i32 to index
          %parallel_loop3A_2786 = arith.constant 96 : index
          %parallel_loop3A_2787 = tpu.vector_load %arg13[%parallel_loop3A_2785, %parallel_loop3A_2786] {strides = array<i32>} : memref<128x128xf32, #tpu.memory_space<vmem>>, vector<16xf32>,
          %parallel_loop3A_2788 = arith.mulf %parallel_loop3A_2787, %parallel_loop3A_2742 : vector<16xf32>
          %parallel_loop3A_2789 = arith.index_cast %parallel_loop3A_2737 : i32 to index
          %parallel_loop3A_2790 = arith.constant 96 : index
          %parallel_loop3A_2791 = tpu.vector_load %arg13[%parallel_loop3A_2789, %parallel_loop3A_2790] {strides = array<i32>} : memref<128x128xf32, #tpu.memory_space<vmem>>, vector<16xf32>,
          tpu.vector_store %arg13[%parallel_loop3A_2789, %parallel_loop3A_2790], %parallel_loop3A_2788 {strides = array<i32>} : memref<128x128xf32, #tpu.memory_space<vmem>>, vector<16xf32>,
          %parallel_loop3A_2792 = arith.index_cast %parallel_loop3A_2737 : i32 to index
          %parallel_loop3A_2793 = arith.constant 112 : index
          %parallel_loop3A_2794 = tpu.vector_load %arg13[%parallel_loop3A_2792, %parallel_loop3A_2793] {strides = array<i32>} : memref<128x128xf32, #tpu.memory_space<vmem>>, vector<16xf32>,
          %parallel_loop3A_2795 = arith.mulf %parallel_loop3A_2794, %parallel_loop3A_2742 : vector<16xf32>
          %parallel_loop3A_2796 = arith.index_cast %parallel_loop3A_2737 : i32 to index
          %parallel_loop3A_2797 = arith.constant 112 : index
          %parallel_loop3A_2798 = tpu.vector_load %arg13[%parallel_loop3A_2796, %parallel_loop3A_2797] {strides = array<i32>} : memref<128x128xf32, #tpu.memory_space<vmem>>, vector<16xf32>,
          tpu.vector_store %arg13[%parallel_loop3A_2796, %parallel_loop3A_2797], %parallel_loop3A_2795 {strides = array<i32>} : memref<128x128xf32, #tpu.memory_space<vmem>>, vector<16xf32>,
        } {sc.loop_unroll_factor = 2 : i64, sc.parallel_access}
        %dma_start3A_2707 = arith.constant 0 : i32
        %dma_start3A_2708 = arith.constant 0 : i32
        %dma_start3A_2709 = tpu.memref_slice %arg16[%dma_start3A_2707, %dma_start3A_2708] : memref<10240x128xf32, #tpu.memory_space<vmem_shared>> -> memref<10240x128xf32, #tpu.memory_space<vmem_shared>>
        tpu.enqueue_indirect_dma source(%arg13 : memref<128x128xf32, #tpu.memory_space<vmem>>) target(%dma_start3A_2709 : memref<10240x128xf32, #tpu.memory_space<vmem_shared>>) offsets(%arg9 : memref<128xi32, #tpu.memory_space<vmem>>) semaphore(%arg24 : memref<!tpu.dma_semaphore, #tpu.memory_space<semaphore_mem>>) {add = true}
        %add3A_2710 = arith.constant 2 : i32
        %add3A_2711 = arith.addi %add3A_2374, %add3A_2710 : i32
        %lt3A_2712 = arith.constant 122 : i32
        %lt3A_2713 = arith.cmpi slt, %add3A_2711, %lt3A_2712 : i32
        %convert_element_type3A_2714 = arith.extui %lt3A_2713 : i1 to i32
        %cond3A_2715 = arith.constant 0 : i32
        %cond3A_2716 = arith.cmpi ne, %convert_element_type3A_2714, %cond3A_2715 : i32
        scf.if %cond3A_2716 {
          %add3A_2737 = arith.constant 2 : i32
          %add3A_2738 = arith.addi %add3A_2374, %add3A_2737 : i32
          %dma_start3A_2739 = arith.constant 0 : i32
          %dma_start3A_2740 = arith.constant 0 : i32
          %dma_start3A_2741 = tpu.memref_slice %arg3[%add3A, %add3A_2738, %dma_start3A_2739, %dma_start3A_2740] : memref<32x122x3x128xi32, #tpu.memory_space<hbm>> -> memref<1x1x3x128xi32, #tpu.memory_space<hbm>>
          %dma_start3A_2742 = tpu.memref_squeeze %dma_start3A_2741 : memref<1x1x3x128xi32, #tpu.memory_space<hbm>> -> memref<3x128xi32, #tpu.memory_space<hbm>>
          %dma_start3A_2743 = arith.constant 0 : i32
          %dma_start3A_2744 = arith.constant 0 : i32
          %dma_start3A_2745 = tpu.memref_slice %arg3[%add3A, %add3A_2738, %dma_start3A_2743, %dma_start3A_2744] : memref<32x122x3x128xi32, #tpu.memory_space<hbm>> -> memref<1x1x3x128xi32, #tpu.memory_space<hbm>>
          %dma_start3A_2746 = tpu.memref_squeeze %dma_start3A_2745 : memref<1x1x3x128xi32, #tpu.memory_space<hbm>> -> memref<3x128xi32, #tpu.memory_space<hbm>>
          tpu.enqueue_dma source(%dma_start3A_2746 : memref<3x128xi32, #tpu.memory_space<hbm>>) target(%arg7 : memref<3x128xi32, #tpu.memory_space<vmem>>) target_semaphore(%arg20 : memref<!tpu.dma_semaphore, #tpu.memory_space<semaphore_mem>>)
        } else {
        }
        %dma_wait3A_2717 = arith.constant 0 : i32
        %dma_wait3A_2718 = arith.constant 0 : i32
        %dma_wait3A_2719 = tpu.memref_slice %arg16[%dma_wait3A_2717, %dma_wait3A_2718] : memref<10240x128xf32, #tpu.memory_space<vmem_shared>> -> memref<10240x128xf32, #tpu.memory_space<vmem_shared>>
        tpu.wait_indirect_dma semaphore(%arg23 : memref<!tpu.dma_semaphore, #tpu.memory_space<semaphore_mem>>) src(%arg12 : memref<128x128xf32, #tpu.memory_space<vmem>>) dst(%dma_wait3A_2719 : memref<10240x128xf32, #tpu.memory_space<vmem_shared>>)
        %add3A_2720 = arith.constant 2 : i32
        %add3A_2721 = arith.addi %mul3A_2370, %add3A_2720 : i32
        %lt3A_2722 = arith.constant 122 : i32
        %lt3A_2723 = arith.cmpi slt, %add3A_2721, %lt3A_2722 : i32
        %convert_element_type3A_2724 = arith.extui %lt3A_2723 : i1 to i32
        %cond3A_2725 = arith.constant 0 : i32
        %cond3A_2726 = arith.cmpi ne, %convert_element_type3A_2724, %cond3A_2725 : i32
        scf.if %cond3A_2726 {
          %add3A_2737 = arith.constant 2 : i32
          %add3A_2738 = arith.addi %mul3A_2370, %add3A_2737 : i32
          %dma_wait3A_2739 = arith.constant 0 : i32
          %dma_wait3A_2740 = arith.constant 0 : i32
          %dma_wait3A_2741 = tpu.memref_slice %arg3[%add3A, %add3A_2738, %dma_wait3A_2739, %dma_wait3A_2740] : memref<32x122x3x128xi32, #tpu.memory_space<hbm>> -> memref<1x1x3x128xi32, #tpu.memory_space<hbm>>
          %dma_wait3A_2742 = tpu.memref_squeeze %dma_wait3A_2741 : memref<1x1x3x128xi32, #tpu.memory_space<hbm>> -> memref<3x128xi32, #tpu.memory_space<hbm>>
          %dma_wait3A_2743 = arith.constant 0 : i32
          %dma_wait3A_2744 = arith.constant 0 : i32
          %dma_wait3A_2745 = tpu.memref_slice %arg3[%add3A, %add3A_2738, %dma_wait3A_2743, %dma_wait3A_2744] : memref<32x122x3x128xi32, #tpu.memory_space<hbm>> -> memref<1x1x3x128xi32, #tpu.memory_space<hbm>>
          %dma_wait3A_2746 = tpu.memref_squeeze %dma_wait3A_2745 : memref<1x1x3x128xi32, #tpu.memory_space<hbm>> -> memref<3x128xi32, #tpu.memory_space<hbm>>
          tpu.wait_dma2 semaphore(%arg19 : memref<!tpu.dma_semaphore, #tpu.memory_space<semaphore_mem>>) src(%dma_wait3A_2746 : memref<3x128xi32, #tpu.memory_space<hbm>>) dst(%arg6 : memref<3x128xi32, #tpu.memory_space<vmem>>)
          %dma_start3A_2747 = arith.constant 0 : i32
          %dma_start3A_2748 = arith.constant 0 : i32
          %dma_start3A_2749 = tpu.memref_slice %arg6[%dma_start3A_2747, %dma_start3A_2748] : memref<3x128xi32, #tpu.memory_space<vmem>> -> memref<1x128xi32, #tpu.memory_space<vmem>>
          %dma_start3A_2750 = tpu.memref_squeeze %dma_start3A_2749 : memref<1x128xi32, #tpu.memory_space<vmem>> -> memref<128xi32, #tpu.memory_space<vmem>>
          %dma_start3A_2751 = arith.constant 0 : i32
          %dma_start3A_2752 = arith.constant 0 : i32
          %dma_start3A_2753 = tpu.memref_slice %arg2[%dma_start3A_2751, %dma_start3A_2752] : memref<10000x128xf32, #tpu.memory_space<hbm>> -> memref<10000x128xf32, #tpu.memory_space<hbm>>
          tpu.enqueue_indirect_dma source(%dma_start3A_2753 : memref<10000x128xf32, #tpu.memory_space<hbm>>) target(%arg12 : memref<128x128xf32, #tpu.memory_space<vmem>>) offsets(%dma_start3A_2750 : memref<128xi32, #tpu.memory_space<vmem>>) semaphore(%arg21 : memref<!tpu.dma_semaphore, #tpu.memory_space<semaphore_mem>>)
        } else {
        }
        %dma_wait3A_2727 = arith.constant 0 : i32
        %dma_wait3A_2728 = arith.constant 0 : i32
        %dma_wait3A_2729 = tpu.memref_slice %arg16[%dma_wait3A_2727, %dma_wait3A_2728] : memref<10240x128xf32, #tpu.memory_space<vmem_shared>> -> memref<10240x128xf32, #tpu.memory_space<vmem_shared>>
        tpu.wait_indirect_dma semaphore(%arg24 : memref<!tpu.dma_semaphore, #tpu.memory_space<semaphore_mem>>) src(%arg13 : memref<128x128xf32, #tpu.memory_space<vmem>>) dst(%dma_wait3A_2729 : memref<10240x128xf32, #tpu.memory_space<vmem_shared>>)
        %add3A_2730 = arith.constant 2 : i32
        %add3A_2731 = arith.addi %add3A_2374, %add3A_2730 : i32
        %lt3A_2732 = arith.constant 122 : i32
        %lt3A_2733 = arith.cmpi slt, %add3A_2731, %lt3A_2732 : i32
        %convert_element_type3A_2734 = arith.extui %lt3A_2733 : i1 to i32
        %cond3A_2735 = arith.constant 0 : i32
        %cond3A_2736 = arith.cmpi ne, %convert_element_type3A_2734, %cond3A_2735 : i32
        scf.if %cond3A_2736 {
          %add3A_2737 = arith.constant 2 : i32
          %add3A_2738 = arith.addi %add3A_2374, %add3A_2737 : i32
          %dma_wait3A_2739 = arith.constant 0 : i32
          %dma_wait3A_2740 = arith.constant 0 : i32
          %dma_wait3A_2741 = tpu.memref_slice %arg3[%add3A, %add3A_2738, %dma_wait3A_2739, %dma_wait3A_2740] : memref<32x122x3x128xi32, #tpu.memory_space<hbm>> -> memref<1x1x3x128xi32, #tpu.memory_space<hbm>>
          %dma_wait3A_2742 = tpu.memref_squeeze %dma_wait3A_2741 : memref<1x1x3x128xi32, #tpu.memory_space<hbm>> -> memref<3x128xi32, #tpu.memory_space<hbm>>
          %dma_wait3A_2743 = arith.constant 0 : i32
          %dma_wait3A_2744 = arith.constant 0 : i32
          %dma_wait3A_2745 = tpu.memref_slice %arg3[%add3A, %add3A_2738, %dma_wait3A_2743, %dma_wait3A_2744] : memref<32x122x3x128xi32, #tpu.memory_space<hbm>> -> memref<1x1x3x128xi32, #tpu.memory_space<hbm>>
          %dma_wait3A_2746 = tpu.memref_squeeze %dma_wait3A_2745 : memref<1x1x3x128xi32, #tpu.memory_space<hbm>> -> memref<3x128xi32, #tpu.memory_space<hbm>>
          tpu.wait_dma2 semaphore(%arg20 : memref<!tpu.dma_semaphore, #tpu.memory_space<semaphore_mem>>) src(%dma_wait3A_2746 : memref<3x128xi32, #tpu.memory_space<hbm>>) dst(%arg7 : memref<3x128xi32, #tpu.memory_space<vmem>>)
          %dma_start3A_2747 = arith.constant 0 : i32
          %dma_start3A_2748 = arith.constant 0 : i32
          %dma_start3A_2749 = tpu.memref_slice %arg7[%dma_start3A_2747, %dma_start3A_2748] : memref<3x128xi32, #tpu.memory_space<vmem>> -> memref<1x128xi32, #tpu.memory_space<vmem>>
          %dma_start3A_2750 = tpu.memref_squeeze %dma_start3A_2749 : memref<1x128xi32, #tpu.memory_space<vmem>> -> memref<128xi32, #tpu.memory_space<vmem>>
          %dma_start3A_2751 = arith.constant 0 : i32
          %dma_start3A_2752 = arith.constant 0 : i32
          %dma_start3A_2753 = tpu.memref_slice %arg2[%dma_start3A_2751, %dma_start3A_2752] : memref<10000x128xf32, #tpu.memory_space<hbm>> -> memref<10000x128xf32, #tpu.memory_space<hbm>>
          tpu.enqueue_indirect_dma source(%dma_start3A_2753 : memref<10000x128xf32, #tpu.memory_space<hbm>>) target(%arg13 : memref<128x128xf32, #tpu.memory_space<vmem>>) offsets(%dma_start3A_2750 : memref<128xi32, #tpu.memory_space<vmem>>) semaphore(%arg22 : memref<!tpu.dma_semaphore, #tpu.memory_space<semaphore_mem>>)
        } else {
        }
      }
      %scan3A_2367 = arith.constant 61 : i32
    } else {
    }
    %eq3A_2306 = arith.constant 1 : i32
    %eq3A_2307 = arith.cmpi eq, %arg0, %eq3A_2306 : i32
    %convert_element_type3A_2308 = arith.extui %eq3A_2307 : i1 to i32
    %cond3A_2309 = arith.constant 0 : i32
    %cond3A_2310 = arith.cmpi ne, %convert_element_type3A_2308, %cond3A_2309 : i32
    scf.if %cond3A_2310 {
      %dma_start3A_2312 = arith.constant 0 : i32
      %dma_start3A_2313 = arith.constant 0 : i32
      %dma_start3A_2314 = arith.constant 0 : i32
      %dma_start3A_2315 = tpu.memref_slice %arg3[%add3A, %dma_start3A_2312, %dma_start3A_2313, %dma_start3A_2314] : memref<32x122x3x128xi32, #tpu.memory_space<hbm>> -> memref<1x1x3x128xi32, #tpu.memory_space<hbm>>
      %dma_start3A_2316 = tpu.memref_squeeze %dma_start3A_2315 : memref<1x1x3x128xi32, #tpu.memory_space<hbm>> -> memref<3x128xi32, #tpu.memory_space<hbm>>
      %dma_start3A_2317 = arith.constant 0 : i32
      %dma_start3A_2318 = arith.constant 0 : i32
      %dma_start3A_2319 = tpu.memref_slice %arg3[%add3A, %dma_start3A_2312, %dma_start3A_2317, %dma_start3A_2318] : memref<32x122x3x128xi32, #tpu.memory_space<hbm>> -> memref<1x1x3x128xi32, #tpu.memory_space<hbm>>
      %dma_start3A_2320 = tpu.memref_squeeze %dma_start3A_2319 : memref<1x1x3x128xi32, #tpu.memory_space<hbm>> -> memref<3x128xi32, #tpu.memory_space<hbm>>
      tpu.enqueue_dma source(%dma_start3A_2320 : memref<3x128xi32, #tpu.memory_space<hbm>>) target(%arg6 : memref<3x128xi32, #tpu.memory_space<vmem>>) target_semaphore(%arg19 : memref<!tpu.dma_semaphore, #tpu.memory_space<semaphore_mem>>)
      %dma_start3A_2321 = arith.constant 1 : i32
      %dma_start3A_2322 = arith.constant 0 : i32
      %dma_start3A_2323 = arith.constant 0 : i32
      %dma_start3A_2324 = tpu.memref_slice %arg3[%add3A, %dma_start3A_2321, %dma_start3A_2322, %dma_start3A_2323] : memref<32x122x3x128xi32, #tpu.memory_space<hbm>> -> memref<1x1x3x128xi32, #tpu.memory_space<hbm>>
      %dma_start3A_2325 = tpu.memref_squeeze %dma_start3A_2324 : memref<1x1x3x128xi32, #tpu.memory_space<hbm>> -> memref<3x128xi32, #tpu.memory_space<hbm>>
      %dma_start3A_2326 = arith.constant 0 : i32
      %dma_start3A_2327 = arith.constant 0 : i32
      %dma_start3A_2328 = tpu.memref_slice %arg3[%add3A, %dma_start3A_2321, %dma_start3A_2326, %dma_start3A_2327] : memref<32x122x3x128xi32, #tpu.memory_space<hbm>> -> memref<1x1x3x128xi32, #tpu.memory_space<hbm>>
      %dma_start3A_2329 = tpu.memref_squeeze %dma_start3A_2328 : memref<1x1x3x128xi32, #tpu.memory_space<hbm>> -> memref<3x128xi32, #tpu.memory_space<hbm>>
      tpu.enqueue_dma source(%dma_start3A_2329 : memref<3x128xi32, #tpu.memory_space<hbm>>) target(%arg7 : memref<3x128xi32, #tpu.memory_space<vmem>>) target_semaphore(%arg20 : memref<!tpu.dma_semaphore, #tpu.memory_space<semaphore_mem>>)
      %dma_wait3A_2330 = arith.constant 0 : i32
      %dma_wait3A_2331 = arith.constant 0 : i32
      %dma_wait3A_2332 = arith.constant 0 : i32
      %dma_wait3A_2333 = tpu.memref_slice %arg3[%add3A, %dma_wait3A_2330, %dma_wait3A_2331, %dma_wait3A_2332] : memref<32x122x3x128xi32, #tpu.memory_space<hbm>> -> memref<1x1x3x128xi32, #tpu.memory_space<hbm>>
      %dma_wait3A_2334 = tpu.memref_squeeze %dma_wait3A_2333 : memref<1x1x3x128xi32, #tpu.memory_space<hbm>> -> memref<3x128xi32, #tpu.memory_space<hbm>>
      %dma_wait3A_2335 = arith.constant 0 : i32
      %dma_wait3A_2336 = arith.constant 0 : i32
      %dma_wait3A_2337 = tpu.memref_slice %arg3[%add3A, %dma_wait3A_2330, %dma_wait3A_2335, %dma_wait3A_2336] : memref<32x122x3x128xi32, #tpu.memory_space<hbm>> -> memref<1x1x3x128xi32, #tpu.memory_space<hbm>>
      %dma_wait3A_2338 = tpu.memref_squeeze %dma_wait3A_2337 : memref<1x1x3x128xi32, #tpu.memory_space<hbm>> -> memref<3x128xi32, #tpu.memory_space<hbm>>
      tpu.wait_dma2 semaphore(%arg19 : memref<!tpu.dma_semaphore, #tpu.memory_space<semaphore_mem>>) src(%dma_wait3A_2338 : memref<3x128xi32, #tpu.memory_space<hbm>>) dst(%arg6 : memref<3x128xi32, #tpu.memory_space<vmem>>)
      %dma_start3A_2339 = arith.constant 0 : i32
      %dma_start3A_2340 = arith.constant 0 : i32
      %dma_start3A_2341 = tpu.memref_slice %arg6[%dma_start3A_2339, %dma_start3A_2340] : memref<3x128xi32, #tpu.memory_space<vmem>> -> memref<1x128xi32, #tpu.memory_space<vmem>>
      %dma_start3A_2342 = tpu.memref_squeeze %dma_start3A_2341 : memref<1x128xi32, #tpu.memory_space<vmem>> -> memref<128xi32, #tpu.memory_space<vmem>>
      %dma_start3A_2343 = arith.constant 0 : i32
      %dma_start3A_2344 = arith.constant 0 : i32
      %dma_start3A_2345 = tpu.memref_slice %arg2[%dma_start3A_2343, %dma_start3A_2344] : memref<10000x128xf32, #tpu.memory_space<hbm>> -> memref<10000x128xf32, #tpu.memory_space<hbm>>
      tpu.enqueue_indirect_dma source(%dma_start3A_2345 : memref<10000x128xf32, #tpu.memory_space<hbm>>) target(%arg12 : memref<128x128xf32, #tpu.memory_space<vmem>>) offsets(%dma_start3A_2342 : memref<128xi32, #tpu.memory_space<vmem>>) semaphore(%arg21 : memref<!tpu.dma_semaphore, #tpu.memory_space<semaphore_mem>>)
      %dma_wait3A_2346 = arith.constant 1 : i32
      %dma_wait3A_2347 = arith.constant 0 : i32
      %dma_wait3A_2348 = arith.constant 0 : i32
      %dma_wait3A_2349 = tpu.memref_slice %arg3[%add3A, %dma_wait3A_2346, %dma_wait3A_2347, %dma_wait3A_2348] : memref<32x122x3x128xi32, #tpu.memory_space<hbm>> -> memref<1x1x3x128xi32, #tpu.memory_space<hbm>>
      %dma_wait3A_2350 = tpu.memref_squeeze %dma_wait3A_2349 : memref<1x1x3x128xi32, #tpu.memory_space<hbm>> -> memref<3x128xi32, #tpu.memory_space<hbm>>
      %dma_wait3A_2351 = arith.constant 0 : i32
      %dma_wait3A_2352 = arith.constant 0 : i32
      %dma_wait3A_2353 = tpu.memref_slice %arg3[%add3A, %dma_wait3A_2346, %dma_wait3A_2351, %dma_wait3A_2352] : memref<32x122x3x128xi32, #tpu.memory_space<hbm>> -> memref<1x1x3x128xi32, #tpu.memory_space<hbm>>
      %dma_wait3A_2354 = tpu.memref_squeeze %dma_wait3A_2353 : memref<1x1x3x128xi32, #tpu.memory_space<hbm>> -> memref<3x128xi32, #tpu.memory_space<hbm>>
      tpu.wait_dma2 semaphore(%arg20 : memref<!tpu.dma_semaphore, #tpu.memory_space<semaphore_mem>>) src(%dma_wait3A_2354 : memref<3x128xi32, #tpu.memory_space<hbm>>) dst(%arg7 : memref<3x128xi32, #tpu.memory_space<vmem>>)
      %dma_start3A_2355 = arith.constant 0 : i32
      %dma_start3A_2356 = arith.constant 0 : i32
      %dma_start3A_2357 = tpu.memref_slice %arg7[%dma_start3A_2355, %dma_start3A_2356] : memref<3x128xi32, #tpu.memory_space<vmem>> -> memref<1x128xi32, #tpu.memory_space<vmem>>
      %dma_start3A_2358 = tpu.memref_squeeze %dma_start3A_2357 : memref<1x128xi32, #tpu.memory_space<vmem>> -> memref<128xi32, #tpu.memory_space<vmem>>
      %dma_start3A_2359 = arith.constant 0 : i32
      %dma_start3A_2360 = arith.constant 0 : i32
      %dma_start3A_2361 = tpu.memref_slice %arg2[%dma_start3A_2359, %dma_start3A_2360] : memref<10000x128xf32, #tpu.memory_space<hbm>> -> memref<10000x128xf32, #tpu.memory_space<hbm>>
      tpu.enqueue_indirect_dma source(%dma_start3A_2361 : memref<10000x128xf32, #tpu.memory_space<hbm>>) target(%arg13 : memref<128x128xf32, #tpu.memory_space<vmem>>) offsets(%dma_start3A_2358 : memref<128xi32, #tpu.memory_space<vmem>>) semaphore(%arg22 : memref<!tpu.dma_semaphore, #tpu.memory_space<semaphore_mem>>)
      %scan3A_2362 = arith.constant 0 : i32
      %scan3A_2363 = arith.constant 0 : i32
      %scan3A_2364 = arith.constant 18 : i32
      %scan3A_2365 = arith.addi %scan3A_2363, %scan3A_2364 : i32
      %scan3A_2366 = arith.constant 1 : i32
      scf.for %scan3A_2368 = %scan3A_2363 to %scan3A_2365 step %scan3A_2366  : i32 {
        %mul3A_2369 = arith.constant 2 : i32
        %mul3A_2370 = arith.muli %mul3A_2369, %scan3A_2368 : i32
        %mul3A_2371 = arith.constant 2 : i32
        %mul3A_2372 = arith.muli %mul3A_2371, %scan3A_2368 : i32
        %add3A_2373 = arith.constant 1 : i32
        %add3A_2374 = arith.addi %mul3A_2372, %add3A_2373 : i32
        %dma_wait3A_2375 = arith.constant 0 : i32
        %dma_wait3A_2376 = arith.constant 0 : i32
        %dma_wait3A_2377 = tpu.memref_slice %arg6[%dma_wait3A_2375, %dma_wait3A_2376] : memref<3x128xi32, #tpu.memory_space<vmem>> -> memref<1x128xi32, #tpu.memory_space<vmem>>
        %dma_wait3A_2378 = tpu.memref_squeeze %dma_wait3A_2377 : memref<1x128xi32, #tpu.memory_space<vmem>> -> memref<128xi32, #tpu.memory_space<vmem>>
        %dma_wait3A_2379 = arith.constant 0 : i32
        %dma_wait3A_2380 = arith.constant 0 : i32
        %dma_wait3A_2381 = tpu.memref_slice %arg2[%dma_wait3A_2379, %dma_wait3A_2380] : memref<10000x128xf32, #tpu.memory_space<hbm>> -> memref<10000x128xf32, #tpu.memory_space<hbm>>
        tpu.wait_indirect_dma semaphore(%arg21 : memref<!tpu.dma_semaphore, #tpu.memory_space<semaphore_mem>>) src(%dma_wait3A_2381 : memref<10000x128xf32, #tpu.memory_space<hbm>>) dst(%arg12 : memref<128x128xf32, #tpu.memory_space<vmem>>)
        %get3A_2382 = arith.constant 0 : i32
        %get3A_2383 = arith.index_cast %get3A_2382 : i32 to index
        %get3A_2384 = arith.constant 0 : index
        %get3A_2385 = tpu.vector_load %arg6[%get3A_2383, %get3A_2384] {strides = array<i32>} : memref<3x128xi32, #tpu.memory_space<vmem>>, vector<16xi32>,
        %gather3A = tpu.vector_load_idx %arg14[%get3A_2385] : memref<10240xf32, #tpu.memory_space<vmem>>[vector<16xi32>], vector<16xf32>,
        %get3A_2386 = arith.constant 2 : i32
        %get3A_2387 = arith.index_cast %get3A_2386 : i32 to index
        %get3A_2388 = arith.constant 0 : index
        %get3A_2389 = tpu.vector_load %arg6[%get3A_2387, %get3A_2388] {strides = array<i32>} : memref<3x128xi32, #tpu.memory_space<vmem>>, vector<16xi32>,
        %bitcast_convert_type3A_2390 = tpu.bitcast %get3A_2389 : vector<16xi32> -> vector<16xf32>
        %mul3A_2391 = arith.mulf %gather3A, %bitcast_convert_type3A_2390 : vector<16xf32>
        %swap3A_2392 = arith.constant 0 : index
        %swap3A_2393 = tpu.vector_load %arg10[%swap3A_2392] {strides = array<i32>} : memref<128xf32, #tpu.memory_space<vmem>>, vector<16xf32>,
        tpu.vector_store %arg10[%swap3A_2392], %mul3A_2391 {strides = array<i32>} : memref<128xf32, #tpu.memory_space<vmem>>, vector<16xf32>,
        %get3A_2394 = arith.constant 1 : i32
        %get3A_2395 = arith.index_cast %get3A_2394 : i32 to index
        %get3A_2396 = arith.constant 0 : index
        %get3A_2397 = tpu.vector_load %arg6[%get3A_2395, %get3A_2396] {strides = array<i32>} : memref<3x128xi32, #tpu.memory_space<vmem>>, vector<16xi32>,
        %swap3A_2398 = arith.constant 0 : index
        %swap3A_2399 = tpu.vector_load %arg8[%swap3A_2398] {strides = array<i32>} : memref<128xi32, #tpu.memory_space<vmem>>, vector<16xi32>,
        tpu.vector_store %arg8[%swap3A_2398], %get3A_2397 {strides = array<i32>} : memref<128xi32, #tpu.memory_space<vmem>>, vector<16xi32>,
        %get3A_2400 = arith.constant 0 : i32
        %get3A_2401 = arith.index_cast %get3A_2400 : i32 to index
        %get3A_2402 = arith.constant 16 : index
        %get3A_2403 = tpu.vector_load %arg6[%get3A_2401, %get3A_2402] {strides = array<i32>} : memref<3x128xi32, #tpu.memory_space<vmem>>, vector<16xi32>,
        %gather3A_2404 = tpu.vector_load_idx %arg14[%get3A_2403] : memref<10240xf32, #tpu.memory_space<vmem>>[vector<16xi32>], vector<16xf32>,
        %get3A_2405 = arith.constant 2 : i32
        %get3A_2406 = arith.index_cast %get3A_2405 : i32 to index
        %get3A_2407 = arith.constant 16 : index
        %get3A_2408 = tpu.vector_load %arg6[%get3A_2406, %get3A_2407] {strides = array<i32>} : memref<3x128xi32, #tpu.memory_space<vmem>>, vector<16xi32>,
        %bitcast_convert_type3A_2409 = tpu.bitcast %get3A_2408 : vector<16xi32> -> vector<16xf32>
        %mul3A_2410 = arith.mulf %gather3A_2404, %bitcast_convert_type3A_2409 : vector<16xf32>
        %swap3A_2411 = arith.constant 16 : index
        %swap3A_2412 = tpu.vector_load %arg10[%swap3A_2411] {strides = array<i32>} : memref<128xf32, #tpu.memory_space<vmem>>, vector<16xf32>,
        tpu.vector_store %arg10[%swap3A_2411], %mul3A_2410 {strides = array<i32>} : memref<128xf32, #tpu.memory_space<vmem>>, vector<16xf32>,
        %get3A_2413 = arith.constant 1 : i32
        %get3A_2414 = arith.index_cast %get3A_2413 : i32 to index
        %get3A_2415 = arith.constant 16 : index
        %get3A_2416 = tpu.vector_load %arg6[%get3A_2414, %get3A_2415] {strides = array<i32>} : memref<3x128xi32, #tpu.memory_space<vmem>>, vector<16xi32>,
        %swap3A_2417 = arith.constant 16 : index
        %swap3A_2418 = tpu.vector_load %arg8[%swap3A_2417] {strides = array<i32>} : memref<128xi32, #tpu.memory_space<vmem>>, vector<16xi32>,
        tpu.vector_store %arg8[%swap3A_2417], %get3A_2416 {strides = array<i32>} : memref<128xi32, #tpu.memory_space<vmem>>, vector<16xi32>,
        %get3A_2419 = arith.constant 0 : i32
        %get3A_2420 = arith.index_cast %get3A_2419 : i32 to index
        %get3A_2421 = arith.constant 32 : index
        %get3A_2422 = tpu.vector_load %arg6[%get3A_2420, %get3A_2421] {strides = array<i32>} : memref<3x128xi32, #tpu.memory_space<vmem>>, vector<16xi32>,
        %gather3A_2423 = tpu.vector_load_idx %arg14[%get3A_2422] : memref<10240xf32, #tpu.memory_space<vmem>>[vector<16xi32>], vector<16xf32>,
        %get3A_2424 = arith.constant 2 : i32
        %get3A_2425 = arith.index_cast %get3A_2424 : i32 to index
        %get3A_2426 = arith.constant 32 : index
        %get3A_2427 = tpu.vector_load %arg6[%get3A_2425, %get3A_2426] {strides = array<i32>} : memref<3x128xi32, #tpu.memory_space<vmem>>, vector<16xi32>,
        %bitcast_convert_type3A_2428 = tpu.bitcast %get3A_2427 : vector<16xi32> -> vector<16xf32>
        %mul3A_2429 = arith.mulf %gather3A_2423, %bitcast_convert_type3A_2428 : vector<16xf32>
        %swap3A_2430 = arith.constant 32 : index
        %swap3A_2431 = tpu.vector_load %arg10[%swap3A_2430] {strides = array<i32>} : memref<128xf32, #tpu.memory_space<vmem>>, vector<16xf32>,
        tpu.vector_store %arg10[%swap3A_2430], %mul3A_2429 {strides = array<i32>} : memref<128xf32, #tpu.memory_space<vmem>>, vector<16xf32>,
        %get3A_2432 = arith.constant 1 : i32
        %get3A_2433 = arith.index_cast %get3A_2432 : i32 to index
        %get3A_2434 = arith.constant 32 : index
        %get3A_2435 = tpu.vector_load %arg6[%get3A_2433, %get3A_2434] {strides = array<i32>} : memref<3x128xi32, #tpu.memory_space<vmem>>, vector<16xi32>,
        %swap3A_2436 = arith.constant 32 : index
        %swap3A_2437 = tpu.vector_load %arg8[%swap3A_2436] {strides = array<i32>} : memref<128xi32, #tpu.memory_space<vmem>>, vector<16xi32>,
        tpu.vector_store %arg8[%swap3A_2436], %get3A_2435 {strides = array<i32>} : memref<128xi32, #tpu.memory_space<vmem>>, vector<16xi32>,
        %get3A_2438 = arith.constant 0 : i32
        %get3A_2439 = arith.index_cast %get3A_2438 : i32 to index
        %get3A_2440 = arith.constant 48 : index
        %get3A_2441 = tpu.vector_load %arg6[%get3A_2439, %get3A_2440] {strides = array<i32>} : memref<3x128xi32, #tpu.memory_space<vmem>>, vector<16xi32>,
        %gather3A_2442 = tpu.vector_load_idx %arg14[%get3A_2441] : memref<10240xf32, #tpu.memory_space<vmem>>[vector<16xi32>], vector<16xf32>,
        %get3A_2443 = arith.constant 2 : i32
        %get3A_2444 = arith.index_cast %get3A_2443 : i32 to index
        %get3A_2445 = arith.constant 48 : index
        %get3A_2446 = tpu.vector_load %arg6[%get3A_2444, %get3A_2445] {strides = array<i32>} : memref<3x128xi32, #tpu.memory_space<vmem>>, vector<16xi32>,
        %bitcast_convert_type3A_2447 = tpu.bitcast %get3A_2446 : vector<16xi32> -> vector<16xf32>
        %mul3A_2448 = arith.mulf %gather3A_2442, %bitcast_convert_type3A_2447 : vector<16xf32>
        %swap3A_2449 = arith.constant 48 : index
        %swap3A_2450 = tpu.vector_load %arg10[%swap3A_2449] {strides = array<i32>} : memref<128xf32, #tpu.memory_space<vmem>>, vector<16xf32>,
        tpu.vector_store %arg10[%swap3A_2449], %mul3A_2448 {strides = array<i32>} : memref<128xf32, #tpu.memory_space<vmem>>, vector<16xf32>,
        %get3A_2451 = arith.constant 1 : i32
        %get3A_2452 = arith.index_cast %get3A_2451 : i32 to index
        %get3A_2453 = arith.constant 48 : index
        %get3A_2454 = tpu.vector_load %arg6[%get3A_2452, %get3A_2453] {strides = array<i32>} : memref<3x128xi32, #tpu.memory_space<vmem>>, vector<16xi32>,
        %swap3A_2455 = arith.constant 48 : index
        %swap3A_2456 = tpu.vector_load %arg8[%swap3A_2455] {strides = array<i32>} : memref<128xi32, #tpu.memory_space<vmem>>, vector<16xi32>,
        tpu.vector_store %arg8[%swap3A_2455], %get3A_2454 {strides = array<i32>} : memref<128xi32, #tpu.memory_space<vmem>>, vector<16xi32>,
        %get3A_2457 = arith.constant 0 : i32
        %get3A_2458 = arith.index_cast %get3A_2457 : i32 to index
        %get3A_2459 = arith.constant 64 : index
        %get3A_2460 = tpu.vector_load %arg6[%get3A_2458, %get3A_2459] {strides = array<i32>} : memref<3x128xi32, #tpu.memory_space<vmem>>, vector<16xi32>,
        %gather3A_2461 = tpu.vector_load_idx %arg14[%get3A_2460] : memref<10240xf32, #tpu.memory_space<vmem>>[vector<16xi32>], vector<16xf32>,
        %get3A_2462 = arith.constant 2 : i32
        %get3A_2463 = arith.index_cast %get3A_2462 : i32 to index
        %get3A_2464 = arith.constant 64 : index
        %get3A_2465 = tpu.vector_load %arg6[%get3A_2463, %get3A_2464] {strides = array<i32>} : memref<3x128xi32, #tpu.memory_space<vmem>>, vector<16xi32>,
        %bitcast_convert_type3A_2466 = tpu.bitcast %get3A_2465 : vector<16xi32> -> vector<16xf32>
        %mul3A_2467 = arith.mulf %gather3A_2461, %bitcast_convert_type3A_2466 : vector<16xf32>
        %swap3A_2468 = arith.constant 64 : index
        %swap3A_2469 = tpu.vector_load %arg10[%swap3A_2468] {strides = array<i32>} : memref<128xf32, #tpu.memory_space<vmem>>, vector<16xf32>,
        tpu.vector_store %arg10[%swap3A_2468], %mul3A_2467 {strides = array<i32>} : memref<128xf32, #tpu.memory_space<vmem>>, vector<16xf32>,
        %get3A_2470 = arith.constant 1 : i32
        %get3A_2471 = arith.index_cast %get3A_2470 : i32 to index
        %get3A_2472 = arith.constant 64 : index
        %get3A_2473 = tpu.vector_load %arg6[%get3A_2471, %get3A_2472] {strides = array<i32>} : memref<3x128xi32, #tpu.memory_space<vmem>>, vector<16xi32>,
        %swap3A_2474 = arith.constant 64 : index
        %swap3A_2475 = tpu.vector_load %arg8[%swap3A_2474] {strides = array<i32>} : memref<128xi32, #tpu.memory_space<vmem>>, vector<16xi32>,
        tpu.vector_store %arg8[%swap3A_2474], %get3A_2473 {strides = array<i32>} : memref<128xi32, #tpu.memory_space<vmem>>, vector<16xi32>,
        %get3A_2476 = arith.constant 0 : i32
        %get3A_2477 = arith.index_cast %get3A_2476 : i32 to index
        %get3A_2478 = arith.constant 80 : index
        %get3A_2479 = tpu.vector_load %arg6[%get3A_2477, %get3A_2478] {strides = array<i32>} : memref<3x128xi32, #tpu.memory_space<vmem>>, vector<16xi32>,
        %gather3A_2480 = tpu.vector_load_idx %arg14[%get3A_2479] : memref<10240xf32, #tpu.memory_space<vmem>>[vector<16xi32>], vector<16xf32>,
        %get3A_2481 = arith.constant 2 : i32
        %get3A_2482 = arith.index_cast %get3A_2481 : i32 to index
        %get3A_2483 = arith.constant 80 : index
        %get3A_2484 = tpu.vector_load %arg6[%get3A_2482, %get3A_2483] {strides = array<i32>} : memref<3x128xi32, #tpu.memory_space<vmem>>, vector<16xi32>,
        %bitcast_convert_type3A_2485 = tpu.bitcast %get3A_2484 : vector<16xi32> -> vector<16xf32>
        %mul3A_2486 = arith.mulf %gather3A_2480, %bitcast_convert_type3A_2485 : vector<16xf32>
        %swap3A_2487 = arith.constant 80 : index
        %swap3A_2488 = tpu.vector_load %arg10[%swap3A_2487] {strides = array<i32>} : memref<128xf32, #tpu.memory_space<vmem>>, vector<16xf32>,
        tpu.vector_store %arg10[%swap3A_2487], %mul3A_2486 {strides = array<i32>} : memref<128xf32, #tpu.memory_space<vmem>>, vector<16xf32>,
        %get3A_2489 = arith.constant 1 : i32
        %get3A_2490 = arith.index_cast %get3A_2489 : i32 to index
        %get3A_2491 = arith.constant 80 : index
        %get3A_2492 = tpu.vector_load %arg6[%get3A_2490, %get3A_2491] {strides = array<i32>} : memref<3x128xi32, #tpu.memory_space<vmem>>, vector<16xi32>,
        %swap3A_2493 = arith.constant 80 : index
        %swap3A_2494 = tpu.vector_load %arg8[%swap3A_2493] {strides = array<i32>} : memref<128xi32, #tpu.memory_space<vmem>>, vector<16xi32>,
        tpu.vector_store %arg8[%swap3A_2493], %get3A_2492 {strides = array<i32>} : memref<128xi32, #tpu.memory_space<vmem>>, vector<16xi32>,
        %get3A_2495 = arith.constant 0 : i32
        %get3A_2496 = arith.index_cast %get3A_2495 : i32 to index
        %get3A_2497 = arith.constant 96 : index
        %get3A_2498 = tpu.vector_load %arg6[%get3A_2496, %get3A_2497] {strides = array<i32>} : memref<3x128xi32, #tpu.memory_space<vmem>>, vector<16xi32>,
        %gather3A_2499 = tpu.vector_load_idx %arg14[%get3A_2498] : memref<10240xf32, #tpu.memory_space<vmem>>[vector<16xi32>], vector<16xf32>,
        %get3A_2500 = arith.constant 2 : i32
        %get3A_2501 = arith.index_cast %get3A_2500 : i32 to index
        %get3A_2502 = arith.constant 96 : index
        %get3A_2503 = tpu.vector_load %arg6[%get3A_2501, %get3A_2502] {strides = array<i32>} : memref<3x128xi32, #tpu.memory_space<vmem>>, vector<16xi32>,
        %bitcast_convert_type3A_2504 = tpu.bitcast %get3A_2503 : vector<16xi32> -> vector<16xf32>
        %mul3A_2505 = arith.mulf %gather3A_2499, %bitcast_convert_type3A_2504 : vector<16xf32>
        %swap3A_2506 = arith.constant 96 : index
        %swap3A_2507 = tpu.vector_load %arg10[%swap3A_2506] {strides = array<i32>} : memref<128xf32, #tpu.memory_space<vmem>>, vector<16xf32>,
        tpu.vector_store %arg10[%swap3A_2506], %mul3A_2505 {strides = array<i32>} : memref<128xf32, #tpu.memory_space<vmem>>, vector<16xf32>,
        %get3A_2508 = arith.constant 1 : i32
        %get3A_2509 = arith.index_cast %get3A_2508 : i32 to index
        %get3A_2510 = arith.constant 96 : index
        %get3A_2511 = tpu.vector_load %arg6[%get3A_2509, %get3A_2510] {strides = array<i32>} : memref<3x128xi32, #tpu.memory_space<vmem>>, vector<16xi32>,
        %swap3A_2512 = arith.constant 96 : index
        %swap3A_2513 = tpu.vector_load %arg8[%swap3A_2512] {strides = array<i32>} : memref<128xi32, #tpu.memory_space<vmem>>, vector<16xi32>,
        tpu.vector_store %arg8[%swap3A_2512], %get3A_2511 {strides = array<i32>} : memref<128xi32, #tpu.memory_space<vmem>>, vector<16xi32>,
        %get3A_2514 = arith.constant 0 : i32
        %get3A_2515 = arith.index_cast %get3A_2514 : i32 to index
        %get3A_2516 = arith.constant 112 : index
        %get3A_2517 = tpu.vector_load %arg6[%get3A_2515, %get3A_2516] {strides = array<i32>} : memref<3x128xi32, #tpu.memory_space<vmem>>, vector<16xi32>,
        %gather3A_2518 = tpu.vector_load_idx %arg14[%get3A_2517] : memref<10240xf32, #tpu.memory_space<vmem>>[vector<16xi32>], vector<16xf32>,
        %get3A_2519 = arith.constant 2 : i32
        %get3A_2520 = arith.index_cast %get3A_2519 : i32 to index
        %get3A_2521 = arith.constant 112 : index
        %get3A_2522 = tpu.vector_load %arg6[%get3A_2520, %get3A_2521] {strides = array<i32>} : memref<3x128xi32, #tpu.memory_space<vmem>>, vector<16xi32>,
        %bitcast_convert_type3A_2523 = tpu.bitcast %get3A_2522 : vector<16xi32> -> vector<16xf32>
        %mul3A_2524 = arith.mulf %gather3A_2518, %bitcast_convert_type3A_2523 : vector<16xf32>
        %swap3A_2525 = arith.constant 112 : index
        %swap3A_2526 = tpu.vector_load %arg10[%swap3A_2525] {strides = array<i32>} : memref<128xf32, #tpu.memory_space<vmem>>, vector<16xf32>,
        tpu.vector_store %arg10[%swap3A_2525], %mul3A_2524 {strides = array<i32>} : memref<128xf32, #tpu.memory_space<vmem>>, vector<16xf32>,
        %get3A_2527 = arith.constant 1 : i32
        %get3A_2528 = arith.index_cast %get3A_2527 : i32 to index
        %get3A_2529 = arith.constant 112 : index
        %get3A_2530 = tpu.vector_load %arg6[%get3A_2528, %get3A_2529] {strides = array<i32>} : memref<3x128xi32, #tpu.memory_space<vmem>>, vector<16xi32>,
        %swap3A_2531 = arith.constant 112 : index
        %swap3A_2532 = tpu.vector_load %arg8[%swap3A_2531] {strides = array<i32>} : memref<128xi32, #tpu.memory_space<vmem>>, vector<16xi32>,
        tpu.vector_store %arg8[%swap3A_2531], %get3A_2530 {strides = array<i32>} : memref<128xi32, #tpu.memory_space<vmem>>, vector<16xi32>,
        %parallel_loop3A_2533 = arith.constant 0 : i32
        %parallel_loop3A_2534 = arith.constant 128 : i32
        %parallel_loop3A_2535 = arith.constant 1 : i32
        scf.for %parallel_loop3A_2737 = %parallel_loop3A_2533 to %parallel_loop3A_2534 step %parallel_loop3A_2535  : i32 {
          %parallel_loop3A_2738 = arith.constant 0 : i32
          %parallel_loop3A_2739 = vector.broadcast %parallel_loop3A_2738 : i32 to vector<16xi32>
          %parallel_loop3A_2740 = vector.broadcast %parallel_loop3A_2737 : i32 to vector<16xi32>
          %parallel_loop3A_2741 = arith.addi %parallel_loop3A_2739, %parallel_loop3A_2740 : vector<16xi32>
          %parallel_loop3A_2742 = tpu.vector_load_idx %arg10[%parallel_loop3A_2741] : memref<128xf32, #tpu.memory_space<vmem>>[vector<16xi32>], vector<16xf32>,
          %parallel_loop3A_2743 = arith.index_cast %parallel_loop3A_2737 : i32 to index
          %parallel_loop3A_2744 = arith.constant 0 : index
          %parallel_loop3A_2745 = tpu.vector_load %arg12[%parallel_loop3A_2743, %parallel_loop3A_2744] {strides = array<i32>} : memref<128x128xf32, #tpu.memory_space<vmem>>, vector<16xf32>,
          %parallel_loop3A_2746 = arith.mulf %parallel_loop3A_2745, %parallel_loop3A_2742 : vector<16xf32>
          %parallel_loop3A_2747 = arith.index_cast %parallel_loop3A_2737 : i32 to index
          %parallel_loop3A_2748 = arith.constant 0 : index
          %parallel_loop3A_2749 = tpu.vector_load %arg12[%parallel_loop3A_2747, %parallel_loop3A_2748] {strides = array<i32>} : memref<128x128xf32, #tpu.memory_space<vmem>>, vector<16xf32>,
          tpu.vector_store %arg12[%parallel_loop3A_2747, %parallel_loop3A_2748], %parallel_loop3A_2746 {strides = array<i32>} : memref<128x128xf32, #tpu.memory_space<vmem>>, vector<16xf32>,
          %parallel_loop3A_2750 = arith.index_cast %parallel_loop3A_2737 : i32 to index
          %parallel_loop3A_2751 = arith.constant 16 : index
          %parallel_loop3A_2752 = tpu.vector_load %arg12[%parallel_loop3A_2750, %parallel_loop3A_2751] {strides = array<i32>} : memref<128x128xf32, #tpu.memory_space<vmem>>, vector<16xf32>,
          %parallel_loop3A_2753 = arith.mulf %parallel_loop3A_2752, %parallel_loop3A_2742 : vector<16xf32>
          %parallel_loop3A_2754 = arith.index_cast %parallel_loop3A_2737 : i32 to index
          %parallel_loop3A_2755 = arith.constant 16 : index
          %parallel_loop3A_2756 = tpu.vector_load %arg12[%parallel_loop3A_2754, %parallel_loop3A_2755] {strides = array<i32>} : memref<128x128xf32, #tpu.memory_space<vmem>>, vector<16xf32>,
          tpu.vector_store %arg12[%parallel_loop3A_2754, %parallel_loop3A_2755], %parallel_loop3A_2753 {strides = array<i32>} : memref<128x128xf32, #tpu.memory_space<vmem>>, vector<16xf32>,
          %parallel_loop3A_2757 = arith.index_cast %parallel_loop3A_2737 : i32 to index
          %parallel_loop3A_2758 = arith.constant 32 : index
          %parallel_loop3A_2759 = tpu.vector_load %arg12[%parallel_loop3A_2757, %parallel_loop3A_2758] {strides = array<i32>} : memref<128x128xf32, #tpu.memory_space<vmem>>, vector<16xf32>,
          %parallel_loop3A_2760 = arith.mulf %parallel_loop3A_2759, %parallel_loop3A_2742 : vector<16xf32>
          %parallel_loop3A_2761 = arith.index_cast %parallel_loop3A_2737 : i32 to index
          %parallel_loop3A_2762 = arith.constant 32 : index
          %parallel_loop3A_2763 = tpu.vector_load %arg12[%parallel_loop3A_2761, %parallel_loop3A_2762] {strides = array<i32>} : memref<128x128xf32, #tpu.memory_space<vmem>>, vector<16xf32>,
          tpu.vector_store %arg12[%parallel_loop3A_2761, %parallel_loop3A_2762], %parallel_loop3A_2760 {strides = array<i32>} : memref<128x128xf32, #tpu.memory_space<vmem>>, vector<16xf32>,
          %parallel_loop3A_2764 = arith.index_cast %parallel_loop3A_2737 : i32 to index
          %parallel_loop3A_2765 = arith.constant 48 : index
          %parallel_loop3A_2766 = tpu.vector_load %arg12[%parallel_loop3A_2764, %parallel_loop3A_2765] {strides = array<i32>} : memref<128x128xf32, #tpu.memory_space<vmem>>, vector<16xf32>,
          %parallel_loop3A_2767 = arith.mulf %parallel_loop3A_2766, %parallel_loop3A_2742 : vector<16xf32>
          %parallel_loop3A_2768 = arith.index_cast %parallel_loop3A_2737 : i32 to index
          %parallel_loop3A_2769 = arith.constant 48 : index
          %parallel_loop3A_2770 = tpu.vector_load %arg12[%parallel_loop3A_2768, %parallel_loop3A_2769] {strides = array<i32>} : memref<128x128xf32, #tpu.memory_space<vmem>>, vector<16xf32>,
          tpu.vector_store %arg12[%parallel_loop3A_2768, %parallel_loop3A_2769], %parallel_loop3A_2767 {strides = array<i32>} : memref<128x128xf32, #tpu.memory_space<vmem>>, vector<16xf32>,
          %parallel_loop3A_2771 = arith.index_cast %parallel_loop3A_2737 : i32 to index
          %parallel_loop3A_2772 = arith.constant 64 : index
          %parallel_loop3A_2773 = tpu.vector_load %arg12[%parallel_loop3A_2771, %parallel_loop3A_2772] {strides = array<i32>} : memref<128x128xf32, #tpu.memory_space<vmem>>, vector<16xf32>,
          %parallel_loop3A_2774 = arith.mulf %parallel_loop3A_2773, %parallel_loop3A_2742 : vector<16xf32>
          %parallel_loop3A_2775 = arith.index_cast %parallel_loop3A_2737 : i32 to index
          %parallel_loop3A_2776 = arith.constant 64 : index
          %parallel_loop3A_2777 = tpu.vector_load %arg12[%parallel_loop3A_2775, %parallel_loop3A_2776] {strides = array<i32>} : memref<128x128xf32, #tpu.memory_space<vmem>>, vector<16xf32>,
          tpu.vector_store %arg12[%parallel_loop3A_2775, %parallel_loop3A_2776], %parallel_loop3A_2774 {strides = array<i32>} : memref<128x128xf32, #tpu.memory_space<vmem>>, vector<16xf32>,
          %parallel_loop3A_2778 = arith.index_cast %parallel_loop3A_2737 : i32 to index
          %parallel_loop3A_2779 = arith.constant 80 : index
          %parallel_loop3A_2780 = tpu.vector_load %arg12[%parallel_loop3A_2778, %parallel_loop3A_2779] {strides = array<i32>} : memref<128x128xf32, #tpu.memory_space<vmem>>, vector<16xf32>,
          %parallel_loop3A_2781 = arith.mulf %parallel_loop3A_2780, %parallel_loop3A_2742 : vector<16xf32>
          %parallel_loop3A_2782 = arith.index_cast %parallel_loop3A_2737 : i32 to index
          %parallel_loop3A_2783 = arith.constant 80 : index
          %parallel_loop3A_2784 = tpu.vector_load %arg12[%parallel_loop3A_2782, %parallel_loop3A_2783] {strides = array<i32>} : memref<128x128xf32, #tpu.memory_space<vmem>>, vector<16xf32>,
          tpu.vector_store %arg12[%parallel_loop3A_2782, %parallel_loop3A_2783], %parallel_loop3A_2781 {strides = array<i32>} : memref<128x128xf32, #tpu.memory_space<vmem>>, vector<16xf32>,
          %parallel_loop3A_2785 = arith.index_cast %parallel_loop3A_2737 : i32 to index
          %parallel_loop3A_2786 = arith.constant 96 : index
          %parallel_loop3A_2787 = tpu.vector_load %arg12[%parallel_loop3A_2785, %parallel_loop3A_2786] {strides = array<i32>} : memref<128x128xf32, #tpu.memory_space<vmem>>, vector<16xf32>,
          %parallel_loop3A_2788 = arith.mulf %parallel_loop3A_2787, %parallel_loop3A_2742 : vector<16xf32>
          %parallel_loop3A_2789 = arith.index_cast %parallel_loop3A_2737 : i32 to index
          %parallel_loop3A_2790 = arith.constant 96 : index
          %parallel_loop3A_2791 = tpu.vector_load %arg12[%parallel_loop3A_2789, %parallel_loop3A_2790] {strides = array<i32>} : memref<128x128xf32, #tpu.memory_space<vmem>>, vector<16xf32>,
          tpu.vector_store %arg12[%parallel_loop3A_2789, %parallel_loop3A_2790], %parallel_loop3A_2788 {strides = array<i32>} : memref<128x128xf32, #tpu.memory_space<vmem>>, vector<16xf32>,
          %parallel_loop3A_2792 = arith.index_cast %parallel_loop3A_2737 : i32 to index
          %parallel_loop3A_2793 = arith.constant 112 : index
          %parallel_loop3A_2794 = tpu.vector_load %arg12[%parallel_loop3A_2792, %parallel_loop3A_2793] {strides = array<i32>} : memref<128x128xf32, #tpu.memory_space<vmem>>, vector<16xf32>,
          %parallel_loop3A_2795 = arith.mulf %parallel_loop3A_2794, %parallel_loop3A_2742 : vector<16xf32>
          %parallel_loop3A_2796 = arith.index_cast %parallel_loop3A_2737 : i32 to index
          %parallel_loop3A_2797 = arith.constant 112 : index
          %parallel_loop3A_2798 = tpu.vector_load %arg12[%parallel_loop3A_2796, %parallel_loop3A_2797] {strides = array<i32>} : memref<128x128xf32, #tpu.memory_space<vmem>>, vector<16xf32>,
          tpu.vector_store %arg12[%parallel_loop3A_2796, %parallel_loop3A_2797], %parallel_loop3A_2795 {strides = array<i32>} : memref<128x128xf32, #tpu.memory_space<vmem>>, vector<16xf32>,
        } {sc.loop_unroll_factor = 2 : i64, sc.parallel_access}
        %dma_start3A_2536 = arith.constant 0 : i32
        %dma_start3A_2537 = arith.constant 0 : i32
        %dma_start3A_2538 = tpu.memref_slice %arg16[%dma_start3A_2536, %dma_start3A_2537] : memref<10240x128xf32, #tpu.memory_space<vmem_shared>> -> memref<10240x128xf32, #tpu.memory_space<vmem_shared>>
        tpu.enqueue_indirect_dma source(%arg12 : memref<128x128xf32, #tpu.memory_space<vmem>>) target(%dma_start3A_2538 : memref<10240x128xf32, #tpu.memory_space<vmem_shared>>) offsets(%arg8 : memref<128xi32, #tpu.memory_space<vmem>>) semaphore(%arg23 : memref<!tpu.dma_semaphore, #tpu.memory_space<semaphore_mem>>) {add = true}
        %add3A_2539 = arith.constant 2 : i32
        %add3A_2540 = arith.addi %mul3A_2370, %add3A_2539 : i32
        %lt3A = arith.constant 36 : i32
        %lt3A_2541 = arith.cmpi slt, %add3A_2540, %lt3A : i32
        %convert_element_type3A_2542 = arith.extui %lt3A_2541 : i1 to i32
        %cond3A_2543 = arith.constant 0 : i32
        %cond3A_2544 = arith.cmpi ne, %convert_element_type3A_2542, %cond3A_2543 : i32
        scf.if %cond3A_2544 {
          %add3A_2737 = arith.constant 2 : i32
          %add3A_2738 = arith.addi %mul3A_2370, %add3A_2737 : i32
          %dma_start3A_2739 = arith.constant 0 : i32
          %dma_start3A_2740 = arith.constant 0 : i32
          %dma_start3A_2741 = tpu.memref_slice %arg3[%add3A, %add3A_2738, %dma_start3A_2739, %dma_start3A_2740] : memref<32x122x3x128xi32, #tpu.memory_space<hbm>> -> memref<1x1x3x128xi32, #tpu.memory_space<hbm>>
          %dma_start3A_2742 = tpu.memref_squeeze %dma_start3A_2741 : memref<1x1x3x128xi32, #tpu.memory_space<hbm>> -> memref<3x128xi32, #tpu.memory_space<hbm>>
          %dma_start3A_2743 = arith.constant 0 : i32
          %dma_start3A_2744 = arith.constant 0 : i32
          %dma_start3A_2745 = tpu.memref_slice %arg3[%add3A, %add3A_2738, %dma_start3A_2743, %dma_start3A_2744] : memref<32x122x3x128xi32, #tpu.memory_space<hbm>> -> memref<1x1x3x128xi32, #tpu.memory_space<hbm>>
          %dma_start3A_2746 = tpu.memref_squeeze %dma_start3A_2745 : memref<1x1x3x128xi32, #tpu.memory_space<hbm>> -> memref<3x128xi32, #tpu.memory_space<hbm>>
          tpu.enqueue_dma source(%dma_start3A_2746 : memref<3x128xi32, #tpu.memory_space<hbm>>) target(%arg6 : memref<3x128xi32, #tpu.memory_space<vmem>>) target_semaphore(%arg19 : memref<!tpu.dma_semaphore, #tpu.memory_space<semaphore_mem>>)
        } else {
        }
        %dma_wait3A_2545 = arith.constant 0 : i32
        %dma_wait3A_2546 = arith.constant 0 : i32
        %dma_wait3A_2547 = tpu.memref_slice %arg7[%dma_wait3A_2545, %dma_wait3A_2546] : memref<3x128xi32, #tpu.memory_space<vmem>> -> memref<1x128xi32, #tpu.memory_space<vmem>>
        %dma_wait3A_2548 = tpu.memref_squeeze %dma_wait3A_2547 : memref<1x128xi32, #tpu.memory_space<vmem>> -> memref<128xi32, #tpu.memory_space<vmem>>
        %dma_wait3A_2549 = arith.constant 0 : i32
        %dma_wait3A_2550 = arith.constant 0 : i32
        %dma_wait3A_2551 = tpu.memref_slice %arg2[%dma_wait3A_2549, %dma_wait3A_2550] : memref<10000x128xf32, #tpu.memory_space<hbm>> -> memref<10000x128xf32, #tpu.memory_space<hbm>>
        tpu.wait_indirect_dma semaphore(%arg22 : memref<!tpu.dma_semaphore, #tpu.memory_space<semaphore_mem>>) src(%dma_wait3A_2551 : memref<10000x128xf32, #tpu.memory_space<hbm>>) dst(%arg13 : memref<128x128xf32, #tpu.memory_space<vmem>>)
        %get3A_2552 = arith.constant 0 : i32
        %get3A_2553 = arith.index_cast %get3A_2552 : i32 to index
        %get3A_2554 = arith.constant 0 : index
        %get3A_2555 = tpu.vector_load %arg7[%get3A_2553, %get3A_2554] {strides = array<i32>} : memref<3x128xi32, #tpu.memory_space<vmem>>, vector<16xi32>,
        %gather3A_2556 = tpu.vector_load_idx %arg14[%get3A_2555] : memref<10240xf32, #tpu.memory_space<vmem>>[vector<16xi32>], vector<16xf32>,
        %get3A_2557 = arith.constant 2 : i32
        %get3A_2558 = arith.index_cast %get3A_2557 : i32 to index
        %get3A_2559 = arith.constant 0 : index
        %get3A_2560 = tpu.vector_load %arg7[%get3A_2558, %get3A_2559] {strides = array<i32>} : memref<3x128xi32, #tpu.memory_space<vmem>>, vector<16xi32>,
        %bitcast_convert_type3A_2561 = tpu.bitcast %get3A_2560 : vector<16xi32> -> vector<16xf32>
        %mul3A_2562 = arith.mulf %gather3A_2556, %bitcast_convert_type3A_2561 : vector<16xf32>
        %swap3A_2563 = arith.constant 0 : index
        %swap3A_2564 = tpu.vector_load %arg11[%swap3A_2563] {strides = array<i32>} : memref<128xf32, #tpu.memory_space<vmem>>, vector<16xf32>,
        tpu.vector_store %arg11[%swap3A_2563], %mul3A_2562 {strides = array<i32>} : memref<128xf32, #tpu.memory_space<vmem>>, vector<16xf32>,
        %get3A_2565 = arith.constant 1 : i32
        %get3A_2566 = arith.index_cast %get3A_2565 : i32 to index
        %get3A_2567 = arith.constant 0 : index
        %get3A_2568 = tpu.vector_load %arg7[%get3A_2566, %get3A_2567] {strides = array<i32>} : memref<3x128xi32, #tpu.memory_space<vmem>>, vector<16xi32>,
        %swap3A_2569 = arith.constant 0 : index
        %swap3A_2570 = tpu.vector_load %arg9[%swap3A_2569] {strides = array<i32>} : memref<128xi32, #tpu.memory_space<vmem>>, vector<16xi32>,
        tpu.vector_store %arg9[%swap3A_2569], %get3A_2568 {strides = array<i32>} : memref<128xi32, #tpu.memory_space<vmem>>, vector<16xi32>,
        %get3A_2571 = arith.constant 0 : i32
        %get3A_2572 = arith.index_cast %get3A_2571 : i32 to index
        %get3A_2573 = arith.constant 16 : index
        %get3A_2574 = tpu.vector_load %arg7[%get3A_2572, %get3A_2573] {strides = array<i32>} : memref<3x128xi32, #tpu.memory_space<vmem>>, vector<16xi32>,
        %gather3A_2575 = tpu.vector_load_idx %arg14[%get3A_2574] : memref<10240xf32, #tpu.memory_space<vmem>>[vector<16xi32>], vector<16xf32>,
        %get3A_2576 = arith.constant 2 : i32
        %get3A_2577 = arith.index_cast %get3A_2576 : i32 to index
        %get3A_2578 = arith.constant 16 : index
        %get3A_2579 = tpu.vector_load %arg7[%get3A_2577, %get3A_2578] {strides = array<i32>} : memref<3x128xi32, #tpu.memory_space<vmem>>, vector<16xi32>,
        %bitcast_convert_type3A_2580 = tpu.bitcast %get3A_2579 : vector<16xi32> -> vector<16xf32>
        %mul3A_2581 = arith.mulf %gather3A_2575, %bitcast_convert_type3A_2580 : vector<16xf32>
        %swap3A_2582 = arith.constant 16 : index
        %swap3A_2583 = tpu.vector_load %arg11[%swap3A_2582] {strides = array<i32>} : memref<128xf32, #tpu.memory_space<vmem>>, vector<16xf32>,
        tpu.vector_store %arg11[%swap3A_2582], %mul3A_2581 {strides = array<i32>} : memref<128xf32, #tpu.memory_space<vmem>>, vector<16xf32>,
        %get3A_2584 = arith.constant 1 : i32
        %get3A_2585 = arith.index_cast %get3A_2584 : i32 to index
        %get3A_2586 = arith.constant 16 : index
        %get3A_2587 = tpu.vector_load %arg7[%get3A_2585, %get3A_2586] {strides = array<i32>} : memref<3x128xi32, #tpu.memory_space<vmem>>, vector<16xi32>,
        %swap3A_2588 = arith.constant 16 : index
        %swap3A_2589 = tpu.vector_load %arg9[%swap3A_2588] {strides = array<i32>} : memref<128xi32, #tpu.memory_space<vmem>>, vector<16xi32>,
        tpu.vector_store %arg9[%swap3A_2588], %get3A_2587 {strides = array<i32>} : memref<128xi32, #tpu.memory_space<vmem>>, vector<16xi32>,
        %get3A_2590 = arith.constant 0 : i32
        %get3A_2591 = arith.index_cast %get3A_2590 : i32 to index
        %get3A_2592 = arith.constant 32 : index
        %get3A_2593 = tpu.vector_load %arg7[%get3A_2591, %get3A_2592] {strides = array<i32>} : memref<3x128xi32, #tpu.memory_space<vmem>>, vector<16xi32>,
        %gather3A_2594 = tpu.vector_load_idx %arg14[%get3A_2593] : memref<10240xf32, #tpu.memory_space<vmem>>[vector<16xi32>], vector<16xf32>,
        %get3A_2595 = arith.constant 2 : i32
        %get3A_2596 = arith.index_cast %get3A_2595 : i32 to index
        %get3A_2597 = arith.constant 32 : index
        %get3A_2598 = tpu.vector_load %arg7[%get3A_2596, %get3A_2597] {strides = array<i32>} : memref<3x128xi32, #tpu.memory_space<vmem>>, vector<16xi32>,
        %bitcast_convert_type3A_2599 = tpu.bitcast %get3A_2598 : vector<16xi32> -> vector<16xf32>
        %mul3A_2600 = arith.mulf %gather3A_2594, %bitcast_convert_type3A_2599 : vector<16xf32>
        %swap3A_2601 = arith.constant 32 : index
        %swap3A_2602 = tpu.vector_load %arg11[%swap3A_2601] {strides = array<i32>} : memref<128xf32, #tpu.memory_space<vmem>>, vector<16xf32>,
        tpu.vector_store %arg11[%swap3A_2601], %mul3A_2600 {strides = array<i32>} : memref<128xf32, #tpu.memory_space<vmem>>, vector<16xf32>,
        %get3A_2603 = arith.constant 1 : i32
        %get3A_2604 = arith.index_cast %get3A_2603 : i32 to index
        %get3A_2605 = arith.constant 32 : index
        %get3A_2606 = tpu.vector_load %arg7[%get3A_2604, %get3A_2605] {strides = array<i32>} : memref<3x128xi32, #tpu.memory_space<vmem>>, vector<16xi32>,
        %swap3A_2607 = arith.constant 32 : index
        %swap3A_2608 = tpu.vector_load %arg9[%swap3A_2607] {strides = array<i32>} : memref<128xi32, #tpu.memory_space<vmem>>, vector<16xi32>,
        tpu.vector_store %arg9[%swap3A_2607], %get3A_2606 {strides = array<i32>} : memref<128xi32, #tpu.memory_space<vmem>>, vector<16xi32>,
        %get3A_2609 = arith.constant 0 : i32
        %get3A_2610 = arith.index_cast %get3A_2609 : i32 to index
        %get3A_2611 = arith.constant 48 : index
        %get3A_2612 = tpu.vector_load %arg7[%get3A_2610, %get3A_2611] {strides = array<i32>} : memref<3x128xi32, #tpu.memory_space<vmem>>, vector<16xi32>,
        %gather3A_2613 = tpu.vector_load_idx %arg14[%get3A_2612] : memref<10240xf32, #tpu.memory_space<vmem>>[vector<16xi32>], vector<16xf32>,
        %get3A_2614 = arith.constant 2 : i32
        %get3A_2615 = arith.index_cast %get3A_2614 : i32 to index
        %get3A_2616 = arith.constant 48 : index
        %get3A_2617 = tpu.vector_load %arg7[%get3A_2615, %get3A_2616] {strides = array<i32>} : memref<3x128xi32, #tpu.memory_space<vmem>>, vector<16xi32>,
        %bitcast_convert_type3A_2618 = tpu.bitcast %get3A_2617 : vector<16xi32> -> vector<16xf32>
        %mul3A_2619 = arith.mulf %gather3A_2613, %bitcast_convert_type3A_2618 : vector<16xf32>
        %swap3A_2620 = arith.constant 48 : index
        %swap3A_2621 = tpu.vector_load %arg11[%swap3A_2620] {strides = array<i32>} : memref<128xf32, #tpu.memory_space<vmem>>, vector<16xf32>,
        tpu.vector_store %arg11[%swap3A_2620], %mul3A_2619 {strides = array<i32>} : memref<128xf32, #tpu.memory_space<vmem>>, vector<16xf32>,
        %get3A_2622 = arith.constant 1 : i32
        %get3A_2623 = arith.index_cast %get3A_2622 : i32 to index
        %get3A_2624 = arith.constant 48 : index
        %get3A_2625 = tpu.vector_load %arg7[%get3A_2623, %get3A_2624] {strides = array<i32>} : memref<3x128xi32, #tpu.memory_space<vmem>>, vector<16xi32>,
        %swap3A_2626 = arith.constant 48 : index
        %swap3A_2627 = tpu.vector_load %arg9[%swap3A_2626] {strides = array<i32>} : memref<128xi32, #tpu.memory_space<vmem>>, vector<16xi32>,
        tpu.vector_store %arg9[%swap3A_2626], %get3A_2625 {strides = array<i32>} : memref<128xi32, #tpu.memory_space<vmem>>, vector<16xi32>,
        %get3A_2628 = arith.constant 0 : i32
        %get3A_2629 = arith.index_cast %get3A_2628 : i32 to index
        %get3A_2630 = arith.constant 64 : index
        %get3A_2631 = tpu.vector_load %arg7[%get3A_2629, %get3A_2630] {strides = array<i32>} : memref<3x128xi32, #tpu.memory_space<vmem>>, vector<16xi32>,
        %gather3A_2632 = tpu.vector_load_idx %arg14[%get3A_2631] : memref<10240xf32, #tpu.memory_space<vmem>>[vector<16xi32>], vector<16xf32>,
        %get3A_2633 = arith.constant 2 : i32
        %get3A_2634 = arith.index_cast %get3A_2633 : i32 to index
        %get3A_2635 = arith.constant 64 : index
        %get3A_2636 = tpu.vector_load %arg7[%get3A_2634, %get3A_2635] {strides = array<i32>} : memref<3x128xi32, #tpu.memory_space<vmem>>, vector<16xi32>,
        %bitcast_convert_type3A_2637 = tpu.bitcast %get3A_2636 : vector<16xi32> -> vector<16xf32>
        %mul3A_2638 = arith.mulf %gather3A_2632, %bitcast_convert_type3A_2637 : vector<16xf32>
        %swap3A_2639 = arith.constant 64 : index
        %swap3A_2640 = tpu.vector_load %arg11[%swap3A_2639] {strides = array<i32>} : memref<128xf32, #tpu.memory_space<vmem>>, vector<16xf32>,
        tpu.vector_store %arg11[%swap3A_2639], %mul3A_2638 {strides = array<i32>} : memref<128xf32, #tpu.memory_space<vmem>>, vector<16xf32>,
        %get3A_2641 = arith.constant 1 : i32
        %get3A_2642 = arith.index_cast %get3A_2641 : i32 to index
        %get3A_2643 = arith.constant 64 : index
        %get3A_2644 = tpu.vector_load %arg7[%get3A_2642, %get3A_2643] {strides = array<i32>} : memref<3x128xi32, #tpu.memory_space<vmem>>, vector<16xi32>,
        %swap3A_2645 = arith.constant 64 : index
        %swap3A_2646 = tpu.vector_load %arg9[%swap3A_2645] {strides = array<i32>} : memref<128xi32, #tpu.memory_space<vmem>>, vector<16xi32>,
        tpu.vector_store %arg9[%swap3A_2645], %get3A_2644 {strides = array<i32>} : memref<128xi32, #tpu.memory_space<vmem>>, vector<16xi32>,
        %get3A_2647 = arith.constant 0 : i32
        %get3A_2648 = arith.index_cast %get3A_2647 : i32 to index
        %get3A_2649 = arith.constant 80 : index
        %get3A_2650 = tpu.vector_load %arg7[%get3A_2648, %get3A_2649] {strides = array<i32>} : memref<3x128xi32, #tpu.memory_space<vmem>>, vector<16xi32>,
        %gather3A_2651 = tpu.vector_load_idx %arg14[%get3A_2650] : memref<10240xf32, #tpu.memory_space<vmem>>[vector<16xi32>], vector<16xf32>,
        %get3A_2652 = arith.constant 2 : i32
        %get3A_2653 = arith.index_cast %get3A_2652 : i32 to index
        %get3A_2654 = arith.constant 80 : index
        %get3A_2655 = tpu.vector_load %arg7[%get3A_2653, %get3A_2654] {strides = array<i32>} : memref<3x128xi32, #tpu.memory_space<vmem>>, vector<16xi32>,
        %bitcast_convert_type3A_2656 = tpu.bitcast %get3A_2655 : vector<16xi32> -> vector<16xf32>
        %mul3A_2657 = arith.mulf %gather3A_2651, %bitcast_convert_type3A_2656 : vector<16xf32>
        %swap3A_2658 = arith.constant 80 : index
        %swap3A_2659 = tpu.vector_load %arg11[%swap3A_2658] {strides = array<i32>} : memref<128xf32, #tpu.memory_space<vmem>>, vector<16xf32>,
        tpu.vector_store %arg11[%swap3A_2658], %mul3A_2657 {strides = array<i32>} : memref<128xf32, #tpu.memory_space<vmem>>, vector<16xf32>,
        %get3A_2660 = arith.constant 1 : i32
        %get3A_2661 = arith.index_cast %get3A_2660 : i32 to index
        %get3A_2662 = arith.constant 80 : index
        %get3A_2663 = tpu.vector_load %arg7[%get3A_2661, %get3A_2662] {strides = array<i32>} : memref<3x128xi32, #tpu.memory_space<vmem>>, vector<16xi32>,
        %swap3A_2664 = arith.constant 80 : index
        %swap3A_2665 = tpu.vector_load %arg9[%swap3A_2664] {strides = array<i32>} : memref<128xi32, #tpu.memory_space<vmem>>, vector<16xi32>,
        tpu.vector_store %arg9[%swap3A_2664], %get3A_2663 {strides = array<i32>} : memref<128xi32, #tpu.memory_space<vmem>>, vector<16xi32>,
        %get3A_2666 = arith.constant 0 : i32
        %get3A_2667 = arith.index_cast %get3A_2666 : i32 to index
        %get3A_2668 = arith.constant 96 : index
        %get3A_2669 = tpu.vector_load %arg7[%get3A_2667, %get3A_2668] {strides = array<i32>} : memref<3x128xi32, #tpu.memory_space<vmem>>, vector<16xi32>,
        %gather3A_2670 = tpu.vector_load_idx %arg14[%get3A_2669] : memref<10240xf32, #tpu.memory_space<vmem>>[vector<16xi32>], vector<16xf32>,
        %get3A_2671 = arith.constant 2 : i32
        %get3A_2672 = arith.index_cast %get3A_2671 : i32 to index
        %get3A_2673 = arith.constant 96 : index
        %get3A_2674 = tpu.vector_load %arg7[%get3A_2672, %get3A_2673] {strides = array<i32>} : memref<3x128xi32, #tpu.memory_space<vmem>>, vector<16xi32>,
        %bitcast_convert_type3A_2675 = tpu.bitcast %get3A_2674 : vector<16xi32> -> vector<16xf32>
        %mul3A_2676 = arith.mulf %gather3A_2670, %bitcast_convert_type3A_2675 : vector<16xf32>
        %swap3A_2677 = arith.constant 96 : index
        %swap3A_2678 = tpu.vector_load %arg11[%swap3A_2677] {strides = array<i32>} : memref<128xf32, #tpu.memory_space<vmem>>, vector<16xf32>,
        tpu.vector_store %arg11[%swap3A_2677], %mul3A_2676 {strides = array<i32>} : memref<128xf32, #tpu.memory_space<vmem>>, vector<16xf32>,
        %get3A_2679 = arith.constant 1 : i32
        %get3A_2680 = arith.index_cast %get3A_2679 : i32 to index
        %get3A_2681 = arith.constant 96 : index
        %get3A_2682 = tpu.vector_load %arg7[%get3A_2680, %get3A_2681] {strides = array<i32>} : memref<3x128xi32, #tpu.memory_space<vmem>>, vector<16xi32>,
        %swap3A_2683 = arith.constant 96 : index
        %swap3A_2684 = tpu.vector_load %arg9[%swap3A_2683] {strides = array<i32>} : memref<128xi32, #tpu.memory_space<vmem>>, vector<16xi32>,
        tpu.vector_store %arg9[%swap3A_2683], %get3A_2682 {strides = array<i32>} : memref<128xi32, #tpu.memory_space<vmem>>, vector<16xi32>,
        %get3A_2685 = arith.constant 0 : i32
        %get3A_2686 = arith.index_cast %get3A_2685 : i32 to index
        %get3A_2687 = arith.constant 112 : index
        %get3A_2688 = tpu.vector_load %arg7[%get3A_2686, %get3A_2687] {strides = array<i32>} : memref<3x128xi32, #tpu.memory_space<vmem>>, vector<16xi32>,
        %gather3A_2689 = tpu.vector_load_idx %arg14[%get3A_2688] : memref<10240xf32, #tpu.memory_space<vmem>>[vector<16xi32>], vector<16xf32>,
        %get3A_2690 = arith.constant 2 : i32
        %get3A_2691 = arith.index_cast %get3A_2690 : i32 to index
        %get3A_2692 = arith.constant 112 : index
        %get3A_2693 = tpu.vector_load %arg7[%get3A_2691, %get3A_2692] {strides = array<i32>} : memref<3x128xi32, #tpu.memory_space<vmem>>, vector<16xi32>,
        %bitcast_convert_type3A_2694 = tpu.bitcast %get3A_2693 : vector<16xi32> -> vector<16xf32>
        %mul3A_2695 = arith.mulf %gather3A_2689, %bitcast_convert_type3A_2694 : vector<16xf32>
        %swap3A_2696 = arith.constant 112 : index
        %swap3A_2697 = tpu.vector_load %arg11[%swap3A_2696] {strides = array<i32>} : memref<128xf32, #tpu.memory_space<vmem>>, vector<16xf32>,
        tpu.vector_store %arg11[%swap3A_2696], %mul3A_2695 {strides = array<i32>} : memref<128xf32, #tpu.memory_space<vmem>>, vector<16xf32>,
        %get3A_2698 = arith.constant 1 : i32
        %get3A_2699 = arith.index_cast %get3A_2698 : i32 to index
        %get3A_2700 = arith.constant 112 : index
        %get3A_2701 = tpu.vector_load %arg7[%get3A_2699, %get3A_2700] {strides = array<i32>} : memref<3x128xi32, #tpu.memory_space<vmem>>, vector<16xi32>,
        %swap3A_2702 = arith.constant 112 : index
        %swap3A_2703 = tpu.vector_load %arg9[%swap3A_2702] {strides = array<i32>} : memref<128xi32, #tpu.memory_space<vmem>>, vector<16xi32>,
        tpu.vector_store %arg9[%swap3A_2702], %get3A_2701 {strides = array<i32>} : memref<128xi32, #tpu.memory_space<vmem>>, vector<16xi32>,
        %parallel_loop3A_2704 = arith.constant 0 : i32
        %parallel_loop3A_2705 = arith.constant 128 : i32
        %parallel_loop3A_2706 = arith.constant 1 : i32
        scf.for %parallel_loop3A_2737 = %parallel_loop3A_2704 to %parallel_loop3A_2705 step %parallel_loop3A_2706  : i32 {
          %parallel_loop3A_2738 = arith.constant 0 : i32
          %parallel_loop3A_2739 = vector.broadcast %parallel_loop3A_2738 : i32 to vector<16xi32>
          %parallel_loop3A_2740 = vector.broadcast %parallel_loop3A_2737 : i32 to vector<16xi32>
          %parallel_loop3A_2741 = arith.addi %parallel_loop3A_2739, %parallel_loop3A_2740 : vector<16xi32>
          %parallel_loop3A_2742 = tpu.vector_load_idx %arg11[%parallel_loop3A_2741] : memref<128xf32, #tpu.memory_space<vmem>>[vector<16xi32>], vector<16xf32>,
          %parallel_loop3A_2743 = arith.index_cast %parallel_loop3A_2737 : i32 to index
          %parallel_loop3A_2744 = arith.constant 0 : index
          %parallel_loop3A_2745 = tpu.vector_load %arg13[%parallel_loop3A_2743, %parallel_loop3A_2744] {strides = array<i32>} : memref<128x128xf32, #tpu.memory_space<vmem>>, vector<16xf32>,
          %parallel_loop3A_2746 = arith.mulf %parallel_loop3A_2745, %parallel_loop3A_2742 : vector<16xf32>
          %parallel_loop3A_2747 = arith.index_cast %parallel_loop3A_2737 : i32 to index
          %parallel_loop3A_2748 = arith.constant 0 : index
          %parallel_loop3A_2749 = tpu.vector_load %arg13[%parallel_loop3A_2747, %parallel_loop3A_2748] {strides = array<i32>} : memref<128x128xf32, #tpu.memory_space<vmem>>, vector<16xf32>,
          tpu.vector_store %arg13[%parallel_loop3A_2747, %parallel_loop3A_2748], %parallel_loop3A_2746 {strides = array<i32>} : memref<128x128xf32, #tpu.memory_space<vmem>>, vector<16xf32>,
          %parallel_loop3A_2750 = arith.index_cast %parallel_loop3A_2737 : i32 to index
          %parallel_loop3A_2751 = arith.constant 16 : index
          %parallel_loop3A_2752 = tpu.vector_load %arg13[%parallel_loop3A_2750, %parallel_loop3A_2751] {strides = array<i32>} : memref<128x128xf32, #tpu.memory_space<vmem>>, vector<16xf32>,
          %parallel_loop3A_2753 = arith.mulf %parallel_loop3A_2752, %parallel_loop3A_2742 : vector<16xf32>
          %parallel_loop3A_2754 = arith.index_cast %parallel_loop3A_2737 : i32 to index
          %parallel_loop3A_2755 = arith.constant 16 : index
          %parallel_loop3A_2756 = tpu.vector_load %arg13[%parallel_loop3A_2754, %parallel_loop3A_2755] {strides = array<i32>} : memref<128x128xf32, #tpu.memory_space<vmem>>, vector<16xf32>,
          tpu.vector_store %arg13[%parallel_loop3A_2754, %parallel_loop3A_2755], %parallel_loop3A_2753 {strides = array<i32>} : memref<128x128xf32, #tpu.memory_space<vmem>>, vector<16xf32>,
          %parallel_loop3A_2757 = arith.index_cast %parallel_loop3A_2737 : i32 to index
          %parallel_loop3A_2758 = arith.constant 32 : index
          %parallel_loop3A_2759 = tpu.vector_load %arg13[%parallel_loop3A_2757, %parallel_loop3A_2758] {strides = array<i32>} : memref<128x128xf32, #tpu.memory_space<vmem>>, vector<16xf32>,
          %parallel_loop3A_2760 = arith.mulf %parallel_loop3A_2759, %parallel_loop3A_2742 : vector<16xf32>
          %parallel_loop3A_2761 = arith.index_cast %parallel_loop3A_2737 : i32 to index
          %parallel_loop3A_2762 = arith.constant 32 : index
          %parallel_loop3A_2763 = tpu.vector_load %arg13[%parallel_loop3A_2761, %parallel_loop3A_2762] {strides = array<i32>} : memref<128x128xf32, #tpu.memory_space<vmem>>, vector<16xf32>,
          tpu.vector_store %arg13[%parallel_loop3A_2761, %parallel_loop3A_2762], %parallel_loop3A_2760 {strides = array<i32>} : memref<128x128xf32, #tpu.memory_space<vmem>>, vector<16xf32>,
          %parallel_loop3A_2764 = arith.index_cast %parallel_loop3A_2737 : i32 to index
          %parallel_loop3A_2765 = arith.constant 48 : index
          %parallel_loop3A_2766 = tpu.vector_load %arg13[%parallel_loop3A_2764, %parallel_loop3A_2765] {strides = array<i32>} : memref<128x128xf32, #tpu.memory_space<vmem>>, vector<16xf32>,
          %parallel_loop3A_2767 = arith.mulf %parallel_loop3A_2766, %parallel_loop3A_2742 : vector<16xf32>
          %parallel_loop3A_2768 = arith.index_cast %parallel_loop3A_2737 : i32 to index
          %parallel_loop3A_2769 = arith.constant 48 : index
          %parallel_loop3A_2770 = tpu.vector_load %arg13[%parallel_loop3A_2768, %parallel_loop3A_2769] {strides = array<i32>} : memref<128x128xf32, #tpu.memory_space<vmem>>, vector<16xf32>,
          tpu.vector_store %arg13[%parallel_loop3A_2768, %parallel_loop3A_2769], %parallel_loop3A_2767 {strides = array<i32>} : memref<128x128xf32, #tpu.memory_space<vmem>>, vector<16xf32>,
          %parallel_loop3A_2771 = arith.index_cast %parallel_loop3A_2737 : i32 to index
          %parallel_loop3A_2772 = arith.constant 64 : index
          %parallel_loop3A_2773 = tpu.vector_load %arg13[%parallel_loop3A_2771, %parallel_loop3A_2772] {strides = array<i32>} : memref<128x128xf32, #tpu.memory_space<vmem>>, vector<16xf32>,
          %parallel_loop3A_2774 = arith.mulf %parallel_loop3A_2773, %parallel_loop3A_2742 : vector<16xf32>
          %parallel_loop3A_2775 = arith.index_cast %parallel_loop3A_2737 : i32 to index
          %parallel_loop3A_2776 = arith.constant 64 : index
          %parallel_loop3A_2777 = tpu.vector_load %arg13[%parallel_loop3A_2775, %parallel_loop3A_2776] {strides = array<i32>} : memref<128x128xf32, #tpu.memory_space<vmem>>, vector<16xf32>,
          tpu.vector_store %arg13[%parallel_loop3A_2775, %parallel_loop3A_2776], %parallel_loop3A_2774 {strides = array<i32>} : memref<128x128xf32, #tpu.memory_space<vmem>>, vector<16xf32>,
          %parallel_loop3A_2778 = arith.index_cast %parallel_loop3A_2737 : i32 to index
          %parallel_loop3A_2779 = arith.constant 80 : index
          %parallel_loop3A_2780 = tpu.vector_load %arg13[%parallel_loop3A_2778, %parallel_loop3A_2779] {strides = array<i32>} : memref<128x128xf32, #tpu.memory_space<vmem>>, vector<16xf32>,
          %parallel_loop3A_2781 = arith.mulf %parallel_loop3A_2780, %parallel_loop3A_2742 : vector<16xf32>
          %parallel_loop3A_2782 = arith.index_cast %parallel_loop3A_2737 : i32 to index
          %parallel_loop3A_2783 = arith.constant 80 : index
          %parallel_loop3A_2784 = tpu.vector_load %arg13[%parallel_loop3A_2782, %parallel_loop3A_2783] {strides = array<i32>} : memref<128x128xf32, #tpu.memory_space<vmem>>, vector<16xf32>,
          tpu.vector_store %arg13[%parallel_loop3A_2782, %parallel_loop3A_2783], %parallel_loop3A_2781 {strides = array<i32>} : memref<128x128xf32, #tpu.memory_space<vmem>>, vector<16xf32>,
          %parallel_loop3A_2785 = arith.index_cast %parallel_loop3A_2737 : i32 to index
          %parallel_loop3A_2786 = arith.constant 96 : index
          %parallel_loop3A_2787 = tpu.vector_load %arg13[%parallel_loop3A_2785, %parallel_loop3A_2786] {strides = array<i32>} : memref<128x128xf32, #tpu.memory_space<vmem>>, vector<16xf32>,
          %parallel_loop3A_2788 = arith.mulf %parallel_loop3A_2787, %parallel_loop3A_2742 : vector<16xf32>
          %parallel_loop3A_2789 = arith.index_cast %parallel_loop3A_2737 : i32 to index
          %parallel_loop3A_2790 = arith.constant 96 : index
          %parallel_loop3A_2791 = tpu.vector_load %arg13[%parallel_loop3A_2789, %parallel_loop3A_2790] {strides = array<i32>} : memref<128x128xf32, #tpu.memory_space<vmem>>, vector<16xf32>,
          tpu.vector_store %arg13[%parallel_loop3A_2789, %parallel_loop3A_2790], %parallel_loop3A_2788 {strides = array<i32>} : memref<128x128xf32, #tpu.memory_space<vmem>>, vector<16xf32>,
          %parallel_loop3A_2792 = arith.index_cast %parallel_loop3A_2737 : i32 to index
          %parallel_loop3A_2793 = arith.constant 112 : index
          %parallel_loop3A_2794 = tpu.vector_load %arg13[%parallel_loop3A_2792, %parallel_loop3A_2793] {strides = array<i32>} : memref<128x128xf32, #tpu.memory_space<vmem>>, vector<16xf32>,
          %parallel_loop3A_2795 = arith.mulf %parallel_loop3A_2794, %parallel_loop3A_2742 : vector<16xf32>
          %parallel_loop3A_2796 = arith.index_cast %parallel_loop3A_2737 : i32 to index
          %parallel_loop3A_2797 = arith.constant 112 : index
          %parallel_loop3A_2798 = tpu.vector_load %arg13[%parallel_loop3A_2796, %parallel_loop3A_2797] {strides = array<i32>} : memref<128x128xf32, #tpu.memory_space<vmem>>, vector<16xf32>,
          tpu.vector_store %arg13[%parallel_loop3A_2796, %parallel_loop3A_2797], %parallel_loop3A_2795 {strides = array<i32>} : memref<128x128xf32, #tpu.memory_space<vmem>>, vector<16xf32>,
        } {sc.loop_unroll_factor = 2 : i64, sc.parallel_access}
        %dma_start3A_2707 = arith.constant 0 : i32
        %dma_start3A_2708 = arith.constant 0 : i32
        %dma_start3A_2709 = tpu.memref_slice %arg16[%dma_start3A_2707, %dma_start3A_2708] : memref<10240x128xf32, #tpu.memory_space<vmem_shared>> -> memref<10240x128xf32, #tpu.memory_space<vmem_shared>>
        tpu.enqueue_indirect_dma source(%arg13 : memref<128x128xf32, #tpu.memory_space<vmem>>) target(%dma_start3A_2709 : memref<10240x128xf32, #tpu.memory_space<vmem_shared>>) offsets(%arg9 : memref<128xi32, #tpu.memory_space<vmem>>) semaphore(%arg24 : memref<!tpu.dma_semaphore, #tpu.memory_space<semaphore_mem>>) {add = true}
        %add3A_2710 = arith.constant 2 : i32
        %add3A_2711 = arith.addi %add3A_2374, %add3A_2710 : i32
        %lt3A_2712 = arith.constant 36 : i32
        %lt3A_2713 = arith.cmpi slt, %add3A_2711, %lt3A_2712 : i32
        %convert_element_type3A_2714 = arith.extui %lt3A_2713 : i1 to i32
        %cond3A_2715 = arith.constant 0 : i32
        %cond3A_2716 = arith.cmpi ne, %convert_element_type3A_2714, %cond3A_2715 : i32
        scf.if %cond3A_2716 {
          %add3A_2737 = arith.constant 2 : i32
          %add3A_2738 = arith.addi %add3A_2374, %add3A_2737 : i32
          %dma_start3A_2739 = arith.constant 0 : i32
          %dma_start3A_2740 = arith.constant 0 : i32
          %dma_start3A_2741 = tpu.memref_slice %arg3[%add3A, %add3A_2738, %dma_start3A_2739, %dma_start3A_2740] : memref<32x122x3x128xi32, #tpu.memory_space<hbm>> -> memref<1x1x3x128xi32, #tpu.memory_space<hbm>>
          %dma_start3A_2742 = tpu.memref_squeeze %dma_start3A_2741 : memref<1x1x3x128xi32, #tpu.memory_space<hbm>> -> memref<3x128xi32, #tpu.memory_space<hbm>>
          %dma_start3A_2743 = arith.constant 0 : i32
          %dma_start3A_2744 = arith.constant 0 : i32
          %dma_start3A_2745 = tpu.memref_slice %arg3[%add3A, %add3A_2738, %dma_start3A_2743, %dma_start3A_2744] : memref<32x122x3x128xi32, #tpu.memory_space<hbm>> -> memref<1x1x3x128xi32, #tpu.memory_space<hbm>>
          %dma_start3A_2746 = tpu.memref_squeeze %dma_start3A_2745 : memref<1x1x3x128xi32, #tpu.memory_space<hbm>> -> memref<3x128xi32, #tpu.memory_space<hbm>>
          tpu.enqueue_dma source(%dma_start3A_2746 : memref<3x128xi32, #tpu.memory_space<hbm>>) target(%arg7 : memref<3x128xi32, #tpu.memory_space<vmem>>) target_semaphore(%arg20 : memref<!tpu.dma_semaphore, #tpu.memory_space<semaphore_mem>>)
        } else {
        }
        %dma_wait3A_2717 = arith.constant 0 : i32
        %dma_wait3A_2718 = arith.constant 0 : i32
        %dma_wait3A_2719 = tpu.memref_slice %arg16[%dma_wait3A_2717, %dma_wait3A_2718] : memref<10240x128xf32, #tpu.memory_space<vmem_shared>> -> memref<10240x128xf32, #tpu.memory_space<vmem_shared>>
        tpu.wait_indirect_dma semaphore(%arg23 : memref<!tpu.dma_semaphore, #tpu.memory_space<semaphore_mem>>) src(%arg12 : memref<128x128xf32, #tpu.memory_space<vmem>>) dst(%dma_wait3A_2719 : memref<10240x128xf32, #tpu.memory_space<vmem_shared>>)
        %add3A_2720 = arith.constant 2 : i32
        %add3A_2721 = arith.addi %mul3A_2370, %add3A_2720 : i32
        %lt3A_2722 = arith.constant 36 : i32
        %lt3A_2723 = arith.cmpi slt, %add3A_2721, %lt3A_2722 : i32
        %convert_element_type3A_2724 = arith.extui %lt3A_2723 : i1 to i32
        %cond3A_2725 = arith.constant 0 : i32
        %cond3A_2726 = arith.cmpi ne, %convert_element_type3A_2724, %cond3A_2725 : i32
        scf.if %cond3A_2726 {
          %add3A_2737 = arith.constant 2 : i32
          %add3A_2738 = arith.addi %mul3A_2370, %add3A_2737 : i32
          %dma_wait3A_2739 = arith.constant 0 : i32
          %dma_wait3A_2740 = arith.constant 0 : i32
          %dma_wait3A_2741 = tpu.memref_slice %arg3[%add3A, %add3A_2738, %dma_wait3A_2739, %dma_wait3A_2740] : memref<32x122x3x128xi32, #tpu.memory_space<hbm>> -> memref<1x1x3x128xi32, #tpu.memory_space<hbm>>
          %dma_wait3A_2742 = tpu.memref_squeeze %dma_wait3A_2741 : memref<1x1x3x128xi32, #tpu.memory_space<hbm>> -> memref<3x128xi32, #tpu.memory_space<hbm>>
          %dma_wait3A_2743 = arith.constant 0 : i32
          %dma_wait3A_2744 = arith.constant 0 : i32
          %dma_wait3A_2745 = tpu.memref_slice %arg3[%add3A, %add3A_2738, %dma_wait3A_2743, %dma_wait3A_2744] : memref<32x122x3x128xi32, #tpu.memory_space<hbm>> -> memref<1x1x3x128xi32, #tpu.memory_space<hbm>>
          %dma_wait3A_2746 = tpu.memref_squeeze %dma_wait3A_2745 : memref<1x1x3x128xi32, #tpu.memory_space<hbm>> -> memref<3x128xi32, #tpu.memory_space<hbm>>
          tpu.wait_dma2 semaphore(%arg19 : memref<!tpu.dma_semaphore, #tpu.memory_space<semaphore_mem>>) src(%dma_wait3A_2746 : memref<3x128xi32, #tpu.memory_space<hbm>>) dst(%arg6 : memref<3x128xi32, #tpu.memory_space<vmem>>)
          %dma_start3A_2747 = arith.constant 0 : i32
          %dma_start3A_2748 = arith.constant 0 : i32
          %dma_start3A_2749 = tpu.memref_slice %arg6[%dma_start3A_2747, %dma_start3A_2748] : memref<3x128xi32, #tpu.memory_space<vmem>> -> memref<1x128xi32, #tpu.memory_space<vmem>>
          %dma_start3A_2750 = tpu.memref_squeeze %dma_start3A_2749 : memref<1x128xi32, #tpu.memory_space<vmem>> -> memref<128xi32, #tpu.memory_space<vmem>>
          %dma_start3A_2751 = arith.constant 0 : i32
          %dma_start3A_2752 = arith.constant 0 : i32
          %dma_start3A_2753 = tpu.memref_slice %arg2[%dma_start3A_2751, %dma_start3A_2752] : memref<10000x128xf32, #tpu.memory_space<hbm>> -> memref<10000x128xf32, #tpu.memory_space<hbm>>
          tpu.enqueue_indirect_dma source(%dma_start3A_2753 : memref<10000x128xf32, #tpu.memory_space<hbm>>) target(%arg12 : memref<128x128xf32, #tpu.memory_space<vmem>>) offsets(%dma_start3A_2750 : memref<128xi32, #tpu.memory_space<vmem>>) semaphore(%arg21 : memref<!tpu.dma_semaphore, #tpu.memory_space<semaphore_mem>>)
        } else {
        }
        %dma_wait3A_2727 = arith.constant 0 : i32
        %dma_wait3A_2728 = arith.constant 0 : i32
        %dma_wait3A_2729 = tpu.memref_slice %arg16[%dma_wait3A_2727, %dma_wait3A_2728] : memref<10240x128xf32, #tpu.memory_space<vmem_shared>> -> memref<10240x128xf32, #tpu.memory_space<vmem_shared>>
        tpu.wait_indirect_dma semaphore(%arg24 : memref<!tpu.dma_semaphore, #tpu.memory_space<semaphore_mem>>) src(%arg13 : memref<128x128xf32, #tpu.memory_space<vmem>>) dst(%dma_wait3A_2729 : memref<10240x128xf32, #tpu.memory_space<vmem_shared>>)
        %add3A_2730 = arith.constant 2 : i32
        %add3A_2731 = arith.addi %add3A_2374, %add3A_2730 : i32
        %lt3A_2732 = arith.constant 36 : i32
        %lt3A_2733 = arith.cmpi slt, %add3A_2731, %lt3A_2732 : i32
        %convert_element_type3A_2734 = arith.extui %lt3A_2733 : i1 to i32
        %cond3A_2735 = arith.constant 0 : i32
        %cond3A_2736 = arith.cmpi ne, %convert_element_type3A_2734, %cond3A_2735 : i32
        scf.if %cond3A_2736 {
          %add3A_2737 = arith.constant 2 : i32
          %add3A_2738 = arith.addi %add3A_2374, %add3A_2737 : i32
          %dma_wait3A_2739 = arith.constant 0 : i32
          %dma_wait3A_2740 = arith.constant 0 : i32
          %dma_wait3A_2741 = tpu.memref_slice %arg3[%add3A, %add3A_2738, %dma_wait3A_2739, %dma_wait3A_2740] : memref<32x122x3x128xi32, #tpu.memory_space<hbm>> -> memref<1x1x3x128xi32, #tpu.memory_space<hbm>>
          %dma_wait3A_2742 = tpu.memref_squeeze %dma_wait3A_2741 : memref<1x1x3x128xi32, #tpu.memory_space<hbm>> -> memref<3x128xi32, #tpu.memory_space<hbm>>
          %dma_wait3A_2743 = arith.constant 0 : i32
          %dma_wait3A_2744 = arith.constant 0 : i32
          %dma_wait3A_2745 = tpu.memref_slice %arg3[%add3A, %add3A_2738, %dma_wait3A_2743, %dma_wait3A_2744] : memref<32x122x3x128xi32, #tpu.memory_space<hbm>> -> memref<1x1x3x128xi32, #tpu.memory_space<hbm>>
          %dma_wait3A_2746 = tpu.memref_squeeze %dma_wait3A_2745 : memref<1x1x3x128xi32, #tpu.memory_space<hbm>> -> memref<3x128xi32, #tpu.memory_space<hbm>>
          tpu.wait_dma2 semaphore(%arg20 : memref<!tpu.dma_semaphore, #tpu.memory_space<semaphore_mem>>) src(%dma_wait3A_2746 : memref<3x128xi32, #tpu.memory_space<hbm>>) dst(%arg7 : memref<3x128xi32, #tpu.memory_space<vmem>>)
          %dma_start3A_2747 = arith.constant 0 : i32
          %dma_start3A_2748 = arith.constant 0 : i32
          %dma_start3A_2749 = tpu.memref_slice %arg7[%dma_start3A_2747, %dma_start3A_2748] : memref<3x128xi32, #tpu.memory_space<vmem>> -> memref<1x128xi32, #tpu.memory_space<vmem>>
          %dma_start3A_2750 = tpu.memref_squeeze %dma_start3A_2749 : memref<1x128xi32, #tpu.memory_space<vmem>> -> memref<128xi32, #tpu.memory_space<vmem>>
          %dma_start3A_2751 = arith.constant 0 : i32
          %dma_start3A_2752 = arith.constant 0 : i32
          %dma_start3A_2753 = tpu.memref_slice %arg2[%dma_start3A_2751, %dma_start3A_2752] : memref<10000x128xf32, #tpu.memory_space<hbm>> -> memref<10000x128xf32, #tpu.memory_space<hbm>>
          tpu.enqueue_indirect_dma source(%dma_start3A_2753 : memref<10000x128xf32, #tpu.memory_space<hbm>>) target(%arg13 : memref<128x128xf32, #tpu.memory_space<vmem>>) offsets(%dma_start3A_2750 : memref<128xi32, #tpu.memory_space<vmem>>) semaphore(%arg22 : memref<!tpu.dma_semaphore, #tpu.memory_space<semaphore_mem>>)
        } else {
        }
      }
      %scan3A_2367 = arith.constant 18 : i32
    } else {
    }
    %barrier3A_2311 = arith.constant 0 : index
    tpu.barrier barrier_id(%barrier3A_2311)
    "tpu.region"() ({
      %run_scoped3A = tpu.sem_alloc : memref<!tpu.dma_semaphore, #tpu.memory_space<semaphore_mem>>
      %dma_start3A_2312 = arith.constant 0 : i32
      %dma_start3A_2313 = tpu.memref_slice %arg4[%arg0, %mul3A_8, %dma_start3A_2312] : memref<2x10240x128xf32, #tpu.memory_space<hbm>> -> memref<1x640x128xf32, #tpu.memory_space<hbm>>
      %dma_start3A_2314 = tpu.memref_squeeze %dma_start3A_2313 : memref<1x640x128xf32, #tpu.memory_space<hbm>> -> memref<640x128xf32, #tpu.memory_space<hbm>>
      %dma_start3A_2315 = arith.constant 0 : i32
      %dma_start3A_2316 = tpu.memref_slice %arg16[%mul3A_8, %dma_start3A_2315] : memref<10240x128xf32, #tpu.memory_space<vmem_shared>> -> memref<640x128xf32, #tpu.memory_space<vmem_shared>>
      tpu.enqueue_dma source(%dma_start3A_2316 : memref<640x128xf32, #tpu.memory_space<vmem_shared>>) target(%dma_start3A_2314 : memref<640x128xf32, #tpu.memory_space<hbm>>) target_semaphore(%run_scoped3A : memref<!tpu.dma_semaphore, #tpu.memory_space<semaphore_mem>>)
      %dma_wait3A_2317 = arith.constant 0 : i32
      %dma_wait3A_2318 = tpu.memref_slice %arg4[%arg0, %mul3A_8, %dma_wait3A_2317] : memref<2x10240x128xf32, #tpu.memory_space<hbm>> -> memref<1x640x128xf32, #tpu.memory_space<hbm>>
      %dma_wait3A_2319 = tpu.memref_squeeze %dma_wait3A_2318 : memref<1x640x128xf32, #tpu.memory_space<hbm>> -> memref<640x128xf32, #tpu.memory_space<hbm>>
      %dma_wait3A_2320 = arith.constant 0 : i32
      %dma_wait3A_2321 = tpu.memref_slice %arg16[%mul3A_8, %dma_wait3A_2320] : memref<10240x128xf32, #tpu.memory_space<vmem_shared>> -> memref<640x128xf32, #tpu.memory_space<vmem_shared>>
      tpu.wait_dma2 semaphore(%run_scoped3A : memref<!tpu.dma_semaphore, #tpu.memory_space<semaphore_mem>>) src(%dma_wait3A_2321 : memref<640x128xf32, #tpu.memory_space<vmem_shared>>) dst(%dma_wait3A_2319 : memref<640x128xf32, #tpu.memory_space<hbm>>)
      tpu.yield
    }) : () -> ()
    return
  }
}

module attributes {stable_mosaic.version = 14 : i64} {
  func.func @_tc_gru_kernel(%arg0: memref<10000x128xf32, #tpu.memory_space<vmem>>, %arg1: memref<2x10240x128xf32, #tpu.memory_space<vmem>>, %arg2: memref<10240x1xf32, #tpu.memory_space<vmem>>, %arg3: memref<128x128xf32, #tpu.memory_space<vmem>>, %arg4: memref<128x128xf32, #tpu.memory_space<vmem>>, %arg5: memref<1x64xf32, #tpu.memory_space<vmem>>, %arg6: memref<1x64xf32, #tpu.memory_space<vmem>>, %arg7: memref<1x64xf32, #tpu.memory_space<vmem>>, %arg8: memref<1xf32, #tpu.memory_space<smem>>, %arg9: memref<10000xf32, #tpu.memory_space<vmem>>) attributes {dimension_semantics = [], scalar_prefetch = 0 : i64, scratch_operands = 0 : i64, tpu.core_type = #tpu.core_type<tc>} {
    %get3A = arith.constant 0 : index
    %get3A_0 = arith.constant 0 : index
    %get3A_1 = vector.load %arg2[%get3A, %get3A_0] : memref<10240x1xf32, #tpu.memory_space<vmem>>, vector<10000x1xf32>
    %get3A_2 = arith.constant 0 : index
    %get3A_3 = arith.constant 0 : index
    %get3A_4 = arith.constant 0 : index
    %get3A_5 = vector.load %arg1[%get3A_2, %get3A_3, %get3A_4] : memref<2x10240x128xf32, #tpu.memory_space<vmem>>, vector<1x10000x128xf32>
    %get3A_6 = vector.shape_cast %get3A_5 : vector<1x10000x128xf32> to vector<10000x128xf32>
    %get3A_7 = arith.constant 1 : index
    %get3A_8 = arith.constant 0 : index
    %get3A_9 = arith.constant 0 : index
    %get3A_10 = vector.load %arg1[%get3A_7, %get3A_8, %get3A_9] : memref<2x10240x128xf32, #tpu.memory_space<vmem>>, vector<1x10000x128xf32>
    %get3A_11 = vector.shape_cast %get3A_10 : vector<1x10000x128xf32> to vector<10000x128xf32>
    %add3A = arith.addf %get3A_6, %get3A_11 : vector<10000x128xf32>
    %neg3A = arith.constant 0.000000e+00 : f32
    %neg3A_12 = vector.broadcast %neg3A : f32 to vector<10000x1xf32>
    %neg3A_13 = arith.subf %neg3A_12, %get3A_1 : vector<10000x1xf32>
    %mul3A = vector.broadcast %neg3A_13 : vector<10000x1xf32> to vector<10000x128xf32>
    %mul3A_14 = arith.mulf %add3A, %mul3A : vector<10000x128xf32>
    %get3A_15 = arith.constant 0 : index
    %get3A_16 = arith.constant 0 : index
    %get3A_17 = vector.load %arg0[%get3A_15, %get3A_16] : memref<10000x128xf32, #tpu.memory_space<vmem>>, vector<10000x128xf32>
    %get3A_18 = arith.constant 0 : index
    %get3A_19 = arith.constant 0 : index
    %get3A_20 = vector.load %arg3[%get3A_18, %get3A_19] : memref<128x128xf32, #tpu.memory_space<vmem>>, vector<128x128xf32>
    %dot_general3A = arith.constant dense<0.000000e+00> : vector<10000x128xf32>
    %dot_general3A_21 = tpu.matmul %get3A_17, %get3A_20, %dot_general3A {dimension_numbers = #tpu.dot_dimension_numbers<[1], [0], [0], [1], [0, 0, 1, 1], [], []>, transpose_lhs_hint = false} : vector<10000x128xf32>, vector<128x128xf32>, vector<10000x128xf32> -> vector<10000x128xf32>
    %get3A_22 = arith.constant 0 : index
    %get3A_23 = arith.constant 0 : index
    %get3A_24 = vector.load %arg4[%get3A_22, %get3A_23] : memref<128x128xf32, #tpu.memory_space<vmem>>, vector<128x128xf32>
    %dot_general3A_25 = arith.constant dense<0.000000e+00> : vector<10000x128xf32>
    %dot_general3A_26 = tpu.matmul %mul3A_14, %get3A_24, %dot_general3A_25 {dimension_numbers = #tpu.dot_dimension_numbers<[1], [0], [0], [1], [0, 0, 1, 1], [], []>, transpose_lhs_hint = false} : vector<10000x128xf32>, vector<128x128xf32>, vector<10000x128xf32> -> vector<10000x128xf32>
    %slice3A = vector.extract_strided_slice %dot_general3A_21 {offsets = [0, 0], sizes = [10000, 64], strides = [1, 1]} : vector<10000x128xf32> to vector<10000x64xf32>
    %slice3A_27 = vector.extract_strided_slice %dot_general3A_26 {offsets = [0, 0], sizes = [10000, 64], strides = [1, 1]} : vector<10000x128xf32> to vector<10000x64xf32>
    %add3A_28 = arith.addf %slice3A, %slice3A_27 : vector<10000x64xf32>
    %get3A_29 = arith.constant 0 : index
    %get3A_30 = arith.constant 0 : index
    %get3A_31 = vector.load %arg5[%get3A_29, %get3A_30] : memref<1x64xf32, #tpu.memory_space<vmem>>, vector<1x64xf32>
    %add3A_32 = vector.broadcast %get3A_31 : vector<1x64xf32> to vector<10000x64xf32>
    %add3A_33 = arith.addf %add3A_28, %add3A_32 : vector<10000x64xf32>
    %logistic3A = arith.negf %add3A_33 : vector<10000x64xf32>
    %logistic3A_34 = math.exp %logistic3A : vector<10000x64xf32>
    %logistic3A_35 = arith.constant 1.000000e+00 : f32
    %logistic3A_36 = vector.broadcast %logistic3A_35 : f32 to vector<10000x64xf32>
    %logistic3A_37 = arith.addf %logistic3A_36, %logistic3A_34 : vector<10000x64xf32>
    %logistic3A_38 = arith.divf %logistic3A_36, %logistic3A_37 : vector<10000x64xf32>
    %slice3A_39 = vector.extract_strided_slice %dot_general3A_21 {offsets = [0, 64], sizes = [10000, 64], strides = [1, 1]} : vector<10000x128xf32> to vector<10000x64xf32>
    %slice3A_40 = vector.extract_strided_slice %dot_general3A_26 {offsets = [0, 64], sizes = [10000, 64], strides = [1, 1]} : vector<10000x128xf32> to vector<10000x64xf32>
    %add3A_41 = arith.addf %slice3A_39, %slice3A_40 : vector<10000x64xf32>
    %get3A_42 = arith.constant 0 : index
    %get3A_43 = arith.constant 0 : index
    %get3A_44 = vector.load %arg6[%get3A_42, %get3A_43] : memref<1x64xf32, #tpu.memory_space<vmem>>, vector<1x64xf32>
    %add3A_45 = vector.broadcast %get3A_44 : vector<1x64xf32> to vector<10000x64xf32>
    %add3A_46 = arith.addf %add3A_41, %add3A_45 : vector<10000x64xf32>
    %tanh3A = math.tanh %add3A_46 : vector<10000x64xf32>
    %sub3A = arith.constant 1.000000e+00 : f32
    %sub3A_47 = vector.broadcast %sub3A : f32 to vector<10000x64xf32>
    %sub3A_48 = arith.subf %sub3A_47, %logistic3A_38 : vector<10000x64xf32>
    %mul3A_49 = arith.mulf %sub3A_48, %tanh3A : vector<10000x64xf32>
    %get3A_50 = arith.constant 0 : index
    %get3A_51 = arith.constant 0 : index
    %get3A_52 = vector.load %arg7[%get3A_50, %get3A_51] : memref<1x64xf32, #tpu.memory_space<vmem>>, vector<1x64xf32>
    %mul3A_53 = vector.broadcast %get3A_52 : vector<1x64xf32> to vector<10000x64xf32>
    %mul3A_54 = arith.mulf %mul3A_49, %mul3A_53 : vector<10000x64xf32>
    %reduce_sum3A = arith.constant dense<0.000000e+00> : vector<10000xf32>
    %reduce_sum3A_55 = vector.multi_reduction <add>, %mul3A_54, %reduce_sum3A [1] : vector<10000x64xf32> to vector<10000xf32>
    %get3A_56 = arith.constant 0 : index
    %get3A_57 = memref.load %arg8[%get3A_56] : memref<1xf32, #tpu.memory_space<smem>>
    %add3A_58 = vector.broadcast %get3A_57 : f32 to vector<10000xf32>
    %add3A_59 = arith.addf %reduce_sum3A_55, %add3A_58 : vector<10000xf32>
    %swap3A = arith.constant 0 : index
    %swap3A_60 = vector.load %arg9[%swap3A] : memref<10000xf32, #tpu.memory_space<vmem>>, vector<10000xf32>
    tpu.vector_store %arg9[%swap3A], %add3A_59 {strides = array<i32>} : memref<10000xf32, #tpu.memory_space<vmem>>, vector<10000xf32>,
    return
  }
}

</mosaic_0001>

<sc_bundles>
// kernel: kernel.4.cloned.1.call-start
scs
__scs_entry_jumppad:
0x0: {  	(pc) =	sbr.rel $0x88, $3  }
0x1: {  	(tag) =	ssettag $0x0;
	lr =	simm.s32 $0x1  }
0x2: {  	[smem:$0x3F96] =	sst lr;
	_ =	strace $0xD0000000  }
0x3: {  	_ = 	snop  }
0x4: {  	_ = 	snop  }
0x5: {  	_ = 	snop  }
0x6: {  	_ = 	snop  }
0x7: {  	_ = 	snop  }
__scs_overlays_trampoline_lowered:
0x8: {  	[smem:$0x3FA5] =	sst s0  }
0x9: {  	[smem:$0x3FA6] =	sst s1  }
0xa: {  	[smem:$0x3FA7] =	sst s2  }
0xb: {  	[smem:$0x3FA8] =	sst s3  }
0xc: {  	[smem:$0x3FA9] =	sst s4  }
0xd: {  	[smem:$0x3FAA] =	sst s5  }
0xe: {  	[smem:$0x3FAB] =	sst s6  }
0xf: {  	[smem:$0x3FAC] =	sst s7  }
0x10: {  	[smem:$0x3FAD] =	sst s8  }
0x11: {  	[smem:$0x3FAE] =	sst s9;
	s0 =	simm.s32 @!p0 $0x0  }
0x12: {  	s1 =	sld [smem:$0x3F94];
	s0 =	simm.s32 @p0 $0x1  }
0x13: {  	[smem:$0x3FAF] =	sst s0;
	s0 =	simm.s32 @!p1 $0x0  }
0x14: {  	s2 =	sld [smem:$0x3F93];
	s0 =	simm.s32 @p1 $0x1  }
0x15: {  	[smem:$0x3FB0] =	sst s0;
	s0 =	simm.s32 @!p2 $0x0  }
0x16: {  	s3 =	sld [smem:$0x3FDB];
	s0 =	simm.s32 @p2 $0x1  }
0x17: {  	s4 =	simm.s32 $0x1BF5;
	[smem:$0x3FB2] =	sst s0  }
0x18: {  	s0 =	sld [smem:$0x3F95];
	_ =	swait.ge [sflag:s4], $0x0  }
0x19: {  	s7 =	sld [smem:$0x3F96]  }
0x1a: {  	s8 =	sadd.s32 $0xFFFFE003, lr  }
0x1b: {  	s9 =	sadd.s32 $0xFFFFFEF7, lr;
	s5 =	simm.s32 $0xFFFFFFFF;
	p2 =	slt.u32 s8, $0xFFFFF086  }
0x1c: {  	p1 =	slt.u32 s9, $0xF7A;
	s5 =	simm.s32 @!p2 $0x0  }
0x1d: {  	s5 =	simm.s32 @p1 $0x1;
	p0 =	seq.s32 s7, s2  }
0x1e: {  	s7 =	smul.u32 @!p0 $0xF7A, s2;
	p2 =	seq.s32 @!p0 s5, $0x0  }
0x1f: {  	s9 =	smul.u32 $0xF7A, s1;
	s8 =	simm.s32 @!p0 $0x1BF5;
	p2 =	por !p2, p0  }
0x20: {  	[sflag:s8] =	ssyncset.s32 @!p0 $0xFFFFF086;
	s6 =	sadd.s32 @!p0 s3, s7;
	s7 =	simm.s32 @!p0 $0x108  }
0x21: {  	s3 =	sadd.s32 s3, s9;
	s6 =	sadd.s32 @!p0 $0x88, s6;
	s7 =	simm.s32 @p2 $0x1082  }
0x22: {  	[simem:s7], [sflag:s8] =	dma.local @!p0 [hbm:s6], $0xF7A  }
0x23: {  	s9 =	sor.u32 $0xD0000000, s2;
	s6 =	simm.s32 $0x108;
	_ =	swait.ge @!p0 [sflag:s8], $0x0  }
0x24: {  	s3 =	sadd.s32 $0x88, s3;
	s6 =	simm.s32 @!p1 $0x1082;
	[sflag:s4] =	ssyncset.s32 $0xFFFFF086  }
0x25: {  	[simem:s6], [sflag:s4] =	dma.local [hbm:s3], $0xF7A  }
0x26: {  	[smem:$0x3F96] =	sst s1;
	(tag) =	ssettag s2;
	_ =	strace s9  }
0x27: {  	s1 =	sld [smem:$0x3FA6]  }
0x28: {  	s2 =	sld [smem:$0x3FA7]  }
0x29: {  	s4 =	sld [smem:$0x3FA9]  }
0x2a: {  	p0 =	seq.s32 s5, $0x0;
	s5 =	sld [smem:$0x3FAA]  }
0x2b: {  	s6 =	sld [smem:$0x3FAB]  }
0x2c: {  	s7 =	sld [smem:$0x3FAC]  }
0x2d: {  	s3 =	simm.s32 $0x108;
	s8 =	sld [smem:$0x3FAD]  }
0x2e: {  	s3 =	simm.s32 @!p0 $0x1082;
	s9 =	sld [smem:$0x3FAE]  }
0x2f: {  	lr =	sadd.s32 s0, s3;
	s0 =	sld [smem:$0x3FA5]  }
0x30: {  	s3 =	sld [smem:$0x3FA8]  }
0x31: {  	[smem:$0x3FB1] =	sst s10  }
0x32: {  	s10 =	sld [smem:$0x3FAF];
	_ =	sdelay $0x3  }
0x33: {  	p0 =	seq.s32 s10, $0x1;
	s10 =	sld [smem:$0x3FB1];
	_ =	sdelay $0x3  }
0x34: {  	[smem:$0x3FB1] =	sst s10  }
0x35: {  	s10 =	sld [smem:$0x3FB0];
	_ =	sdelay $0x3  }
0x36: {  	p1 =	seq.s32 s10, $0x1;
	s10 =	sld [smem:$0x3FB1];
	_ =	sdelay $0x3  }
0x37: {  	[smem:$0x3FB1] =	sst s10  }
0x38: {  	s10 =	sld [smem:$0x3FB2]  }
0x39: {  	_ = 	snop;
	(pc) =	sbr.ind lr, $3  }
0x3a: {  	_ = 	snop  }
0x3b: {  	_ = 	snop  }
0x3c: {  	p2 =	seq.s32 s10, $0x1;
	s10 =	sld [smem:$0x3FB1]  }
0x3d: {  	_ =	shalt  }
0x3e: {  	_ =	shalt  }
0x3f: {  	_ =	shalt  }
0x40: {  	_ =	shalt  }
0x41: {  	_ =	shalt  }
0x42: {  	_ =	shalt  }
0x43: {  	_ =	shalt  }
0x44: {  	_ =	shalt  }
0x45: {  	_ =	shalt  }
0x46: {  	_ =	shalt  }
0x47: {  	_ =	shalt  }
0x48: {  	_ =	shalt  }
0x49: {  	_ =	shalt  }
0x4a: {  	_ =	shalt  }
0x4b: {  	_ =	shalt  }
0x4c: {  	_ =	shalt  }
0x4d: {  	_ =	shalt  }
0x4e: {  	_ =	shalt  }
0x4f: {  	_ =	shalt  }
0x50: {  	_ =	shalt  }
0x51: {  	_ =	shalt  }
0x52: {  	_ =	shalt  }
0x53: {  	_ =	shalt  }
0x54: {  	_ =	shalt  }
0x55: {  	_ =	shalt  }
0x56: {  	_ =	shalt  }
0x57: {  	_ =	shalt  }
0x58: {  	_ =	shalt  }
0x59: {  	_ =	shalt  }
0x5a: {  	_ =	shalt  }
0x5b: {  	_ =	shalt  }
0x5c: {  	_ =	shalt  }
0x5d: {  	_ =	shalt  }
0x5e: {  	_ =	shalt  }
0x5f: {  	_ =	shalt  }
0x60: {  	_ =	shalt  }
0x61: {  	_ =	shalt  }
0x62: {  	_ =	shalt  }
0x63: {  	_ =	shalt  }
0x64: {  	_ =	shalt  }
0x65: {  	_ =	shalt  }
0x66: {  	_ =	shalt  }
0x67: {  	_ =	shalt  }
0x68: {  	_ =	shalt  }
0x69: {  	_ =	shalt  }
0x6a: {  	_ =	shalt  }
0x6b: {  	_ =	shalt  }
0x6c: {  	_ =	shalt  }
0x6d: {  	_ =	shalt  }
0x6e: {  	_ =	shalt  }
0x6f: {  	_ =	shalt  }
0x70: {  	_ =	shalt  }
0x71: {  	_ =	shalt  }
0x72: {  	_ =	shalt  }
0x73: {  	_ =	shalt  }
0x74: {  	_ =	shalt  }
0x75: {  	_ =	shalt  }
0x76: {  	_ =	shalt  }
0x77: {  	_ =	shalt  }
0x78: {  	_ =	shalt  }
0x79: {  	_ =	shalt  }
0x7a: {  	_ =	shalt  }
0x7b: {  	_ =	shalt  }
0x7c: {  	_ =	shalt  }
0x7d: {  	_ =	shalt  }
0x7e: {  	_ =	shalt  }
0x7f: {  	_ =	shalt  }
0x80: {  	_ =	shalt  }
0x81: {  	_ =	shalt  }
0x82: {  	_ =	shalt  }
0x83: {  	_ =	shalt  }
0x84: {  	_ =	shalt  }
0x85: {  	_ =	shalt  }
0x86: {  	_ =	shalt  }
0x87: {  	_ =	shalt  }
.Lfunc_end0:
.L_simem_size_0:
called_computation_lowered:
.L_overlay_start_0:
0x88: {  	s2 =	sld [smem:$0x3FD9]  }
0x89: {  	s3 =	sld [smem:$0x3FFE];
	_ =	sdelay $0x1  }
0x8a: {  	s1 =	srdreg.scid  }
0x8b: {  	s0 =	sand.u32 $0x1, s1  }
0x8c: {  	s17 =	sshll.u32 s0, $0xA;
	s2 =	sadd.s32 s3, s2  }
0x8d: {  	s2 =	sadd.s32 s2, s17  }
0x8e: {  	[smem:$0x3FBD] =	sst s2  }
0x8f: {  	_ = 	snop  }
0x90: {  	s2 =	sld [smem:$0x3FC9]  }
0x91: {  	s18 =	sld [smem:$0x3FD0];
	(tm) =	ssettm $0x1  }
0x92: {  	s4 =	sld [smem:$0x3FFB];
	_ =	sdelay $0x3  }
0x93: {  	_ =	strace s4  }
0x94: {  	s4 =	sld [smem:$0x3FFC];
	_ =	sdelay $0x3  }
0x95: {  	_ =	strace s4  }
0x96: {  	s4 =	sld [smem:$0x3FFD];
	_ =	sdelay $0x3  }
0x97: {  	_ =	strace s4  }
0x98: {  	_ =	strace $0x8FFFFFFF  }
0x99: {  	s19 =	sld [smem:$0x3FDB];
	_ =	sdelay $0x1  }
0x9a: {  	s5 =	simm.s32 $_scs_section_size  }
0x9b: {  	s6 =	simm.s32 $_size__tile_overlayer_lowered;
	s7 =	simm.s32 $_tile_overlayer_lowered  }
0x9c: {  	s22 =	simm.s32 $0x1BFF;
	s21 =	sshll.u32 s7, $0x1;
	s4 =	sadd.s32 s5, s19  }
0x9d: {  	s8 =	simm.s32 $0x0;
	s20 =	sshll.u32 s6, $0x1;
	s6 =	sadd.s32 s21, s4  }
0x9e: {  	[timem:s8], [sflag:s22] =	dma.local [hbm:s6], s20  }
0x9f: {  	_ =	swait.ge [sflag:s22], s20  }
0xa0: {  	s5 =	ssub.s32 $0x0, s20;
	[sflag:s22] =	ssyncset.done $0x0  }
0xa1: {  	[sflag:s22] =	ssyncadd.s32 s5;
	_ =	sdelay $0x1  }
0xa2: {  	s23 =	simm.s32 $0x1B8B  }
0xa3: {  	_ =	swait.ge [sflag:s23], $0x1  }
0xa4: {  	[sflag:s23] =	ssyncset.done $0x0  }
0xa5: {  	s25 =	simm.s32 $0x1B8E;
	s24 =	sld [smem:$0x3FFE];
	[sflag:s23] =	ssyncadd.s32 $0xFFFFFFFF  }
0xa6: {  	s26 =	simm.s32 $execute0_lowered;
	[smem:$0x3FD2] =	sst s25  }
0xa7: {  	s6 =	sshll.u32 s26, $0x1;
	_ =	strace $0x80000046;
	[dreg:$0x1] =	wrdreg $0xFFFFFFFF  }
0xa8: {  	s28 =	simm.s32 $_size_execute0_lowered;
	s4 =	sadd.s32 s4, s6;
	[dreg:$0x0] =	wrdreg $0x0  }
0xa9: {  	s6 =	sshll.u32 s28, $0x1;
	[dreg:$0x2] =	wrdreg s4  }
0xaa: {  	[dreg:$0x3] =	wrdreg s6  }
0xab: {  	[dreg:$0x4] =	wrdreg $0xC0  }
0xac: {  	_ =	task [dreg:s8], $0x5FFFF  }
0xad: {  	[dreg:$0x1] =	wrdreg $0xFFFFFFFF  }
0xae: {  	[dreg:$0x0] =	wrdreg $0x60  }
0xaf: {  	[dreg:$0x2] =	wrdreg s2  }
0xb0: {  	[dreg:$0x3] =	wrdreg s24  }
0xb1: {  	[dreg:$0x4] =	wrdreg s18  }
0xb2: {  	[dreg:$0x5] =	wrdreg $0xB0800  }
0xb3: {  	[dreg:$0x6] =	wrdreg $0x1F0800  }
0xb4: {  	[dreg:$0x7] =	wrdreg $0x1F3000  }
0xb5: {  	[dreg:$0x8] =	wrdreg $0x9  }
0xb6: {  	_ =	task.clear_ibuf [dreg:s8], $0x9FFFF;
	_ =	strace $0x90000046  }
0xb7: {  	s29 =	simm.s32 $0x9;
	_ =	strace $0x80000048  }
0xb8: {  	_ =	swait.ge [sflag:s29], $0x1  }
0xb9: {  	[sflag:s29] =	ssyncadd.s32 $0xFFFFFFFF  }
0xba: {  	_ =	strace $0x90000048  }
0xbb: {  	_ =	sfence  }
0xbc: {  	s30 =	sld [smem:$0x0];
	_ =	sdelay $0x2  }
0xbd: {  	s31 =	sshll.u32 s1, $0xD;
	s1 =	sshrl.u32 s1, $0x2  }
0xbe: {  	s3 =	sand.u32 $0x4000, s31;
	s1 =	sadd.s32 s1, s30  }
0xbf: {  	s0 =	sor.u32 s3, s0;
	s1 =	sshll.u32 s1, $0x11  }
0xc0: {  	s0 =	sor.u32 s1, s0  }
0xc1: {  	s0 =	sadd.s32 $0x8F2B, s0  }
0xc2: {  	[sflag:s0] =	ssyncadd.remote.s32 $0x1  }
0xc3: {  	_ =	sfence.sel $0xFFFF  }
0xc4: {  	[dreg:$0x0] =	wrdreg $0xFFFFFFFF;
	(pc) =	sbr.abs _section_cstart, $3  }
0xc5: {  	[dreg:$0x1] =	wrdreg $0xFFFFFFFF  }
0xc6: {  	_ =	task.clear_ibuf [dreg:s8], $0x2FFFF;
	_ =	strace $0x9FFFFFFF  }
0xc7: {  	(tm) =	ssettm $0x7FFFFFFF  }
tec
execute0_lowered:
.L_overlay_start_1:
0x0: {  	(tag) =	ssettag $0x1  }
0x1: {  	s2 =	rddreg [dreg:$0x1]  }
0x2: {  	s3 =	rddreg [dreg:$0x2]  }
0x3: {  	s1 =	rddreg [dreg:$0x3]  }
0x4: {  	s4 =	rddreg [dreg:$0x4];
	s5 =	srdreg.scid  }
0x5: {  	s15 =	rddreg [dreg:$0x5];
	s0 =	stileid.u32  }
0x6: {  	s6 =	simm.s32 $0x0;
	s29 =	simm.s32 $0xAE00;
	s9 =	smul.u32 $0x14000, s0  }
0x7: {  	s30 =	simm.s32 $0x600;
	s31 =	simm.s32 $0x200;
	s12 =	smul.u32 $0x50000, s0  }
0x8: {  	s5 =	sand.u32 $0x1, s5;
	[smem:$0x7FF] =	sst s6;
	s13 =	smul.u32 $0x280, s0  }
0x9: {  	s7 =	sadd.s32 $0x2200, s2;
	s24 =	sshll.u32 s0, $0x1;
	s8 =	smul.u32 $0x140000, s5  }
0xa: {  	_ =	strace $0x80000047;
	s10 =	ssub.s32 $0x2, s5;
	p0 =	seq.s32 s5, $0x0  }
0xb: {  	s11 =	sshrl.u32 s10, $0x1;
	s12 =	sshrl.u32 s12, $0x2;
	s0 =	sadd.s32 s13, s4  }
0xc: {  	s20 =	sshrl.u32 s13, $0x3;
	s8 =	sadd.s32 s9, s8;
	s11 =	ssub.s32 s10, s11  }
0xd: {  	s10 =	simm.s32 $0x7A;
	s17 =	sadd.s32 s12, s1;
	s3 =	sadd.s32 s3, s20  }
0xe: {  	s20 =	simm.s32 $0x400;
	[dreg:$0x8] =	wrdreg s0;
	s9 =	sshrl.u32 s8, $0x3  }
0xf: {  	s8 =	sor.u32 s5, s24;
	s10 =	simm.s32 @!p0 $0x24;
	s14 =	sadd.s32 $0x4000, s17  }
0x10: {  	s16 =	sadd.s32 $0x8000, s17;
	s18 =	sadd.s32 $0xC000, s17;
	[dreg:$0xf] =	wrdreg s3  }
0x11: {  	p0 =	sne.s32 s5, $0x0;
	s24 =	sadd.s32 s13, s15;
	[dreg:$0x7] =	wrdreg s17  }
0x12: {  	s5 =	simm.s32 $0x80;
	s13 =	simm.s32 $0x2;
	[dreg:$0x9] =	wrdreg s14  }
0x13: {  	s15 =	simm.s32 $0x580;
	s2 =	sadd.s32 s9, s2;
	[dreg:$0xa] =	wrdreg s16  }
0x14: {  	s9 =	sxor.u32 $0x1, s8;
	s25 =	smul.u32 $0xF400, s8;
	[dreg:$0xb] =	wrdreg s18  }
0x15: {  	s16 =	sadd.s32 $0x10000, s17;
	[dreg:$0x12] =	wrdreg s24;
	s14 =	simm.s32 $0x480  }
0x16: {  	s24 =	simm.s32 $0x3;
	[dreg:$0xc] =	wrdreg s16;
	s2 =	sadd.s32 $0x3F200, s2  }
0x17: {  	s16 =	simm.s32 $0x5;
	s19 =	sshrl.u32 s25, $0x3;
	s18 =	sadd.s32 $0x400, s25  }
0x18: {  	s12 =	sadd.s32 $0x600, s25;
	[dreg:$0x13] =	wrdreg s2;
	s25 =	smax.u32 s11, $0x1  }
0x19: {  	s2 =	simm.s32 $0x1;
	s11 =	simm.s32 $0x0;
	s26 =	sadd.s32 s7, s19  }
0x1a: {  	s21 =	sshrl.u32 s18, $0x3;
	[dreg:$0xe] =	wrdreg s12;
	s22 =	sshrl.u32 s12, $0x3  }
.Ltmp0:
0x1b: {  	[dreg:$0x14] =	wrdreg s25;
	s19 =	simm.s32 $0x7;
	(pc) =	sbr.rel .LBB2_1-.Ltmp0, $4  }
0x1c: {  	s25 =	simm.s32 $0x4;
	s3 =	sadd.s32 s7, s21;
	[dreg:$0xd] =	wrdreg s26  }
0x1d: {  	s23 =	sadd.s32 s7, s22;
	s28 =	sadd.s32 $0x40, s26;
	[dreg:$0x10] =	wrdreg s3  }
0x1e: {  	s21 =	simm.s32 $0x6;
	s22 =	simm.s32 $0x8600;
	[dreg:$0x11] =	wrdreg s23  }
0x1f: {  	v0 =	vimm.f32 $0.0e+00;
	s3 =	simm.s32 $0x500;
	s23 =	simm.s32 $0x4600;
	[dreg:$0x15] =	wrdreg s28  }
.LBB2_21:
0x20: {  	_ =	swait.ge [sflag:s16], $0x4000  }
0x21: {  	[sflag:s16] =	ssyncset.done $0x0  }
0x22: {  	[sflag:s16] =	ssyncadd.s32 $0xFFFFC000  }
0x23: {  	_ =	swait.ge [sflag:s21], $0x4000  }
0x24: {  	[sflag:s21] =	ssyncset.done $0x0  }
0x25: {  	[sflag:s21] =	ssyncadd.s32 $0xFFFFC000  }
0x26: {  	s0 =	stileid.u32;
	[bflag:$0x0] =	sbarrier.arrive $0xFFFF  }
0x27: {  	s19 =	simm.s32 $0x7;
	s0 =	sshll.u32 s0, $0x6;
	s17 =	rddreg [dreg:$0x7]  }
0x28: {  	s0 =	sor.u32 $0x1C07, s0;
	s12 =	rddreg [dreg:$0x13];
	s11 =	sshrl.u32 s17, $0x3  }
0x29: {  	[hbm:s12], [sflag:s0] =	dma.local [spmem:s11], $0x2800  }
0x2a: {  	_ =	swait.ge [sflag:s19], $0x2800  }
0x2b: {  	s12 =	rddreg [dreg:$0x16]  }
0x2c: {  	s26 =	rddreg [dreg:$0x14];
	s11 =	sadd.s32 $0x1, s12  }
0x2d: {  	p1 =	sne.s32 s11, s26  }
.Ltmp1:
0x2e: {  	_ = 	snop;
	(pc) =	sbr.rel @!p1 .LBB2_22-.Ltmp1, $4  }
0x2f: {  	_ = 	snop  }
0x30: {  	s0 =	rddreg [dreg:$0x8]  }
0x31: {  	[sflag:s19] =	ssyncset.done $0x0;
	s28 =	rddreg [dreg:$0x15]  }
0x32: {  	s29 =	simm.s32 $0xAE00;
	[sflag:s19] =	ssyncadd.s32 $0xFFFFD800;
	s26 =	rddreg [dreg:$0xd]  }
.LBB2_1:
0x33: {  	[dreg:$0x16] =	wrdreg s11;
	s11 =	simm.s32 $0x700  }
0x34: {  	[tilespmem:s11+$0xFFFFFF00] =	vst v0  }
0x35: {  	[tilespmem:s11+$0xF0] =	vst v0  }
0x36: {  	[tilespmem:s11+$0xE0] =	vst v0  }
0x37: {  	[tilespmem:s11+$0xD0] =	vst v0  }
0x38: {  	[tilespmem:s11+$0xC0] =	vst v0  }
0x39: {  	[tilespmem:s11+$0xB0] =	vst v0  }
0x3a: {  	[tilespmem:s11+$0xA0] =	vst v0  }
0x3b: {  	[tilespmem:s11+$0x90] =	vst v0  }
0x3c: {  	[tilespmem:s11+$0x80] =	vst v0  }
0x3d: {  	[tilespmem:s11+$0x70] =	vst v0  }
0x3e: {  	[tilespmem:s11+$0x60] =	vst v0  }
0x3f: {  	[tilespmem:s11+$0x50] =	vst v0  }
0x40: {  	[tilespmem:s11+$0x40] =	vst v0  }
0x41: {  	[tilespmem:s11+$0x30] =	vst v0  }
0x42: {  	[tilespmem:s11+$0x20] =	vst v0  }
0x43: {  	[tilespmem:s11+$0x10] =	vst v0  }
0x44: {  	[tilespmem:s11+$0x0] =	vst v0  }
0x45: {  	[tilespmem:s11+$0xFFFFFFF0] =	vst v0  }
0x46: {  	[tilespmem:s11+$0xFFFFFFE0] =	vst v0  }
0x47: {  	[tilespmem:s11+$0xFFFFFFD0] =	vst v0  }
0x48: {  	[tilespmem:s11+$0xFFFFFFC0] =	vst v0  }
0x49: {  	[tilespmem:s11+$0xFFFFFFB0] =	vst v0  }
0x4a: {  	[tilespmem:s11+$0xFFFFFFA0] =	vst v0  }
0x4b: {  	[tilespmem:s11+$0xFFFFFF90] =	vst v0  }
0x4c: {  	[tilespmem:s11+$0xFFFFFF80] =	vst v0  }
0x4d: {  	[tilespmem:s11+$0xFFFFFF70] =	vst v0  }
0x4e: {  	[tilespmem:s11+$0xFFFFFF60] =	vst v0  }
0x4f: {  	[tilespmem:s11+$0xFFFFFF50] =	vst v0  }
0x50: {  	[tilespmem:s11+$0xFFFFFF40] =	vst v0  }
0x51: {  	[tilespmem:s11+$0xFFFFFF30] =	vst v0  }
0x52: {  	s12 =	simm.s32 $0x0;
	[tilespmem:s11+$0xFFFFFF20] =	vst v0  }
.LBB2_2:
0x53: {  	s12 =	sadd.s32 $0x4, s12;
	[tilespmem:s11+$0xFFFFFF10] =	vst v0;
	s11 =	sadd.s32 $0x200, s11  }
0x54: {  	[tilespmem:s11+$0xFFFFFF00] =	vst v0;
	p1 =	slt.u32 s12, $0x7C  }
0x55: {  	[tilespmem:s11+$0xF0] =	vst v0  }
0x56: {  	[tilespmem:s11+$0xE0] =	vst v0  }
0x57: {  	[tilespmem:s11+$0xD0] =	vst v0  }
0x58: {  	[tilespmem:s11+$0xC0] =	vst v0  }
0x59: {  	[tilespmem:s11+$0xB0] =	vst v0  }
0x5a: {  	[tilespmem:s11+$0xA0] =	vst v0  }
0x5b: {  	[tilespmem:s11+$0x90] =	vst v0  }
0x5c: {  	[tilespmem:s11+$0x80] =	vst v0  }
0x5d: {  	[tilespmem:s11+$0x70] =	vst v0  }
0x5e: {  	[tilespmem:s11+$0x60] =	vst v0  }
0x5f: {  	[tilespmem:s11+$0x50] =	vst v0  }
0x60: {  	[tilespmem:s11+$0x40] =	vst v0  }
0x61: {  	[tilespmem:s11+$0x30] =	vst v0  }
0x62: {  	[tilespmem:s11+$0x20] =	vst v0  }
0x63: {  	[tilespmem:s11+$0x10] =	vst v0  }
0x64: {  	[tilespmem:s11+$0x0] =	vst v0  }
0x65: {  	[tilespmem:s11+$0xFFFFFFF0] =	vst v0  }
0x66: {  	[tilespmem:s11+$0xFFFFFFE0] =	vst v0  }
0x67: {  	[tilespmem:s11+$0xFFFFFFD0] =	vst v0  }
0x68: {  	[tilespmem:s11+$0xFFFFFFC0] =	vst v0  }
0x69: {  	[tilespmem:s11+$0xFFFFFFB0] =	vst v0  }
0x6a: {  	[tilespmem:s11+$0xFFFFFFA0] =	vst v0  }
0x6b: {  	[tilespmem:s11+$0xFFFFFF90] =	vst v0  }
0x6c: {  	[tilespmem:s11+$0xFFFFFF80] =	vst v0  }
0x6d: {  	[tilespmem:s11+$0xFFFFFF70] =	vst v0  }
.Ltmp2:
0x6e: {  	[tilespmem:s11+$0xFFFFFF60] =	vst v0;
	(pc) =	sbr.rel @p1 .LBB2_2-.Ltmp2, $4  }
0x6f: {  	[tilespmem:s11+$0xFFFFFF50] =	vst v0  }
0x70: {  	[tilespmem:s11+$0xFFFFFF40] =	vst v0  }
0x71: {  	[tilespmem:s11+$0xFFFFFF30] =	vst v0  }
0x72: {  	[tilespmem:s11+$0xFFFFFF20] =	vst v0  }
0x73: {  	[tilespmem:s11+$0xFFFFFF10] =	vst v0  }
0x74: {  	[tilespmem:$0xAE00] =	vst v0  }
0x75: {  	[tilespmem:$0xAE10] =	vst v0  }
0x76: {  	[tilespmem:$0xAE20] =	vst v0  }
0x77: {  	[tilespmem:$0xAE30] =	vst v0  }
0x78: {  	[tilespmem:$0xAE40] =	vst v0  }
0x79: {  	[tilespmem:$0xAE50] =	vst v0  }
0x7a: {  	[tilespmem:$0xAE60] =	vst v0  }
0x7b: {  	[tilespmem:$0xAE70] =	vst v0  }
0x7c: {  	[tilespmem:$0xAE80] =	vst v0  }
0x7d: {  	[tilespmem:$0xAE90] =	vst v0  }
0x7e: {  	[tilespmem:$0xAEA0] =	vst v0  }
0x7f: {  	[tilespmem:$0xAEB0] =	vst v0  }
0x80: {  	[tilespmem:$0xAEC0] =	vst v0  }
0x81: {  	[tilespmem:$0xAED0] =	vst v0  }
0x82: {  	[tilespmem:$0xAEE0] =	vst v0  }
0x83: {  	[tilespmem:$0xAEF0] =	vst v0  }
0x84: {  	[tilespmem:$0xAF00] =	vst v0  }
0x85: {  	[tilespmem:$0xAF10] =	vst v0  }
0x86: {  	[tilespmem:$0xAF20] =	vst v0  }
0x87: {  	[tilespmem:$0xAF30] =	vst v0  }
0x88: {  	[tilespmem:$0xAF40] =	vst v0  }
0x89: {  	[tilespmem:$0xAF50] =	vst v0  }
0x8a: {  	[tilespmem:$0xAF60] =	vst v0  }
0x8b: {  	[tilespmem:$0xAF70] =	vst v0  }
0x8c: {  	[tilespmem:$0xAF80] =	vst v0  }
0x8d: {  	[tilespmem:$0xAF90] =	vst v0  }
0x8e: {  	[tilespmem:$0xAFA0] =	vst v0  }
0x8f: {  	[tilespmem:$0xAFB0] =	vst v0  }
0x90: {  	[tilespmem:$0xAFC0] =	vst v0  }
0x91: {  	[tilespmem:$0xAFD0] =	vst v0  }
0x92: {  	[tilespmem:$0xAFE0] =	vst v0  }
0x93: {  	[tilespmem:$0xAFF0] =	vst v0  }
0x94: {  	[tilespmem:$0xB000] =	vst v0  }
0x95: {  	[tilespmem:$0xB010] =	vst v0  }
0x96: {  	[tilespmem:$0xB020] =	vst v0  }
0x97: {  	[tilespmem:$0xB030] =	vst v0  }
0x98: {  	[tilespmem:$0xB040] =	vst v0  }
0x99: {  	[tilespmem:$0xB050] =	vst v0  }
0x9a: {  	[tilespmem:$0xB060] =	vst v0  }
0x9b: {  	[tilespmem:$0xB070] =	vst v0  }
0x9c: {  	[spmem:s0] =	stream.linear.scatter [tilespmem:s29], [sflag:$0x7], $0x280, $0x38;
	[tilespmem:$0x1F580] =	vst v63  }
0x9d: {  	_ =	swait.ge [sflag:s19], $0x280  }
0x9e: {  	[sflag:s19] =	ssyncset.done $0x0  }
0x9f: {  	[sflag:s19] =	ssyncadd.s32 $0xFFFFFD80  }
0xa0: {  	[spmem:s17] =	stream.linear.scatter [tilespmem:s30], [sflag:$0x7], $0x4000, $0x38;
	[tilespmem:$0x1F580] =	vst v63  }
0xa1: {  	_ =	swait.ge [sflag:s19], $0x4000  }
0xa2: {  	[sflag:s19] =	ssyncset.done $0x0  }
0xa3: {  	s17 =	rddreg [dreg:$0x9];
	[sflag:s19] =	ssyncadd.s32 $0xFFFFC000  }
0xa4: {  	[spmem:s17] =	stream.linear.scatter [tilespmem:s30], [sflag:$0x7], $0x4000, $0x38;
	[tilespmem:$0x1F580] =	vst v63  }
0xa5: {  	_ =	swait.ge [sflag:s19], $0x4000  }
0xa6: {  	[sflag:s19] =	ssyncset.done $0x0  }
0xa7: {  	s12 =	rddreg [dreg:$0xa];
	[sflag:s19] =	ssyncadd.s32 $0xFFFFC000  }
0xa8: {  	[spmem:s12] =	stream.linear.scatter [tilespmem:s30], [sflag:$0x7], $0x4000, $0x38;
	[tilespmem:$0x1F580] =	vst v63  }
0xa9: {  	_ =	swait.ge [sflag:s19], $0x4000  }
0xaa: {  	[sflag:s19] =	ssyncset.done $0x0  }
0xab: {  	s17 =	rddreg [dreg:$0xb];
	[sflag:s19] =	ssyncadd.s32 $0xFFFFC000  }
0xac: {  	[spmem:s17] =	stream.linear.scatter [tilespmem:s30], [sflag:$0x7], $0x4000, $0x38;
	[tilespmem:$0x1F580] =	vst v63  }
0xad: {  	_ =	swait.ge [sflag:s19], $0x4000  }
0xae: {  	[sflag:s19] =	ssyncset.done $0x0  }
0xaf: {  	s12 =	rddreg [dreg:$0xc];
	[sflag:s19] =	ssyncadd.s32 $0xFFFFC000  }
0xb0: {  	[spmem:s12] =	stream.linear.scatter [tilespmem:s30], [sflag:$0x7], $0x4000, $0x38;
	[tilespmem:$0x1F580] =	vst v63  }
0xb1: {  	_ =	swait.ge [sflag:s19], $0x4000  }
0xb2: {  	[sflag:s19] =	ssyncset.done $0x0  }
0xb3: {  	[sflag:s19] =	ssyncadd.s32 $0xFFFFC000  }
0xb4: {  	[bflag:$0x0] =	sbarrier.arrive $0xFFFF  }
0xb5: {  	[tilespmem:s6], [sflag:$0x1] =	stream.linear.gather [hbm4b:s26+s6], $0x180, $0x38;
	[tilespmem:$0x1F580] =	vst v63  }
0xb6: {  	_ = 	snop  }
0xb7: {  	[tilespmem:s31], [sflag:$0x2] =	stream.linear.gather [hbm4b:s28+s6], $0x180, $0x38;
	[tilespmem:$0x1F580] =	vst v63  }
0xb8: {  	_ =	swait.ge [sflag:s2], $0x180  }
0xb9: {  	[sflag:s2] =	ssyncset.done $0x0  }
0xba: {  	[sflag:s2] =	ssyncadd.s32 $0xFFFFFE80  }
0xbb: {  	v1 =	vld [tilespmem:$0x0]  }
0xbc: {  	v2 =	vld [tilespmem:$0x100]  }
0xbd: {  	v3 =	vld [tilespmem:$0x10]  }
0xbe: {  	v4 =	vld [tilespmem:$0x110]  }
0xbf: {  	v5 =	vld [tilespmem:$0x20]  }
0xc0: {  	[tilespmem:$0x400] =	vst v1;
	v1 =	vld [tilespmem:$0x120]  }
0xc1: {  	v54 =	vld [tilespmem:$0x40];
	[tilespmem:$0x500] =	vst v2  }
0xc2: {  	v55 =	vld [tilespmem:$0x140];
	[tilespmem:$0x410] =	vst v3  }
0xc3: {  	v2 =	vld [tilespmem:$0x30];
	[tilespmem:$0x510] =	vst v4  }
0xc4: {  	v3 =	vld [tilespmem:$0x130];
	[tilespmem:$0x420] =	vst v5  }
0xc5: {  	[tilespmem:$0x520] =	vst v1;
	v1 =	vld [tilespmem:$0x50]  }
0xc6: {  	v56 =	vld [tilespmem:$0x160];
	[tilespmem:$0x440] =	vst v54  }
0xc7: {  	v57 =	vld [tilespmem:$0x70];
	[tilespmem:$0x540] =	vst v55  }
0xc8: {  	[tilespmem:$0x430] =	vst v2;
	v2 =	vld [tilespmem:$0x150]  }
0xc9: {  	[tilespmem:$0x530] =	vst v3;
	v3 =	vld [tilespmem:$0x60]  }
0xca: {  	[tilespmem:$0x450] =	vst v1;
	v1 =	vld [tilespmem:$0x170]  }
0xcb: {  	[tilespmem:$0x560] =	vst v56  }
0xcc: {  	[tilespmem:$0x470] =	vst v57  }
0xcd: {  	[tilespmem:$0x550] =	vst v2  }
0xce: {  	[tilespmem:$0x460] =	vst v3  }
0xcf: {  	[tilespmem:$0x570] =	vst v1  }
0xd0: {  	[spmem:s4] =	stream.indirect.scatter.add.f32 [tilespmem:s3], [sflag:$0x5], $0x1, s20, s5, $0xb8;
	[tilespmem:$0x1F580] =	vst v63  }
0xd1: {  	s17 =	rddreg [dreg:$0x10]  }
0xd2: {  	[tilespmem:s6], [sflag:$0x1] =	stream.linear.gather [hbm4b:s17+s6], $0x180, $0x38;
	[tilespmem:$0x1F580] =	vst v63  }
0xd3: {  	_ =	swait.ge [sflag:s13], $0x180  }
0xd4: {  	[sflag:s13] =	ssyncset.done $0x0  }
0xd5: {  	[sflag:s13] =	ssyncadd.s32 $0xFFFFFE80  }
0xd6: {  	v1 =	vld [tilespmem:$0x200]  }
0xd7: {  	v2 =	vld [tilespmem:$0x300]  }
0xd8: {  	v3 =	vld [tilespmem:$0x210]  }
0xd9: {  	v58 =	vld [tilespmem:$0x310]  }
0xda: {  	v59 =	vld [tilespmem:$0x220]  }
0xdb: {  	[tilespmem:$0x480] =	vst v1;
	v1 =	vld [tilespmem:$0x320]  }
0xdc: {  	v60 =	vld [tilespmem:$0x240];
	[tilespmem:$0x580] =	vst v2  }
0xdd: {  	v61 =	vld [tilespmem:$0x340];
	[tilespmem:$0x490] =	vst v3  }
0xde: {  	v2 =	vld [tilespmem:$0x230];
	[tilespmem:$0x590] =	vst v58  }
0xdf: {  	v3 =	vld [tilespmem:$0x330];
	[tilespmem:$0x4A0] =	vst v59  }
0xe0: {  	[tilespmem:$0x5A0] =	vst v1;
	v1 =	vld [tilespmem:$0x250]  }
0xe1: {  	v62 =	vld [tilespmem:$0x360];
	[tilespmem:$0x4C0] =	vst v60  }
0xe2: {  	v63 =	vld [tilespmem:$0x270];
	[tilespmem:$0x5C0] =	vst v61  }
0xe3: {  	[tilespmem:$0x4B0] =	vst v2;
	v2 =	vld [tilespmem:$0x350]  }
0xe4: {  	[tilespmem:$0x5B0] =	vst v3;
	v3 =	vld [tilespmem:$0x260]  }
0xe5: {  	[tilespmem:$0x4D0] =	vst v1;
	v1 =	vld [tilespmem:$0x370]  }
0xe6: {  	[tilespmem:$0x5E0] =	vst v62  }
0xe7: {  	[tilespmem:$0x4F0] =	vst v63  }
0xe8: {  	[tilespmem:$0x5D0] =	vst v2  }
0xe9: {  	[tilespmem:$0x4E0] =	vst v3  }
0xea: {  	[tilespmem:$0x5F0] =	vst v1  }
0xeb: {  	[spmem:s4] =	stream.indirect.scatter.add.f32 [tilespmem:s15], [sflag:$0x6], $0x1, s14, s5, $0xb8;
	[tilespmem:$0x1F580] =	vst v63  }
0xec: {  	s11 =	simm.s32 $0x5;
	s12 =	simm.s32 $0xA00;
	s19 =	rddreg [dreg:$0x11]  }
0xed: {  	[tilespmem:s31], [sflag:$0x2] =	stream.linear.gather [hbm4b:s19+s6], $0x180, $0x38;
	[tilespmem:$0x1F580] =	vst v63  }
.LBB2_4:
0xee: {  	_ =	swait.ge [sflag:s2], $0x180  }
0xef: {  	[sflag:s2] =	ssyncset.done $0x0  }
0xf0: {  	[sflag:s2] =	ssyncadd.s32 $0xFFFFFE80  }
0xf1: {  	_ =	swait.ge [sflag:s16], $0x80  }
0xf2: {  	[sflag:s16] =	ssyncset.done $0x0  }
0xf3: {  	[sflag:s16] =	ssyncadd.s32 $0xFFFFFF80  }
0xf4: {  	v1 =	vld [tilespmem:$0x0]  }
0xf5: {  	v2 =	vld [tilespmem:$0x100]  }
0xf6: {  	v3 =	vld [tilespmem:$0x10]  }
0xf7: {  	v4 =	vld [tilespmem:$0x110]  }
0xf8: {  	v5 =	vld [tilespmem:$0x20]  }
0xf9: {  	[tilespmem:$0x400] =	vst v1;
	v1 =	vld [tilespmem:$0x120]  }
0xfa: {  	v54 =	vld [tilespmem:$0x40];
	[tilespmem:$0x500] =	vst v2  }
0xfb: {  	v55 =	vld [tilespmem:$0x140];
	[tilespmem:$0x410] =	vst v3  }
0xfc: {  	v2 =	vld [tilespmem:$0x30];
	[tilespmem:$0x510] =	vst v4  }
0xfd: {  	v3 =	vld [tilespmem:$0x130];
	[tilespmem:$0x420] =	vst v5  }
0xfe: {  	p1 =	seq.s32 s11, $0x9F;
	[tilespmem:$0x520] =	vst v1;
	v1 =	vld [tilespmem:$0x50]  }
0xff: {  	s17 =	sadd.s32 @!p1 $0xFFFFFFFF, s11;
	v56 =	vld [tilespmem:$0x160];
	[tilespmem:$0x440] =	vst v54  }
0x100: {  	p2 =	slt.u32 @!p1 s17, s10;
	v57 =	vld [tilespmem:$0x70];
	[tilespmem:$0x540] =	vst v55  }
0x101: {  	s17 =	smov.u32 s8;
	p2 =	por !p2, p1;
	[tilespmem:$0x430] =	vst v2;
	v2 =	vld [tilespmem:$0x150]  }
0x102: {  	s19 =	smov.u32 s10;
	s17 =	smov.u32 @p2 s9;
	[tilespmem:$0x530] =	vst v3;
	v3 =	vld [tilespmem:$0x60]  }
0x103: {  	s19 =	simm.s32 @!p2 $0x0;
	s17 =	smul.u32 @!p1 $0xF400, s17;
	[tilespmem:$0x450] =	vst v1;
	v1 =	vld [tilespmem:$0x170]  }
0x104: {  	s19 =	sshll.u32 @!p1 s19, $0x9;
	[tilespmem:$0x560] =	vst v56  }
0x105: {  	s17 =	ssub.s32 @!p1 s17, s19;
	[tilespmem:$0x470] =	vst v57  }
0x106: {  	s17 =	sadd.s32 @!p1 s17, s12;
	[tilespmem:$0x550] =	vst v2  }
0x107: {  	s17 =	sadd.s32 @!p1 $0xFFFFFE00, s17;
	[tilespmem:$0x460] =	vst v3  }
0x108: {  	s17 =	sshrl.u32 @!p1 s17, $0x3;
	[tilespmem:$0x570] =	vst v1  }
0x109: {  	[spmem:s4] =	stream.indirect.scatter.add.f32 [tilespmem:s3], [sflag:$0x5], $0x1, s20, s5, $0xb8;
	[tilespmem:$0x1F580] =	vst v63  }
0x10a: {  	s19 =	simm.s32 @!p1 $0x0;
	s17 =	sadd.s32 @!p1 s7, s17  }
0x10b: {  	[tilespmem:s19], [sflag:$0x1] =	stream.linear.gather @!p1 [hbm4b:s17+s19], $0x180, $0x38;
	[tilespmem:$0x1F580] =	vst v63  }
0x10c: {  	_ =	swait.ge [sflag:s13], $0x180  }
0x10d: {  	[sflag:s13] =	ssyncset.done $0x0  }
0x10e: {  	[sflag:s13] =	ssyncadd.s32 $0xFFFFFE80  }
0x10f: {  	_ =	swait.ge [sflag:s21], $0x80  }
0x110: {  	[sflag:s21] =	ssyncset.done $0x0  }
0x111: {  	[sflag:s21] =	ssyncadd.s32 $0xFFFFFF80  }
0x112: {  	v1 =	vld [tilespmem:$0x200]  }
0x113: {  	v2 =	vld [tilespmem:$0x300]  }
0x114: {  	v3 =	vld [tilespmem:$0x210]  }
0x115: {  	v58 =	vld [tilespmem:$0x310]  }
0x116: {  	v59 =	vld [tilespmem:$0x220]  }
0x117: {  	[tilespmem:$0x480] =	vst v1;
	v1 =	vld [tilespmem:$0x320]  }
0x118: {  	v60 =	vld [tilespmem:$0x240];
	[tilespmem:$0x580] =	vst v2  }
0x119: {  	v61 =	vld [tilespmem:$0x340];
	[tilespmem:$0x490] =	vst v3  }
0x11a: {  	v2 =	vld [tilespmem:$0x230];
	[tilespmem:$0x590] =	vst v58  }
0x11b: {  	v3 =	vld [tilespmem:$0x330];
	[tilespmem:$0x4A0] =	vst v59  }
0x11c: {  	[tilespmem:$0x5A0] =	vst v1;
	v1 =	vld [tilespmem:$0x250]  }
0x11d: {  	v62 =	vld [tilespmem:$0x360];
	[tilespmem:$0x4C0] =	vst v60  }
0x11e: {  	v63 =	vld [tilespmem:$0x270];
	[tilespmem:$0x5C0] =	vst v61  }
0x11f: {  	[tilespmem:$0x4B0] =	vst v2;
	v2 =	vld [tilespmem:$0x350]  }
0x120: {  	[tilespmem:$0x5B0] =	vst v3;
	v3 =	vld [tilespmem:$0x260]  }
0x121: {  	[tilespmem:$0x4D0] =	vst v1;
	v1 =	vld [tilespmem:$0x370]  }
0x122: {  	[tilespmem:$0x5E0] =	vst v62  }
.Ltmp3:
0x123: {  	[tilespmem:$0x4F0] =	vst v63;
	(pc) =	sbr.rel @p1 .LBB2_6-.Ltmp3, $4  }
0x124: {  	[tilespmem:$0x5D0] =	vst v2  }
0x125: {  	[tilespmem:$0x4E0] =	vst v3  }
0x126: {  	[tilespmem:$0x5F0] =	vst v1  }
0x127: {  	[spmem:s4] =	stream.indirect.scatter.add.f32 [tilespmem:s15], [sflag:$0x6], $0x1, s14, s5, $0xb8;
	[tilespmem:$0x1F580] =	vst v63  }
0x128: {  	p1 =	slt.u32 s11, s10;
	s17 =	smov.u32 s9  }
0x129: {  	s19 =	smov.u32 s10;
	s17 =	smov.u32 @p1 s8  }
0x12a: {  	s19 =	simm.s32 @p1 $0x0;
	s17 =	smul.u32 $0xF400, s17  }
0x12b: {  	s19 =	sshll.u32 s19, $0x9  }
.Ltmp4:
0x12c: {  	s17 =	ssub.s32 s17, s19;
	(pc) =	sbr.rel .LBB2_4-.Ltmp4, $4  }
0x12d: {  	s17 =	sadd.s32 s17, s12  }
0x12e: {  	s17 =	sshrl.u32 s17, $0x3  }
0x12f: {  	s11 =	sadd.s32 $0x2, s11;
	s12 =	sadd.s32 $0x400, s12;
	s17 =	sadd.s32 s7, s17  }
0x130: {  	[tilespmem:s31], [sflag:$0x2] =	stream.linear.gather [hbm4b:s17+s6], $0x180, $0x38;
	[tilespmem:$0x1F580] =	vst v63  }
.LBB2_6:
0x131: {  	_ =	swait.ge [sflag:s16], $0x80  }
0x132: {  	[sflag:s16] =	ssyncset.done $0x0  }
0x133: {  	[sflag:s16] =	ssyncadd.s32 $0xFFFFFF80  }
0x134: {  	_ =	swait.ge [sflag:s21], $0x80  }
0x135: {  	[sflag:s21] =	ssyncset.done $0x0  }
0x136: {  	[sflag:s21] =	ssyncadd.s32 $0xFFFFFF80  }
0x137: {  	s11 =	simm.s32 $0x7;
	[bflag:$0x0] =	sbarrier.arrive $0xFFFF  }
0x138: {  	[tilespmem:s29], [sflag:$0x7] =	stream.linear.gather [spmem:s0], $0x280, $0x38;
	[tilespmem:$0x1F580] =	vst v63  }
0x139: {  	_ =	swait.ge [sflag:s11], $0x280  }
0x13a: {  	[sflag:s11] =	ssyncset.done $0x0  }
0x13b: {  	[sflag:s11] =	ssyncadd.s32 $0xFFFFFD80  }
0x13c: {  	v1 =	vld [tilespmem:$0xAE00]  }
0x13d: {  	v5 =	vld [tilespmem:$0xAE10];
	_ =	sdelay $0x3  }
0x13e: {  	v2 =	vshra.s32 v1, $0x1  }
0x13f: {  	v3 =	vmul.f32 $5.000000000e-01, v1;
	v6 =	vshra.s32 v5, $0x1;
	v7 =	vmul.f32 $5.000000000e-01, v5  }
0x140: {  	v9 =	vld [tilespmem:$0xAE20];
	v2 =	vsub.s32 $0x5F3759DF, v2;
	v57 =	vsub.s32 $0x5F3759DF, v6  }
0x141: {  	v11 =	vld [tilespmem:$0xAE30];
	v4 =	vmul.f32 v2, v3;
	v6 =	vmul.f32 v57, v7;
	_ =	sdelay $0x1  }
0x142: {  	v13 =	vld [tilespmem:$0xAE40];
	v4 =	vmul.f32 v2, v4;
	v6 =	vmul.f32 v57, v6;
	_ =	sdelay $0x1  }
0x143: {  	v63 =	vld [tilespmem:$0xAE50];
	v58 =	vshra.s32 v9, $0x1;
	v4 =	vsub.f32 $1.500000000e+00, v4;
	v6 =	vsub.f32 $1.500000000e+00, v6  }
0x144: {  	v10 =	vmul.f32 $5.000000000e-01, v9;
	v14 =	vshra.s32 v11, $0x1;
	v15 =	vmul.f32 $5.000000000e-01, v11  }
0x145: {  	v21 =	vld [tilespmem:$0xAE60];
	v2 =	vmul.f32 v2, v4;
	v4 =	vmul.f32 v57, v6;
	v6 =	vsub.s32 $0x5F3759DF, v58  }
0x146: {  	v18 =	vmul.f32 $5.000000000e-01, v13;
	v14 =	vsub.s32 $0x5F3759DF, v14;
	v12 =	vmul.f32 v6, v10  }
0x147: {  	v16 =	vmul.f32 v14, v15;
	v8 =	vmul.f32 v2, v3  }
0x148: {  	v20 =	vmul.f32 $5.000000000e-01, v63;
	v12 =	vmul.f32 v6, v12  }
0x149: {  	v17 =	vshra.s32 v13, $0x1;
	v16 =	vmul.f32 v14, v16;
	v8 =	vmul.f32 v8, v2  }
0x14a: {  	v36 =	vmul.f32 $5.000000000e-01, v21;
	v60 =	vsub.s32 $0x5F3759DF, v17;
	v12 =	vsub.f32 $1.500000000e+00, v12  }
0x14b: {  	v31 =	vld [tilespmem:$0xAE70];
	v62 =	vmul.f32 v60, v18;
	v61 =	vsub.f32 $1.500000000e+00, v16;
	v8 =	vsub.f32 $1.500000000e+00, v8  }
0x14c: {  	v26 =	vshra.s32 v63, $0x1;
	v59 =	vmul.f32 v4, v7;
	v6 =	vmul.f32 v6, v12  }
0x14d: {  	vm0 =	vgt.f32 v1, $0.0e+00;
	v12 =	vmul.f32 v14, v61;
	v2 =	vmul.f32 v8, v2  }
0x14e: {  	vm14 =	vgt.f32 v5, $0.0e+00;
	v24 =	vmul.f32 v60, v62;
	v8 =	vmul.f32 v59, v4  }
0x14f: {  	v35 =	vshra.s32 v21, $0x1;
	v25 =	vmul.f32 v12, v15;
	v3 =	vmul.f32 v2, v3  }
0x150: {  	v22 =	vmul.f32 $5.000000000e-01, v31;
	v14 =	vsub.f32 $1.500000000e+00, v24;
	v8 =	vsub.f32 $1.500000000e+00, v8  }
0x151: {  	v38 =	vshra.s32 v31, $0x1;
	v16 =	vmul.f32 v25, v12;
	v3 =	vmul.f32 v3, v2  }
0x152: {  	v4 =	vmul.f32 v8, v4;
	v8 =	vmul.f32 v60, v14;
	v14 =	vsub.s32 $0x5F3759DF, v35  }
0x153: {  	v19 =	vmul.f32 v6, v10;
	v37 =	vmul.f32 v14, v36;
	v3 =	vsub.f32 $1.500000000e+00, v3  }
0x154: {  	v16 =	vsub.f32 $1.500000000e+00, v16;
	v7 =	vmul.f32 v4, v7;
	v29 =	vmul.f32 v8, v18  }
0x155: {  	vm15 =	vgt.f32 v9, $0.0e+00;
	v2 =	vmul.f32 v3, v2;
	v3 =	vmul.f32 v19, v6  }
0x156: {  	v27 =	vsub.s32 $0x5F3759DF, v26;
	v12 =	vmul.f32 v16, v12;
	v16 =	vmul.f32 v14, v37  }
0x157: {  	v28 =	vmul.f32 v27, v20;
	v7 =	vmul.f32 v7, v4;
	v3 =	vsub.f32 $1.500000000e+00, v3  }
0x158: {  	v16 =	vsub.f32 $1.500000000e+00, v16;
	v1 =	vnsel vm0, $0x0, v2;
	v2 =	vmul.f32 v29, v8  }
0x159: {  	v19 =	vsub.s32 $0x5F3759DF, v38;
	v3 =	vmul.f32 v3, v6;
	v6 =	vmul.f32 v27, v28  }
0x15a: {  	v34 =	vmul.f32 v12, v15;
	v42 =	vmul.f32 v14, v16;
	v2 =	vsub.f32 $1.500000000e+00, v2  }
0x15b: {  	v40 =	vmul.f32 v19, v22;
	v10 =	vmul.f32 v3, v10;
	v30 =	vsub.f32 $1.500000000e+00, v6  }
0x15c: {  	vm4 =	vgt.f32 v11, $0.0e+00;
	v14 =	vmul.f32 v42, v36;
	v8 =	vmul.f32 v2, v8  }
0x15d: {  	vm5 =	vgt.f32 v13, $0.0e+00;
	v33 =	vmul.f32 v10, v3;
	v5 =	vmul.f32 v27, v30  }
0x15e: {  	vm6 =	vgt.f32 v63, $0.0e+00;
	v10 =	vmul.f32 v34, v12;
	v18 =	vmul.f32 v8, v18  }
0x15f: {  	v7 =	vsub.f32 $1.500000000e+00, v7;
	v14 =	vmul.f32 v14, v42;
	v2 =	vmul.f32 v5, v20  }
0x160: {  	v39 =	vmul.f32 v18, v8;
	v10 =	vsub.f32 $1.500000000e+00, v10;
	v18 =	vmul.f32 v19, v40  }
0x161: {  	v4 =	vmul.f32 v7, v4;
	v14 =	vsub.f32 $1.500000000e+00, v14;
	v6 =	vsub.f32 $1.500000000e+00, v33  }
0x162: {  	v23 =	vmul.f32 v2, v5;
	v43 =	vmul.f32 v10, v12;
	v44 =	vsub.f32 $1.500000000e+00, v18;
	v10 =	vld [tilespmem:$0xAE90]  }
0x163: {  	v53 =	vmul.f32 v14, v42;
	v2 =	vnsel vm14, $0x0, v4;
	v4 =	vsub.f32 $1.500000000e+00, v39  }
0x164: {  	v3 =	vmul.f32 v6, v3;
	v41 =	vsub.f32 $1.500000000e+00, v23;
	v23 =	vld [tilespmem:$0xAE80];
	v46 =	vmul.f32 v19, v44  }
0x165: {  	vm7 =	vgt.f32 v21, $0.0e+00;
	v14 =	vmul.f32 v53, v36;
	v8 =	vmul.f32 v4, v8  }
0x166: {  	vm1 =	vgt.f32 v31, $0.0e+00;
	v6 =	vmul.f32 v41, v5;
	v50 =	vmul.f32 v46, v22  }
0x167: {  	v3 =	vnsel vm15, $0x0, v3;
	v58 =	vmul.f32 v14, v53;
	v24 =	vmul.f32 $5.000000000e-01, v10  }
0x168: {  	v52 =	vshra.s32 v10, $0x1;
	v45 =	vmul.f32 v6, v20;
	v25 =	vmul.f32 v50, v46  }
0x169: {  	v20 =	vsub.s32 $0x5F3759DF, v52;
	v47 =	vshra.s32 v23, $0x1;
	v48 =	vmul.f32 $5.000000000e-01, v23  }
0x16a: {  	v13 =	vsub.f32 $1.500000000e+00, v58;
	v54 =	vmul.f32 v20, v24;
	v49 =	vsub.s32 $0x5F3759DF, v47  }
0x16b: {  	v12 =	vmul.f32 v45, v6;
	v55 =	vsub.f32 $1.500000000e+00, v25;
	v25 =	vld [tilespmem:$0xAEA0];
	v51 =	vmul.f32 v49, v48  }
0x16c: {  	v4 =	vnsel vm4, $0x0, v43;
	v9 =	vmul.f32 v13, v53;
	v13 =	vld [tilespmem:$0xAEC0];
	v56 =	vmul.f32 v20, v54  }
0x16d: {  	v12 =	vsub.f32 $1.500000000e+00, v12;
	v57 =	vmul.f32 v55, v46;
	v11 =	vmul.f32 v49, v51  }
0x16e: {  	v5 =	vnsel vm5, $0x0, v8;
	vm9 =	vgt.f32 v10, $0.0e+00;
	v59 =	vsub.f32 $1.500000000e+00, v56  }
0x16f: {  	v6 =	vmul.f32 v12, v6;
	v60 =	vmul.f32 v57, v22;
	v11 =	vsub.f32 $1.500000000e+00, v11  }
0x170: {  	v12 =	vld [tilespmem:$0xAEB0];
	v14 =	vmul.f32 v20, v59;
	v62 =	vshra.s32 v25, $0x1;
	v63 =	vmul.f32 $5.000000000e-01, v25  }
0x171: {  	v45 =	vmul.f32 $5.000000000e-01, v13;
	v17 =	vsub.s32 $0x5F3759DF, v62;
	v11 =	vmul.f32 v49, v11  }
0x172: {  	vm8 =	vgt.f32 v23, $0.0e+00;
	v20 =	vmul.f32 v14, v24;
	v32 =	vmul.f32 v17, v63  }
0x173: {  	v8 =	vnsel vm7, $0x0, v9;
	v15 =	vmul.f32 v60, v57;
	v61 =	vmul.f32 v11, v48  }
0x174: {  	v44 =	vshra.s32 v13, $0x1;
	v20 =	vmul.f32 v20, v14;
	v22 =	vmul.f32 v17, v32  }
0x175: {  	v26 =	vshra.s32 v12, $0x1;
	v27 =	vmul.f32 $5.000000000e-01, v12;
	v16 =	vmul.f32 v61, v11  }
0x176: {  	v26 =	vsub.s32 $0x5F3759DF, v26;
	v34 =	vsub.f32 $1.500000000e+00, v20;
	v35 =	vsub.f32 $1.500000000e+00, v22  }
0x177: {  	v15 =	vsub.f32 $1.500000000e+00, v15;
	v33 =	vmul.f32 v26, v27;
	v16 =	vsub.f32 $1.500000000e+00, v16  }
0x178: {  	vm12 =	vgt.f32 v13, $0.0e+00;
	v36 =	vmul.f32 v34, v14;
	v17 =	vmul.f32 v17, v35;
	v14 =	vld [tilespmem:$0xAED0]  }
0x179: {  	vm10 =	vgt.f32 v25, $0.0e+00;
	v37 =	vmul.f32 v15, v57;
	v11 =	vmul.f32 v16, v11  }
0x17a: {  	v6 =	vnsel vm6, $0x0, v6;
	v16 =	vmul.f32 v26, v33;
	v20 =	vmul.f32 v17, v63  }
0x17b: {  	v22 =	vsub.s32 $0x5F3759DF, v44;
	v39 =	vmul.f32 v36, v24;
	v18 =	vmul.f32 v11, v48  }
0x17c: {  	v46 =	vmul.f32 v22, v45;
	v16 =	vsub.f32 $1.500000000e+00, v16;
	v42 =	vmul.f32 v20, v17  }
0x17d: {  	v41 =	vmul.f32 v39, v36;
	v47 =	vshra.s32 v14, $0x1;
	v38 =	vmul.f32 v18, v11  }
0x17e: {  	v28 =	vmul.f32 $5.000000000e-01, v14;
	v40 =	vmul.f32 v26, v16;
	v18 =	vsub.f32 $1.500000000e+00, v42  }
0x17f: {  	v16 =	vsub.f32 $1.500000000e+00, v41;
	v26 =	vmul.f32 v22, v46;
	v15 =	vsub.f32 $1.500000000e+00, v38  }
0x180: {  	v43 =	vmul.f32 v40, v27;
	v18 =	vmul.f32 v18, v17;
	v17 =	vsub.s32 $0x5F3759DF, v47  }
0x181: {  	v21 =	vmul.f32 v16, v36;
	v16 =	vld [tilespmem:$0xAEF0];
	v49 =	vsub.f32 $1.500000000e+00, v26;
	v48 =	vmul.f32 v17, v28  }
0x182: {  	vm11 =	vgt.f32 v12, $0.0e+00;
	v11 =	vmul.f32 v15, v11;
	v20 =	vmul.f32 v43, v40  }
0x183: {  	v7 =	vnsel vm1, $0x0, v37;
	v15 =	vld [tilespmem:$0xAEE0];
	v19 =	vmul.f32 v18, v63;
	v22 =	vmul.f32 v22, v49  }
0x184: {  	vm13 =	vgt.f32 v14, $0.0e+00;
	v10 =	vnsel vm9, $0x0, v21;
	v23 =	vmul.f32 v17, v48  }
0x185: {  	v20 =	vsub.f32 $1.500000000e+00, v20;
	v19 =	vmul.f32 v19, v18;
	v30 =	vmul.f32 v22, v45  }
0x186: {  	v51 =	vsub.f32 $1.500000000e+00, v23;
	v31 =	vshra.s32 v16, $0x1;
	v32 =	vmul.f32 $5.000000000e-01, v16  }
0x187: {  	v20 =	vmul.f32 v20, v40;
	v54 =	vsub.s32 $0x5F3759DF, v31;
	v55 =	vmul.f32 v30, v22  }
0x188: {  	v19 =	vsub.f32 $1.500000000e+00, v19;
	v50 =	vshra.s32 v15, $0x1;
	v29 =	vmul.f32 $5.000000000e-01, v15  }
0x189: {  	v33 =	vmul.f32 v17, v51;
	v56 =	vmul.f32 v54, v32;
	v26 =	vsub.s32 $0x5F3759DF, v50  }
0x18a: {  	v21 =	vld [tilespmem:$0xAF40];
	v9 =	vnsel vm8, $0x0, v11;
	v27 =	vmul.f32 v20, v27;
	v52 =	vmul.f32 v26, v29  }
0x18b: {  	v11 =	vsub.f32 $1.500000000e+00, v55;
	v19 =	vmul.f32 v19, v18;
	v57 =	vmul.f32 v33, v28  }
0x18c: {  	vm15 =	vgt.f32 v16, $0.0e+00;
	v18 =	vld [tilespmem:$0xAF10];
	v30 =	vmul.f32 v54, v56;
	v53 =	vmul.f32 v26, v52  }
0x18d: {  	vm14 =	vgt.f32 v15, $0.0e+00;
	v27 =	vmul.f32 v27, v20;
	v22 =	vmul.f32 v11, v22  }
0x18e: {  	v31 =	vmul.f32 v57, v33;
	v58 =	vsub.f32 $1.500000000e+00, v30;
	v17 =	vsub.f32 $1.500000000e+00, v53  }
0x18f: {  	vm8 =	vgt.f32 v21, $0.0e+00;
	v27 =	vsub.f32 $1.500000000e+00, v27;
	v24 =	vmul.f32 v22, v45  }
0x190: {  	v59 =	vsub.f32 $1.500000000e+00, v31;
	v23 =	vmul.f32 v54, v58;
	v26 =	vmul.f32 v26, v17;
	v17 =	vld [tilespmem:$0xAF00]  }
0x191: {  	v42 =	vshra.s32 v18, $0x1;
	v34 =	vmul.f32 $5.000000000e-01, v18;
	v24 =	vmul.f32 v24, v22  }
0x192: {  	v61 =	vmul.f32 v59, v33;
	v63 =	vmul.f32 v23, v32;
	v33 =	vsub.s32 $0x5F3759DF, v42  }
0x193: {  	v11 =	vnsel vm10, $0x0, v19;
	v27 =	vmul.f32 v27, v20;
	v43 =	vmul.f32 v33, v34  }
0x194: {  	v24 =	vsub.f32 $1.500000000e+00, v24;
	v60 =	vmul.f32 v26, v29;
	v20 =	vmul.f32 v63, v23  }
0x195: {  	v28 =	vmul.f32 v61, v28;
	v40 =	vshra.s32 v17, $0x1;
	v41 =	vmul.f32 $5.000000000e-01, v17  }
0x196: {  	v19 =	vld [tilespmem:$0xAF20];
	v25 =	vmul.f32 v33, v43;
	v62 =	vmul.f32 v60, v26;
	v30 =	vsub.s32 $0x5F3759DF, v40  }
0x197: {  	v22 =	vmul.f32 v24, v22;
	v20 =	vsub.f32 $1.500000000e+00, v20;
	v36 =	vmul.f32 v30, v41  }
0x198: {  	v28 =	vmul.f32 v28, v61;
	v46 =	vsub.f32 $1.500000000e+00, v25;
	v35 =	vsub.f32 $1.500000000e+00, v62  }
0x199: {  	vm5 =	vgt.f32 v18, $0.0e+00;
	v23 =	vmul.f32 v20, v23;
	v44 =	vmul.f32 v30, v36  }
0x19a: {  	v51 =	vsub.f32 $1.500000000e+00, v28;
	v50 =	vmul.f32 v33, v46;
	v26 =	vmul.f32 v35, v26  }
0x19b: {  	v49 =	vmul.f32 v23, v32;
	v35 =	vmul.f32 $5.000000000e-01, v19;
	v45 =	vsub.f32 $1.500000000e+00, v44  }
0x19c: {  	v55 =	vshra.s32 v19, $0x1;
	v24 =	vmul.f32 v51, v61;
	v53 =	vmul.f32 v50, v34  }
0x19d: {  	v20 =	vld [tilespmem:$0xAF30];
	v33 =	vsub.s32 $0x5F3759DF, v55;
	v36 =	vmul.f32 $5.000000000e-01, v21;
	v48 =	vmul.f32 v30, v45  }
0x19e: {  	vm6 =	vgt.f32 v19, $0.0e+00;
	v29 =	vmul.f32 v26, v29;
	v57 =	vmul.f32 v33, v35  }
0x19f: {  	v13 =	vnsel vm12, $0x0, v22;
	v28 =	vmul.f32 v53, v50;
	v52 =	vmul.f32 v48, v41  }
0x1a0: {  	vm4 =	vgt.f32 v17, $0.0e+00;
	v47 =	vmul.f32 v29, v26;
	v60 =	vmul.f32 v33, v57  }
0x1a1: {  	v12 =	vmul.f32 v49, v23;
	v58 =	vsub.f32 $1.500000000e+00, v28;
	v54 =	vmul.f32 v52, v48  }
0x1a2: {  	v63 =	vmul.f32 $5.000000000e-01, v20;
	v25 =	vsub.f32 $1.500000000e+00, v47;
	v28 =	vsub.f32 $1.500000000e+00, v60  }
0x1a3: {  	v12 =	vsub.f32 $1.500000000e+00, v12;
	v61 =	vmul.f32 v58, v50;
	v56 =	vsub.f32 $1.500000000e+00, v54  }
0x1a4: {  	v22 =	vld [tilespmem:$0xAF50];
	v62 =	vshra.s32 v20, $0x1;
	v25 =	vmul.f32 v25, v26;
	v28 =	vmul.f32 v33, v28  }
0x1a5: {  	v44 =	vshra.s32 v21, $0x1;
	v26 =	vmul.f32 v12, v23;
	v59 =	vmul.f32 v56, v48  }
0x1a6: {  	v40 =	vmul.f32 v61, v34;
	v34 =	vsub.s32 $0x5F3759DF, v44;
	v33 =	vmul.f32 v28, v35  }
0x1a7: {  	v23 =	vsub.s32 $0x5F3759DF, v62;
	v38 =	vmul.f32 v34, v36;
	v31 =	vmul.f32 v59, v41  }
0x1a8: {  	v14 =	vnsel vm13, $0x0, v24;
	v33 =	vmul.f32 v33, v28;
	v41 =	vmul.f32 v23, v63  }
0x1a9: {  	v49 =	vshra.s32 v22, $0x1;
	v47 =	vmul.f32 v34, v38;
	v31 =	vmul.f32 v31, v59  }
0x1aa: {  	v51 =	vsub.s32 $0x5F3759DF, v49;
	v38 =	vmul.f32 $5.000000000e-01, v22;
	v43 =	vmul.f32 v23, v41  }
0x1ab: {  	v42 =	vmul.f32 v40, v61;
	v46 =	vsub.f32 $1.500000000e+00, v33;
	v31 =	vsub.f32 $1.500000000e+00, v31  }
0x1ac: {  	v50 =	vsub.f32 $1.500000000e+00, v47;
	v53 =	vmul.f32 v51, v38;
	v32 =	vsub.f32 $1.500000000e+00, v43  }
0x1ad: {  	vm9 =	vgt.f32 v22, $0.0e+00;
	v28 =	vmul.f32 v46, v28;
	v24 =	vmul.f32 v31, v59  }
0x1ae: {  	vm7 =	vgt.f32 v20, $0.0e+00;
	v45 =	vmul.f32 v23, v32;
	v23 =	vld [tilespmem:$0xAF60];
	v31 =	vmul.f32 v34, v50  }
0x1af: {  	v37 =	vsub.f32 $1.500000000e+00, v42;
	v33 =	vmul.f32 v51, v53;
	v35 =	vmul.f32 v28, v35  }
0x1b0: {  	v15 =	vnsel vm14, $0x0, v25;
	v48 =	vmul.f32 v45, v63;
	v40 =	vmul.f32 v31, v36  }
0x1b1: {  	v25 =	vld [tilespmem:$0xAF70];
	v29 =	vmul.f32 v37, v61;
	v33 =	vsub.f32 $1.500000000e+00, v33;
	v58 =	vmul.f32 v35, v28  }
0x1b2: {  	v12 =	vnsel vm11, $0x0, v27;
	v52 =	vmul.f32 v48, v45;
	v56 =	vmul.f32 v40, v31  }
0x1b3: {  	v32 =	vmul.f32 v51, v33;
	v54 =	vshra.s32 v23, $0x1;
	v55 =	vmul.f32 $5.000000000e-01, v23  }
0x1b4: {  	v39 =	vsub.f32 $1.500000000e+00, v52;
	v34 =	vsub.s32 $0x5F3759DF, v54;
	v59 =	vsub.f32 $1.500000000e+00, v56  }
0x1b5: {  	v16 =	vnsel vm15, $0x0, v26;
	v61 =	vmul.f32 v32, v38;
	v41 =	vmul.f32 v34, v55  }
0x1b6: {  	v62 =	vshra.s32 v25, $0x1;
	v27 =	vmul.f32 v39, v45;
	v42 =	vmul.f32 v59, v31  }
0x1b7: {  	v26 =	vsub.f32 $1.500000000e+00, v58;
	v45 =	vmul.f32 v61, v32;
	v57 =	vmul.f32 v34, v41  }
0x1b8: {  	vm11 =	vgt.f32 v25, $0.0e+00;
	v30 =	vmul.f32 v27, v63;
	v63 =	vmul.f32 $5.000000000e-01, v25  }
0x1b9: {  	v44 =	vsub.s32 $0x5F3759DF, v62;
	v26 =	vmul.f32 v26, v28;
	v31 =	vld [tilespmem:$0xAF80];
	v60 =	vsub.f32 $1.500000000e+00, v57  }
0x1ba: {  	v36 =	vmul.f32 v42, v36;
	v39 =	vsub.f32 $1.500000000e+00, v45;
	v46 =	vmul.f32 v44, v63  }
0x1bb: {  	v18 =	vnsel vm5, $0x0, v29;
	v47 =	vmul.f32 v30, v27;
	v43 =	vmul.f32 v34, v60  }
0x1bc: {  	v17 =	vnsel vm4, $0x0, v24;
	v36 =	vmul.f32 v36, v42;
	v32 =	vmul.f32 v39, v32  }
0x1bd: {  	v33 =	vld [tilespmem:$0xAF90];
	v35 =	vmul.f32 v44, v46;
	v24 =	vsub.f32 $1.500000000e+00, v47;
	v48 =	vmul.f32 v43, v55  }
0x1be: {  	v50 =	vsub.f32 $1.500000000e+00, v36;
	v51 =	vmul.f32 v32, v38;
	v36 =	vmul.f32 $5.000000000e-01, v31  }
0x1bf: {  	v35 =	vsub.f32 $1.500000000e+00, v35;
	v24 =	vmul.f32 v24, v27;
	v30 =	vmul.f32 v48, v43  }
0x1c0: {  	v52 =	vshra.s32 v31, $0x1;
	v38 =	vmul.f32 v51, v32;
	v28 =	vmul.f32 v50, v42  }
0x1c1: {  	v34 =	vmul.f32 v44, v35;
	v35 =	vsub.s32 $0x5F3759DF, v52;
	v49 =	vsub.f32 $1.500000000e+00, v30  }
0x1c2: {  	v42 =	vmul.f32 $5.000000000e-01, v33;
	v38 =	vsub.f32 $1.500000000e+00, v38;
	v54 =	vmul.f32 v35, v36  }
0x1c3: {  	v19 =	vnsel vm6, $0x0, v26;
	v30 =	vld [tilespmem:$0xAFA0];
	v53 =	vmul.f32 v34, v63;
	v27 =	vmul.f32 v49, v43  }
0x1c4: {  	vm10 =	vgt.f32 v23, $0.0e+00;
	v38 =	vmul.f32 v38, v32;
	v39 =	vmul.f32 v35, v54  }
0x1c5: {  	v56 =	vshra.s32 v33, $0x1;
	v32 =	vld [tilespmem:$0xAFB0];
	v37 =	vmul.f32 v27, v55;
	v55 =	vmul.f32 v53, v34  }
0x1c6: {  	vm13 =	vgt.f32 v33, $0.0e+00;
	v58 =	vsub.s32 $0x5F3759DF, v56;
	v57 =	vsub.f32 $1.500000000e+00, v39  }
0x1c7: {  	vm12 =	vgt.f32 v31, $0.0e+00;
	v59 =	vmul.f32 v58, v42;
	v29 =	vsub.f32 $1.500000000e+00, v55  }
0x1c8: {  	v20 =	vnsel vm7, $0x0, v24;
	v60 =	vshra.s32 v30, $0x1;
	v35 =	vmul.f32 v35, v57  }
0x1c9: {  	v43 =	vmul.f32 $5.000000000e-01, v30;
	v40 =	vsub.s32 $0x5F3759DF, v60;
	v29 =	vmul.f32 v29, v34  }
0x1ca: {  	v48 =	vshra.s32 v32, $0x1;
	v34 =	vmul.f32 v58, v59;
	v44 =	vmul.f32 v35, v36  }
0x1cb: {  	v37 =	vmul.f32 v37, v27;
	v45 =	vmul.f32 v40, v43;
	v49 =	vsub.s32 $0x5F3759DF, v48  }
0x1cc: {  	v41 =	vmul.f32 v29, v63;
	v34 =	vsub.f32 $1.500000000e+00, v34;
	v62 =	vmul.f32 v44, v35  }
0x1cd: {  	v37 =	vsub.f32 $1.500000000e+00, v37;
	v63 =	vmul.f32 v40, v45;
	v44 =	vmul.f32 $5.000000000e-01, v32  }
0x1ce: {  	v61 =	vmul.f32 v41, v29;
	v39 =	vmul.f32 v58, v34;
	v26 =	vsub.f32 $1.500000000e+00, v62  }
0x1cf: {  	v37 =	vmul.f32 v37, v27;
	v41 =	vsub.f32 $1.500000000e+00, v63;
	v47 =	vmul.f32 v49, v44;
	v34 =	vld [tilespmem:$0xAFC0]  }
0x1d0: {  	v46 =	vmul.f32 v39, v42;
	v27 =	vsub.f32 $1.500000000e+00, v61;
	v35 =	vmul.f32 v26, v35  }
0x1d1: {  	vm14 =	vgt.f32 v30, $0.0e+00;
	v50 =	vmul.f32 v40, v41;
	v52 =	vmul.f32 v49, v47  }
0x1d2: {  	vm15 =	vgt.f32 v32, $0.0e+00;
	v51 =	vmul.f32 v46, v39;
	v41 =	vmul.f32 v27, v29  }
0x1d3: {  	v53 =	vmul.f32 v50, v43;
	v54 =	vmul.f32 v35, v36;
	v55 =	vsub.f32 $1.500000000e+00, v52;
	v29 =	vld [tilespmem:$0xAFD0]  }
0x1d4: {  	v56 =	vshra.s32 v34, $0x1;
	v46 =	vmul.f32 $5.000000000e-01, v34;
	v24 =	vsub.f32 $1.500000000e+00, v51  }
0x1d5: {  	v21 =	vmul.f32 v53, v50;
	v36 =	vmul.f32 v49, v55;
	v57 =	vsub.s32 $0x5F3759DF, v56  }
0x1d6: {  	vm4 =	vgt.f32 v34, $0.0e+00;
	v27 =	vmul.f32 v54, v35;
	v59 =	vmul.f32 v57, v46  }
0x1d7: {  	v24 =	vmul.f32 v24, v39;
	v58 =	vsub.f32 $1.500000000e+00, v21;
	v61 =	vmul.f32 v36, v44  }
0x1d8: {  	v21 =	vnsel vm8, $0x0, v28;
	v62 =	vmul.f32 v57, v59;
	v45 =	vmul.f32 $5.000000000e-01, v29  }
0x1d9: {  	v33 =	vld [tilespmem:$0xB030];
	v48 =	vshra.s32 v29, $0x1;
	v40 =	vmul.f32 v58, v50;
	v63 =	vmul.f32 v61, v36  }
0x1da: {  	v60 =	vmul.f32 v24, v42;
	v42 =	vsub.s32 $0x5F3759DF, v48;
	v22 =	vsub.f32 $1.500000000e+00, v62  }
0x1db: {  	v49 =	vmul.f32 v42, v45;
	v43 =	vmul.f32 v40, v43;
	v26 =	vsub.f32 $1.500000000e+00, v63  }
0x1dc: {  	v27 =	vsub.f32 $1.500000000e+00, v27;
	v28 =	vmul.f32 v60, v24;
	v39 =	vmul.f32 v57, v22  }
0x1dd: {  	v25 =	vnsel vm11, $0x0, v41;
	v53 =	vmul.f32 v42, v49;
	v51 =	vmul.f32 v26, v36;
	v26 =	vld [tilespmem:$0xAFE0]  }
0x1de: {  	vm11 =	vgt.f32 v33, $0.0e+00;
	v35 =	vmul.f32 v27, v35;
	v50 =	vsub.f32 $1.500000000e+00, v28  }
0x1df: {  	v43 =	vmul.f32 v43, v40;
	v55 =	vmul.f32 v39, v46;
	v36 =	vsub.f32 $1.500000000e+00, v53  }
0x1e0: {  	v22 =	vnsel vm9, $0x0, v38;
	v47 =	vmul.f32 v50, v24;
	v56 =	vmul.f32 v51, v44  }
0x1e1: {  	v27 =	vld [tilespmem:$0xAFF0];
	v54 =	vsub.f32 $1.500000000e+00, v43;
	v57 =	vmul.f32 v55, v39;
	v36 =	vmul.f32 v42, v36  }
0x1e2: {  	v58 =	vmul.f32 v56, v51;
	v60 =	vshra.s32 v26, $0x1;
	v42 =	vmul.f32 $5.000000000e-01, v26  }
0x1e3: {  	v28 =	vld [tilespmem:$0xB000];
	v59 =	vsub.f32 $1.500000000e+00, v57;
	v61 =	vmul.f32 v36, v45;
	v62 =	vsub.s32 $0x5F3759DF, v60  }
0x1e4: {  	v38 =	vmul.f32 v54, v40;
	v23 =	vsub.f32 $1.500000000e+00, v58;
	v52 =	vmul.f32 v62, v42  }
0x1e5: {  	vm5 =	vgt.f32 v29, $0.0e+00;
	v63 =	vmul.f32 v59, v39;
	v53 =	vmul.f32 v61, v36  }
0x1e6: {  	v55 =	vshra.s32 v27, $0x1;
	v40 =	vmul.f32 v23, v51;
	v39 =	vmul.f32 v62, v52  }
0x1e7: {  	v23 =	vld [tilespmem:$0xB010];
	v54 =	vmul.f32 v63, v46;
	v43 =	vsub.f32 $1.500000000e+00, v53;
	v46 =	vmul.f32 $5.000000000e-01, v27  }
0x1e8: {  	v48 =	vsub.s32 $0x5F3759DF, v55;
	v44 =	vmul.f32 $5.000000000e-01, v28;
	v39 =	vsub.f32 $1.500000000e+00, v39  }
0x1e9: {  	v35 =	vnsel vm12, $0x0, v35;
	v43 =	vmul.f32 v43, v36;
	v56 =	vmul.f32 v48, v46  }
0x1ea: {  	v58 =	vshra.s32 v28, $0x1;
	v41 =	vmul.f32 v54, v63;
	v57 =	vmul.f32 v62, v39  }
0x1eb: {  	v45 =	vmul.f32 v43, v45;
	v31 =	vmul.f32 v48, v56;
	v39 =	vsub.s32 $0x5F3759DF, v58  }
0x1ec: {  	[tilespmem:$0xAE00] =	vst v1;
	v1 =	vld [tilespmem:$0xB040];
	v41 =	vsub.f32 $1.500000000e+00, v41;
	v51 =	vshra.s32 v23, $0x1;
	v52 =	vmul.f32 $5.000000000e-01, v23  }
0x1ed: {  	v50 =	vmul.f32 v39, v44;
	v51 =	vsub.s32 $0x5F3759DF, v51;
	v49 =	vmul.f32 v57, v42  }
0x1ee: {  	v31 =	vsub.f32 $1.500000000e+00, v31;
	v59 =	vmul.f32 v51, v52;
	v60 =	vmul.f32 v45, v43  }
0x1ef: {  	v24 =	vnsel vm10, $0x0, v37;
	v37 =	vmul.f32 v41, v63;
	v50 =	vmul.f32 v39, v50  }
0x1f0: {  	v48 =	vmul.f32 v48, v31;
	v53 =	vmul.f32 v51, v59;
	v63 =	vsub.f32 $1.500000000e+00, v60  }
0x1f1: {  	vm12 =	vgt.f32 v1, $0.0e+00;
	v49 =	vmul.f32 v49, v57;
	v31 =	vld [tilespmem:$0xB020];
	v61 =	vsub.f32 $1.500000000e+00, v50  }
0x1f2: {  	v62 =	vmul.f32 v48, v46;
	v55 =	vsub.f32 $1.500000000e+00, v53;
	v43 =	vmul.f32 v63, v43  }
0x1f3: {  	v49 =	vsub.f32 $1.500000000e+00, v49;
	v53 =	vmul.f32 $5.000000000e-01, v33;
	v39 =	vmul.f32 v39, v61  }
0x1f4: {  	v36 =	vnsel vm13, $0x0, v47;
	v54 =	vmul.f32 v62, v48;
	v47 =	vmul.f32 v51, v55  }
0x1f5: {  	vm7 =	vgt.f32 v27, $0.0e+00;
	v41 =	vmul.f32 v49, v57;
	v56 =	vmul.f32 v39, v44  }
0x1f6: {  	v51 =	vmul.f32 $5.000000000e-01, v31;
	v45 =	vsub.f32 $1.500000000e+00, v54;
	v59 =	vmul.f32 v47, v52  }
0x1f7: {  	v58 =	vshra.s32 v31, $0x1;
	v42 =	vmul.f32 v41, v42;
	v57 =	vmul.f32 v56, v39  }
0x1f8: {  	v50 =	vsub.s32 $0x5F3759DF, v58;
	v45 =	vmul.f32 v45, v48;
	v62 =	vmul.f32 v59, v47  }
0x1f9: {  	vm6 =	vgt.f32 v26, $0.0e+00;
	v60 =	vmul.f32 v50, v51;
	v42 =	vmul.f32 v42, v41  }
0x1fa: {  	v49 =	vsub.f32 $1.500000000e+00, v57;
	v61 =	vmul.f32 v45, v46;
	v46 =	vsub.f32 $1.500000000e+00, v62  }
0x1fb: {  	v56 =	vshra.s32 v33, $0x1;
	v63 =	vmul.f32 v50, v60;
	v42 =	vsub.f32 $1.500000000e+00, v42  }
0x1fc: {  	v39 =	vmul.f32 v49, v39;
	v49 =	vsub.s32 $0x5F3759DF, v56;
	v57 =	vmul.f32 v46, v47  }
0x1fd: {  	[tilespmem:$0xAE20] =	vst v3;
	v48 =	vsub.f32 $1.500000000e+00, v63;
	v58 =	vmul.f32 v49, v53;
	v3 =	vmul.f32 v42, v41;
	v41 =	vld [tilespmem:$0xB050]  }
0x1fe: {  	vm8 =	vgt.f32 v28, $0.0e+00;
	v30 =	vmul.f32 v61, v45;
	v42 =	vld [tilespmem:$0xB060];
	v44 =	vmul.f32 v39, v44  }
0x1ff: {  	[tilespmem:$0xAE40] =	vst v5;
	v5 =	vnsel vm4, $0x0, v37;
	v59 =	vmul.f32 v50, v48;
	v46 =	vmul.f32 v49, v58  }
0x200: {  	[tilespmem:$0xAE10] =	vst v2;
	v2 =	vmul.f32 v57, v52;
	v30 =	vsub.f32 $1.500000000e+00, v30;
	v44 =	vmul.f32 v44, v39  }
0x201: {  	[tilespmem:$0xAE30] =	vst v4;
	v48 =	vshra.s32 v1, $0x1;
	v60 =	vmul.f32 v59, v51;
	v61 =	vsub.f32 $1.500000000e+00, v46  }
0x202: {  	[tilespmem:$0xAE60] =	vst v8;
	v2 =	vmul.f32 v2, v57;
	v30 =	vmul.f32 v30, v45;
	v62 =	vsub.f32 $1.500000000e+00, v44  }
0x203: {  	[tilespmem:$0xAE50] =	vst v6;
	v34 =	vmul.f32 v60, v59;
	v52 =	vshra.s32 v41, $0x1;
	v56 =	vshra.s32 v42, $0x1  }
0x204: {  	[tilespmem:$0xAE70] =	vst v7;
	v32 =	vld [tilespmem:$0xB070];
	v44 =	vmul.f32 $5.000000000e-01, v42;
	v63 =	vmul.f32 v49, v61;
	v2 =	vsub.f32 $1.500000000e+00, v2  }
0x205: {  	[tilespmem:$0xAE90] =	vst v10;
	v4 =	vmul.f32 v62, v39;
	v45 =	vsub.f32 $1.500000000e+00, v34;
	v39 =	vmul.f32 $5.000000000e-01, v1  }
0x206: {  	[tilespmem:$0xAE80] =	vst v9;
	v49 =	vsub.s32 $0x5F3759DF, v48;
	v34 =	vmul.f32 $5.000000000e-01, v41;
	v46 =	vmul.f32 v63, v53  }
0x207: {  	[tilespmem:$0xAEA0] =	vst v11;
	v54 =	vsub.s32 $0x5F3759DF, v52;
	v2 =	vmul.f32 v2, v57;
	v6 =	vmul.f32 v45, v59  }
0x208: {  	[tilespmem:$0xAEC0] =	vst v13;
	v57 =	vsub.s32 $0x5F3759DF, v56;
	v50 =	vmul.f32 v49, v39;
	v55 =	vmul.f32 v54, v34  }
0x209: {  	[tilespmem:$0xAED0] =	vst v14;
	v58 =	vshra.s32 v32, $0x1;
	v59 =	vmul.f32 $5.000000000e-01, v32;
	v60 =	vmul.f32 v57, v44  }
0x20a: {  	[tilespmem:$0xAEB0] =	vst v12;
	v29 =	vsub.s32 $0x5F3759DF, v58;
	v8 =	vmul.f32 v46, v63;
	v9 =	vmul.f32 v49, v50  }
0x20b: {  	[tilespmem:$0xAEE0] =	vst v15;
	v61 =	vnsel vm5, $0x0, v43;
	v12 =	vmul.f32 v54, v55;
	v62 =	vmul.f32 v29, v59  }
0x20c: {  	[tilespmem:$0xAEF0] =	vst v16;
	v51 =	vmul.f32 v6, v51;
	v14 =	vmul.f32 v57, v60;
	v9 =	vsub.f32 $1.500000000e+00, v9  }
0x20d: {  	[tilespmem:$0xAF10] =	vst v18;
	v8 =	vsub.f32 $1.500000000e+00, v8;
	v12 =	vsub.f32 $1.500000000e+00, v12;
	v26 =	vmul.f32 v29, v62  }
0x20e: {  	[tilespmem:$0xAF00] =	vst v17;
	v43 =	vsub.f32 $1.500000000e+00, v14;
	v10 =	vmul.f32 v51, v6;
	v7 =	vmul.f32 v49, v9  }
0x20f: {  	[tilespmem:$0xAF20] =	vst v19;
	v8 =	vmul.f32 v8, v63;
	v37 =	vmul.f32 v54, v12;
	v47 =	vsub.f32 $1.500000000e+00, v26  }
0x210: {  	[tilespmem:$0xAF30] =	vst v20;
	v38 =	vnsel vm14, $0x0, v38;
	v11 =	vmul.f32 v57, v43;
	v48 =	vmul.f32 v7, v39  }
0x211: {  	[tilespmem:$0xAF70] =	vst v25;
	v40 =	vnsel vm15, $0x0, v40;
	v14 =	vmul.f32 v29, v47;
	v49 =	vmul.f32 v37, v34  }
0x212: {  	[tilespmem:$0xAF40] =	vst v21;
	vm9 =	vgt.f32 v23, $0.0e+00;
	v51 =	vmul.f32 v11, v44;
	v13 =	vmul.f32 v48, v7  }
0x213: {  	[tilespmem:$0xAF80] =	vst v35;
	vm10 =	vgt.f32 v31, $0.0e+00;
	v16 =	vmul.f32 v49, v37;
	v52 =	vmul.f32 v14, v59  }
0x214: {  	[tilespmem:$0xAF50] =	vst v22;
	v10 =	vsub.f32 $1.500000000e+00, v10;
	v18 =	vmul.f32 v51, v11;
	v13 =	vsub.f32 $1.500000000e+00, v13  }
0x215: {  	[tilespmem:$0xAF60] =	vst v24;
	v63 =	vmul.f32 v8, v53;
	v16 =	vsub.f32 $1.500000000e+00, v16;
	v19 =	vmul.f32 v52, v14  }
0x216: {  	[tilespmem:$0xAFA0] =	vst v38;
	v6 =	vmul.f32 v10, v6;
	v53 =	vsub.f32 $1.500000000e+00, v18;
	v7 =	vmul.f32 v13, v7  }
0x217: {  	[tilespmem:$0xAFB0] =	vst v40;
	v46 =	vmul.f32 v63, v8;
	v9 =	vmul.f32 v16, v37;
	v54 =	vsub.f32 $1.500000000e+00, v19  }
0x218: {  	[tilespmem:$0xAF90] =	vst v36;
	v3 =	vnsel vm6, $0x0, v3;
	v10 =	vmul.f32 v53, v11;
	v55 =	vmul.f32 v7, v39  }
0x219: {  	[tilespmem:$0xAFC0] =	vst v5;
	v4 =	vnsel vm8, $0x0, v4;
	v56 =	vmul.f32 v54, v14;
	v57 =	vmul.f32 v9, v34  }
0x21a: {  	[tilespmem:$0xAFE0] =	vst v3;
	v2 =	vnsel vm9, $0x0, v2;
	v58 =	vmul.f32 v10, v44;
	v11 =	vmul.f32 v55, v7  }
0x21b: {  	[tilespmem:$0xAFD0] =	vst v61;
	v12 =	vsub.f32 $1.500000000e+00, v46;
	v3 =	vmul.f32 v57, v9;
	v59 =	vmul.f32 v56, v59  }
0x21c: {  	[tilespmem:$0xB000] =	vst v4;
	v50 =	vnsel vm7, $0x0, v30;
	v13 =	vmul.f32 v58, v10;
	v11 =	vsub.f32 $1.500000000e+00, v11  }
0x21d: {  	[tilespmem:$0xB010] =	vst v2;
	v8 =	vmul.f32 v12, v8;
	v3 =	vsub.f32 $1.500000000e+00, v3;
	v60 =	vmul.f32 v59, v56  }
0x21e: {  	[tilespmem:$0xAFF0] =	vst v50;
	v6 =	vnsel vm10, $0x0, v6;
	v62 =	vsub.f32 $1.500000000e+00, v13;
	v2 =	vmul.f32 v11, v7  }
0x21f: {  	[tilespmem:$0xB020] =	vst v6;
	v61 =	vnsel vm11, $0x0, v8;
	v1 =	vmul.f32 v3, v9;
	v3 =	vsub.f32 $1.500000000e+00, v60  }
0x220: {  	vm13 =	vgt.f32 v41, $0.0e+00;
	[tilespmem:$0xB030] =	vst v61;
	v63 =	vmul.f32 v62, v10;
	v2 =	vnsel vm12, $0x0, v2  }
0x221: {  	vm14 =	vgt.f32 v42, $0.0e+00;
	v1 =	vnsel vm13, $0x0, v1;
	[tilespmem:$0xB040] =	vst v2;
	v2 =	vmul.f32 v3, v56  }
0x222: {  	vm15 =	vgt.f32 v32, $0.0e+00;
	[tilespmem:$0xB050] =	vst v1;
	v1 =	vnsel vm14, $0x0, v63  }
0x223: {  	[tilespmem:$0xB060] =	vst v1;
	v1 =	vnsel vm15, $0x0, v2  }
.Ltmp5:
0x224: {  	s19 =	rddreg [dreg:$0x12];
	[tilespmem:$0xB070] =	vst v1;
	(pc) =	sbr.rel @p0 .LBB2_14-.Ltmp5, $4  }
0x225: {  	[spmem:s19] =	stream.linear.scatter [tilespmem:s29], [sflag:$0x7], $0x280, $0x38;
	[tilespmem:$0x1F580] =	vst v63  }
0x226: {  	_ =	swait.ge [sflag:s11], $0x280  }
0x227: {  	[sflag:s11] =	ssyncset.done $0x0  }
0x228: {  	[sflag:s11] =	ssyncadd.s32 $0xFFFFFD80  }
0x229: {  	s12 =	simm.s32 $0x0;
	s0 =	rddreg [dreg:$0xf]  }
0x22a: {  	[hbm4b:s0+s12] =	stream.linear.scatter [tilespmem:s29], [sflag:$0x7], $0x280, $0x38;
	[tilespmem:$0x1F580] =	vst v63  }
0x22b: {  	_ =	swait.ge [sflag:s11], $0x280  }
0x22c: {  	[sflag:s11] =	ssyncset.done $0x0  }
0x22d: {  	[sflag:s11] =	ssyncadd.s32 $0xFFFFFD80  }
0x22e: {  	[bflag:$0x0] =	sbarrier.arrive $0xFFFF  }
0x22f: {  	s19 =	rddreg [dreg:$0x5]  }
0x230: {  	[tilespmem:s22], [sflag:$0x7] =	stream.linear.gather [spmem:s19], $0x2800, $0x38;
	[tilespmem:$0x1F580] =	vst v63  }
0x231: {  	_ =	swait.ge [sflag:s11], $0x2800  }
0x232: {  	[sflag:s11] =	ssyncset.done $0x0  }
0x233: {  	[sflag:s11] =	ssyncadd.s32 $0xFFFFD800  }
0x234: {  	[tilespmem:s12], [sflag:$0x1] =	stream.linear.gather [hbm4b:s26+s12], $0x180, $0x38;
	[tilespmem:$0x1F580] =	vst v63  }
0x235: {  	_ = 	snop  }
0x236: {  	[tilespmem:s31], [sflag:$0x2] =	stream.linear.gather [hbm4b:s28+s12], $0x180, $0x38;
	[tilespmem:$0x1F580] =	vst v63  }
0x237: {  	_ =	swait.ge [sflag:s2], $0x180  }
0x238: {  	[sflag:s2] =	ssyncset.done $0x0  }
0x239: {  	[sflag:s2] =	ssyncadd.s32 $0xFFFFFE80  }
0x23a: {  	s29 =	rddreg [dreg:$0x0]  }
0x23b: {  	[tilespmem:s30], [sflag:$0x3] =	stream.indirect.gather [hbm4b:s29+s5], $0x80, s12, s5, $0xb8;
	[tilespmem:$0x1F580] =	vst v63  }
0x23c: {  	_ =	swait.ge [sflag:s13], $0x180  }
0x23d: {  	[sflag:s13] =	ssyncset.done $0x0  }
0x23e: {  	s26 =	simm.s32 $0x0;
	[sflag:s13] =	ssyncadd.s32 $0xFFFFFE80  }
0x23f: {  	[tilespmem:s23], [sflag:$0x4] =	stream.indirect.gather [hbm4b:s29+s5], $0x80, s31, s5, $0xb8;
	[tilespmem:$0x1F580] =	vst v63  }
.LBB2_8:
0x240: {  	_ =	swait.ge [sflag:s24], $0x4000  }
0x241: {  	[sflag:s24] =	ssyncset.done $0x0  }
0x242: {  	[sflag:s24] =	ssyncadd.s32 $0xFFFFC000  }
0x243: {  	v1 =	vld [tilespmem:$0x0];
	_ =	sdelay $0x5  }
0x244: {  	v2 =	vld [tilespmem:$0x100]  }
0x245: {  	v3 =	vld [tilespmem:$0x10]  }
0x246: {  	v1 =	vld.idx.msk [tilespmem:v1+s22+$0x0], $0xffff  }
0x247: {  	v4 =	vld [tilespmem:$0x80];
	_ =	sdelay $0x3  }
0x248: {  	v1 =	vmul.f32 v2, v1  }
0x249: {  	[tilespmem:$0x400] =	vst v4  }
0x24a: {  	v2 =	vld [tilespmem:$0x110];
	[tilespmem:$0x500] =	vst v1  }
0x24b: {  	v1 =	vld.idx.msk [tilespmem:v3+s22+$0x0], $0xffff  }
0x24c: {  	v3 =	vld [tilespmem:$0x20]  }
0x24d: {  	v4 =	vld [tilespmem:$0x90];
	_ =	sdelay $0x3  }
0x24e: {  	v1 =	vmul.f32 v2, v1  }
0x24f: {  	[tilespmem:$0x410] =	vst v4  }
0x250: {  	v2 =	vld [tilespmem:$0x120];
	[tilespmem:$0x510] =	vst v1  }
0x251: {  	v1 =	vld.idx.msk [tilespmem:v3+s22+$0x0], $0xffff  }
0x252: {  	v3 =	vld [tilespmem:$0x30]  }
0x253: {  	v4 =	vld [tilespmem:$0xA0];
	_ =	sdelay $0x3  }
0x254: {  	v1 =	vmul.f32 v2, v1  }
0x255: {  	[tilespmem:$0x420] =	vst v4  }
0x256: {  	v2 =	vld [tilespmem:$0x130];
	[tilespmem:$0x520] =	vst v1  }
0x257: {  	v1 =	vld.idx.msk [tilespmem:v3+s22+$0x0], $0xffff  }
0x258: {  	v3 =	vld [tilespmem:$0x40]  }
0x259: {  	v4 =	vld [tilespmem:$0xB0];
	_ =	sdelay $0x3  }
0x25a: {  	v1 =	vmul.f32 v2, v1  }
0x25b: {  	[tilespmem:$0x430] =	vst v4  }
0x25c: {  	v2 =	vld [tilespmem:$0x140];
	[tilespmem:$0x530] =	vst v1  }
0x25d: {  	v1 =	vld.idx.msk [tilespmem:v3+s22+$0x0], $0xffff  }
0x25e: {  	v3 =	vld [tilespmem:$0x50]  }
0x25f: {  	v4 =	vld [tilespmem:$0xC0];
	_ =	sdelay $0x3  }
0x260: {  	v1 =	vmul.f32 v2, v1  }
0x261: {  	[tilespmem:$0x440] =	vst v4  }
0x262: {  	v2 =	vld [tilespmem:$0x150];
	[tilespmem:$0x540] =	vst v1  }
0x263: {  	v1 =	vld.idx.msk [tilespmem:v3+s22+$0x0], $0xffff  }
0x264: {  	v3 =	vld [tilespmem:$0x60]  }
0x265: {  	v4 =	vld [tilespmem:$0xD0];
	_ =	sdelay $0x3  }
0x266: {  	v1 =	vmul.f32 v2, v1  }
0x267: {  	[tilespmem:$0x450] =	vst v4  }
0x268: {  	v2 =	vld [tilespmem:$0x160];
	[tilespmem:$0x550] =	vst v1  }
0x269: {  	v1 =	vld.idx.msk [tilespmem:v3+s22+$0x0], $0xffff  }
0x26a: {  	v3 =	vld [tilespmem:$0x70]  }
0x26b: {  	v4 =	vld [tilespmem:$0xE0];
	_ =	sdelay $0x3  }
0x26c: {  	v1 =	vmul.f32 v2, v1  }
0x26d: {  	[tilespmem:$0x460] =	vst v4  }
0x26e: {  	v2 =	vld [tilespmem:$0x170];
	[tilespmem:$0x560] =	vst v1  }
0x26f: {  	v1 =	vld.idx.msk [tilespmem:v3+s22+$0x0], $0xffff;
	v3 =	vmov s12  }
0x270: {  	v4 =	vld [tilespmem:$0xF0];
	v3 =	vand.u32 $0xFFFFFFFE, v3  }
0x271: {  	v3 =	vbroadcast v3, $0x0;
	_ =	sdelay $0x2  }
0x272: {  	v1 =	vmul.f32 v2, v1  }
0x273: {  	[tilespmem:$0x470] =	vst v4  }
0x274: {  	[tilespmem:$0x570] =	vst v1  }
0x275: {  	s17 =	simm.s32 $0x680;
	v2 =	vld.idx.msk [tilespmem:v3+s3+$0x0], $0xffff  }
0x276: {  	v1 =	vld [tilespmem:s17+$0xFFFFFFF0]  }
0x277: {  	v3 =	vld [tilespmem:s17+$0xFFFFFF80]  }
0x278: {  	s11 =	simm.s32 $0x1;
	v6 =	vld [tilespmem:s17+$0xFFFFFF90]  }
0x279: {  	v7 =	vmov s11;
	v8 =	vld [tilespmem:s17+$0xFFFFFFA0]  }
0x27a: {  	v11 =	vld [tilespmem:s17+$0xFFFFFFB0]  }
0x27b: {  	v5 =	vld [tilespmem:s17+$0xFFFFFFC0]  }
0x27c: {  	v4 =	vld [tilespmem:s17+$0xFFFFFFD0];
	v9 =	vmul.f32 v1, v2  }
0x27d: {  	v10 =	vmul.f32 v3, v2;
	v3 =	vld [tilespmem:s17+$0xFFFFFFE0]  }
0x27e: {  	v1 =	vld.idx.msk [tilespmem:v7+s3+$0x0], $0xffff;
	v6 =	vmul.f32 v6, v2;
	[tilespmem:s17+$0xFFFFFFF0] =	vst v9  }
0x27f: {  	s28 =	simm.s32 $0x2;
	v7 =	vld [tilespmem:s17+$0x0];
	[tilespmem:s17+$0xFFFFFF80] =	vst v10;
	v9 =	vmul.f32 v8, v2  }
0x280: {  	s29 =	simm.s32 $0x4;
	s11 =	simm.s32 $0x680;
	v10 =	vmov s28;
	[tilespmem:s17+$0xFFFFFF90] =	vst v6;
	v8 =	vmul.f32 v11, v2;
	v6 =	vld [tilespmem:s17+$0x10]  }
.LBB2_9:
0x281: {  	p1 =	slt.u32 s29, $0x7E;
	v10 =	vand.u32 $0xFFFFFFFE, v10;
	s19 =	sadd.s32 $0x1, s28;
	[tilespmem:s17+$0xFFFFFFA0] =	vst v9;
	v5 =	vmul.f32 v5, v2;
	v9 =	vld [tilespmem:s17+$0x20];
	s28 =	smov.u32 s29  }
0x282: {  	v10 =	vbroadcast v10, $0x0;
	v11 =	vmov s19;
	[tilespmem:s17+$0xFFFFFFB0] =	vst v8;
	v4 =	vmul.f32 v4, v2;
	v8 =	vld [tilespmem:s17+$0x30]  }
0x283: {  	[tilespmem:s17+$0xFFFFFFC0] =	vst v5;
	v2 =	vmul.f32 v3, v2;
	v3 =	vld [tilespmem:s17+$0x40]  }
0x284: {  	[tilespmem:s17+$0xFFFFFFD0] =	vst v4;
	v4 =	vmul.f32 v7, v1;
	v5 =	vld [tilespmem:s17+$0x50]  }
0x285: {  	[tilespmem:s17+$0xFFFFFFE0] =	vst v2;
	v2 =	vmul.f32 v6, v1;
	v6 =	vld [tilespmem:s17+$0x60]  }
0x286: {  	[tilespmem:s17+$0x0] =	vst v4;
	v4 =	vmul.f32 v9, v1;
	v7 =	vld [tilespmem:s17+$0x70]  }
0x287: {  	v9 =	vld.idx.msk [tilespmem:v11+s3+$0x0], $0xffff;
	[tilespmem:s17+$0x10] =	vst v2;
	v8 =	vmul.f32 v8, v1  }
0x288: {  	s17 =	sadd.s32 $0x100, s17;
	v2 =	vld.idx.msk [tilespmem:v10+s3+$0x0], $0xffff;
	[tilespmem:s11+$0x20] =	vst v4;
	v3 =	vmul.f32 v3, v1  }
0x289: {  	v4 =	vld [tilespmem:s17+$0xFFFFFFF0];
	[tilespmem:s11+$0x30] =	vst v8;
	v5 =	vmul.f32 v5, v1  }
0x28a: {  	v8 =	vld [tilespmem:s17+$0xFFFFFF80];
	[tilespmem:s11+$0x40] =	vst v3;
	v3 =	vmul.f32 v6, v1  }
0x28b: {  	v6 =	vld [tilespmem:s17+$0xFFFFFF90];
	[tilespmem:s11+$0x50] =	vst v5;
	v5 =	vmul.f32 v7, v1  }
0x28c: {  	v7 =	vld [tilespmem:s17+$0xFFFFFFA0];
	[tilespmem:s11+$0x60] =	vst v3  }
0x28d: {  	v1 =	vmov v9;
	v11 =	vld [tilespmem:s17+$0xFFFFFFB0];
	[tilespmem:s11+$0x70] =	vst v5;
	s11 =	smov.u32 s17  }
.Ltmp6:
0x28e: {  	v5 =	vld [tilespmem:s17+$0xFFFFFFC0];
	v9 =	vmul.f32 v4, v2;
	(pc) =	sbr.rel @p1 .LBB2_9-.Ltmp6, $4  }
0x28f: {  	v8 =	vmul.f32 v8, v2;
	v4 =	vld [tilespmem:s17+$0xFFFFFFD0]  }
0x290: {  	v6 =	vmul.f32 v6, v2;
	v3 =	vld [tilespmem:s17+$0xFFFFFFE0];
	[tilespmem:s17+$0xFFFFFFF0] =	vst v9  }
0x291: {  	[tilespmem:s17+$0xFFFFFF80] =	vst v8;
	v9 =	vmul.f32 v7, v2;
	v7 =	vld [tilespmem:s17+$0x0]  }
0x292: {  	s29 =	sadd.s32 $0x2, s29;
	v10 =	vmov s28;
	[tilespmem:s17+$0xFFFFFF90] =	vst v6;
	v8 =	vmul.f32 v11, v2;
	v6 =	vld [tilespmem:s17+$0x10]  }
0x293: {  	v11 =	vld [tilespmem:s17+$0x20]  }
0x294: {  	v10 =	vand.u32 $0xFFFFFFFE, v10;
	s19 =	sadd.s32 $0x1, s28;
	v12 =	vld [tilespmem:s17+$0x30]  }
0x295: {  	v14 =	vld [tilespmem:s17+$0x40];
	[tilespmem:s17+$0xFFFFFFA0] =	vst v9;
	v5 =	vmul.f32 v5, v2;
	v10 =	vbroadcast v10, $0x0;
	v13 =	vmov s19  }
0x296: {  	v9 =	vld [tilespmem:s17+$0x50];
	[tilespmem:s17+$0xFFFFFFB0] =	vst v8;
	v4 =	vmul.f32 v4, v2  }
0x297: {  	v8 =	vld [tilespmem:s17+$0x60];
	[tilespmem:s17+$0xFFFFFFC0] =	vst v5;
	v7 =	vmul.f32 v7, v1  }
0x298: {  	s0 =	sadd.s32 $0x100, s17;
	v2 =	vmul.f32 v3, v2;
	v3 =	vld [tilespmem:s17+$0x70];
	[tilespmem:s17+$0xFFFFFFD0] =	vst v4  }
0x299: {  	v4 =	vmul.f32 v6, v1;
	[tilespmem:s17+$0x0] =	vst v7;
	v7 =	vld [tilespmem:s0+$0xFFFFFFF0]  }
0x29a: {  	[tilespmem:s17+$0xFFFFFFE0] =	vst v2;
	v2 =	vmul.f32 v11, v1;
	v5 =	vld.idx.msk [tilespmem:v13+s3+$0x0], $0xffff  }
0x29b: {  	[tilespmem:s17+$0x10] =	vst v4;
	v4 =	vmul.f32 v12, v1;
	v6 =	vld.idx.msk [tilespmem:v10+s3+$0x0], $0xffff  }
0x29c: {  	[tilespmem:s11+$0x20] =	vst v2;
	v2 =	vmul.f32 v14, v1;
	v10 =	vld [tilespmem:s0+$0xFFFFFF80]  }
0x29d: {  	[tilespmem:s11+$0x30] =	vst v4;
	v4 =	vmul.f32 v9, v1;
	v9 =	vld [tilespmem:s0+$0xFFFFFF90]  }
0x29e: {  	[tilespmem:s11+$0x40] =	vst v2;
	v2 =	vmul.f32 v8, v1;
	v8 =	vld [tilespmem:s0+$0xFFFFFFA0]  }
0x29f: {  	v1 =	vmul.f32 v3, v1;
	v3 =	vld [tilespmem:s0+$0xFFFFFFB0];
	[tilespmem:s11+$0x50] =	vst v4  }
0x2a0: {  	[tilespmem:s11+$0x60] =	vst v2;
	v2 =	vld [tilespmem:s0+$0xFFFFFFC0];
	v4 =	vmul.f32 v7, v6  }
0x2a1: {  	[tilespmem:s11+$0x70] =	vst v1;
	v1 =	vmul.f32 v10, v6;
	v7 =	vld [tilespmem:s0+$0xFFFFFFD0]  }
0x2a2: {  	v10 =	vld [tilespmem:s0+$0xFFFFFFE0];
	v9 =	vmul.f32 v9, v6;
	[tilespmem:s0+$0xFFFFFFF0] =	vst v4  }
0x2a3: {  	[tilespmem:s0+$0xFFFFFF80] =	vst v1;
	v1 =	vmul.f32 v8, v6;
	v4 =	vld [tilespmem:s0+$0x0]  }
0x2a4: {  	v3 =	vmul.f32 v3, v6;
	v8 =	vld [tilespmem:s0+$0x10];
	[tilespmem:s0+$0xFFFFFF90] =	vst v9  }
0x2a5: {  	[tilespmem:s0+$0xFFFFFFA0] =	vst v1;
	v1 =	vmul.f32 v2, v6;
	v2 =	vld [tilespmem:s0+$0x20]  }
0x2a6: {  	[tilespmem:s0+$0xFFFFFFB0] =	vst v3;
	v3 =	vmul.f32 v7, v6;
	v7 =	vld [tilespmem:s0+$0x30]  }
0x2a7: {  	[tilespmem:s0+$0xFFFFFFC0] =	vst v1;
	v1 =	vmul.f32 v10, v6;
	v6 =	vld [tilespmem:s0+$0x40]  }
0x2a8: {  	[tilespmem:s0+$0xFFFFFFD0] =	vst v3;
	v3 =	vmul.f32 v4, v5;
	v4 =	vld [tilespmem:s0+$0x50]  }
0x2a9: {  	[tilespmem:s0+$0xFFFFFFE0] =	vst v1;
	v1 =	vmul.f32 v8, v5;
	v8 =	vld [tilespmem:s0+$0x60]  }
0x2aa: {  	[tilespmem:s0+$0x0] =	vst v3;
	v2 =	vmul.f32 v2, v5;
	v3 =	vld [tilespmem:s0+$0x70]  }
0x2ab: {  	[tilespmem:s0+$0x10] =	vst v1;
	v1 =	vmul.f32 v7, v5  }
0x2ac: {  	[tilespmem:s0+$0x20] =	vst v2;
	v2 =	vmul.f32 v6, v5  }
0x2ad: {  	[tilespmem:s0+$0x30] =	vst v1;
	v1 =	vmul.f32 v4, v5  }
0x2ae: {  	[tilespmem:s0+$0x40] =	vst v2;
	v2 =	vmul.f32 v8, v5  }
0x2af: {  	p1 =	seq.s32 s26, $0x3C;
	s17 =	sshll.u32 s26, $0xA;
	[tilespmem:s0+$0x50] =	vst v1;
	v1 =	vmul.f32 v3, v5  }
0x2b0: {  	s11 =	sadd.s32 @!p1 s17, s18;
	[tilespmem:s0+$0x60] =	vst v2  }
0x2b1: {  	s11 =	sshrl.u32 @!p1 s11, $0x3;
	[tilespmem:s0+$0x70] =	vst v1  }
0x2b2: {  	[spmem:s1] =	stream.indirect.scatter.add.f32 [tilespmem:s30], [sflag:$0x5], $0x80, s20, s5, $0xb8;
	[tilespmem:$0x1F580] =	vst v63  }
0x2b3: {  	s19 =	simm.s32 @!p1 $0x0;
	s11 =	sadd.s32 @!p1 s7, s11  }
0x2b4: {  	[tilespmem:s19], [sflag:$0x1] =	stream.linear.gather @!p1 [hbm4b:s11+s19], $0x180, $0x38;
	[tilespmem:$0x1F580] =	vst v63  }
0x2b5: {  	_ =	swait.ge [sflag:s25], $0x4000  }
0x2b6: {  	[sflag:s25] =	ssyncset.done $0x0  }
0x2b7: {  	[sflag:s25] =	ssyncadd.s32 $0xFFFFC000  }
0x2b8: {  	v1 =	vld [tilespmem:$0x200];
	_ =	sdelay $0x5  }
0x2b9: {  	v2 =	vld [tilespmem:$0x300]  }
0x2ba: {  	v3 =	vld [tilespmem:$0x210]  }
0x2bb: {  	v1 =	vld.idx.msk [tilespmem:v1+s22+$0x0], $0xffff  }
0x2bc: {  	v4 =	vld [tilespmem:$0x280];
	_ =	sdelay $0x3  }
0x2bd: {  	v1 =	vmul.f32 v2, v1  }
0x2be: {  	[tilespmem:$0x480] =	vst v4  }
0x2bf: {  	v2 =	vld [tilespmem:$0x310];
	[tilespmem:$0x580] =	vst v1  }
0x2c0: {  	v1 =	vld.idx.msk [tilespmem:v3+s22+$0x0], $0xffff  }
0x2c1: {  	v3 =	vld [tilespmem:$0x220]  }
0x2c2: {  	v4 =	vld [tilespmem:$0x290];
	_ =	sdelay $0x3  }
0x2c3: {  	v1 =	vmul.f32 v2, v1  }
0x2c4: {  	[tilespmem:$0x490] =	vst v4  }
0x2c5: {  	v2 =	vld [tilespmem:$0x320];
	[tilespmem:$0x590] =	vst v1  }
0x2c6: {  	v1 =	vld.idx.msk [tilespmem:v3+s22+$0x0], $0xffff  }
0x2c7: {  	v3 =	vld [tilespmem:$0x230]  }
0x2c8: {  	v4 =	vld [tilespmem:$0x2A0];
	_ =	sdelay $0x3  }
0x2c9: {  	v1 =	vmul.f32 v2, v1  }
0x2ca: {  	[tilespmem:$0x4A0] =	vst v4  }
0x2cb: {  	v2 =	vld [tilespmem:$0x330];
	[tilespmem:$0x5A0] =	vst v1  }
0x2cc: {  	v1 =	vld.idx.msk [tilespmem:v3+s22+$0x0], $0xffff  }
0x2cd: {  	v3 =	vld [tilespmem:$0x240]  }
0x2ce: {  	v4 =	vld [tilespmem:$0x2B0];
	_ =	sdelay $0x3  }
0x2cf: {  	v1 =	vmul.f32 v2, v1  }
0x2d0: {  	[tilespmem:$0x4B0] =	vst v4  }
0x2d1: {  	v2 =	vld [tilespmem:$0x340];
	[tilespmem:$0x5B0] =	vst v1  }
0x2d2: {  	v1 =	vld.idx.msk [tilespmem:v3+s22+$0x0], $0xffff  }
0x2d3: {  	v3 =	vld [tilespmem:$0x250]  }
0x2d4: {  	v4 =	vld [tilespmem:$0x2C0];
	_ =	sdelay $0x3  }
0x2d5: {  	v1 =	vmul.f32 v2, v1  }
0x2d6: {  	[tilespmem:$0x4C0] =	vst v4  }
0x2d7: {  	v2 =	vld [tilespmem:$0x350];
	[tilespmem:$0x5C0] =	vst v1  }
0x2d8: {  	v1 =	vld.idx.msk [tilespmem:v3+s22+$0x0], $0xffff  }
0x2d9: {  	v3 =	vld [tilespmem:$0x260]  }
0x2da: {  	v4 =	vld [tilespmem:$0x2D0];
	_ =	sdelay $0x3  }
0x2db: {  	v1 =	vmul.f32 v2, v1  }
0x2dc: {  	[tilespmem:$0x4D0] =	vst v4  }
0x2dd: {  	v2 =	vld [tilespmem:$0x360];
	[tilespmem:$0x5D0] =	vst v1  }
0x2de: {  	v1 =	vld.idx.msk [tilespmem:v3+s22+$0x0], $0xffff  }
0x2df: {  	v3 =	vld [tilespmem:$0x270]  }
0x2e0: {  	v4 =	vld [tilespmem:$0x2E0];
	_ =	sdelay $0x3  }
0x2e1: {  	v1 =	vmul.f32 v2, v1  }
0x2e2: {  	[tilespmem:$0x4E0] =	vst v4  }
0x2e3: {  	s19 =	simm.s32 $0x0;
	v2 =	vld [tilespmem:$0x370];
	[tilespmem:$0x5E0] =	vst v1  }
0x2e4: {  	v1 =	vld.idx.msk [tilespmem:v3+s22+$0x0], $0xffff;
	v3 =	vmov s19  }
0x2e5: {  	v4 =	vld [tilespmem:$0x2F0];
	v3 =	vand.u32 $0xFFFFFFFE, v3  }
0x2e6: {  	v3 =	vbroadcast v3, $0x0;
	_ =	sdelay $0x2  }
0x2e7: {  	v1 =	vmul.f32 v2, v1  }
0x2e8: {  	[tilespmem:$0x4F0] =	vst v4  }
0x2e9: {  	[tilespmem:$0x5F0] =	vst v1  }
0x2ea: {  	s11 =	simm.s32 $0x4680;
	v2 =	vld.idx.msk [tilespmem:v3+s15+$0x0], $0xffff  }
0x2eb: {  	v1 =	vld [tilespmem:s11+$0xFFFFFFF0]  }
0x2ec: {  	v3 =	vld [tilespmem:s11+$0xFFFFFF80]  }
0x2ed: {  	s0 =	simm.s32 $0x1;
	v6 =	vld [tilespmem:s11+$0xFFFFFF90]  }
0x2ee: {  	v7 =	vmov s0;
	v8 =	vld [tilespmem:s11+$0xFFFFFFA0]  }
0x2ef: {  	v11 =	vld [tilespmem:s11+$0xFFFFFFB0]  }
0x2f0: {  	v5 =	vld [tilespmem:s11+$0xFFFFFFC0]  }
0x2f1: {  	v4 =	vld [tilespmem:s11+$0xFFFFFFD0];
	v9 =	vmul.f32 v1, v2  }
0x2f2: {  	v10 =	vmul.f32 v3, v2;
	v3 =	vld [tilespmem:s11+$0xFFFFFFE0]  }
0x2f3: {  	v1 =	vld.idx.msk [tilespmem:v7+s15+$0x0], $0xffff;
	v6 =	vmul.f32 v6, v2;
	[tilespmem:s11+$0xFFFFFFF0] =	vst v9  }
0x2f4: {  	s29 =	simm.s32 $0x2;
	v7 =	vld [tilespmem:s11+$0x0];
	[tilespmem:s11+$0xFFFFFF80] =	vst v10;
	v9 =	vmul.f32 v8, v2  }
0x2f5: {  	s28 =	simm.s32 $0x4680;
	s19 =	simm.s32 $0x4;
	v10 =	vmov s29;
	[tilespmem:s11+$0xFFFFFF90] =	vst v6;
	v8 =	vmul.f32 v11, v2;
	v6 =	vld [tilespmem:s11+$0x10]  }
.LBB2_11:
0x2f6: {  	p2 =	slt.u32 s19, $0x7E;
	v10 =	vand.u32 $0xFFFFFFFE, v10;
	s0 =	sadd.s32 $0x1, s29;
	[tilespmem:s11+$0xFFFFFFA0] =	vst v9;
	v5 =	vmul.f32 v5, v2;
	v9 =	vld [tilespmem:s11+$0x20];
	s29 =	smov.u32 s19  }
0x2f7: {  	v10 =	vbroadcast v10, $0x0;
	v11 =	vmov s0;
	[tilespmem:s11+$0xFFFFFFB0] =	vst v8;
	v4 =	vmul.f32 v4, v2;
	v8 =	vld [tilespmem:s11+$0x30]  }
0x2f8: {  	[tilespmem:s11+$0xFFFFFFC0] =	vst v5;
	v2 =	vmul.f32 v3, v2;
	v3 =	vld [tilespmem:s11+$0x40]  }
0x2f9: {  	[tilespmem:s11+$0xFFFFFFD0] =	vst v4;
	v4 =	vmul.f32 v7, v1;
	v5 =	vld [tilespmem:s11+$0x50]  }
0x2fa: {  	[tilespmem:s11+$0xFFFFFFE0] =	vst v2;
	v2 =	vmul.f32 v6, v1;
	v6 =	vld [tilespmem:s11+$0x60]  }
0x2fb: {  	[tilespmem:s11+$0x0] =	vst v4;
	v4 =	vmul.f32 v9, v1;
	v7 =	vld [tilespmem:s11+$0x70]  }
0x2fc: {  	v9 =	vld.idx.msk [tilespmem:v11+s15+$0x0], $0xffff;
	[tilespmem:s11+$0x10] =	vst v2;
	v8 =	vmul.f32 v8, v1  }
0x2fd: {  	s11 =	sadd.s32 $0x100, s11;
	v2 =	vld.idx.msk [tilespmem:v10+s15+$0x0], $0xffff;
	[tilespmem:s28+$0x20] =	vst v4;
	v3 =	vmul.f32 v3, v1  }
0x2fe: {  	v4 =	vld [tilespmem:s11+$0xFFFFFFF0];
	[tilespmem:s28+$0x30] =	vst v8;
	v5 =	vmul.f32 v5, v1  }
0x2ff: {  	v8 =	vld [tilespmem:s11+$0xFFFFFF80];
	[tilespmem:s28+$0x40] =	vst v3;
	v3 =	vmul.f32 v6, v1  }
0x300: {  	v6 =	vld [tilespmem:s11+$0xFFFFFF90];
	[tilespmem:s28+$0x50] =	vst v5;
	v5 =	vmul.f32 v7, v1  }
0x301: {  	v7 =	vld [tilespmem:s11+$0xFFFFFFA0];
	[tilespmem:s28+$0x60] =	vst v3  }
0x302: {  	v1 =	vmov v9;
	v11 =	vld [tilespmem:s11+$0xFFFFFFB0];
	[tilespmem:s28+$0x70] =	vst v5;
	s28 =	smov.u32 s11  }
.Ltmp7:
0x303: {  	v5 =	vld [tilespmem:s11+$0xFFFFFFC0];
	v9 =	vmul.f32 v4, v2;
	(pc) =	sbr.rel @p2 .LBB2_11-.Ltmp7, $4  }
0x304: {  	v8 =	vmul.f32 v8, v2;
	v4 =	vld [tilespmem:s11+$0xFFFFFFD0]  }
0x305: {  	v6 =	vmul.f32 v6, v2;
	v3 =	vld [tilespmem:s11+$0xFFFFFFE0];
	[tilespmem:s11+$0xFFFFFFF0] =	vst v9  }
0x306: {  	[tilespmem:s11+$0xFFFFFF80] =	vst v8;
	v9 =	vmul.f32 v7, v2;
	v7 =	vld [tilespmem:s11+$0x0]  }
0x307: {  	s19 =	sadd.s32 $0x2, s19;
	v10 =	vmov s29;
	[tilespmem:s11+$0xFFFFFF90] =	vst v6;
	v8 =	vmul.f32 v11, v2;
	v6 =	vld [tilespmem:s11+$0x10]  }
0x308: {  	v11 =	vld [tilespmem:s11+$0x20]  }
0x309: {  	v10 =	vand.u32 $0xFFFFFFFE, v10;
	v12 =	vld [tilespmem:s11+$0x30]  }
0x30a: {  	v14 =	vld [tilespmem:s11+$0x40];
	[tilespmem:s11+$0xFFFFFFA0] =	vst v9;
	v5 =	vmul.f32 v5, v2;
	v10 =	vbroadcast v10, $0x0  }
0x30b: {  	v44 =	vld [tilespmem:s11+$0x50];
	[tilespmem:s11+$0xFFFFFFB0] =	vst v8;
	v4 =	vmul.f32 v4, v2  }
0x30c: {  	s0 =	sadd.s32 $0x1, s29;
	v45 =	vld [tilespmem:s11+$0x60];
	s29 =	sadd.s32 $0x100, s11;
	[tilespmem:s11+$0xFFFFFFC0] =	vst v5;
	v2 =	vmul.f32 v3, v2  }
0x30d: {  	v50 =	vld [tilespmem:s29+$0xFFFFFFF0];
	v7 =	vmul.f32 v7, v1;
	[tilespmem:s11+$0xFFFFFFD0] =	vst v4  }
0x30e: {  	v51 =	vld [tilespmem:s29+$0xFFFFFF80];
	v46 =	vmul.f32 v6, v1;
	[tilespmem:s11+$0xFFFFFFE0] =	vst v2  }
0x30f: {  	v3 =	vld [tilespmem:s11+$0x70];
	[tilespmem:s11+$0x0] =	vst v7;
	v2 =	vmul.f32 v11, v1  }
0x310: {  	v49 =	vmul.f32 v12, v1;
	[tilespmem:s11+$0x10] =	vst v46;
	v48 =	vld.idx.msk [tilespmem:v10+s15+$0x0], $0xffff  }
0x311: {  	v53 =	vld [tilespmem:s29+$0xFFFFFF90];
	[tilespmem:s28+$0x20] =	vst v2;
	v2 =	vmul.f32 v14, v1  }
0x312: {  	v54 =	vld [tilespmem:s29+$0xFFFFFFA0];
	v52 =	vmul.f32 v44, v1;
	[tilespmem:s28+$0x30] =	vst v49  }
0x313: {  	v13 =	vmov s0;
	v56 =	vld [tilespmem:s29+$0xFFFFFFD0];
	[tilespmem:s28+$0x40] =	vst v2;
	v2 =	vmul.f32 v45, v1  }
0x314: {  	[tilespmem:s28+$0x50] =	vst v52;
	v1 =	vmul.f32 v3, v1;
	v3 =	vld [tilespmem:s29+$0xFFFFFFB0]  }
0x315: {  	[tilespmem:s28+$0x60] =	vst v2;
	v2 =	vld [tilespmem:s29+$0xFFFFFFC0];
	v55 =	vmul.f32 v50, v48  }
0x316: {  	v57 =	vld [tilespmem:s29+$0xFFFFFFE0];
	[tilespmem:s28+$0x70] =	vst v1;
	v1 =	vmul.f32 v51, v48  }
0x317: {  	v58 =	vld [tilespmem:s29+$0x0];
	v9 =	vmul.f32 v53, v48;
	[tilespmem:s29+$0xFFFFFFF0] =	vst v55  }
0x318: {  	v47 =	vld.idx.msk [tilespmem:v13+s15+$0x0], $0xffff;
	[tilespmem:s29+$0xFFFFFF80] =	vst v1;
	v1 =	vmul.f32 v54, v48  }
0x319: {  	v59 =	vld [tilespmem:s29+$0x10];
	[tilespmem:s29+$0xFFFFFF90] =	vst v9;
	v3 =	vmul.f32 v3, v48  }
0x31a: {  	[tilespmem:s29+$0xFFFFFFA0] =	vst v1;
	v1 =	vmul.f32 v2, v48;
	v2 =	vld [tilespmem:s29+$0x20]  }
0x31b: {  	v60 =	vld [tilespmem:s29+$0x30];
	[tilespmem:s29+$0xFFFFFFB0] =	vst v3;
	v3 =	vmul.f32 v56, v48  }
0x31c: {  	v61 =	vld [tilespmem:s29+$0x40];
	[tilespmem:s29+$0xFFFFFFC0] =	vst v1;
	v1 =	vmul.f32 v57, v48  }
0x31d: {  	v62 =	vld [tilespmem:s29+$0x50];
	[tilespmem:s29+$0xFFFFFFD0] =	vst v3;
	v3 =	vmul.f32 v58, v47  }
0x31e: {  	v63 =	vld [tilespmem:s29+$0x60];
	[tilespmem:s29+$0xFFFFFFE0] =	vst v1;
	v1 =	vmul.f32 v59, v47  }
0x31f: {  	[tilespmem:s29+$0x0] =	vst v3;
	v3 =	vld [tilespmem:s29+$0x70];
	v2 =	vmul.f32 v2, v47  }
0x320: {  	[tilespmem:s29+$0x10] =	vst v1;
	v1 =	vmul.f32 v60, v47  }
0x321: {  	[tilespmem:s29+$0x20] =	vst v2;
	v2 =	vmul.f32 v61, v47  }
0x322: {  	[tilespmem:s29+$0x30] =	vst v1;
	v1 =	vmul.f32 v62, v47  }
.Ltmp8:
0x323: {  	[tilespmem:s29+$0x40] =	vst v2;
	v2 =	vmul.f32 v63, v47;
	(pc) =	sbr.rel @p1 .LBB2_21-.Ltmp8, $4  }
0x324: {  	[tilespmem:s29+$0x50] =	vst v1;
	v1 =	vmul.f32 v3, v47  }
0x325: {  	[tilespmem:s29+$0x60] =	vst v2  }
0x326: {  	[tilespmem:s29+$0x70] =	vst v1  }
0x327: {  	[spmem:s1] =	stream.indirect.scatter.add.f32 [tilespmem:s23], [sflag:$0x6], $0x80, s14, s5, $0xb8;
	[tilespmem:$0x1F580] =	vst v63  }
0x328: {  	s0 =	rddreg [dreg:$0xe]  }
0x329: {  	s0 =	sadd.s32 s17, s0  }
0x32a: {  	s0 =	sshrl.u32 s0, $0x3  }
0x32b: {  	s0 =	sadd.s32 s7, s0  }
0x32c: {  	[tilespmem:s31], [sflag:$0x2] =	stream.linear.gather [hbm4b:s0+s6], $0x180, $0x38;
	[tilespmem:$0x1F580] =	vst v63  }
0x32d: {  	_ =	swait.ge [sflag:s16], $0x4000  }
0x32e: {  	[sflag:s16] =	ssyncset.done $0x0  }
0x32f: {  	[sflag:s16] =	ssyncadd.s32 $0xFFFFC000  }
0x330: {  	_ =	swait.ge [sflag:s2], $0x180  }
0x331: {  	[sflag:s2] =	ssyncset.done $0x0  }
0x332: {  	[sflag:s2] =	ssyncadd.s32 $0xFFFFFE80  }
0x333: {  	s29 =	rddreg [dreg:$0x0]  }
0x334: {  	[tilespmem:s30], [sflag:$0x3] =	stream.indirect.gather [hbm4b:s29+s5], $0x80, s6, s5, $0xb8;
	[tilespmem:$0x1F580] =	vst v63  }
0x335: {  	_ =	swait.ge [sflag:s21], $0x4000  }
0x336: {  	[sflag:s21] =	ssyncset.done $0x0  }
.Ltmp9:
0x337: {  	[sflag:s21] =	ssyncadd.s32 $0xFFFFC000;
	(pc) =	sbr.rel .LBB2_8-.Ltmp9, $4  }
0x338: {  	_ =	swait.ge [sflag:s13], $0x180  }
0x339: {  	[sflag:s13] =	ssyncset.done $0x0  }
0x33a: {  	s26 =	sadd.s32 $0x1, s26;
	[sflag:s13] =	ssyncadd.s32 $0xFFFFFE80  }
0x33b: {  	[tilespmem:s23], [sflag:$0x4] =	stream.indirect.gather [hbm4b:s29+s5], $0x80, s31, s5, $0xb8;
	[tilespmem:$0x1F580] =	vst v63  }
.LBB2_14:
0x33c: {  	[bflag:$0x0] =	sbarrier.arrive $0xFFFF  }
0x33d: {  	s0 =	rddreg [dreg:$0x5]  }
0x33e: {  	[tilespmem:s22], [sflag:$0x7] =	stream.linear.gather [spmem:s0], $0x2800, $0x38;
	[tilespmem:$0x1F580] =	vst v63  }
0x33f: {  	_ =	swait.ge [sflag:s11], $0x2800  }
0x340: {  	[sflag:s11] =	ssyncset.done $0x0  }
0x341: {  	s12 =	simm.s32 $0x0;
	[sflag:s11] =	ssyncadd.s32 $0xFFFFD800  }
0x342: {  	[tilespmem:s12], [sflag:$0x1] =	stream.linear.gather [hbm4b:s26+s12], $0x180, $0x38;
	[tilespmem:$0x1F580] =	vst v63  }
0x343: {  	_ = 	snop  }
0x344: {  	[tilespmem:s31], [sflag:$0x2] =	stream.linear.gather [hbm4b:s28+s12], $0x180, $0x38;
	[tilespmem:$0x1F580] =	vst v63  }
0x345: {  	_ =	swait.ge [sflag:s2], $0x180  }
0x346: {  	[sflag:s2] =	ssyncset.done $0x0  }
0x347: {  	[sflag:s2] =	ssyncadd.s32 $0xFFFFFE80  }
0x348: {  	s29 =	rddreg [dreg:$0x0]  }
0x349: {  	[tilespmem:s30], [sflag:$0x3] =	stream.indirect.gather [hbm4b:s29+s5], $0x80, s12, s5, $0xb8;
	[tilespmem:$0x1F580] =	vst v63  }
0x34a: {  	_ =	swait.ge [sflag:s13], $0x180  }
0x34b: {  	[sflag:s13] =	ssyncset.done $0x0  }
0x34c: {  	s26 =	simm.s32 $0x0;
	[sflag:s13] =	ssyncadd.s32 $0xFFFFFE80  }
0x34d: {  	[tilespmem:s23], [sflag:$0x4] =	stream.indirect.gather [hbm4b:s29+s5], $0x80, s31, s5, $0xb8;
	[tilespmem:$0x1F580] =	vst v63  }
.LBB2_15:
0x34e: {  	_ =	swait.ge [sflag:s24], $0x4000  }
0x34f: {  	[sflag:s24] =	ssyncset.done $0x0  }
0x350: {  	[sflag:s24] =	ssyncadd.s32 $0xFFFFC000  }
0x351: {  	v1 =	vld [tilespmem:$0x0];
	_ =	sdelay $0x5  }
0x352: {  	v2 =	vld [tilespmem:$0x100]  }
0x353: {  	v3 =	vld [tilespmem:$0x10]  }
0x354: {  	v1 =	vld.idx.msk [tilespmem:v1+s22+$0x0], $0xffff  }
0x355: {  	v4 =	vld [tilespmem:$0x80];
	_ =	sdelay $0x3  }
0x356: {  	v1 =	vmul.f32 v2, v1  }
0x357: {  	[tilespmem:$0x400] =	vst v4  }
0x358: {  	v2 =	vld [tilespmem:$0x110];
	[tilespmem:$0x500] =	vst v1  }
0x359: {  	v1 =	vld.idx.msk [tilespmem:v3+s22+$0x0], $0xffff  }
0x35a: {  	v3 =	vld [tilespmem:$0x20]  }
0x35b: {  	v4 =	vld [tilespmem:$0x90];
	_ =	sdelay $0x3  }
0x35c: {  	v1 =	vmul.f32 v2, v1  }
0x35d: {  	[tilespmem:$0x410] =	vst v4  }
0x35e: {  	v2 =	vld [tilespmem:$0x120];
	[tilespmem:$0x510] =	vst v1  }
0x35f: {  	v1 =	vld.idx.msk [tilespmem:v3+s22+$0x0], $0xffff  }
0x360: {  	v3 =	vld [tilespmem:$0x30]  }
0x361: {  	v4 =	vld [tilespmem:$0xA0];
	_ =	sdelay $0x3  }
0x362: {  	v1 =	vmul.f32 v2, v1  }
0x363: {  	[tilespmem:$0x420] =	vst v4  }
0x364: {  	v2 =	vld [tilespmem:$0x130];
	[tilespmem:$0x520] =	vst v1  }
0x365: {  	v1 =	vld.idx.msk [tilespmem:v3+s22+$0x0], $0xffff  }
0x366: {  	v3 =	vld [tilespmem:$0x40]  }
0x367: {  	v4 =	vld [tilespmem:$0xB0];
	_ =	sdelay $0x3  }
0x368: {  	v1 =	vmul.f32 v2, v1  }
0x369: {  	[tilespmem:$0x430] =	vst v4  }
0x36a: {  	v2 =	vld [tilespmem:$0x140];
	[tilespmem:$0x530] =	vst v1  }
0x36b: {  	v1 =	vld.idx.msk [tilespmem:v3+s22+$0x0], $0xffff  }
0x36c: {  	v3 =	vld [tilespmem:$0x50]  }
0x36d: {  	v4 =	vld [tilespmem:$0xC0];
	_ =	sdelay $0x3  }
0x36e: {  	v1 =	vmul.f32 v2, v1  }
0x36f: {  	[tilespmem:$0x440] =	vst v4  }
0x370: {  	v2 =	vld [tilespmem:$0x150];
	[tilespmem:$0x540] =	vst v1  }
0x371: {  	v1 =	vld.idx.msk [tilespmem:v3+s22+$0x0], $0xffff  }
0x372: {  	v3 =	vld [tilespmem:$0x60]  }
0x373: {  	v4 =	vld [tilespmem:$0xD0];
	_ =	sdelay $0x3  }
0x374: {  	v1 =	vmul.f32 v2, v1  }
0x375: {  	[tilespmem:$0x450] =	vst v4  }
0x376: {  	v2 =	vld [tilespmem:$0x160];
	[tilespmem:$0x550] =	vst v1  }
0x377: {  	v1 =	vld.idx.msk [tilespmem:v3+s22+$0x0], $0xffff  }
0x378: {  	v3 =	vld [tilespmem:$0x70]  }
0x379: {  	v4 =	vld [tilespmem:$0xE0];
	_ =	sdelay $0x3  }
0x37a: {  	v1 =	vmul.f32 v2, v1  }
0x37b: {  	[tilespmem:$0x460] =	vst v4  }
0x37c: {  	v2 =	vld [tilespmem:$0x170];
	[tilespmem:$0x560] =	vst v1  }
0x37d: {  	v1 =	vld.idx.msk [tilespmem:v3+s22+$0x0], $0xffff;
	v3 =	vmov s12  }
0x37e: {  	v4 =	vld [tilespmem:$0xF0];
	v3 =	vand.u32 $0xFFFFFFFE, v3  }
0x37f: {  	v3 =	vbroadcast v3, $0x0;
	_ =	sdelay $0x2  }
0x380: {  	v1 =	vmul.f32 v2, v1  }
0x381: {  	[tilespmem:$0x470] =	vst v4  }
0x382: {  	[tilespmem:$0x570] =	vst v1  }
0x383: {  	s11 =	simm.s32 $0x680;
	v2 =	vld.idx.msk [tilespmem:v3+s3+$0x0], $0xffff  }
0x384: {  	v1 =	vld [tilespmem:s11+$0xFFFFFFF0]  }
0x385: {  	v3 =	vld [tilespmem:s11+$0xFFFFFF80]  }
0x386: {  	s0 =	simm.s32 $0x1;
	v6 =	vld [tilespmem:s11+$0xFFFFFF90]  }
0x387: {  	v7 =	vmov s0;
	v8 =	vld [tilespmem:s11+$0xFFFFFFA0]  }
0x388: {  	v11 =	vld [tilespmem:s11+$0xFFFFFFB0]  }
0x389: {  	v5 =	vld [tilespmem:s11+$0xFFFFFFC0]  }
0x38a: {  	v4 =	vld [tilespmem:s11+$0xFFFFFFD0];
	v9 =	vmul.f32 v1, v2  }
0x38b: {  	v10 =	vmul.f32 v3, v2;
	v3 =	vld [tilespmem:s11+$0xFFFFFFE0]  }
0x38c: {  	v1 =	vld.idx.msk [tilespmem:v7+s3+$0x0], $0xffff;
	v6 =	vmul.f32 v6, v2;
	[tilespmem:s11+$0xFFFFFFF0] =	vst v9  }
0x38d: {  	s28 =	simm.s32 $0x2;
	v7 =	vld [tilespmem:s11+$0x0];
	[tilespmem:s11+$0xFFFFFF80] =	vst v10;
	v9 =	vmul.f32 v8, v2  }
0x38e: {  	s19 =	simm.s32 $0x4;
	s17 =	simm.s32 $0x680;
	v10 =	vmov s28;
	[tilespmem:s11+$0xFFFFFF90] =	vst v6;
	v8 =	vmul.f32 v11, v2;
	v6 =	vld [tilespmem:s11+$0x10]  }
.LBB2_16:
0x38f: {  	p1 =	slt.u32 s19, $0x7E;
	v10 =	vand.u32 $0xFFFFFFFE, v10;
	s0 =	sadd.s32 $0x1, s28;
	[tilespmem:s11+$0xFFFFFFA0] =	vst v9;
	v5 =	vmul.f32 v5, v2;
	v9 =	vld [tilespmem:s11+$0x20];
	s28 =	smov.u32 s19  }
0x390: {  	v10 =	vbroadcast v10, $0x0;
	v11 =	vmov s0;
	[tilespmem:s11+$0xFFFFFFB0] =	vst v8;
	v4 =	vmul.f32 v4, v2;
	v8 =	vld [tilespmem:s11+$0x30]  }
0x391: {  	[tilespmem:s11+$0xFFFFFFC0] =	vst v5;
	v2 =	vmul.f32 v3, v2;
	v3 =	vld [tilespmem:s11+$0x40]  }
0x392: {  	[tilespmem:s11+$0xFFFFFFD0] =	vst v4;
	v4 =	vmul.f32 v7, v1;
	v5 =	vld [tilespmem:s11+$0x50]  }
0x393: {  	[tilespmem:s11+$0xFFFFFFE0] =	vst v2;
	v2 =	vmul.f32 v6, v1;
	v6 =	vld [tilespmem:s11+$0x60]  }
0x394: {  	[tilespmem:s11+$0x0] =	vst v4;
	v4 =	vmul.f32 v9, v1;
	v7 =	vld [tilespmem:s11+$0x70]  }
0x395: {  	v9 =	vld.idx.msk [tilespmem:v11+s3+$0x0], $0xffff;
	[tilespmem:s11+$0x10] =	vst v2;
	v8 =	vmul.f32 v8, v1  }
0x396: {  	s11 =	sadd.s32 $0x100, s11;
	v2 =	vld.idx.msk [tilespmem:v10+s3+$0x0], $0xffff;
	[tilespmem:s17+$0x20] =	vst v4;
	v3 =	vmul.f32 v3, v1  }
0x397: {  	v4 =	vld [tilespmem:s11+$0xFFFFFFF0];
	[tilespmem:s17+$0x30] =	vst v8;
	v5 =	vmul.f32 v5, v1  }
0x398: {  	v8 =	vld [tilespmem:s11+$0xFFFFFF80];
	[tilespmem:s17+$0x40] =	vst v3;
	v3 =	vmul.f32 v6, v1  }
0x399: {  	v6 =	vld [tilespmem:s11+$0xFFFFFF90];
	[tilespmem:s17+$0x50] =	vst v5;
	v5 =	vmul.f32 v7, v1  }
0x39a: {  	v7 =	vld [tilespmem:s11+$0xFFFFFFA0];
	[tilespmem:s17+$0x60] =	vst v3  }
0x39b: {  	v1 =	vmov v9;
	v11 =	vld [tilespmem:s11+$0xFFFFFFB0];
	[tilespmem:s17+$0x70] =	vst v5;
	s17 =	smov.u32 s11  }
.Ltmp10:
0x39c: {  	v5 =	vld [tilespmem:s11+$0xFFFFFFC0];
	v9 =	vmul.f32 v4, v2;
	(pc) =	sbr.rel @p1 .LBB2_16-.Ltmp10, $4  }
0x39d: {  	v8 =	vmul.f32 v8, v2;
	v4 =	vld [tilespmem:s11+$0xFFFFFFD0]  }
0x39e: {  	v6 =	vmul.f32 v6, v2;
	v3 =	vld [tilespmem:s11+$0xFFFFFFE0];
	[tilespmem:s11+$0xFFFFFFF0] =	vst v9  }
0x39f: {  	[tilespmem:s11+$0xFFFFFF80] =	vst v8;
	v9 =	vmul.f32 v7, v2;
	v7 =	vld [tilespmem:s11+$0x0]  }
0x3a0: {  	s19 =	sadd.s32 $0x2, s19;
	v10 =	vmov s28;
	[tilespmem:s11+$0xFFFFFF90] =	vst v6;
	v8 =	vmul.f32 v11, v2;
	v6 =	vld [tilespmem:s11+$0x10]  }
0x3a1: {  	v11 =	vld [tilespmem:s11+$0x20]  }
0x3a2: {  	v10 =	vand.u32 $0xFFFFFFFE, v10;
	s0 =	sadd.s32 $0x1, s28;
	v12 =	vld [tilespmem:s11+$0x30]  }
0x3a3: {  	v14 =	vld [tilespmem:s11+$0x40];
	[tilespmem:s11+$0xFFFFFFA0] =	vst v9;
	v5 =	vmul.f32 v5, v2;
	v10 =	vbroadcast v10, $0x0;
	v13 =	vmov s0  }
0x3a4: {  	v9 =	vld [tilespmem:s11+$0x50];
	[tilespmem:s11+$0xFFFFFFB0] =	vst v8;
	v4 =	vmul.f32 v4, v2  }
0x3a5: {  	v8 =	vld [tilespmem:s11+$0x60];
	[tilespmem:s11+$0xFFFFFFC0] =	vst v5;
	v7 =	vmul.f32 v7, v1  }
0x3a6: {  	s19 =	sadd.s32 $0x100, s11;
	v2 =	vmul.f32 v3, v2;
	v3 =	vld [tilespmem:s11+$0x70];
	[tilespmem:s11+$0xFFFFFFD0] =	vst v4  }
0x3a7: {  	v4 =	vmul.f32 v6, v1;
	[tilespmem:s11+$0x0] =	vst v7;
	v7 =	vld [tilespmem:s19+$0xFFFFFFF0]  }
0x3a8: {  	[tilespmem:s11+$0xFFFFFFE0] =	vst v2;
	v2 =	vmul.f32 v11, v1;
	v5 =	vld.idx.msk [tilespmem:v13+s3+$0x0], $0xffff  }
0x3a9: {  	[tilespmem:s11+$0x10] =	vst v4;
	v4 =	vmul.f32 v12, v1;
	v6 =	vld.idx.msk [tilespmem:v10+s3+$0x0], $0xffff  }
0x3aa: {  	[tilespmem:s17+$0x20] =	vst v2;
	v2 =	vmul.f32 v14, v1;
	v10 =	vld [tilespmem:s19+$0xFFFFFF80]  }
0x3ab: {  	[tilespmem:s17+$0x30] =	vst v4;
	v4 =	vmul.f32 v9, v1;
	v9 =	vld [tilespmem:s19+$0xFFFFFF90]  }
0x3ac: {  	[tilespmem:s17+$0x40] =	vst v2;
	v2 =	vmul.f32 v8, v1;
	v8 =	vld [tilespmem:s19+$0xFFFFFFA0]  }
0x3ad: {  	v1 =	vmul.f32 v3, v1;
	v3 =	vld [tilespmem:s19+$0xFFFFFFB0];
	[tilespmem:s17+$0x50] =	vst v4  }
0x3ae: {  	[tilespmem:s17+$0x60] =	vst v2;
	v2 =	vld [tilespmem:s19+$0xFFFFFFC0];
	v4 =	vmul.f32 v7, v6  }
0x3af: {  	[tilespmem:s17+$0x70] =	vst v1;
	v1 =	vmul.f32 v10, v6;
	v7 =	vld [tilespmem:s19+$0xFFFFFFD0]  }
0x3b0: {  	v10 =	vld [tilespmem:s19+$0xFFFFFFE0];
	v9 =	vmul.f32 v9, v6;
	[tilespmem:s19+$0xFFFFFFF0] =	vst v4  }
0x3b1: {  	[tilespmem:s19+$0xFFFFFF80] =	vst v1;
	v1 =	vmul.f32 v8, v6;
	v4 =	vld [tilespmem:s19+$0x0]  }
0x3b2: {  	v3 =	vmul.f32 v3, v6;
	v8 =	vld [tilespmem:s19+$0x10];
	[tilespmem:s19+$0xFFFFFF90] =	vst v9  }
0x3b3: {  	[tilespmem:s19+$0xFFFFFFA0] =	vst v1;
	v1 =	vmul.f32 v2, v6;
	v2 =	vld [tilespmem:s19+$0x20]  }
0x3b4: {  	[tilespmem:s19+$0xFFFFFFB0] =	vst v3;
	v3 =	vmul.f32 v7, v6;
	v7 =	vld [tilespmem:s19+$0x30]  }
0x3b5: {  	[tilespmem:s19+$0xFFFFFFC0] =	vst v1;
	v1 =	vmul.f32 v10, v6;
	v6 =	vld [tilespmem:s19+$0x40]  }
0x3b6: {  	[tilespmem:s19+$0xFFFFFFD0] =	vst v3;
	v3 =	vmul.f32 v4, v5;
	v4 =	vld [tilespmem:s19+$0x50]  }
0x3b7: {  	[tilespmem:s19+$0xFFFFFFE0] =	vst v1;
	v1 =	vmul.f32 v8, v5;
	v8 =	vld [tilespmem:s19+$0x60]  }
0x3b8: {  	[tilespmem:s19+$0x0] =	vst v3;
	v2 =	vmul.f32 v2, v5;
	v3 =	vld [tilespmem:s19+$0x70]  }
0x3b9: {  	[tilespmem:s19+$0x10] =	vst v1;
	v1 =	vmul.f32 v7, v5  }
0x3ba: {  	[tilespmem:s19+$0x20] =	vst v2;
	v2 =	vmul.f32 v6, v5  }
0x3bb: {  	[tilespmem:s19+$0x30] =	vst v1;
	v1 =	vmul.f32 v4, v5  }
0x3bc: {  	[tilespmem:s19+$0x40] =	vst v2;
	v2 =	vmul.f32 v8, v5  }
0x3bd: {  	p1 =	seq.s32 s26, $0x11;
	s17 =	sshll.u32 s26, $0xA;
	[tilespmem:s19+$0x50] =	vst v1;
	v1 =	vmul.f32 v3, v5  }
0x3be: {  	s0 =	sadd.s32 @!p1 s17, s18;
	[tilespmem:s19+$0x60] =	vst v2  }
0x3bf: {  	s0 =	sshrl.u32 @!p1 s0, $0x3;
	[tilespmem:s19+$0x70] =	vst v1  }
0x3c0: {  	[spmem:s1] =	stream.indirect.scatter.add.f32 [tilespmem:s30], [sflag:$0x5], $0x80, s20, s5, $0xb8;
	[tilespmem:$0x1F580] =	vst v63  }
0x3c1: {  	s11 =	simm.s32 @!p1 $0x0;
	s0 =	sadd.s32 @!p1 s7, s0  }
0x3c2: {  	[tilespmem:s11], [sflag:$0x1] =	stream.linear.gather @!p1 [hbm4b:s0+s11], $0x180, $0x38;
	[tilespmem:$0x1F580] =	vst v63  }
0x3c3: {  	_ =	swait.ge [sflag:s25], $0x4000  }
0x3c4: {  	[sflag:s25] =	ssyncset.done $0x0  }
0x3c5: {  	[sflag:s25] =	ssyncadd.s32 $0xFFFFC000  }
0x3c6: {  	v1 =	vld [tilespmem:$0x200];
	_ =	sdelay $0x5  }
0x3c7: {  	v2 =	vld [tilespmem:$0x300]  }
0x3c8: {  	v3 =	vld [tilespmem:$0x210]  }
0x3c9: {  	v1 =	vld.idx.msk [tilespmem:v1+s22+$0x0], $0xffff  }
0x3ca: {  	v4 =	vld [tilespmem:$0x280];
	_ =	sdelay $0x3  }
0x3cb: {  	v1 =	vmul.f32 v2, v1  }
0x3cc: {  	[tilespmem:$0x480] =	vst v4  }
0x3cd: {  	v2 =	vld [tilespmem:$0x310];
	[tilespmem:$0x580] =	vst v1  }
0x3ce: {  	v1 =	vld.idx.msk [tilespmem:v3+s22+$0x0], $0xffff  }
0x3cf: {  	v3 =	vld [tilespmem:$0x220]  }
0x3d0: {  	v4 =	vld [tilespmem:$0x290];
	_ =	sdelay $0x3  }
0x3d1: {  	v1 =	vmul.f32 v2, v1  }
0x3d2: {  	[tilespmem:$0x490] =	vst v4  }
0x3d3: {  	v2 =	vld [tilespmem:$0x320];
	[tilespmem:$0x590] =	vst v1  }
0x3d4: {  	v1 =	vld.idx.msk [tilespmem:v3+s22+$0x0], $0xffff  }
0x3d5: {  	v3 =	vld [tilespmem:$0x230]  }
0x3d6: {  	v4 =	vld [tilespmem:$0x2A0];
	_ =	sdelay $0x3  }
0x3d7: {  	v1 =	vmul.f32 v2, v1  }
0x3d8: {  	[tilespmem:$0x4A0] =	vst v4  }
0x3d9: {  	v2 =	vld [tilespmem:$0x330];
	[tilespmem:$0x5A0] =	vst v1  }
0x3da: {  	v1 =	vld.idx.msk [tilespmem:v3+s22+$0x0], $0xffff  }
0x3db: {  	v3 =	vld [tilespmem:$0x240]  }
0x3dc: {  	v4 =	vld [tilespmem:$0x2B0];
	_ =	sdelay $0x3  }
0x3dd: {  	v1 =	vmul.f32 v2, v1  }
0x3de: {  	[tilespmem:$0x4B0] =	vst v4  }
0x3df: {  	v2 =	vld [tilespmem:$0x340];
	[tilespmem:$0x5B0] =	vst v1  }
0x3e0: {  	v1 =	vld.idx.msk [tilespmem:v3+s22+$0x0], $0xffff  }
0x3e1: {  	v3 =	vld [tilespmem:$0x250]  }
0x3e2: {  	v4 =	vld [tilespmem:$0x2C0];
	_ =	sdelay $0x3  }
0x3e3: {  	v1 =	vmul.f32 v2, v1  }
0x3e4: {  	[tilespmem:$0x4C0] =	vst v4  }
0x3e5: {  	v2 =	vld [tilespmem:$0x350];
	[tilespmem:$0x5C0] =	vst v1  }
0x3e6: {  	v1 =	vld.idx.msk [tilespmem:v3+s22+$0x0], $0xffff  }
0x3e7: {  	v3 =	vld [tilespmem:$0x260]  }
0x3e8: {  	v4 =	vld [tilespmem:$0x2D0];
	_ =	sdelay $0x3  }
0x3e9: {  	v1 =	vmul.f32 v2, v1  }
0x3ea: {  	[tilespmem:$0x4D0] =	vst v4  }
0x3eb: {  	v2 =	vld [tilespmem:$0x360];
	[tilespmem:$0x5D0] =	vst v1  }
0x3ec: {  	v1 =	vld.idx.msk [tilespmem:v3+s22+$0x0], $0xffff  }
0x3ed: {  	v3 =	vld [tilespmem:$0x270]  }
0x3ee: {  	v4 =	vld [tilespmem:$0x2E0];
	_ =	sdelay $0x3  }
0x3ef: {  	v1 =	vmul.f32 v2, v1  }
0x3f0: {  	[tilespmem:$0x4E0] =	vst v4  }
0x3f1: {  	s11 =	simm.s32 $0x0;
	v2 =	vld [tilespmem:$0x370];
	[tilespmem:$0x5E0] =	vst v1  }
0x3f2: {  	v1 =	vld.idx.msk [tilespmem:v3+s22+$0x0], $0xffff;
	v3 =	vmov s11  }
0x3f3: {  	v4 =	vld [tilespmem:$0x2F0];
	v3 =	vand.u32 $0xFFFFFFFE, v3  }
0x3f4: {  	v3 =	vbroadcast v3, $0x0;
	_ =	sdelay $0x2  }
0x3f5: {  	v1 =	vmul.f32 v2, v1  }
0x3f6: {  	[tilespmem:$0x4F0] =	vst v4  }
0x3f7: {  	[tilespmem:$0x5F0] =	vst v1  }
0x3f8: {  	s11 =	simm.s32 $0x4680;
	v2 =	vld.idx.msk [tilespmem:v3+s15+$0x0], $0xffff  }
0x3f9: {  	v1 =	vld [tilespmem:s11+$0xFFFFFFF0]  }
0x3fa: {  	v3 =	vld [tilespmem:s11+$0xFFFFFF80]  }
0x3fb: {  	s19 =	simm.s32 $0x1;
	v6 =	vld [tilespmem:s11+$0xFFFFFF90]  }
0x3fc: {  	v7 =	vmov s19;
	v8 =	vld [tilespmem:s11+$0xFFFFFFA0]  }
0x3fd: {  	v11 =	vld [tilespmem:s11+$0xFFFFFFB0]  }
0x3fe: {  	v5 =	vld [tilespmem:s11+$0xFFFFFFC0]  }
0x3ff: {  	v4 =	vld [tilespmem:s11+$0xFFFFFFD0];
	v9 =	vmul.f32 v1, v2  }
0x400: {  	v10 =	vmul.f32 v3, v2;
	v3 =	vld [tilespmem:s11+$0xFFFFFFE0]  }
0x401: {  	v1 =	vld.idx.msk [tilespmem:v7+s15+$0x0], $0xffff;
	v6 =	vmul.f32 v6, v2;
	[tilespmem:s11+$0xFFFFFFF0] =	vst v9  }
0x402: {  	s29 =	simm.s32 $0x2;
	v7 =	vld [tilespmem:s11+$0x0];
	[tilespmem:s11+$0xFFFFFF80] =	vst v10;
	v9 =	vmul.f32 v8, v2  }
0x403: {  	s28 =	simm.s32 $0x4680;
	s19 =	simm.s32 $0x4;
	v10 =	vmov s29;
	[tilespmem:s11+$0xFFFFFF90] =	vst v6;
	v8 =	vmul.f32 v11, v2;
	v6 =	vld [tilespmem:s11+$0x10]  }
.LBB2_18:
0x404: {  	p2 =	slt.u32 s19, $0x7E;
	v10 =	vand.u32 $0xFFFFFFFE, v10;
	s0 =	sadd.s32 $0x1, s29;
	[tilespmem:s11+$0xFFFFFFA0] =	vst v9;
	v5 =	vmul.f32 v5, v2;
	v9 =	vld [tilespmem:s11+$0x20];
	s29 =	smov.u32 s19  }
0x405: {  	v10 =	vbroadcast v10, $0x0;
	v11 =	vmov s0;
	[tilespmem:s11+$0xFFFFFFB0] =	vst v8;
	v4 =	vmul.f32 v4, v2;
	v8 =	vld [tilespmem:s11+$0x30]  }
0x406: {  	[tilespmem:s11+$0xFFFFFFC0] =	vst v5;
	v2 =	vmul.f32 v3, v2;
	v3 =	vld [tilespmem:s11+$0x40]  }
0x407: {  	[tilespmem:s11+$0xFFFFFFD0] =	vst v4;
	v4 =	vmul.f32 v7, v1;
	v5 =	vld [tilespmem:s11+$0x50]  }
0x408: {  	[tilespmem:s11+$0xFFFFFFE0] =	vst v2;
	v2 =	vmul.f32 v6, v1;
	v6 =	vld [tilespmem:s11+$0x60]  }
0x409: {  	[tilespmem:s11+$0x0] =	vst v4;
	v4 =	vmul.f32 v9, v1;
	v7 =	vld [tilespmem:s11+$0x70]  }
0x40a: {  	v9 =	vld.idx.msk [tilespmem:v11+s15+$0x0], $0xffff;
	[tilespmem:s11+$0x10] =	vst v2;
	v8 =	vmul.f32 v8, v1  }
0x40b: {  	s11 =	sadd.s32 $0x100, s11;
	v2 =	vld.idx.msk [tilespmem:v10+s15+$0x0], $0xffff;
	[tilespmem:s28+$0x20] =	vst v4;
	v3 =	vmul.f32 v3, v1  }
0x40c: {  	v4 =	vld [tilespmem:s11+$0xFFFFFFF0];
	[tilespmem:s28+$0x30] =	vst v8;
	v5 =	vmul.f32 v5, v1  }
0x40d: {  	v8 =	vld [tilespmem:s11+$0xFFFFFF80];
	[tilespmem:s28+$0x40] =	vst v3;
	v3 =	vmul.f32 v6, v1  }
0x40e: {  	v6 =	vld [tilespmem:s11+$0xFFFFFF90];
	[tilespmem:s28+$0x50] =	vst v5;
	v5 =	vmul.f32 v7, v1  }
0x40f: {  	v7 =	vld [tilespmem:s11+$0xFFFFFFA0];
	[tilespmem:s28+$0x60] =	vst v3  }
0x410: {  	v1 =	vmov v9;
	v11 =	vld [tilespmem:s11+$0xFFFFFFB0];
	[tilespmem:s28+$0x70] =	vst v5;
	s28 =	smov.u32 s11  }
.Ltmp11:
0x411: {  	v5 =	vld [tilespmem:s11+$0xFFFFFFC0];
	v9 =	vmul.f32 v4, v2;
	(pc) =	sbr.rel @p2 .LBB2_18-.Ltmp11, $4  }
0x412: {  	v8 =	vmul.f32 v8, v2;
	v4 =	vld [tilespmem:s11+$0xFFFFFFD0]  }
0x413: {  	v6 =	vmul.f32 v6, v2;
	v3 =	vld [tilespmem:s11+$0xFFFFFFE0];
	[tilespmem:s11+$0xFFFFFFF0] =	vst v9  }
0x414: {  	[tilespmem:s11+$0xFFFFFF80] =	vst v8;
	v9 =	vmul.f32 v7, v2;
	v7 =	vld [tilespmem:s11+$0x0]  }
0x415: {  	s19 =	sadd.s32 $0x2, s19;
	v10 =	vmov s29;
	[tilespmem:s11+$0xFFFFFF90] =	vst v6;
	v8 =	vmul.f32 v11, v2;
	v6 =	vld [tilespmem:s11+$0x10]  }
0x416: {  	v11 =	vld [tilespmem:s11+$0x20]  }
0x417: {  	v10 =	vand.u32 $0xFFFFFFFE, v10;
	v12 =	vld [tilespmem:s11+$0x30]  }
0x418: {  	v14 =	vld [tilespmem:s11+$0x40];
	[tilespmem:s11+$0xFFFFFFA0] =	vst v9;
	v5 =	vmul.f32 v5, v2;
	v10 =	vbroadcast v10, $0x0  }
0x419: {  	v44 =	vld [tilespmem:s11+$0x50];
	[tilespmem:s11+$0xFFFFFFB0] =	vst v8;
	v4 =	vmul.f32 v4, v2  }
0x41a: {  	s0 =	sadd.s32 $0x1, s29;
	v45 =	vld [tilespmem:s11+$0x60];
	s29 =	sadd.s32 $0x100, s11;
	[tilespmem:s11+$0xFFFFFFC0] =	vst v5;
	v2 =	vmul.f32 v3, v2  }
0x41b: {  	v50 =	vld [tilespmem:s29+$0xFFFFFFF0];
	v7 =	vmul.f32 v7, v1;
	[tilespmem:s11+$0xFFFFFFD0] =	vst v4  }
0x41c: {  	v51 =	vld [tilespmem:s29+$0xFFFFFF80];
	v46 =	vmul.f32 v6, v1;
	[tilespmem:s11+$0xFFFFFFE0] =	vst v2  }
0x41d: {  	v3 =	vld [tilespmem:s11+$0x70];
	[tilespmem:s11+$0x0] =	vst v7;
	v2 =	vmul.f32 v11, v1  }
0x41e: {  	v49 =	vmul.f32 v12, v1;
	[tilespmem:s11+$0x10] =	vst v46;
	v48 =	vld.idx.msk [tilespmem:v10+s15+$0x0], $0xffff  }
0x41f: {  	v53 =	vld [tilespmem:s29+$0xFFFFFF90];
	[tilespmem:s28+$0x20] =	vst v2;
	v2 =	vmul.f32 v14, v1  }
0x420: {  	v54 =	vld [tilespmem:s29+$0xFFFFFFA0];
	v52 =	vmul.f32 v44, v1;
	[tilespmem:s28+$0x30] =	vst v49  }
0x421: {  	v13 =	vmov s0;
	v56 =	vld [tilespmem:s29+$0xFFFFFFD0];
	[tilespmem:s28+$0x40] =	vst v2;
	v2 =	vmul.f32 v45, v1  }
0x422: {  	[tilespmem:s28+$0x50] =	vst v52;
	v1 =	vmul.f32 v3, v1;
	v3 =	vld [tilespmem:s29+$0xFFFFFFB0]  }
0x423: {  	[tilespmem:s28+$0x60] =	vst v2;
	v2 =	vld [tilespmem:s29+$0xFFFFFFC0];
	v55 =	vmul.f32 v50, v48  }
0x424: {  	v57 =	vld [tilespmem:s29+$0xFFFFFFE0];
	[tilespmem:s28+$0x70] =	vst v1;
	v1 =	vmul.f32 v51, v48  }
0x425: {  	v58 =	vld [tilespmem:s29+$0x0];
	v9 =	vmul.f32 v53, v48;
	[tilespmem:s29+$0xFFFFFFF0] =	vst v55  }
0x426: {  	v47 =	vld.idx.msk [tilespmem:v13+s15+$0x0], $0xffff;
	[tilespmem:s29+$0xFFFFFF80] =	vst v1;
	v1 =	vmul.f32 v54, v48  }
0x427: {  	v59 =	vld [tilespmem:s29+$0x10];
	[tilespmem:s29+$0xFFFFFF90] =	vst v9;
	v3 =	vmul.f32 v3, v48  }
0x428: {  	[tilespmem:s29+$0xFFFFFFA0] =	vst v1;
	v1 =	vmul.f32 v2, v48;
	v2 =	vld [tilespmem:s29+$0x20]  }
0x429: {  	v60 =	vld [tilespmem:s29+$0x30];
	[tilespmem:s29+$0xFFFFFFB0] =	vst v3;
	v3 =	vmul.f32 v56, v48  }
0x42a: {  	v61 =	vld [tilespmem:s29+$0x40];
	[tilespmem:s29+$0xFFFFFFC0] =	vst v1;
	v1 =	vmul.f32 v57, v48  }
0x42b: {  	v62 =	vld [tilespmem:s29+$0x50];
	[tilespmem:s29+$0xFFFFFFD0] =	vst v3;
	v3 =	vmul.f32 v58, v47  }
0x42c: {  	v63 =	vld [tilespmem:s29+$0x60];
	[tilespmem:s29+$0xFFFFFFE0] =	vst v1;
	v1 =	vmul.f32 v59, v47  }
0x42d: {  	[tilespmem:s29+$0x0] =	vst v3;
	v3 =	vld [tilespmem:s29+$0x70];
	v2 =	vmul.f32 v2, v47  }
0x42e: {  	[tilespmem:s29+$0x10] =	vst v1;
	v1 =	vmul.f32 v60, v47  }
0x42f: {  	[tilespmem:s29+$0x20] =	vst v2;
	v2 =	vmul.f32 v61, v47  }
0x430: {  	[tilespmem:s29+$0x30] =	vst v1;
	v1 =	vmul.f32 v62, v47  }
.Ltmp12:
0x431: {  	[tilespmem:s29+$0x40] =	vst v2;
	v2 =	vmul.f32 v63, v47;
	(pc) =	sbr.rel @p1 .LBB2_21-.Ltmp12, $4  }
0x432: {  	[tilespmem:s29+$0x50] =	vst v1;
	v1 =	vmul.f32 v3, v47  }
0x433: {  	[tilespmem:s29+$0x60] =	vst v2  }
0x434: {  	[tilespmem:s29+$0x70] =	vst v1  }
0x435: {  	[spmem:s1] =	stream.indirect.scatter.add.f32 [tilespmem:s23], [sflag:$0x6], $0x80, s14, s5, $0xb8;
	[tilespmem:$0x1F580] =	vst v63  }
0x436: {  	s0 =	rddreg [dreg:$0xe]  }
0x437: {  	s0 =	sadd.s32 s17, s0  }
0x438: {  	s0 =	sshrl.u32 s0, $0x3  }
0x439: {  	s0 =	sadd.s32 s7, s0  }
0x43a: {  	[tilespmem:s31], [sflag:$0x2] =	stream.linear.gather [hbm4b:s0+s6], $0x180, $0x38;
	[tilespmem:$0x1F580] =	vst v63  }
0x43b: {  	_ =	swait.ge [sflag:s16], $0x4000  }
0x43c: {  	[sflag:s16] =	ssyncset.done $0x0  }
0x43d: {  	[sflag:s16] =	ssyncadd.s32 $0xFFFFC000  }
0x43e: {  	_ =	swait.ge [sflag:s2], $0x180  }
0x43f: {  	[sflag:s2] =	ssyncset.done $0x0  }
0x440: {  	[sflag:s2] =	ssyncadd.s32 $0xFFFFFE80  }
0x441: {  	s29 =	rddreg [dreg:$0x0]  }
0x442: {  	[tilespmem:s30], [sflag:$0x3] =	stream.indirect.gather [hbm4b:s29+s5], $0x80, s6, s5, $0xb8;
	[tilespmem:$0x1F580] =	vst v63  }
0x443: {  	_ =	swait.ge [sflag:s21], $0x4000  }
0x444: {  	[sflag:s21] =	ssyncset.done $0x0  }
.Ltmp13:
0x445: {  	[sflag:s21] =	ssyncadd.s32 $0xFFFFC000;
	(pc) =	sbr.rel .LBB2_15-.Ltmp13, $4  }
0x446: {  	_ =	swait.ge [sflag:s13], $0x180  }
0x447: {  	[sflag:s13] =	ssyncset.done $0x0  }
0x448: {  	s26 =	sadd.s32 $0x1, s26;
	[sflag:s13] =	ssyncadd.s32 $0xFFFFFE80  }
0x449: {  	[tilespmem:s23], [sflag:$0x4] =	stream.indirect.gather [hbm4b:s29+s5], $0x80, s31, s5, $0xb8;
	[tilespmem:$0x1F580] =	vst v63  }
.LBB2_22:
0x44a: {  	_ =	sfence.sel $0x180000  }
0x44b: {  	[bflag:$0x0] =	sbarrier.arrive $0xFFFF  }
0x44c: {  	_ =	strace $0x90000047  }
0x44d: {  	s0 =	stileid.u32;
	[bflag:$0x2] =	sbarrier.arrive $0xFFFF  }
0x44e: {  	p0 =	sne.s32 s0, $0x0;
	s0 =	rddreg [dreg:$0x6]  }
0x44f: {  	s0 =	sadd.s32 @!p0 $0x100000, s0  }
0x450: {  	[sflag:s0] =	ssyncadd.tile.s32 @!p0 $0x1;
	_ =	shalt  }
.Lfunc_end2:
_tile_overlayer_lowered:
.L_overlay_start_2:
0x451: {  	(tag) =	ssettag $0x2  }
0x452: {  	s0 =	rddreg [dreg:$0x0];
	s2 =	stileid.u32  }
0x453: {  	s1 =	rddreg [dreg:$0x1];
	p0 =	sne.s32 s2, $0x0  }
0x454: {  	s3 =	rddreg [dreg:$0x2];
	[bflag:$0x3] =	sbarrier.arrive $0xFFFF;
	s2 =	simm.s32 @!p0 $0x1C07  }
0x455: {  	[timem:s3], [sflag:s2] =	dma.local @!p0 [hbm:s0], s1  }
0x456: {  	s0 =	simm.s32 @!p0 $0x7  }
0x457: {  	_ =	swait.ge @!p0 [sflag:s0], s1  }
0x458: {  	s1 =	ssub.s32 @!p0 $0x0, s1;
	[sflag:s0] =	ssyncset.done @!p0 $0x0  }
0x459: {  	[sflag:s0] =	ssyncadd.s32 @!p0 s1  }
0x45a: {  	[bflag:$0x3] =	sbarrier.arrive $0xFFFF  }
0x45b: {  	_ =	shalt  }

</sc_bundles>
